<compile_context>
chip_gen: v7x
topology: tpu7x:2x2x1
jax: 0.10.2.dev20260603
libtpu: 0.0.44.dev20260713+nightly
codegen_flags: <defaults>
</compile_context>

<pallas_src>
import functools

import jax
import jax.numpy as jnp
from jax import lax
from jax.experimental import pallas as pl
from jax.experimental.pallas import tpu as pltpu
from jax.experimental.pallas import tpu_sc as plsc

N = 10000
E = 320000
NFEAT = 128
NHID = 128
NCLASS = 40

NPAD = 10240
DUMMY = N
CH = 128
NC = 2
NS = 16
NW = NC * NS
KCH = 80
K0 = 144
K1 = 2 * KCH - K0
EPAD = KCH * CH * NW
RPT = NPAD // NS
BLK = 1024
IDXG = 8



def _degree_kernel():
    mesh = plsc.VectorSubcoreMesh(core_axis_name="c", subcore_axis_name="s",
                                  num_cores=NC, num_subcores=NS)

    @functools.partial(
        pl.kernel, mesh=mesh,
        out_type=jax.ShapeDtypeStruct((NC * NPAD, NHID), jnp.float32),
        scratch_types=[
            pltpu.VMEM((KCH, CH), jnp.int32),
            pltpu.VMEM((CH, NHID), jnp.float32),
            pltpu.VMEM_SHARED((NPAD, NHID), jnp.float32),
        ],
    )
    def deg_kernel(rowc_hbm, zeros_hbm, ones_hbm, out_hbm, row_v, ones_v, acc_sh):
        c = lax.axis_index("c")
        s = lax.axis_index("s")
        wid = s * NC + c
        pltpu.sync_copy(zeros_hbm.at[pl.ds(s * RPT, RPT)],
                        acc_sh.at[pl.ds(s * RPT, RPT)])
        pltpu.sync_copy(rowc_hbm.at[pl.ds(wid * KCH, KCH)], row_v)
        pltpu.sync_copy(ones_hbm, ones_v)
        plsc.subcore_barrier()

        def body(j, carry):
            pltpu.sync_copy(ones_v, acc_sh.at[row_v.at[j]], add=True)
            return carry

        lax.fori_loop(0, KCH, body, 0)
        plsc.subcore_barrier()
        pltpu.sync_copy(acc_sh.at[pl.ds(s * RPT, RPT)],
                        out_hbm.at[pl.ds(c * NPAD + s * RPT, RPT)])

    return deg_kernel


def _scatter_kernel(D):
    mesh = plsc.VectorSubcoreMesh(core_axis_name="c", subcore_axis_name="s",
                                  num_cores=NC, num_subcores=NS)

    @functools.partial(
        pl.kernel, mesh=mesh,
        out_type=jax.ShapeDtypeStruct((NC * NPAD, D), jnp.float32),
        scratch_types=[
            pltpu.VMEM((IDXG, CH), jnp.int32),
            pltpu.VMEM((IDXG, CH), jnp.int32),
            pltpu.VMEM((CH, D), jnp.float32),
            pltpu.VMEM((CH, D), jnp.float32),
            pltpu.VMEM_SHARED((NPAD, D), jnp.float32),
            pltpu.SemaphoreType.DMA,
            pltpu.SemaphoreType.DMA,
        ],
    )
    def scatter_kernel(hs_hbm, colc_hbm, rowc_hbm, zeros_hbm, out_hbm,
                       col_v, row_v, rows0, rows1, acc_sh, sem0, sem1):
        rows_v = (rows0, rows1)
        sems = (sem0, sem1)
        c = lax.axis_index("c")
        s = lax.axis_index("s")
        pltpu.sync_copy(zeros_hbm.at[pl.ds(s * RPT, RPT)],
                        acc_sh.at[pl.ds(s * RPT, RPT)])
        plsc.subcore_barrier()

        def body_at(tile_base):
            def body(g, carry):
                base = tile_base + g * IDXG
                pltpu.sync_copy(colc_hbm.at[pl.ds(base, IDXG)], col_v)
                pltpu.sync_copy(rowc_hbm.at[pl.ds(base, IDXG)], row_v)
                pltpu.async_copy(hs_hbm.at[col_v.at[0]], rows_v[0], sems[0])
                for t in range(IDXG):
                    b = t % 2
                    pltpu.make_async_copy(
                        hs_hbm.at[col_v.at[t]], rows_v[b], sems[b]).wait()
                    if t + 1 < IDXG:
                        pltpu.async_copy(
                            hs_hbm.at[col_v.at[t + 1]], rows_v[1 - b],
                            sems[1 - b])
                    pltpu.sync_copy(rows_v[b], acc_sh.at[row_v.at[t]],
                                    add=True)
                return carry
            return body

        @pl.when(c == 0)
        def _():
            lax.fori_loop(0, K0 // IDXG, body_at(s * K0), 0)

        @pl.when(c == 1)
        def _():
            lax.fori_loop(0, K1 // IDXG, body_at(NS * K0 + s * K1), 0)

        plsc.subcore_barrier()
        pltpu.sync_copy(acc_sh.at[pl.ds(s * RPT, RPT)],
                        out_hbm.at[pl.ds(c * NPAD + s * RPT, RPT)])

    return scatter_kernel



def _dinv_block(degp_ref):
    d = degp_ref[0, :, :1] + degp_ref[1, :, :1] + 1.0
    return lax.rsqrt(d)


def _first_body(x_ref, w_ref, degp_ref, o_ref):
    dinv = _dinv_block(degp_ref)
    o_ref[...] = jnp.dot(x_ref[...], w_ref[...],
                         preferred_element_type=jnp.float32) * dinv


def _mid_body(p_ref, hs_ref, b_ref, w_ref, degp_ref, o_ref):
    dinv = _dinv_block(degp_ref)
    h = dinv * (p_ref[0] + p_ref[1] + hs_ref[...]) + b_ref[...]
    h = jnp.maximum(h, 0.0)
    o_ref[...] = jnp.dot(h, w_ref[...],
                         preferred_element_type=jnp.float32) * dinv


def _final_body(p_ref, hs_ref, b_ref, degp_ref, o_ref):
    dinv = _dinv_block(degp_ref)
    o_ref[...] = dinv * (p_ref[0] + p_ref[1] + hs_ref[...]) + b_ref[...]


def _row_spec(d):
    return pl.BlockSpec((BLK, d), lambda i: (i, 0))


def _part_spec(d):
    return pl.BlockSpec((2, BLK, d), lambda i: (0, i, 0))


def _full_spec(d0, d1):
    return pl.BlockSpec((d0, d1), lambda i: (0, 0))


def _tc_first(x, w, degp):
    return pl.pallas_call(
        _first_body,
        grid=(NPAD // BLK,),
        in_specs=[_row_spec(NFEAT), _full_spec(NFEAT, NHID), _part_spec(NHID)],
        out_specs=_row_spec(NHID),
        out_shape=jax.ShapeDtypeStruct((NPAD, NHID), jnp.float32),
    )(x, w, degp)


def _tc_mid(p, hs, b, w, degp, dout):
    din = hs.shape[1]
    return pl.pallas_call(
        _mid_body,
        grid=(NPAD // BLK,),
        in_specs=[_part_spec(din), _row_spec(din), _full_spec(1, din),
                  _full_spec(din, dout), _part_spec(NHID)],
        out_specs=_row_spec(dout),
        out_shape=jax.ShapeDtypeStruct((NPAD, dout), jnp.float32),
    )(p, hs, b, w, degp)


def _tc_final(p, hs, b, degp):
    d = hs.shape[1]
    return pl.pallas_call(
        _final_body,
        grid=(NPAD // BLK,),
        in_specs=[_part_spec(d), _row_spec(d), _full_spec(1, d),
                  _part_spec(NHID)],
        out_specs=_row_spec(d),
        out_shape=jax.ShapeDtypeStruct((NPAD, d), jnp.float32),
    )(p, hs, b, degp)



def kernel(x, edge_index, W0, b0, W1, b1, W2, b2):
    row = edge_index[0]
    col = edge_index[1]
    pad = EPAD - E
    rowc = jnp.concatenate(
        [row, jnp.full((pad,), DUMMY, jnp.int32)]).reshape(NW * KCH, CH)
    colc = jnp.concatenate(
        [col, jnp.zeros((pad,), jnp.int32)]).reshape(NW * KCH, CH)

    zeros128 = jnp.zeros((NPAD, NHID), jnp.float32)
    ones128 = jnp.ones((CH, NHID), jnp.float32)

    degp = _degree_kernel()(rowc, zeros128, ones128).reshape(2, NPAD, NHID)

    xp = jnp.pad(x, ((0, NPAD - N), (0, 0)))
    W2p = jnp.pad(W2, ((0, 0), (0, 128 - NCLASS)))
    b2p = jnp.pad(b2, (0, 128 - NCLASS))

    scat128 = _scatter_kernel(NHID)

    hs0 = _tc_first(xp, W0, degp)
    p1 = scat128(hs0, colc, rowc, zeros128).reshape(2, NPAD, NHID)
    hs1 = _tc_mid(p1, hs0, b0.reshape(1, -1), W1, degp, NHID)
    p2 = scat128(hs1, colc, rowc, zeros128).reshape(2, NPAD, NHID)
    hs2 = _tc_mid(p2, hs1, b1.reshape(1, -1), W2p, degp, 128)
    p3 = scat128(hs2, colc, rowc, zeros128).reshape(2, NPAD, 128)
    out = _tc_final(p3, hs2, b2p.reshape(1, -1), degp)
    return out[:N, :NCLASS]

# --- scband reference (transcript-rebuilt; emitter-appended) ---
"""Pipeline reference for scband-gcn-30107720745357 (READ-ONLY COPY).

The authoritative reference and input builder live on the scoring server;
editing this copy changes nothing except your own understanding.
"""

import jax, jax.numpy as jnp
import numpy as np

N = 10000
E = 320000
NFEAT = 128
NHID = 128
NCLASS = 40


def setup_inputs(seed: int = 0) -> dict:
    key = jax.random.key(seed)
    ks = jax.random.split(key, 8)
    x = jax.random.normal(ks[0], (N, NFEAT), dtype=jnp.float32)
    edge_index = jax.random.randint(ks[1], (2, E), 0, N, dtype=jnp.int32)
    W0 = jax.random.normal(ks[2], (NFEAT, NHID), dtype=jnp.float32) * (1.0 / np.sqrt(NFEAT))
    b0 = jnp.zeros((NHID,), dtype=jnp.float32)
    W1 = jax.random.normal(ks[3], (NHID, NHID), dtype=jnp.float32) * (1.0 / np.sqrt(NHID))
    b1 = jnp.zeros((NHID,), dtype=jnp.float32)
    W2 = jax.random.normal(ks[4], (NHID, NCLASS), dtype=jnp.float32) * (1.0 / np.sqrt(NHID))
    b2 = jnp.zeros((NCLASS,), dtype=jnp.float32)
    return {"x": x, "edge_index": edge_index, "W0": W0, "b0": b0, "W1": W1, "b1": b1, "W2": W2, "b2": b2}


def _gcn_layer(h, W, b, row, col, w):
    # GCNConv(normalize=False): linear transform, then propagate with precomputed edge weights
    h = h @ W
    msg = h[col] * w[:, None]
    out = jax.ops.segment_sum(msg, row, num_segments=N)
    return out + b


def reference(x, edge_index, W0, b0, W1, b1, W2, b2):
    row = edge_index[0]
    col = edge_index[1]
    # set_diag: add self loops
    loop = jnp.arange(N, dtype=row.dtype)
    row = jnp.concatenate([row, loop])
    col = jnp.concatenate([col, loop])
    # symmetric normalization D^{-1/2} A D^{-1/2} (mode='DAD')
    deg = jax.ops.segment_sum(jnp.ones_like(row, dtype=jnp.float32), row, num_segments=N)
    dinv = jnp.where(deg > 0, deg ** -0.5, 0.0)
    w = dinv[row] * dinv[col]
    h = _gcn_layer(x, W0, b0, row, col, w)
    h = jax.nn.relu(h)
    # dropout is identity in eval mode
    h = _gcn_layer(h, W1, b1, row, col, w)
    h = jax.nn.relu(h)
    out = _gcn_layer(h, W2, b2, row, col, w)
    return out

if __name__ == "__main__":
    import jax
    _d = setup_inputs()
    print(jax.jit(kernel)(*tuple(_d.values())))

</pallas_src>

<mosaic_0001>
#map = affine_map<(d0, d1) -> (0, 0)>
module attributes {stable_mosaic.version = 14 : i64} {
  func.func @deg_kernel(%arg0: i32, %arg1: i32, %arg2: memref<2560x128xi32, #tpu.memory_space<hbm>>, %arg3: memref<10240x128xf32, #tpu.memory_space<hbm>>, %arg4: memref<128x128xf32, #tpu.memory_space<hbm>>, %arg5: memref<20480x128xf32, #tpu.memory_space<hbm>>, %arg6: memref<80x128xi32, #tpu.memory_space<vmem>>, %arg7: memref<128x128xf32, #tpu.memory_space<vmem>>, %arg8: memref<10240x128xf32, #tpu.memory_space<vmem_shared>>) attributes {dimension_semantics = [#tpu.dimension_semantics<core_parallel>, #tpu.dimension_semantics<subcore_parallel>], iteration_bounds = array<i64: 2, 16>, scalar_prefetch = 0 : i64, scratch_operands = 3 : i64, tpu.core_type = #tpu.core_type<sc_vector_subcore>, window_params = [{transform_indices = #map}, {transform_indices = #map}, {transform_indices = #map}, {transform_indices = #map}]} {
    %mul3A = arith.constant 2 : i32
    %mul3A_0 = arith.muli %arg1, %mul3A : i32
    %add3A = arith.addi %mul3A_0, %arg0 : i32
    %mul3A_1 = arith.constant 640 : i32
    %mul3A_2 = arith.muli %arg1, %mul3A_1 : i32
    %mul3A_3 = arith.constant 640 : i32
    %mul3A_4 = arith.muli %arg1, %mul3A_3 : i32
    "tpu.region"() ({
      %run_scoped3A = tpu.sem_alloc : memref<!tpu.dma_semaphore, #tpu.memory_space<semaphore_mem>>
      %dma_start3A = arith.constant 0 : i32
      %dma_start3A_20 = tpu.memref_slice %arg8[%mul3A_4, %dma_start3A] : memref<10240x128xf32, #tpu.memory_space<vmem_shared>> -> memref<640x128xf32, #tpu.memory_space<vmem_shared>>
      %dma_start3A_21 = arith.constant 0 : i32
      %dma_start3A_22 = tpu.memref_slice %arg3[%mul3A_2, %dma_start3A_21] : memref<10240x128xf32, #tpu.memory_space<hbm>> -> memref<640x128xf32, #tpu.memory_space<hbm>>
      tpu.enqueue_dma source(%dma_start3A_22 : memref<640x128xf32, #tpu.memory_space<hbm>>) target(%dma_start3A_20 : memref<640x128xf32, #tpu.memory_space<vmem_shared>>) target_semaphore(%run_scoped3A : memref<!tpu.dma_semaphore, #tpu.memory_space<semaphore_mem>>)
      %dma_wait3A = arith.constant 0 : i32
      %dma_wait3A_23 = tpu.memref_slice %arg8[%mul3A_4, %dma_wait3A] : memref<10240x128xf32, #tpu.memory_space<vmem_shared>> -> memref<640x128xf32, #tpu.memory_space<vmem_shared>>
      %dma_wait3A_24 = arith.constant 0 : i32
      %dma_wait3A_25 = tpu.memref_slice %arg3[%mul3A_2, %dma_wait3A_24] : memref<10240x128xf32, #tpu.memory_space<hbm>> -> memref<640x128xf32, #tpu.memory_space<hbm>>
      tpu.wait_dma2 semaphore(%run_scoped3A : memref<!tpu.dma_semaphore, #tpu.memory_space<semaphore_mem>>) src(%dma_wait3A_25 : memref<640x128xf32, #tpu.memory_space<hbm>>) dst(%dma_wait3A_23 : memref<640x128xf32, #tpu.memory_space<vmem_shared>>)
      tpu.yield
    }) : () -> ()
    %mul3A_5 = arith.constant 80 : i32
    %mul3A_6 = arith.muli %add3A, %mul3A_5 : i32
    "tpu.region"() ({
      %run_scoped3A = tpu.sem_alloc : memref<!tpu.dma_semaphore, #tpu.memory_space<semaphore_mem>>
      %dma_start3A = arith.constant 0 : i32
      %dma_start3A_20 = tpu.memref_slice %arg2[%mul3A_6, %dma_start3A] : memref<2560x128xi32, #tpu.memory_space<hbm>> -> memref<80x128xi32, #tpu.memory_space<hbm>>
      %dma_start3A_21 = arith.constant 0 : i32
      %dma_start3A_22 = tpu.memref_slice %arg2[%mul3A_6, %dma_start3A_21] : memref<2560x128xi32, #tpu.memory_space<hbm>> -> memref<80x128xi32, #tpu.memory_space<hbm>>
      tpu.enqueue_dma source(%dma_start3A_22 : memref<80x128xi32, #tpu.memory_space<hbm>>) target(%arg6 : memref<80x128xi32, #tpu.memory_space<vmem>>) target_semaphore(%run_scoped3A : memref<!tpu.dma_semaphore, #tpu.memory_space<semaphore_mem>>)
      %dma_wait3A = arith.constant 0 : i32
      %dma_wait3A_23 = tpu.memref_slice %arg2[%mul3A_6, %dma_wait3A] : memref<2560x128xi32, #tpu.memory_space<hbm>> -> memref<80x128xi32, #tpu.memory_space<hbm>>
      %dma_wait3A_24 = arith.constant 0 : i32
      %dma_wait3A_25 = tpu.memref_slice %arg2[%mul3A_6, %dma_wait3A_24] : memref<2560x128xi32, #tpu.memory_space<hbm>> -> memref<80x128xi32, #tpu.memory_space<hbm>>
      tpu.wait_dma2 semaphore(%run_scoped3A : memref<!tpu.dma_semaphore, #tpu.memory_space<semaphore_mem>>) src(%dma_wait3A_25 : memref<80x128xi32, #tpu.memory_space<hbm>>) dst(%arg6 : memref<80x128xi32, #tpu.memory_space<vmem>>)
      tpu.yield
    }) : () -> ()
    "tpu.region"() ({
      %run_scoped3A = tpu.sem_alloc : memref<!tpu.dma_semaphore, #tpu.memory_space<semaphore_mem>>
      tpu.enqueue_dma source(%arg4 : memref<128x128xf32, #tpu.memory_space<hbm>>) target(%arg7 : memref<128x128xf32, #tpu.memory_space<vmem>>) target_semaphore(%run_scoped3A : memref<!tpu.dma_semaphore, #tpu.memory_space<semaphore_mem>>)
      tpu.wait_dma2 semaphore(%run_scoped3A : memref<!tpu.dma_semaphore, #tpu.memory_space<semaphore_mem>>) src(%arg4 : memref<128x128xf32, #tpu.memory_space<hbm>>) dst(%arg7 : memref<128x128xf32, #tpu.memory_space<vmem>>)
      tpu.yield
    }) : () -> ()
    %barrier3A = arith.constant 0 : index
    tpu.barrier barrier_id(%barrier3A)
    %scan3A = arith.constant 0 : i32
    %scan3A_7 = arith.constant 0 : i32
    %scan3A_8 = arith.constant 80 : i32
    %scan3A_9 = arith.addi %scan3A_7, %scan3A_8 : i32
    %scan3A_10 = arith.constant 1 : i32
    scf.for %scan3A_20 = %scan3A_7 to %scan3A_9 step %scan3A_10  : i32 {
      "tpu.region"() ({
        %run_scoped3A = tpu.sem_alloc : memref<!tpu.dma_semaphore, #tpu.memory_space<semaphore_mem>>
        %dma_start3A = arith.constant 0 : i32
        %dma_start3A_21 = tpu.memref_slice %arg6[%scan3A_20, %dma_start3A] : memref<80x128xi32, #tpu.memory_space<vmem>> -> memref<1x128xi32, #tpu.memory_space<vmem>>
        %dma_start3A_22 = tpu.memref_squeeze %dma_start3A_21 : memref<1x128xi32, #tpu.memory_space<vmem>> -> memref<128xi32, #tpu.memory_space<vmem>>
        %dma_start3A_23 = arith.constant 0 : i32
        %dma_start3A_24 = arith.constant 0 : i32
        %dma_start3A_25 = tpu.memref_slice %arg8[%dma_start3A_23, %dma_start3A_24] : memref<10240x128xf32, #tpu.memory_space<vmem_shared>> -> memref<10240x128xf32, #tpu.memory_space<vmem_shared>>
        tpu.enqueue_indirect_dma source(%arg7 : memref<128x128xf32, #tpu.memory_space<vmem>>) target(%dma_start3A_25 : memref<10240x128xf32, #tpu.memory_space<vmem_shared>>) offsets(%dma_start3A_22 : memref<128xi32, #tpu.memory_space<vmem>>) semaphore(%run_scoped3A : memref<!tpu.dma_semaphore, #tpu.memory_space<semaphore_mem>>) {add = true}
        %dma_wait3A = arith.constant 0 : i32
        %dma_wait3A_26 = tpu.memref_slice %arg6[%scan3A_20, %dma_wait3A] : memref<80x128xi32, #tpu.memory_space<vmem>> -> memref<1x128xi32, #tpu.memory_space<vmem>>
        %dma_wait3A_27 = tpu.memref_squeeze %dma_wait3A_26 : memref<1x128xi32, #tpu.memory_space<vmem>> -> memref<128xi32, #tpu.memory_space<vmem>>
        %dma_wait3A_28 = arith.constant 0 : i32
        %dma_wait3A_29 = arith.constant 0 : i32
        %dma_wait3A_30 = tpu.memref_slice %arg8[%dma_wait3A_28, %dma_wait3A_29] : memref<10240x128xf32, #tpu.memory_space<vmem_shared>> -> memref<10240x128xf32, #tpu.memory_space<vmem_shared>>
        tpu.wait_indirect_dma semaphore(%run_scoped3A : memref<!tpu.dma_semaphore, #tpu.memory_space<semaphore_mem>>) src(%arg7 : memref<128x128xf32, #tpu.memory_space<vmem>>) dst(%dma_wait3A_30 : memref<10240x128xf32, #tpu.memory_space<vmem_shared>>)
        tpu.yield
      }) : () -> ()
    }
    %scan3A_11 = arith.constant 80 : i32
    %barrier3A_12 = arith.constant 0 : index
    tpu.barrier barrier_id(%barrier3A_12)
    %mul3A_13 = arith.constant 640 : i32
    %mul3A_14 = arith.muli %arg1, %mul3A_13 : i32
    %mul3A_15 = arith.constant 10240 : i32
    %mul3A_16 = arith.muli %arg0, %mul3A_15 : i32
    %mul3A_17 = arith.constant 640 : i32
    %mul3A_18 = arith.muli %arg1, %mul3A_17 : i32
    %add3A_19 = arith.addi %mul3A_16, %mul3A_18 : i32
    "tpu.region"() ({
      %run_scoped3A = tpu.sem_alloc : memref<!tpu.dma_semaphore, #tpu.memory_space<semaphore_mem>>
      %dma_start3A = arith.constant 0 : i32
      %dma_start3A_20 = tpu.memref_slice %arg5[%add3A_19, %dma_start3A] : memref<20480x128xf32, #tpu.memory_space<hbm>> -> memref<640x128xf32, #tpu.memory_space<hbm>>
      %dma_start3A_21 = arith.constant 0 : i32
      %dma_start3A_22 = tpu.memref_slice %arg8[%mul3A_14, %dma_start3A_21] : memref<10240x128xf32, #tpu.memory_space<vmem_shared>> -> memref<640x128xf32, #tpu.memory_space<vmem_shared>>
      tpu.enqueue_dma source(%dma_start3A_22 : memref<640x128xf32, #tpu.memory_space<vmem_shared>>) target(%dma_start3A_20 : memref<640x128xf32, #tpu.memory_space<hbm>>) target_semaphore(%run_scoped3A : memref<!tpu.dma_semaphore, #tpu.memory_space<semaphore_mem>>)
      %dma_wait3A = arith.constant 0 : i32
      %dma_wait3A_23 = tpu.memref_slice %arg5[%add3A_19, %dma_wait3A] : memref<20480x128xf32, #tpu.memory_space<hbm>> -> memref<640x128xf32, #tpu.memory_space<hbm>>
      %dma_wait3A_24 = arith.constant 0 : i32
      %dma_wait3A_25 = tpu.memref_slice %arg8[%mul3A_14, %dma_wait3A_24] : memref<10240x128xf32, #tpu.memory_space<vmem_shared>> -> memref<640x128xf32, #tpu.memory_space<vmem_shared>>
      tpu.wait_dma2 semaphore(%run_scoped3A : memref<!tpu.dma_semaphore, #tpu.memory_space<semaphore_mem>>) src(%dma_wait3A_25 : memref<640x128xf32, #tpu.memory_space<vmem_shared>>) dst(%dma_wait3A_23 : memref<640x128xf32, #tpu.memory_space<hbm>>)
      tpu.yield
    }) : () -> ()
    return
  }
}

#map = affine_map<(d0, d1) -> (0, 0)>
module attributes {stable_mosaic.version = 14 : i64} {
  func.func @scatter_kernel(%arg0: i32, %arg1: i32, %arg2: memref<10240x128xf32, #tpu.memory_space<hbm>>, %arg3: memref<2560x128xi32, #tpu.memory_space<hbm>>, %arg4: memref<2560x128xi32, #tpu.memory_space<hbm>>, %arg5: memref<10240x128xf32, #tpu.memory_space<hbm>>, %arg6: memref<20480x128xf32, #tpu.memory_space<hbm>>, %arg7: memref<8x128xi32, #tpu.memory_space<vmem>>, %arg8: memref<8x128xi32, #tpu.memory_space<vmem>>, %arg9: memref<128x128xf32, #tpu.memory_space<vmem>>, %arg10: memref<128x128xf32, #tpu.memory_space<vmem>>, %arg11: memref<10240x128xf32, #tpu.memory_space<vmem_shared>>, %arg12: memref<!tpu.dma_semaphore, #tpu.memory_space<semaphore_mem>>, %arg13: memref<!tpu.dma_semaphore, #tpu.memory_space<semaphore_mem>>) attributes {dimension_semantics = [#tpu.dimension_semantics<core_parallel>, #tpu.dimension_semantics<subcore_parallel>], iteration_bounds = array<i64: 2, 16>, scalar_prefetch = 0 : i64, scratch_operands = 7 : i64, tpu.core_type = #tpu.core_type<sc_vector_subcore>, window_params = [{transform_indices = #map}, {transform_indices = #map}, {transform_indices = #map}, {transform_indices = #map}, {transform_indices = #map}]} {
    %mul3A = arith.constant 640 : i32
    %mul3A_0 = arith.muli %arg1, %mul3A : i32
    %mul3A_1 = arith.constant 640 : i32
    %mul3A_2 = arith.muli %arg1, %mul3A_1 : i32
    "tpu.region"() ({
      %run_scoped3A = tpu.sem_alloc : memref<!tpu.dma_semaphore, #tpu.memory_space<semaphore_mem>>
      %dma_start3A = arith.constant 0 : i32
      %dma_start3A_17 = tpu.memref_slice %arg11[%mul3A_2, %dma_start3A] : memref<10240x128xf32, #tpu.memory_space<vmem_shared>> -> memref<640x128xf32, #tpu.memory_space<vmem_shared>>
      %dma_start3A_18 = arith.constant 0 : i32
      %dma_start3A_19 = tpu.memref_slice %arg5[%mul3A_0, %dma_start3A_18] : memref<10240x128xf32, #tpu.memory_space<hbm>> -> memref<640x128xf32, #tpu.memory_space<hbm>>
      tpu.enqueue_dma source(%dma_start3A_19 : memref<640x128xf32, #tpu.memory_space<hbm>>) target(%dma_start3A_17 : memref<640x128xf32, #tpu.memory_space<vmem_shared>>) target_semaphore(%run_scoped3A : memref<!tpu.dma_semaphore, #tpu.memory_space<semaphore_mem>>)
      %dma_wait3A = arith.constant 0 : i32
      %dma_wait3A_20 = tpu.memref_slice %arg11[%mul3A_2, %dma_wait3A] : memref<10240x128xf32, #tpu.memory_space<vmem_shared>> -> memref<640x128xf32, #tpu.memory_space<vmem_shared>>
      %dma_wait3A_21 = arith.constant 0 : i32
      %dma_wait3A_22 = tpu.memref_slice %arg5[%mul3A_0, %dma_wait3A_21] : memref<10240x128xf32, #tpu.memory_space<hbm>> -> memref<640x128xf32, #tpu.memory_space<hbm>>
      tpu.wait_dma2 semaphore(%run_scoped3A : memref<!tpu.dma_semaphore, #tpu.memory_space<semaphore_mem>>) src(%dma_wait3A_22 : memref<640x128xf32, #tpu.memory_space<hbm>>) dst(%dma_wait3A_20 : memref<640x128xf32, #tpu.memory_space<vmem_shared>>)
      tpu.yield
    }) : () -> ()
    %barrier3A = arith.constant 0 : index
    tpu.barrier barrier_id(%barrier3A)
    %eq3A = arith.constant 0 : i32
    %eq3A_3 = arith.cmpi eq, %arg0, %eq3A : i32
    %convert_element_type3A = arith.extui %eq3A_3 : i1 to i32
    %cond3A = arith.constant 0 : i32
    %cond3A_4 = arith.cmpi ne, %convert_element_type3A, %cond3A : i32
    scf.if %cond3A_4 {
      %mul3A_17 = arith.constant 144 : i32
      %mul3A_18 = arith.muli %arg1, %mul3A_17 : i32
      %scan3A = arith.constant 0 : i32
      %scan3A_19 = arith.constant 0 : i32
      %scan3A_20 = arith.constant 18 : i32
      %scan3A_21 = arith.addi %scan3A_19, %scan3A_20 : i32
      %scan3A_22 = arith.constant 1 : i32
      scf.for %scan3A_24 = %scan3A_19 to %scan3A_21 step %scan3A_22  : i32 {
        %mul3A_25 = arith.constant 8 : i32
        %mul3A_26 = arith.muli %scan3A_24, %mul3A_25 : i32
        %add3A_27 = arith.addi %mul3A_18, %mul3A_26 : i32
        "tpu.region"() ({
          %run_scoped3A_145 = tpu.sem_alloc : memref<!tpu.dma_semaphore, #tpu.memory_space<semaphore_mem>>
          %dma_start3A_146 = arith.constant 0 : i32
          %dma_start3A_147 = tpu.memref_slice %arg3[%add3A_27, %dma_start3A_146] : memref<2560x128xi32, #tpu.memory_space<hbm>> -> memref<8x128xi32, #tpu.memory_space<hbm>>
          %dma_start3A_148 = arith.constant 0 : i32
          %dma_start3A_149 = tpu.memref_slice %arg3[%add3A_27, %dma_start3A_148] : memref<2560x128xi32, #tpu.memory_space<hbm>> -> memref<8x128xi32, #tpu.memory_space<hbm>>
          tpu.enqueue_dma source(%dma_start3A_149 : memref<8x128xi32, #tpu.memory_space<hbm>>) target(%arg7 : memref<8x128xi32, #tpu.memory_space<vmem>>) target_semaphore(%run_scoped3A_145 : memref<!tpu.dma_semaphore, #tpu.memory_space<semaphore_mem>>)
          %dma_wait3A_150 = arith.constant 0 : i32
          %dma_wait3A_151 = tpu.memref_slice %arg3[%add3A_27, %dma_wait3A_150] : memref<2560x128xi32, #tpu.memory_space<hbm>> -> memref<8x128xi32, #tpu.memory_space<hbm>>
          %dma_wait3A_152 = arith.constant 0 : i32
          %dma_wait3A_153 = tpu.memref_slice %arg3[%add3A_27, %dma_wait3A_152] : memref<2560x128xi32, #tpu.memory_space<hbm>> -> memref<8x128xi32, #tpu.memory_space<hbm>>
          tpu.wait_dma2 semaphore(%run_scoped3A_145 : memref<!tpu.dma_semaphore, #tpu.memory_space<semaphore_mem>>) src(%dma_wait3A_153 : memref<8x128xi32, #tpu.memory_space<hbm>>) dst(%arg7 : memref<8x128xi32, #tpu.memory_space<vmem>>)
          tpu.yield
        }) : () -> ()
        "tpu.region"() ({
          %run_scoped3A_145 = tpu.sem_alloc : memref<!tpu.dma_semaphore, #tpu.memory_space<semaphore_mem>>
          %dma_start3A_146 = arith.constant 0 : i32
          %dma_start3A_147 = tpu.memref_slice %arg4[%add3A_27, %dma_start3A_146] : memref<2560x128xi32, #tpu.memory_space<hbm>> -> memref<8x128xi32, #tpu.memory_space<hbm>>
          %dma_start3A_148 = arith.constant 0 : i32
          %dma_start3A_149 = tpu.memref_slice %arg4[%add3A_27, %dma_start3A_148] : memref<2560x128xi32, #tpu.memory_space<hbm>> -> memref<8x128xi32, #tpu.memory_space<hbm>>
          tpu.enqueue_dma source(%dma_start3A_149 : memref<8x128xi32, #tpu.memory_space<hbm>>) target(%arg8 : memref<8x128xi32, #tpu.memory_space<vmem>>) target_semaphore(%run_scoped3A_145 : memref<!tpu.dma_semaphore, #tpu.memory_space<semaphore_mem>>)
          %dma_wait3A_150 = arith.constant 0 : i32
          %dma_wait3A_151 = tpu.memref_slice %arg4[%add3A_27, %dma_wait3A_150] : memref<2560x128xi32, #tpu.memory_space<hbm>> -> memref<8x128xi32, #tpu.memory_space<hbm>>
          %dma_wait3A_152 = arith.constant 0 : i32
          %dma_wait3A_153 = tpu.memref_slice %arg4[%add3A_27, %dma_wait3A_152] : memref<2560x128xi32, #tpu.memory_space<hbm>> -> memref<8x128xi32, #tpu.memory_space<hbm>>
          tpu.wait_dma2 semaphore(%run_scoped3A_145 : memref<!tpu.dma_semaphore, #tpu.memory_space<semaphore_mem>>) src(%dma_wait3A_153 : memref<8x128xi32, #tpu.memory_space<hbm>>) dst(%arg8 : memref<8x128xi32, #tpu.memory_space<vmem>>)
          tpu.yield
        }) : () -> ()
        %dma_start3A = arith.constant 0 : i32
        %dma_start3A_28 = arith.constant 0 : i32
        %dma_start3A_29 = tpu.memref_slice %arg7[%dma_start3A, %dma_start3A_28] : memref<8x128xi32, #tpu.memory_space<vmem>> -> memref<1x128xi32, #tpu.memory_space<vmem>>
        %dma_start3A_30 = tpu.memref_squeeze %dma_start3A_29 : memref<1x128xi32, #tpu.memory_space<vmem>> -> memref<128xi32, #tpu.memory_space<vmem>>
        %dma_start3A_31 = arith.constant 0 : i32
        %dma_start3A_32 = arith.constant 0 : i32
        %dma_start3A_33 = tpu.memref_slice %arg2[%dma_start3A_31, %dma_start3A_32] : memref<10240x128xf32, #tpu.memory_space<hbm>> -> memref<10240x128xf32, #tpu.memory_space<hbm>>
        tpu.enqueue_indirect_dma source(%dma_start3A_33 : memref<10240x128xf32, #tpu.memory_space<hbm>>) target(%arg9 : memref<128x128xf32, #tpu.memory_space<vmem>>) offsets(%dma_start3A_30 : memref<128xi32, #tpu.memory_space<vmem>>) semaphore(%arg12 : memref<!tpu.dma_semaphore, #tpu.memory_space<semaphore_mem>>)
        %dma_wait3A = arith.constant 0 : i32
        %dma_wait3A_34 = arith.constant 0 : i32
        %dma_wait3A_35 = tpu.memref_slice %arg7[%dma_wait3A, %dma_wait3A_34] : memref<8x128xi32, #tpu.memory_space<vmem>> -> memref<1x128xi32, #tpu.memory_space<vmem>>
        %dma_wait3A_36 = tpu.memref_squeeze %dma_wait3A_35 : memref<1x128xi32, #tpu.memory_space<vmem>> -> memref<128xi32, #tpu.memory_space<vmem>>
        %dma_wait3A_37 = arith.constant 0 : i32
        %dma_wait3A_38 = arith.constant 0 : i32
        %dma_wait3A_39 = tpu.memref_slice %arg2[%dma_wait3A_37, %dma_wait3A_38] : memref<10240x128xf32, #tpu.memory_space<hbm>> -> memref<10240x128xf32, #tpu.memory_space<hbm>>
        tpu.wait_indirect_dma semaphore(%arg12 : memref<!tpu.dma_semaphore, #tpu.memory_space<semaphore_mem>>) src(%dma_wait3A_39 : memref<10240x128xf32, #tpu.memory_space<hbm>>) dst(%arg9 : memref<128x128xf32, #tpu.memory_space<vmem>>)
        %dma_start3A_40 = arith.constant 1 : i32
        %dma_start3A_41 = arith.constant 0 : i32
        %dma_start3A_42 = tpu.memref_slice %arg7[%dma_start3A_40, %dma_start3A_41] : memref<8x128xi32, #tpu.memory_space<vmem>> -> memref<1x128xi32, #tpu.memory_space<vmem>>
        %dma_start3A_43 = tpu.memref_squeeze %dma_start3A_42 : memref<1x128xi32, #tpu.memory_space<vmem>> -> memref<128xi32, #tpu.memory_space<vmem>>
        %dma_start3A_44 = arith.constant 0 : i32
        %dma_start3A_45 = arith.constant 0 : i32
        %dma_start3A_46 = tpu.memref_slice %arg2[%dma_start3A_44, %dma_start3A_45] : memref<10240x128xf32, #tpu.memory_space<hbm>> -> memref<10240x128xf32, #tpu.memory_space<hbm>>
        tpu.enqueue_indirect_dma source(%dma_start3A_46 : memref<10240x128xf32, #tpu.memory_space<hbm>>) target(%arg10 : memref<128x128xf32, #tpu.memory_space<vmem>>) offsets(%dma_start3A_43 : memref<128xi32, #tpu.memory_space<vmem>>) semaphore(%arg13 : memref<!tpu.dma_semaphore, #tpu.memory_space<semaphore_mem>>)
        %run_scoped3A = arith.constant 0 : i32
        "tpu.region"() ({
          %run_scoped3A_145 = tpu.sem_alloc : memref<!tpu.dma_semaphore, #tpu.memory_space<semaphore_mem>>
          %dma_start3A_146 = arith.constant 0 : i32
          %dma_start3A_147 = tpu.memref_slice %arg8[%run_scoped3A, %dma_start3A_146] : memref<8x128xi32, #tpu.memory_space<vmem>> -> memref<1x128xi32, #tpu.memory_space<vmem>>
          %dma_start3A_148 = tpu.memref_squeeze %dma_start3A_147 : memref<1x128xi32, #tpu.memory_space<vmem>> -> memref<128xi32, #tpu.memory_space<vmem>>
          %dma_start3A_149 = arith.constant 0 : i32
          %dma_start3A_150 = arith.constant 0 : i32
          %dma_start3A_151 = tpu.memref_slice %arg11[%dma_start3A_149, %dma_start3A_150] : memref<10240x128xf32, #tpu.memory_space<vmem_shared>> -> memref<10240x128xf32, #tpu.memory_space<vmem_shared>>
          tpu.enqueue_indirect_dma source(%arg9 : memref<128x128xf32, #tpu.memory_space<vmem>>) target(%dma_start3A_151 : memref<10240x128xf32, #tpu.memory_space<vmem_shared>>) offsets(%dma_start3A_148 : memref<128xi32, #tpu.memory_space<vmem>>) semaphore(%run_scoped3A_145 : memref<!tpu.dma_semaphore, #tpu.memory_space<semaphore_mem>>) {add = true}
          %dma_wait3A_152 = arith.constant 0 : i32
          %dma_wait3A_153 = tpu.memref_slice %arg8[%run_scoped3A, %dma_wait3A_152] : memref<8x128xi32, #tpu.memory_space<vmem>> -> memref<1x128xi32, #tpu.memory_space<vmem>>
          %dma_wait3A_154 = tpu.memref_squeeze %dma_wait3A_153 : memref<1x128xi32, #tpu.memory_space<vmem>> -> memref<128xi32, #tpu.memory_space<vmem>>
          %dma_wait3A_155 = arith.constant 0 : i32
          %dma_wait3A_156 = arith.constant 0 : i32
          %dma_wait3A_157 = tpu.memref_slice %arg11[%dma_wait3A_155, %dma_wait3A_156] : memref<10240x128xf32, #tpu.memory_space<vmem_shared>> -> memref<10240x128xf32, #tpu.memory_space<vmem_shared>>
          tpu.wait_indirect_dma semaphore(%run_scoped3A_145 : memref<!tpu.dma_semaphore, #tpu.memory_space<semaphore_mem>>) src(%arg9 : memref<128x128xf32, #tpu.memory_space<vmem>>) dst(%dma_wait3A_157 : memref<10240x128xf32, #tpu.memory_space<vmem_shared>>)
          tpu.yield
        }) : () -> ()
        %dma_wait3A_47 = arith.constant 1 : i32
        %dma_wait3A_48 = arith.constant 0 : i32
        %dma_wait3A_49 = tpu.memref_slice %arg7[%dma_wait3A_47, %dma_wait3A_48] : memref<8x128xi32, #tpu.memory_space<vmem>> -> memref<1x128xi32, #tpu.memory_space<vmem>>
        %dma_wait3A_50 = tpu.memref_squeeze %dma_wait3A_49 : memref<1x128xi32, #tpu.memory_space<vmem>> -> memref<128xi32, #tpu.memory_space<vmem>>
        %dma_wait3A_51 = arith.constant 0 : i32
        %dma_wait3A_52 = arith.constant 0 : i32
        %dma_wait3A_53 = tpu.memref_slice %arg2[%dma_wait3A_51, %dma_wait3A_52] : memref<10240x128xf32, #tpu.memory_space<hbm>> -> memref<10240x128xf32, #tpu.memory_space<hbm>>
        tpu.wait_indirect_dma semaphore(%arg13 : memref<!tpu.dma_semaphore, #tpu.memory_space<semaphore_mem>>) src(%dma_wait3A_53 : memref<10240x128xf32, #tpu.memory_space<hbm>>) dst(%arg10 : memref<128x128xf32, #tpu.memory_space<vmem>>)
        %dma_start3A_54 = arith.constant 2 : i32
        %dma_start3A_55 = arith.constant 0 : i32
        %dma_start3A_56 = tpu.memref_slice %arg7[%dma_start3A_54, %dma_start3A_55] : memref<8x128xi32, #tpu.memory_space<vmem>> -> memref<1x128xi32, #tpu.memory_space<vmem>>
        %dma_start3A_57 = tpu.memref_squeeze %dma_start3A_56 : memref<1x128xi32, #tpu.memory_space<vmem>> -> memref<128xi32, #tpu.memory_space<vmem>>
        %dma_start3A_58 = arith.constant 0 : i32
        %dma_start3A_59 = arith.constant 0 : i32
        %dma_start3A_60 = tpu.memref_slice %arg2[%dma_start3A_58, %dma_start3A_59] : memref<10240x128xf32, #tpu.memory_space<hbm>> -> memref<10240x128xf32, #tpu.memory_space<hbm>>
        tpu.enqueue_indirect_dma source(%dma_start3A_60 : memref<10240x128xf32, #tpu.memory_space<hbm>>) target(%arg9 : memref<128x128xf32, #tpu.memory_space<vmem>>) offsets(%dma_start3A_57 : memref<128xi32, #tpu.memory_space<vmem>>) semaphore(%arg12 : memref<!tpu.dma_semaphore, #tpu.memory_space<semaphore_mem>>)
        %run_scoped3A_61 = arith.constant 1 : i32
        "tpu.region"() ({
          %run_scoped3A_145 = tpu.sem_alloc : memref<!tpu.dma_semaphore, #tpu.memory_space<semaphore_mem>>
          %dma_start3A_146 = arith.constant 0 : i32
          %dma_start3A_147 = tpu.memref_slice %arg8[%run_scoped3A_61, %dma_start3A_146] : memref<8x128xi32, #tpu.memory_space<vmem>> -> memref<1x128xi32, #tpu.memory_space<vmem>>
          %dma_start3A_148 = tpu.memref_squeeze %dma_start3A_147 : memref<1x128xi32, #tpu.memory_space<vmem>> -> memref<128xi32, #tpu.memory_space<vmem>>
          %dma_start3A_149 = arith.constant 0 : i32
          %dma_start3A_150 = arith.constant 0 : i32
          %dma_start3A_151 = tpu.memref_slice %arg11[%dma_start3A_149, %dma_start3A_150] : memref<10240x128xf32, #tpu.memory_space<vmem_shared>> -> memref<10240x128xf32, #tpu.memory_space<vmem_shared>>
          tpu.enqueue_indirect_dma source(%arg10 : memref<128x128xf32, #tpu.memory_space<vmem>>) target(%dma_start3A_151 : memref<10240x128xf32, #tpu.memory_space<vmem_shared>>) offsets(%dma_start3A_148 : memref<128xi32, #tpu.memory_space<vmem>>) semaphore(%run_scoped3A_145 : memref<!tpu.dma_semaphore, #tpu.memory_space<semaphore_mem>>) {add = true}
          %dma_wait3A_152 = arith.constant 0 : i32
          %dma_wait3A_153 = tpu.memref_slice %arg8[%run_scoped3A_61, %dma_wait3A_152] : memref<8x128xi32, #tpu.memory_space<vmem>> -> memref<1x128xi32, #tpu.memory_space<vmem>>
          %dma_wait3A_154 = tpu.memref_squeeze %dma_wait3A_153 : memref<1x128xi32, #tpu.memory_space<vmem>> -> memref<128xi32, #tpu.memory_space<vmem>>
          %dma_wait3A_155 = arith.constant 0 : i32
          %dma_wait3A_156 = arith.constant 0 : i32
          %dma_wait3A_157 = tpu.memref_slice %arg11[%dma_wait3A_155, %dma_wait3A_156] : memref<10240x128xf32, #tpu.memory_space<vmem_shared>> -> memref<10240x128xf32, #tpu.memory_space<vmem_shared>>
          tpu.wait_indirect_dma semaphore(%run_scoped3A_145 : memref<!tpu.dma_semaphore, #tpu.memory_space<semaphore_mem>>) src(%arg10 : memref<128x128xf32, #tpu.memory_space<vmem>>) dst(%dma_wait3A_157 : memref<10240x128xf32, #tpu.memory_space<vmem_shared>>)
          tpu.yield
        }) : () -> ()
        %dma_wait3A_62 = arith.constant 2 : i32
        %dma_wait3A_63 = arith.constant 0 : i32
        %dma_wait3A_64 = tpu.memref_slice %arg7[%dma_wait3A_62, %dma_wait3A_63] : memref<8x128xi32, #tpu.memory_space<vmem>> -> memref<1x128xi32, #tpu.memory_space<vmem>>
        %dma_wait3A_65 = tpu.memref_squeeze %dma_wait3A_64 : memref<1x128xi32, #tpu.memory_space<vmem>> -> memref<128xi32, #tpu.memory_space<vmem>>
        %dma_wait3A_66 = arith.constant 0 : i32
        %dma_wait3A_67 = arith.constant 0 : i32
        %dma_wait3A_68 = tpu.memref_slice %arg2[%dma_wait3A_66, %dma_wait3A_67] : memref<10240x128xf32, #tpu.memory_space<hbm>> -> memref<10240x128xf32, #tpu.memory_space<hbm>>
        tpu.wait_indirect_dma semaphore(%arg12 : memref<!tpu.dma_semaphore, #tpu.memory_space<semaphore_mem>>) src(%dma_wait3A_68 : memref<10240x128xf32, #tpu.memory_space<hbm>>) dst(%arg9 : memref<128x128xf32, #tpu.memory_space<vmem>>)
        %dma_start3A_69 = arith.constant 3 : i32
        %dma_start3A_70 = arith.constant 0 : i32
        %dma_start3A_71 = tpu.memref_slice %arg7[%dma_start3A_69, %dma_start3A_70] : memref<8x128xi32, #tpu.memory_space<vmem>> -> memref<1x128xi32, #tpu.memory_space<vmem>>
        %dma_start3A_72 = tpu.memref_squeeze %dma_start3A_71 : memref<1x128xi32, #tpu.memory_space<vmem>> -> memref<128xi32, #tpu.memory_space<vmem>>
        %dma_start3A_73 = arith.constant 0 : i32
        %dma_start3A_74 = arith.constant 0 : i32
        %dma_start3A_75 = tpu.memref_slice %arg2[%dma_start3A_73, %dma_start3A_74] : memref<10240x128xf32, #tpu.memory_space<hbm>> -> memref<10240x128xf32, #tpu.memory_space<hbm>>
        tpu.enqueue_indirect_dma source(%dma_start3A_75 : memref<10240x128xf32, #tpu.memory_space<hbm>>) target(%arg10 : memref<128x128xf32, #tpu.memory_space<vmem>>) offsets(%dma_start3A_72 : memref<128xi32, #tpu.memory_space<vmem>>) semaphore(%arg13 : memref<!tpu.dma_semaphore, #tpu.memory_space<semaphore_mem>>)
        %run_scoped3A_76 = arith.constant 2 : i32
        "tpu.region"() ({
          %run_scoped3A_145 = tpu.sem_alloc : memref<!tpu.dma_semaphore, #tpu.memory_space<semaphore_mem>>
          %dma_start3A_146 = arith.constant 0 : i32
          %dma_start3A_147 = tpu.memref_slice %arg8[%run_scoped3A_76, %dma_start3A_146] : memref<8x128xi32, #tpu.memory_space<vmem>> -> memref<1x128xi32, #tpu.memory_space<vmem>>
          %dma_start3A_148 = tpu.memref_squeeze %dma_start3A_147 : memref<1x128xi32, #tpu.memory_space<vmem>> -> memref<128xi32, #tpu.memory_space<vmem>>
          %dma_start3A_149 = arith.constant 0 : i32
          %dma_start3A_150 = arith.constant 0 : i32
          %dma_start3A_151 = tpu.memref_slice %arg11[%dma_start3A_149, %dma_start3A_150] : memref<10240x128xf32, #tpu.memory_space<vmem_shared>> -> memref<10240x128xf32, #tpu.memory_space<vmem_shared>>
          tpu.enqueue_indirect_dma source(%arg9 : memref<128x128xf32, #tpu.memory_space<vmem>>) target(%dma_start3A_151 : memref<10240x128xf32, #tpu.memory_space<vmem_shared>>) offsets(%dma_start3A_148 : memref<128xi32, #tpu.memory_space<vmem>>) semaphore(%run_scoped3A_145 : memref<!tpu.dma_semaphore, #tpu.memory_space<semaphore_mem>>) {add = true}
          %dma_wait3A_152 = arith.constant 0 : i32
          %dma_wait3A_153 = tpu.memref_slice %arg8[%run_scoped3A_76, %dma_wait3A_152] : memref<8x128xi32, #tpu.memory_space<vmem>> -> memref<1x128xi32, #tpu.memory_space<vmem>>
          %dma_wait3A_154 = tpu.memref_squeeze %dma_wait3A_153 : memref<1x128xi32, #tpu.memory_space<vmem>> -> memref<128xi32, #tpu.memory_space<vmem>>
          %dma_wait3A_155 = arith.constant 0 : i32
          %dma_wait3A_156 = arith.constant 0 : i32
          %dma_wait3A_157 = tpu.memref_slice %arg11[%dma_wait3A_155, %dma_wait3A_156] : memref<10240x128xf32, #tpu.memory_space<vmem_shared>> -> memref<10240x128xf32, #tpu.memory_space<vmem_shared>>
          tpu.wait_indirect_dma semaphore(%run_scoped3A_145 : memref<!tpu.dma_semaphore, #tpu.memory_space<semaphore_mem>>) src(%arg9 : memref<128x128xf32, #tpu.memory_space<vmem>>) dst(%dma_wait3A_157 : memref<10240x128xf32, #tpu.memory_space<vmem_shared>>)
          tpu.yield
        }) : () -> ()
        %dma_wait3A_77 = arith.constant 3 : i32
        %dma_wait3A_78 = arith.constant 0 : i32
        %dma_wait3A_79 = tpu.memref_slice %arg7[%dma_wait3A_77, %dma_wait3A_78] : memref<8x128xi32, #tpu.memory_space<vmem>> -> memref<1x128xi32, #tpu.memory_space<vmem>>
        %dma_wait3A_80 = tpu.memref_squeeze %dma_wait3A_79 : memref<1x128xi32, #tpu.memory_space<vmem>> -> memref<128xi32, #tpu.memory_space<vmem>>
        %dma_wait3A_81 = arith.constant 0 : i32
        %dma_wait3A_82 = arith.constant 0 : i32
        %dma_wait3A_83 = tpu.memref_slice %arg2[%dma_wait3A_81, %dma_wait3A_82] : memref<10240x128xf32, #tpu.memory_space<hbm>> -> memref<10240x128xf32, #tpu.memory_space<hbm>>
        tpu.wait_indirect_dma semaphore(%arg13 : memref<!tpu.dma_semaphore, #tpu.memory_space<semaphore_mem>>) src(%dma_wait3A_83 : memref<10240x128xf32, #tpu.memory_space<hbm>>) dst(%arg10 : memref<128x128xf32, #tpu.memory_space<vmem>>)
        %dma_start3A_84 = arith.constant 4 : i32
        %dma_start3A_85 = arith.constant 0 : i32
        %dma_start3A_86 = tpu.memref_slice %arg7[%dma_start3A_84, %dma_start3A_85] : memref<8x128xi32, #tpu.memory_space<vmem>> -> memref<1x128xi32, #tpu.memory_space<vmem>>
        %dma_start3A_87 = tpu.memref_squeeze %dma_start3A_86 : memref<1x128xi32, #tpu.memory_space<vmem>> -> memref<128xi32, #tpu.memory_space<vmem>>
        %dma_start3A_88 = arith.constant 0 : i32
        %dma_start3A_89 = arith.constant 0 : i32
        %dma_start3A_90 = tpu.memref_slice %arg2[%dma_start3A_88, %dma_start3A_89] : memref<10240x128xf32, #tpu.memory_space<hbm>> -> memref<10240x128xf32, #tpu.memory_space<hbm>>
        tpu.enqueue_indirect_dma source(%dma_start3A_90 : memref<10240x128xf32, #tpu.memory_space<hbm>>) target(%arg9 : memref<128x128xf32, #tpu.memory_space<vmem>>) offsets(%dma_start3A_87 : memref<128xi32, #tpu.memory_space<vmem>>) semaphore(%arg12 : memref<!tpu.dma_semaphore, #tpu.memory_space<semaphore_mem>>)
        %run_scoped3A_91 = arith.constant 3 : i32
        "tpu.region"() ({
          %run_scoped3A_145 = tpu.sem_alloc : memref<!tpu.dma_semaphore, #tpu.memory_space<semaphore_mem>>
          %dma_start3A_146 = arith.constant 0 : i32
          %dma_start3A_147 = tpu.memref_slice %arg8[%run_scoped3A_91, %dma_start3A_146] : memref<8x128xi32, #tpu.memory_space<vmem>> -> memref<1x128xi32, #tpu.memory_space<vmem>>
          %dma_start3A_148 = tpu.memref_squeeze %dma_start3A_147 : memref<1x128xi32, #tpu.memory_space<vmem>> -> memref<128xi32, #tpu.memory_space<vmem>>
          %dma_start3A_149 = arith.constant 0 : i32
          %dma_start3A_150 = arith.constant 0 : i32
          %dma_start3A_151 = tpu.memref_slice %arg11[%dma_start3A_149, %dma_start3A_150] : memref<10240x128xf32, #tpu.memory_space<vmem_shared>> -> memref<10240x128xf32, #tpu.memory_space<vmem_shared>>
          tpu.enqueue_indirect_dma source(%arg10 : memref<128x128xf32, #tpu.memory_space<vmem>>) target(%dma_start3A_151 : memref<10240x128xf32, #tpu.memory_space<vmem_shared>>) offsets(%dma_start3A_148 : memref<128xi32, #tpu.memory_space<vmem>>) semaphore(%run_scoped3A_145 : memref<!tpu.dma_semaphore, #tpu.memory_space<semaphore_mem>>) {add = true}
          %dma_wait3A_152 = arith.constant 0 : i32
          %dma_wait3A_153 = tpu.memref_slice %arg8[%run_scoped3A_91, %dma_wait3A_152] : memref<8x128xi32, #tpu.memory_space<vmem>> -> memref<1x128xi32, #tpu.memory_space<vmem>>
          %dma_wait3A_154 = tpu.memref_squeeze %dma_wait3A_153 : memref<1x128xi32, #tpu.memory_space<vmem>> -> memref<128xi32, #tpu.memory_space<vmem>>
          %dma_wait3A_155 = arith.constant 0 : i32
          %dma_wait3A_156 = arith.constant 0 : i32
          %dma_wait3A_157 = tpu.memref_slice %arg11[%dma_wait3A_155, %dma_wait3A_156] : memref<10240x128xf32, #tpu.memory_space<vmem_shared>> -> memref<10240x128xf32, #tpu.memory_space<vmem_shared>>
          tpu.wait_indirect_dma semaphore(%run_scoped3A_145 : memref<!tpu.dma_semaphore, #tpu.memory_space<semaphore_mem>>) src(%arg10 : memref<128x128xf32, #tpu.memory_space<vmem>>) dst(%dma_wait3A_157 : memref<10240x128xf32, #tpu.memory_space<vmem_shared>>)
          tpu.yield
        }) : () -> ()
        %dma_wait3A_92 = arith.constant 4 : i32
        %dma_wait3A_93 = arith.constant 0 : i32
        %dma_wait3A_94 = tpu.memref_slice %arg7[%dma_wait3A_92, %dma_wait3A_93] : memref<8x128xi32, #tpu.memory_space<vmem>> -> memref<1x128xi32, #tpu.memory_space<vmem>>
        %dma_wait3A_95 = tpu.memref_squeeze %dma_wait3A_94 : memref<1x128xi32, #tpu.memory_space<vmem>> -> memref<128xi32, #tpu.memory_space<vmem>>
        %dma_wait3A_96 = arith.constant 0 : i32
        %dma_wait3A_97 = arith.constant 0 : i32
        %dma_wait3A_98 = tpu.memref_slice %arg2[%dma_wait3A_96, %dma_wait3A_97] : memref<10240x128xf32, #tpu.memory_space<hbm>> -> memref<10240x128xf32, #tpu.memory_space<hbm>>
        tpu.wait_indirect_dma semaphore(%arg12 : memref<!tpu.dma_semaphore, #tpu.memory_space<semaphore_mem>>) src(%dma_wait3A_98 : memref<10240x128xf32, #tpu.memory_space<hbm>>) dst(%arg9 : memref<128x128xf32, #tpu.memory_space<vmem>>)
        %dma_start3A_99 = arith.constant 5 : i32
        %dma_start3A_100 = arith.constant 0 : i32
        %dma_start3A_101 = tpu.memref_slice %arg7[%dma_start3A_99, %dma_start3A_100] : memref<8x128xi32, #tpu.memory_space<vmem>> -> memref<1x128xi32, #tpu.memory_space<vmem>>
        %dma_start3A_102 = tpu.memref_squeeze %dma_start3A_101 : memref<1x128xi32, #tpu.memory_space<vmem>> -> memref<128xi32, #tpu.memory_space<vmem>>
        %dma_start3A_103 = arith.constant 0 : i32
        %dma_start3A_104 = arith.constant 0 : i32
        %dma_start3A_105 = tpu.memref_slice %arg2[%dma_start3A_103, %dma_start3A_104] : memref<10240x128xf32, #tpu.memory_space<hbm>> -> memref<10240x128xf32, #tpu.memory_space<hbm>>
        tpu.enqueue_indirect_dma source(%dma_start3A_105 : memref<10240x128xf32, #tpu.memory_space<hbm>>) target(%arg10 : memref<128x128xf32, #tpu.memory_space<vmem>>) offsets(%dma_start3A_102 : memref<128xi32, #tpu.memory_space<vmem>>) semaphore(%arg13 : memref<!tpu.dma_semaphore, #tpu.memory_space<semaphore_mem>>)
        %run_scoped3A_106 = arith.constant 4 : i32
        "tpu.region"() ({
          %run_scoped3A_145 = tpu.sem_alloc : memref<!tpu.dma_semaphore, #tpu.memory_space<semaphore_mem>>
          %dma_start3A_146 = arith.constant 0 : i32
          %dma_start3A_147 = tpu.memref_slice %arg8[%run_scoped3A_106, %dma_start3A_146] : memref<8x128xi32, #tpu.memory_space<vmem>> -> memref<1x128xi32, #tpu.memory_space<vmem>>
          %dma_start3A_148 = tpu.memref_squeeze %dma_start3A_147 : memref<1x128xi32, #tpu.memory_space<vmem>> -> memref<128xi32, #tpu.memory_space<vmem>>
          %dma_start3A_149 = arith.constant 0 : i32
          %dma_start3A_150 = arith.constant 0 : i32
          %dma_start3A_151 = tpu.memref_slice %arg11[%dma_start3A_149, %dma_start3A_150] : memref<10240x128xf32, #tpu.memory_space<vmem_shared>> -> memref<10240x128xf32, #tpu.memory_space<vmem_shared>>
          tpu.enqueue_indirect_dma source(%arg9 : memref<128x128xf32, #tpu.memory_space<vmem>>) target(%dma_start3A_151 : memref<10240x128xf32, #tpu.memory_space<vmem_shared>>) offsets(%dma_start3A_148 : memref<128xi32, #tpu.memory_space<vmem>>) semaphore(%run_scoped3A_145 : memref<!tpu.dma_semaphore, #tpu.memory_space<semaphore_mem>>) {add = true}
          %dma_wait3A_152 = arith.constant 0 : i32
          %dma_wait3A_153 = tpu.memref_slice %arg8[%run_scoped3A_106, %dma_wait3A_152] : memref<8x128xi32, #tpu.memory_space<vmem>> -> memref<1x128xi32, #tpu.memory_space<vmem>>
          %dma_wait3A_154 = tpu.memref_squeeze %dma_wait3A_153 : memref<1x128xi32, #tpu.memory_space<vmem>> -> memref<128xi32, #tpu.memory_space<vmem>>
          %dma_wait3A_155 = arith.constant 0 : i32
          %dma_wait3A_156 = arith.constant 0 : i32
          %dma_wait3A_157 = tpu.memref_slice %arg11[%dma_wait3A_155, %dma_wait3A_156] : memref<10240x128xf32, #tpu.memory_space<vmem_shared>> -> memref<10240x128xf32, #tpu.memory_space<vmem_shared>>
          tpu.wait_indirect_dma semaphore(%run_scoped3A_145 : memref<!tpu.dma_semaphore, #tpu.memory_space<semaphore_mem>>) src(%arg9 : memref<128x128xf32, #tpu.memory_space<vmem>>) dst(%dma_wait3A_157 : memref<10240x128xf32, #tpu.memory_space<vmem_shared>>)
          tpu.yield
        }) : () -> ()
        %dma_wait3A_107 = arith.constant 5 : i32
        %dma_wait3A_108 = arith.constant 0 : i32
        %dma_wait3A_109 = tpu.memref_slice %arg7[%dma_wait3A_107, %dma_wait3A_108] : memref<8x128xi32, #tpu.memory_space<vmem>> -> memref<1x128xi32, #tpu.memory_space<vmem>>
        %dma_wait3A_110 = tpu.memref_squeeze %dma_wait3A_109 : memref<1x128xi32, #tpu.memory_space<vmem>> -> memref<128xi32, #tpu.memory_space<vmem>>
        %dma_wait3A_111 = arith.constant 0 : i32
        %dma_wait3A_112 = arith.constant 0 : i32
        %dma_wait3A_113 = tpu.memref_slice %arg2[%dma_wait3A_111, %dma_wait3A_112] : memref<10240x128xf32, #tpu.memory_space<hbm>> -> memref<10240x128xf32, #tpu.memory_space<hbm>>
        tpu.wait_indirect_dma semaphore(%arg13 : memref<!tpu.dma_semaphore, #tpu.memory_space<semaphore_mem>>) src(%dma_wait3A_113 : memref<10240x128xf32, #tpu.memory_space<hbm>>) dst(%arg10 : memref<128x128xf32, #tpu.memory_space<vmem>>)
        %dma_start3A_114 = arith.constant 6 : i32
        %dma_start3A_115 = arith.constant 0 : i32
        %dma_start3A_116 = tpu.memref_slice %arg7[%dma_start3A_114, %dma_start3A_115] : memref<8x128xi32, #tpu.memory_space<vmem>> -> memref<1x128xi32, #tpu.memory_space<vmem>>
        %dma_start3A_117 = tpu.memref_squeeze %dma_start3A_116 : memref<1x128xi32, #tpu.memory_space<vmem>> -> memref<128xi32, #tpu.memory_space<vmem>>
        %dma_start3A_118 = arith.constant 0 : i32
        %dma_start3A_119 = arith.constant 0 : i32
        %dma_start3A_120 = tpu.memref_slice %arg2[%dma_start3A_118, %dma_start3A_119] : memref<10240x128xf32, #tpu.memory_space<hbm>> -> memref<10240x128xf32, #tpu.memory_space<hbm>>
        tpu.enqueue_indirect_dma source(%dma_start3A_120 : memref<10240x128xf32, #tpu.memory_space<hbm>>) target(%arg9 : memref<128x128xf32, #tpu.memory_space<vmem>>) offsets(%dma_start3A_117 : memref<128xi32, #tpu.memory_space<vmem>>) semaphore(%arg12 : memref<!tpu.dma_semaphore, #tpu.memory_space<semaphore_mem>>)
        %run_scoped3A_121 = arith.constant 5 : i32
        "tpu.region"() ({
          %run_scoped3A_145 = tpu.sem_alloc : memref<!tpu.dma_semaphore, #tpu.memory_space<semaphore_mem>>
          %dma_start3A_146 = arith.constant 0 : i32
          %dma_start3A_147 = tpu.memref_slice %arg8[%run_scoped3A_121, %dma_start3A_146] : memref<8x128xi32, #tpu.memory_space<vmem>> -> memref<1x128xi32, #tpu.memory_space<vmem>>
          %dma_start3A_148 = tpu.memref_squeeze %dma_start3A_147 : memref<1x128xi32, #tpu.memory_space<vmem>> -> memref<128xi32, #tpu.memory_space<vmem>>
          %dma_start3A_149 = arith.constant 0 : i32
          %dma_start3A_150 = arith.constant 0 : i32
          %dma_start3A_151 = tpu.memref_slice %arg11[%dma_start3A_149, %dma_start3A_150] : memref<10240x128xf32, #tpu.memory_space<vmem_shared>> -> memref<10240x128xf32, #tpu.memory_space<vmem_shared>>
          tpu.enqueue_indirect_dma source(%arg10 : memref<128x128xf32, #tpu.memory_space<vmem>>) target(%dma_start3A_151 : memref<10240x128xf32, #tpu.memory_space<vmem_shared>>) offsets(%dma_start3A_148 : memref<128xi32, #tpu.memory_space<vmem>>) semaphore(%run_scoped3A_145 : memref<!tpu.dma_semaphore, #tpu.memory_space<semaphore_mem>>) {add = true}
          %dma_wait3A_152 = arith.constant 0 : i32
          %dma_wait3A_153 = tpu.memref_slice %arg8[%run_scoped3A_121, %dma_wait3A_152] : memref<8x128xi32, #tpu.memory_space<vmem>> -> memref<1x128xi32, #tpu.memory_space<vmem>>
          %dma_wait3A_154 = tpu.memref_squeeze %dma_wait3A_153 : memref<1x128xi32, #tpu.memory_space<vmem>> -> memref<128xi32, #tpu.memory_space<vmem>>
          %dma_wait3A_155 = arith.constant 0 : i32
          %dma_wait3A_156 = arith.constant 0 : i32
          %dma_wait3A_157 = tpu.memref_slice %arg11[%dma_wait3A_155, %dma_wait3A_156] : memref<10240x128xf32, #tpu.memory_space<vmem_shared>> -> memref<10240x128xf32, #tpu.memory_space<vmem_shared>>
          tpu.wait_indirect_dma semaphore(%run_scoped3A_145 : memref<!tpu.dma_semaphore, #tpu.memory_space<semaphore_mem>>) src(%arg10 : memref<128x128xf32, #tpu.memory_space<vmem>>) dst(%dma_wait3A_157 : memref<10240x128xf32, #tpu.memory_space<vmem_shared>>)
          tpu.yield
        }) : () -> ()
        %dma_wait3A_122 = arith.constant 6 : i32
        %dma_wait3A_123 = arith.constant 0 : i32
        %dma_wait3A_124 = tpu.memref_slice %arg7[%dma_wait3A_122, %dma_wait3A_123] : memref<8x128xi32, #tpu.memory_space<vmem>> -> memref<1x128xi32, #tpu.memory_space<vmem>>
        %dma_wait3A_125 = tpu.memref_squeeze %dma_wait3A_124 : memref<1x128xi32, #tpu.memory_space<vmem>> -> memref<128xi32, #tpu.memory_space<vmem>>
        %dma_wait3A_126 = arith.constant 0 : i32
        %dma_wait3A_127 = arith.constant 0 : i32
        %dma_wait3A_128 = tpu.memref_slice %arg2[%dma_wait3A_126, %dma_wait3A_127] : memref<10240x128xf32, #tpu.memory_space<hbm>> -> memref<10240x128xf32, #tpu.memory_space<hbm>>
        tpu.wait_indirect_dma semaphore(%arg12 : memref<!tpu.dma_semaphore, #tpu.memory_space<semaphore_mem>>) src(%dma_wait3A_128 : memref<10240x128xf32, #tpu.memory_space<hbm>>) dst(%arg9 : memref<128x128xf32, #tpu.memory_space<vmem>>)
        %dma_start3A_129 = arith.constant 7 : i32
        %dma_start3A_130 = arith.constant 0 : i32
        %dma_start3A_131 = tpu.memref_slice %arg7[%dma_start3A_129, %dma_start3A_130] : memref<8x128xi32, #tpu.memory_space<vmem>> -> memref<1x128xi32, #tpu.memory_space<vmem>>
        %dma_start3A_132 = tpu.memref_squeeze %dma_start3A_131 : memref<1x128xi32, #tpu.memory_space<vmem>> -> memref<128xi32, #tpu.memory_space<vmem>>
        %dma_start3A_133 = arith.constant 0 : i32
        %dma_start3A_134 = arith.constant 0 : i32
        %dma_start3A_135 = tpu.memref_slice %arg2[%dma_start3A_133, %dma_start3A_134] : memref<10240x128xf32, #tpu.memory_space<hbm>> -> memref<10240x128xf32, #tpu.memory_space<hbm>>
        tpu.enqueue_indirect_dma source(%dma_start3A_135 : memref<10240x128xf32, #tpu.memory_space<hbm>>) target(%arg10 : memref<128x128xf32, #tpu.memory_space<vmem>>) offsets(%dma_start3A_132 : memref<128xi32, #tpu.memory_space<vmem>>) semaphore(%arg13 : memref<!tpu.dma_semaphore, #tpu.memory_space<semaphore_mem>>)
        %run_scoped3A_136 = arith.constant 6 : i32
        "tpu.region"() ({
          %run_scoped3A_145 = tpu.sem_alloc : memref<!tpu.dma_semaphore, #tpu.memory_space<semaphore_mem>>
          %dma_start3A_146 = arith.constant 0 : i32
          %dma_start3A_147 = tpu.memref_slice %arg8[%run_scoped3A_136, %dma_start3A_146] : memref<8x128xi32, #tpu.memory_space<vmem>> -> memref<1x128xi32, #tpu.memory_space<vmem>>
          %dma_start3A_148 = tpu.memref_squeeze %dma_start3A_147 : memref<1x128xi32, #tpu.memory_space<vmem>> -> memref<128xi32, #tpu.memory_space<vmem>>
          %dma_start3A_149 = arith.constant 0 : i32
          %dma_start3A_150 = arith.constant 0 : i32
          %dma_start3A_151 = tpu.memref_slice %arg11[%dma_start3A_149, %dma_start3A_150] : memref<10240x128xf32, #tpu.memory_space<vmem_shared>> -> memref<10240x128xf32, #tpu.memory_space<vmem_shared>>
          tpu.enqueue_indirect_dma source(%arg9 : memref<128x128xf32, #tpu.memory_space<vmem>>) target(%dma_start3A_151 : memref<10240x128xf32, #tpu.memory_space<vmem_shared>>) offsets(%dma_start3A_148 : memref<128xi32, #tpu.memory_space<vmem>>) semaphore(%run_scoped3A_145 : memref<!tpu.dma_semaphore, #tpu.memory_space<semaphore_mem>>) {add = true}
          %dma_wait3A_152 = arith.constant 0 : i32
          %dma_wait3A_153 = tpu.memref_slice %arg8[%run_scoped3A_136, %dma_wait3A_152] : memref<8x128xi32, #tpu.memory_space<vmem>> -> memref<1x128xi32, #tpu.memory_space<vmem>>
          %dma_wait3A_154 = tpu.memref_squeeze %dma_wait3A_153 : memref<1x128xi32, #tpu.memory_space<vmem>> -> memref<128xi32, #tpu.memory_space<vmem>>
          %dma_wait3A_155 = arith.constant 0 : i32
          %dma_wait3A_156 = arith.constant 0 : i32
          %dma_wait3A_157 = tpu.memref_slice %arg11[%dma_wait3A_155, %dma_wait3A_156] : memref<10240x128xf32, #tpu.memory_space<vmem_shared>> -> memref<10240x128xf32, #tpu.memory_space<vmem_shared>>
          tpu.wait_indirect_dma semaphore(%run_scoped3A_145 : memref<!tpu.dma_semaphore, #tpu.memory_space<semaphore_mem>>) src(%arg9 : memref<128x128xf32, #tpu.memory_space<vmem>>) dst(%dma_wait3A_157 : memref<10240x128xf32, #tpu.memory_space<vmem_shared>>)
          tpu.yield
        }) : () -> ()
        %dma_wait3A_137 = arith.constant 7 : i32
        %dma_wait3A_138 = arith.constant 0 : i32
        %dma_wait3A_139 = tpu.memref_slice %arg7[%dma_wait3A_137, %dma_wait3A_138] : memref<8x128xi32, #tpu.memory_space<vmem>> -> memref<1x128xi32, #tpu.memory_space<vmem>>
        %dma_wait3A_140 = tpu.memref_squeeze %dma_wait3A_139 : memref<1x128xi32, #tpu.memory_space<vmem>> -> memref<128xi32, #tpu.memory_space<vmem>>
        %dma_wait3A_141 = arith.constant 0 : i32
        %dma_wait3A_142 = arith.constant 0 : i32
        %dma_wait3A_143 = tpu.memref_slice %arg2[%dma_wait3A_141, %dma_wait3A_142] : memref<10240x128xf32, #tpu.memory_space<hbm>> -> memref<10240x128xf32, #tpu.memory_space<hbm>>
        tpu.wait_indirect_dma semaphore(%arg13 : memref<!tpu.dma_semaphore, #tpu.memory_space<semaphore_mem>>) src(%dma_wait3A_143 : memref<10240x128xf32, #tpu.memory_space<hbm>>) dst(%arg10 : memref<128x128xf32, #tpu.memory_space<vmem>>)
        %run_scoped3A_144 = arith.constant 7 : i32
        "tpu.region"() ({
          %run_scoped3A_145 = tpu.sem_alloc : memref<!tpu.dma_semaphore, #tpu.memory_space<semaphore_mem>>
          %dma_start3A_146 = arith.constant 0 : i32
          %dma_start3A_147 = tpu.memref_slice %arg8[%run_scoped3A_144, %dma_start3A_146] : memref<8x128xi32, #tpu.memory_space<vmem>> -> memref<1x128xi32, #tpu.memory_space<vmem>>
          %dma_start3A_148 = tpu.memref_squeeze %dma_start3A_147 : memref<1x128xi32, #tpu.memory_space<vmem>> -> memref<128xi32, #tpu.memory_space<vmem>>
          %dma_start3A_149 = arith.constant 0 : i32
          %dma_start3A_150 = arith.constant 0 : i32
          %dma_start3A_151 = tpu.memref_slice %arg11[%dma_start3A_149, %dma_start3A_150] : memref<10240x128xf32, #tpu.memory_space<vmem_shared>> -> memref<10240x128xf32, #tpu.memory_space<vmem_shared>>
          tpu.enqueue_indirect_dma source(%arg10 : memref<128x128xf32, #tpu.memory_space<vmem>>) target(%dma_start3A_151 : memref<10240x128xf32, #tpu.memory_space<vmem_shared>>) offsets(%dma_start3A_148 : memref<128xi32, #tpu.memory_space<vmem>>) semaphore(%run_scoped3A_145 : memref<!tpu.dma_semaphore, #tpu.memory_space<semaphore_mem>>) {add = true}
          %dma_wait3A_152 = arith.constant 0 : i32
          %dma_wait3A_153 = tpu.memref_slice %arg8[%run_scoped3A_144, %dma_wait3A_152] : memref<8x128xi32, #tpu.memory_space<vmem>> -> memref<1x128xi32, #tpu.memory_space<vmem>>
          %dma_wait3A_154 = tpu.memref_squeeze %dma_wait3A_153 : memref<1x128xi32, #tpu.memory_space<vmem>> -> memref<128xi32, #tpu.memory_space<vmem>>
          %dma_wait3A_155 = arith.constant 0 : i32
          %dma_wait3A_156 = arith.constant 0 : i32
          %dma_wait3A_157 = tpu.memref_slice %arg11[%dma_wait3A_155, %dma_wait3A_156] : memref<10240x128xf32, #tpu.memory_space<vmem_shared>> -> memref<10240x128xf32, #tpu.memory_space<vmem_shared>>
          tpu.wait_indirect_dma semaphore(%run_scoped3A_145 : memref<!tpu.dma_semaphore, #tpu.memory_space<semaphore_mem>>) src(%arg10 : memref<128x128xf32, #tpu.memory_space<vmem>>) dst(%dma_wait3A_157 : memref<10240x128xf32, #tpu.memory_space<vmem_shared>>)
          tpu.yield
        }) : () -> ()
      }
      %scan3A_23 = arith.constant 18 : i32
    } else {
    }
    %eq3A_5 = arith.constant 1 : i32
    %eq3A_6 = arith.cmpi eq, %arg0, %eq3A_5 : i32
    %convert_element_type3A_7 = arith.extui %eq3A_6 : i1 to i32
    %cond3A_8 = arith.constant 0 : i32
    %cond3A_9 = arith.cmpi ne, %convert_element_type3A_7, %cond3A_8 : i32
    scf.if %cond3A_9 {
      %mul3A_17 = arith.constant 16 : i32
      %mul3A_18 = arith.muli %arg1, %mul3A_17 : i32
      %add3A_19 = arith.constant 2304 : i32
      %add3A_20 = arith.addi %add3A_19, %mul3A_18 : i32
      %scan3A = arith.constant 0 : i32
      %scan3A_21 = arith.constant 0 : i32
      %scan3A_22 = arith.constant 2 : i32
      %scan3A_23 = arith.addi %scan3A_21, %scan3A_22 : i32
      %scan3A_24 = arith.constant 1 : i32
      scf.for %scan3A_26 = %scan3A_21 to %scan3A_23 step %scan3A_24  : i32 {
        %mul3A_27 = arith.constant 8 : i32
        %mul3A_28 = arith.muli %scan3A_26, %mul3A_27 : i32
        %add3A_29 = arith.addi %add3A_20, %mul3A_28 : i32
        "tpu.region"() ({
          %run_scoped3A_147 = tpu.sem_alloc : memref<!tpu.dma_semaphore, #tpu.memory_space<semaphore_mem>>
          %dma_start3A_148 = arith.constant 0 : i32
          %dma_start3A_149 = tpu.memref_slice %arg3[%add3A_29, %dma_start3A_148] : memref<2560x128xi32, #tpu.memory_space<hbm>> -> memref<8x128xi32, #tpu.memory_space<hbm>>
          %dma_start3A_150 = arith.constant 0 : i32
          %dma_start3A_151 = tpu.memref_slice %arg3[%add3A_29, %dma_start3A_150] : memref<2560x128xi32, #tpu.memory_space<hbm>> -> memref<8x128xi32, #tpu.memory_space<hbm>>
          tpu.enqueue_dma source(%dma_start3A_151 : memref<8x128xi32, #tpu.memory_space<hbm>>) target(%arg7 : memref<8x128xi32, #tpu.memory_space<vmem>>) target_semaphore(%run_scoped3A_147 : memref<!tpu.dma_semaphore, #tpu.memory_space<semaphore_mem>>)
          %dma_wait3A_152 = arith.constant 0 : i32
          %dma_wait3A_153 = tpu.memref_slice %arg3[%add3A_29, %dma_wait3A_152] : memref<2560x128xi32, #tpu.memory_space<hbm>> -> memref<8x128xi32, #tpu.memory_space<hbm>>
          %dma_wait3A_154 = arith.constant 0 : i32
          %dma_wait3A_155 = tpu.memref_slice %arg3[%add3A_29, %dma_wait3A_154] : memref<2560x128xi32, #tpu.memory_space<hbm>> -> memref<8x128xi32, #tpu.memory_space<hbm>>
          tpu.wait_dma2 semaphore(%run_scoped3A_147 : memref<!tpu.dma_semaphore, #tpu.memory_space<semaphore_mem>>) src(%dma_wait3A_155 : memref<8x128xi32, #tpu.memory_space<hbm>>) dst(%arg7 : memref<8x128xi32, #tpu.memory_space<vmem>>)
          tpu.yield
        }) : () -> ()
        "tpu.region"() ({
          %run_scoped3A_147 = tpu.sem_alloc : memref<!tpu.dma_semaphore, #tpu.memory_space<semaphore_mem>>
          %dma_start3A_148 = arith.constant 0 : i32
          %dma_start3A_149 = tpu.memref_slice %arg4[%add3A_29, %dma_start3A_148] : memref<2560x128xi32, #tpu.memory_space<hbm>> -> memref<8x128xi32, #tpu.memory_space<hbm>>
          %dma_start3A_150 = arith.constant 0 : i32
          %dma_start3A_151 = tpu.memref_slice %arg4[%add3A_29, %dma_start3A_150] : memref<2560x128xi32, #tpu.memory_space<hbm>> -> memref<8x128xi32, #tpu.memory_space<hbm>>
          tpu.enqueue_dma source(%dma_start3A_151 : memref<8x128xi32, #tpu.memory_space<hbm>>) target(%arg8 : memref<8x128xi32, #tpu.memory_space<vmem>>) target_semaphore(%run_scoped3A_147 : memref<!tpu.dma_semaphore, #tpu.memory_space<semaphore_mem>>)
          %dma_wait3A_152 = arith.constant 0 : i32
          %dma_wait3A_153 = tpu.memref_slice %arg4[%add3A_29, %dma_wait3A_152] : memref<2560x128xi32, #tpu.memory_space<hbm>> -> memref<8x128xi32, #tpu.memory_space<hbm>>
          %dma_wait3A_154 = arith.constant 0 : i32
          %dma_wait3A_155 = tpu.memref_slice %arg4[%add3A_29, %dma_wait3A_154] : memref<2560x128xi32, #tpu.memory_space<hbm>> -> memref<8x128xi32, #tpu.memory_space<hbm>>
          tpu.wait_dma2 semaphore(%run_scoped3A_147 : memref<!tpu.dma_semaphore, #tpu.memory_space<semaphore_mem>>) src(%dma_wait3A_155 : memref<8x128xi32, #tpu.memory_space<hbm>>) dst(%arg8 : memref<8x128xi32, #tpu.memory_space<vmem>>)
          tpu.yield
        }) : () -> ()
        %dma_start3A = arith.constant 0 : i32
        %dma_start3A_30 = arith.constant 0 : i32
        %dma_start3A_31 = tpu.memref_slice %arg7[%dma_start3A, %dma_start3A_30] : memref<8x128xi32, #tpu.memory_space<vmem>> -> memref<1x128xi32, #tpu.memory_space<vmem>>
        %dma_start3A_32 = tpu.memref_squeeze %dma_start3A_31 : memref<1x128xi32, #tpu.memory_space<vmem>> -> memref<128xi32, #tpu.memory_space<vmem>>
        %dma_start3A_33 = arith.constant 0 : i32
        %dma_start3A_34 = arith.constant 0 : i32
        %dma_start3A_35 = tpu.memref_slice %arg2[%dma_start3A_33, %dma_start3A_34] : memref<10240x128xf32, #tpu.memory_space<hbm>> -> memref<10240x128xf32, #tpu.memory_space<hbm>>
        tpu.enqueue_indirect_dma source(%dma_start3A_35 : memref<10240x128xf32, #tpu.memory_space<hbm>>) target(%arg9 : memref<128x128xf32, #tpu.memory_space<vmem>>) offsets(%dma_start3A_32 : memref<128xi32, #tpu.memory_space<vmem>>) semaphore(%arg12 : memref<!tpu.dma_semaphore, #tpu.memory_space<semaphore_mem>>)
        %dma_wait3A = arith.constant 0 : i32
        %dma_wait3A_36 = arith.constant 0 : i32
        %dma_wait3A_37 = tpu.memref_slice %arg7[%dma_wait3A, %dma_wait3A_36] : memref<8x128xi32, #tpu.memory_space<vmem>> -> memref<1x128xi32, #tpu.memory_space<vmem>>
        %dma_wait3A_38 = tpu.memref_squeeze %dma_wait3A_37 : memref<1x128xi32, #tpu.memory_space<vmem>> -> memref<128xi32, #tpu.memory_space<vmem>>
        %dma_wait3A_39 = arith.constant 0 : i32
        %dma_wait3A_40 = arith.constant 0 : i32
        %dma_wait3A_41 = tpu.memref_slice %arg2[%dma_wait3A_39, %dma_wait3A_40] : memref<10240x128xf32, #tpu.memory_space<hbm>> -> memref<10240x128xf32, #tpu.memory_space<hbm>>
        tpu.wait_indirect_dma semaphore(%arg12 : memref<!tpu.dma_semaphore, #tpu.memory_space<semaphore_mem>>) src(%dma_wait3A_41 : memref<10240x128xf32, #tpu.memory_space<hbm>>) dst(%arg9 : memref<128x128xf32, #tpu.memory_space<vmem>>)
        %dma_start3A_42 = arith.constant 1 : i32
        %dma_start3A_43 = arith.constant 0 : i32
        %dma_start3A_44 = tpu.memref_slice %arg7[%dma_start3A_42, %dma_start3A_43] : memref<8x128xi32, #tpu.memory_space<vmem>> -> memref<1x128xi32, #tpu.memory_space<vmem>>
        %dma_start3A_45 = tpu.memref_squeeze %dma_start3A_44 : memref<1x128xi32, #tpu.memory_space<vmem>> -> memref<128xi32, #tpu.memory_space<vmem>>
        %dma_start3A_46 = arith.constant 0 : i32
        %dma_start3A_47 = arith.constant 0 : i32
        %dma_start3A_48 = tpu.memref_slice %arg2[%dma_start3A_46, %dma_start3A_47] : memref<10240x128xf32, #tpu.memory_space<hbm>> -> memref<10240x128xf32, #tpu.memory_space<hbm>>
        tpu.enqueue_indirect_dma source(%dma_start3A_48 : memref<10240x128xf32, #tpu.memory_space<hbm>>) target(%arg10 : memref<128x128xf32, #tpu.memory_space<vmem>>) offsets(%dma_start3A_45 : memref<128xi32, #tpu.memory_space<vmem>>) semaphore(%arg13 : memref<!tpu.dma_semaphore, #tpu.memory_space<semaphore_mem>>)
        %run_scoped3A = arith.constant 0 : i32
        "tpu.region"() ({
          %run_scoped3A_147 = tpu.sem_alloc : memref<!tpu.dma_semaphore, #tpu.memory_space<semaphore_mem>>
          %dma_start3A_148 = arith.constant 0 : i32
          %dma_start3A_149 = tpu.memref_slice %arg8[%run_scoped3A, %dma_start3A_148] : memref<8x128xi32, #tpu.memory_space<vmem>> -> memref<1x128xi32, #tpu.memory_space<vmem>>
          %dma_start3A_150 = tpu.memref_squeeze %dma_start3A_149 : memref<1x128xi32, #tpu.memory_space<vmem>> -> memref<128xi32, #tpu.memory_space<vmem>>
          %dma_start3A_151 = arith.constant 0 : i32
          %dma_start3A_152 = arith.constant 0 : i32
          %dma_start3A_153 = tpu.memref_slice %arg11[%dma_start3A_151, %dma_start3A_152] : memref<10240x128xf32, #tpu.memory_space<vmem_shared>> -> memref<10240x128xf32, #tpu.memory_space<vmem_shared>>
          tpu.enqueue_indirect_dma source(%arg9 : memref<128x128xf32, #tpu.memory_space<vmem>>) target(%dma_start3A_153 : memref<10240x128xf32, #tpu.memory_space<vmem_shared>>) offsets(%dma_start3A_150 : memref<128xi32, #tpu.memory_space<vmem>>) semaphore(%run_scoped3A_147 : memref<!tpu.dma_semaphore, #tpu.memory_space<semaphore_mem>>) {add = true}
          %dma_wait3A_154 = arith.constant 0 : i32
          %dma_wait3A_155 = tpu.memref_slice %arg8[%run_scoped3A, %dma_wait3A_154] : memref<8x128xi32, #tpu.memory_space<vmem>> -> memref<1x128xi32, #tpu.memory_space<vmem>>
          %dma_wait3A_156 = tpu.memref_squeeze %dma_wait3A_155 : memref<1x128xi32, #tpu.memory_space<vmem>> -> memref<128xi32, #tpu.memory_space<vmem>>
          %dma_wait3A_157 = arith.constant 0 : i32
          %dma_wait3A_158 = arith.constant 0 : i32
          %dma_wait3A_159 = tpu.memref_slice %arg11[%dma_wait3A_157, %dma_wait3A_158] : memref<10240x128xf32, #tpu.memory_space<vmem_shared>> -> memref<10240x128xf32, #tpu.memory_space<vmem_shared>>
          tpu.wait_indirect_dma semaphore(%run_scoped3A_147 : memref<!tpu.dma_semaphore, #tpu.memory_space<semaphore_mem>>) src(%arg9 : memref<128x128xf32, #tpu.memory_space<vmem>>) dst(%dma_wait3A_159 : memref<10240x128xf32, #tpu.memory_space<vmem_shared>>)
          tpu.yield
        }) : () -> ()
        %dma_wait3A_49 = arith.constant 1 : i32
        %dma_wait3A_50 = arith.constant 0 : i32
        %dma_wait3A_51 = tpu.memref_slice %arg7[%dma_wait3A_49, %dma_wait3A_50] : memref<8x128xi32, #tpu.memory_space<vmem>> -> memref<1x128xi32, #tpu.memory_space<vmem>>
        %dma_wait3A_52 = tpu.memref_squeeze %dma_wait3A_51 : memref<1x128xi32, #tpu.memory_space<vmem>> -> memref<128xi32, #tpu.memory_space<vmem>>
        %dma_wait3A_53 = arith.constant 0 : i32
        %dma_wait3A_54 = arith.constant 0 : i32
        %dma_wait3A_55 = tpu.memref_slice %arg2[%dma_wait3A_53, %dma_wait3A_54] : memref<10240x128xf32, #tpu.memory_space<hbm>> -> memref<10240x128xf32, #tpu.memory_space<hbm>>
        tpu.wait_indirect_dma semaphore(%arg13 : memref<!tpu.dma_semaphore, #tpu.memory_space<semaphore_mem>>) src(%dma_wait3A_55 : memref<10240x128xf32, #tpu.memory_space<hbm>>) dst(%arg10 : memref<128x128xf32, #tpu.memory_space<vmem>>)
        %dma_start3A_56 = arith.constant 2 : i32
        %dma_start3A_57 = arith.constant 0 : i32
        %dma_start3A_58 = tpu.memref_slice %arg7[%dma_start3A_56, %dma_start3A_57] : memref<8x128xi32, #tpu.memory_space<vmem>> -> memref<1x128xi32, #tpu.memory_space<vmem>>
        %dma_start3A_59 = tpu.memref_squeeze %dma_start3A_58 : memref<1x128xi32, #tpu.memory_space<vmem>> -> memref<128xi32, #tpu.memory_space<vmem>>
        %dma_start3A_60 = arith.constant 0 : i32
        %dma_start3A_61 = arith.constant 0 : i32
        %dma_start3A_62 = tpu.memref_slice %arg2[%dma_start3A_60, %dma_start3A_61] : memref<10240x128xf32, #tpu.memory_space<hbm>> -> memref<10240x128xf32, #tpu.memory_space<hbm>>
        tpu.enqueue_indirect_dma source(%dma_start3A_62 : memref<10240x128xf32, #tpu.memory_space<hbm>>) target(%arg9 : memref<128x128xf32, #tpu.memory_space<vmem>>) offsets(%dma_start3A_59 : memref<128xi32, #tpu.memory_space<vmem>>) semaphore(%arg12 : memref<!tpu.dma_semaphore, #tpu.memory_space<semaphore_mem>>)
        %run_scoped3A_63 = arith.constant 1 : i32
        "tpu.region"() ({
          %run_scoped3A_147 = tpu.sem_alloc : memref<!tpu.dma_semaphore, #tpu.memory_space<semaphore_mem>>
          %dma_start3A_148 = arith.constant 0 : i32
          %dma_start3A_149 = tpu.memref_slice %arg8[%run_scoped3A_63, %dma_start3A_148] : memref<8x128xi32, #tpu.memory_space<vmem>> -> memref<1x128xi32, #tpu.memory_space<vmem>>
          %dma_start3A_150 = tpu.memref_squeeze %dma_start3A_149 : memref<1x128xi32, #tpu.memory_space<vmem>> -> memref<128xi32, #tpu.memory_space<vmem>>
          %dma_start3A_151 = arith.constant 0 : i32
          %dma_start3A_152 = arith.constant 0 : i32
          %dma_start3A_153 = tpu.memref_slice %arg11[%dma_start3A_151, %dma_start3A_152] : memref<10240x128xf32, #tpu.memory_space<vmem_shared>> -> memref<10240x128xf32, #tpu.memory_space<vmem_shared>>
          tpu.enqueue_indirect_dma source(%arg10 : memref<128x128xf32, #tpu.memory_space<vmem>>) target(%dma_start3A_153 : memref<10240x128xf32, #tpu.memory_space<vmem_shared>>) offsets(%dma_start3A_150 : memref<128xi32, #tpu.memory_space<vmem>>) semaphore(%run_scoped3A_147 : memref<!tpu.dma_semaphore, #tpu.memory_space<semaphore_mem>>) {add = true}
          %dma_wait3A_154 = arith.constant 0 : i32
          %dma_wait3A_155 = tpu.memref_slice %arg8[%run_scoped3A_63, %dma_wait3A_154] : memref<8x128xi32, #tpu.memory_space<vmem>> -> memref<1x128xi32, #tpu.memory_space<vmem>>
          %dma_wait3A_156 = tpu.memref_squeeze %dma_wait3A_155 : memref<1x128xi32, #tpu.memory_space<vmem>> -> memref<128xi32, #tpu.memory_space<vmem>>
          %dma_wait3A_157 = arith.constant 0 : i32
          %dma_wait3A_158 = arith.constant 0 : i32
          %dma_wait3A_159 = tpu.memref_slice %arg11[%dma_wait3A_157, %dma_wait3A_158] : memref<10240x128xf32, #tpu.memory_space<vmem_shared>> -> memref<10240x128xf32, #tpu.memory_space<vmem_shared>>
          tpu.wait_indirect_dma semaphore(%run_scoped3A_147 : memref<!tpu.dma_semaphore, #tpu.memory_space<semaphore_mem>>) src(%arg10 : memref<128x128xf32, #tpu.memory_space<vmem>>) dst(%dma_wait3A_159 : memref<10240x128xf32, #tpu.memory_space<vmem_shared>>)
          tpu.yield
        }) : () -> ()
        %dma_wait3A_64 = arith.constant 2 : i32
        %dma_wait3A_65 = arith.constant 0 : i32
        %dma_wait3A_66 = tpu.memref_slice %arg7[%dma_wait3A_64, %dma_wait3A_65] : memref<8x128xi32, #tpu.memory_space<vmem>> -> memref<1x128xi32, #tpu.memory_space<vmem>>
        %dma_wait3A_67 = tpu.memref_squeeze %dma_wait3A_66 : memref<1x128xi32, #tpu.memory_space<vmem>> -> memref<128xi32, #tpu.memory_space<vmem>>
        %dma_wait3A_68 = arith.constant 0 : i32
        %dma_wait3A_69 = arith.constant 0 : i32
        %dma_wait3A_70 = tpu.memref_slice %arg2[%dma_wait3A_68, %dma_wait3A_69] : memref<10240x128xf32, #tpu.memory_space<hbm>> -> memref<10240x128xf32, #tpu.memory_space<hbm>>
        tpu.wait_indirect_dma semaphore(%arg12 : memref<!tpu.dma_semaphore, #tpu.memory_space<semaphore_mem>>) src(%dma_wait3A_70 : memref<10240x128xf32, #tpu.memory_space<hbm>>) dst(%arg9 : memref<128x128xf32, #tpu.memory_space<vmem>>)
        %dma_start3A_71 = arith.constant 3 : i32
        %dma_start3A_72 = arith.constant 0 : i32
        %dma_start3A_73 = tpu.memref_slice %arg7[%dma_start3A_71, %dma_start3A_72] : memref<8x128xi32, #tpu.memory_space<vmem>> -> memref<1x128xi32, #tpu.memory_space<vmem>>
        %dma_start3A_74 = tpu.memref_squeeze %dma_start3A_73 : memref<1x128xi32, #tpu.memory_space<vmem>> -> memref<128xi32, #tpu.memory_space<vmem>>
        %dma_start3A_75 = arith.constant 0 : i32
        %dma_start3A_76 = arith.constant 0 : i32
        %dma_start3A_77 = tpu.memref_slice %arg2[%dma_start3A_75, %dma_start3A_76] : memref<10240x128xf32, #tpu.memory_space<hbm>> -> memref<10240x128xf32, #tpu.memory_space<hbm>>
        tpu.enqueue_indirect_dma source(%dma_start3A_77 : memref<10240x128xf32, #tpu.memory_space<hbm>>) target(%arg10 : memref<128x128xf32, #tpu.memory_space<vmem>>) offsets(%dma_start3A_74 : memref<128xi32, #tpu.memory_space<vmem>>) semaphore(%arg13 : memref<!tpu.dma_semaphore, #tpu.memory_space<semaphore_mem>>)
        %run_scoped3A_78 = arith.constant 2 : i32
        "tpu.region"() ({
          %run_scoped3A_147 = tpu.sem_alloc : memref<!tpu.dma_semaphore, #tpu.memory_space<semaphore_mem>>
          %dma_start3A_148 = arith.constant 0 : i32
          %dma_start3A_149 = tpu.memref_slice %arg8[%run_scoped3A_78, %dma_start3A_148] : memref<8x128xi32, #tpu.memory_space<vmem>> -> memref<1x128xi32, #tpu.memory_space<vmem>>
          %dma_start3A_150 = tpu.memref_squeeze %dma_start3A_149 : memref<1x128xi32, #tpu.memory_space<vmem>> -> memref<128xi32, #tpu.memory_space<vmem>>
          %dma_start3A_151 = arith.constant 0 : i32
          %dma_start3A_152 = arith.constant 0 : i32
          %dma_start3A_153 = tpu.memref_slice %arg11[%dma_start3A_151, %dma_start3A_152] : memref<10240x128xf32, #tpu.memory_space<vmem_shared>> -> memref<10240x128xf32, #tpu.memory_space<vmem_shared>>
          tpu.enqueue_indirect_dma source(%arg9 : memref<128x128xf32, #tpu.memory_space<vmem>>) target(%dma_start3A_153 : memref<10240x128xf32, #tpu.memory_space<vmem_shared>>) offsets(%dma_start3A_150 : memref<128xi32, #tpu.memory_space<vmem>>) semaphore(%run_scoped3A_147 : memref<!tpu.dma_semaphore, #tpu.memory_space<semaphore_mem>>) {add = true}
          %dma_wait3A_154 = arith.constant 0 : i32
          %dma_wait3A_155 = tpu.memref_slice %arg8[%run_scoped3A_78, %dma_wait3A_154] : memref<8x128xi32, #tpu.memory_space<vmem>> -> memref<1x128xi32, #tpu.memory_space<vmem>>
          %dma_wait3A_156 = tpu.memref_squeeze %dma_wait3A_155 : memref<1x128xi32, #tpu.memory_space<vmem>> -> memref<128xi32, #tpu.memory_space<vmem>>
          %dma_wait3A_157 = arith.constant 0 : i32
          %dma_wait3A_158 = arith.constant 0 : i32
          %dma_wait3A_159 = tpu.memref_slice %arg11[%dma_wait3A_157, %dma_wait3A_158] : memref<10240x128xf32, #tpu.memory_space<vmem_shared>> -> memref<10240x128xf32, #tpu.memory_space<vmem_shared>>
          tpu.wait_indirect_dma semaphore(%run_scoped3A_147 : memref<!tpu.dma_semaphore, #tpu.memory_space<semaphore_mem>>) src(%arg9 : memref<128x128xf32, #tpu.memory_space<vmem>>) dst(%dma_wait3A_159 : memref<10240x128xf32, #tpu.memory_space<vmem_shared>>)
          tpu.yield
        }) : () -> ()
        %dma_wait3A_79 = arith.constant 3 : i32
        %dma_wait3A_80 = arith.constant 0 : i32
        %dma_wait3A_81 = tpu.memref_slice %arg7[%dma_wait3A_79, %dma_wait3A_80] : memref<8x128xi32, #tpu.memory_space<vmem>> -> memref<1x128xi32, #tpu.memory_space<vmem>>
        %dma_wait3A_82 = tpu.memref_squeeze %dma_wait3A_81 : memref<1x128xi32, #tpu.memory_space<vmem>> -> memref<128xi32, #tpu.memory_space<vmem>>
        %dma_wait3A_83 = arith.constant 0 : i32
        %dma_wait3A_84 = arith.constant 0 : i32
        %dma_wait3A_85 = tpu.memref_slice %arg2[%dma_wait3A_83, %dma_wait3A_84] : memref<10240x128xf32, #tpu.memory_space<hbm>> -> memref<10240x128xf32, #tpu.memory_space<hbm>>
        tpu.wait_indirect_dma semaphore(%arg13 : memref<!tpu.dma_semaphore, #tpu.memory_space<semaphore_mem>>) src(%dma_wait3A_85 : memref<10240x128xf32, #tpu.memory_space<hbm>>) dst(%arg10 : memref<128x128xf32, #tpu.memory_space<vmem>>)
        %dma_start3A_86 = arith.constant 4 : i32
        %dma_start3A_87 = arith.constant 0 : i32
        %dma_start3A_88 = tpu.memref_slice %arg7[%dma_start3A_86, %dma_start3A_87] : memref<8x128xi32, #tpu.memory_space<vmem>> -> memref<1x128xi32, #tpu.memory_space<vmem>>
        %dma_start3A_89 = tpu.memref_squeeze %dma_start3A_88 : memref<1x128xi32, #tpu.memory_space<vmem>> -> memref<128xi32, #tpu.memory_space<vmem>>
        %dma_start3A_90 = arith.constant 0 : i32
        %dma_start3A_91 = arith.constant 0 : i32
        %dma_start3A_92 = tpu.memref_slice %arg2[%dma_start3A_90, %dma_start3A_91] : memref<10240x128xf32, #tpu.memory_space<hbm>> -> memref<10240x128xf32, #tpu.memory_space<hbm>>
        tpu.enqueue_indirect_dma source(%dma_start3A_92 : memref<10240x128xf32, #tpu.memory_space<hbm>>) target(%arg9 : memref<128x128xf32, #tpu.memory_space<vmem>>) offsets(%dma_start3A_89 : memref<128xi32, #tpu.memory_space<vmem>>) semaphore(%arg12 : memref<!tpu.dma_semaphore, #tpu.memory_space<semaphore_mem>>)
        %run_scoped3A_93 = arith.constant 3 : i32
        "tpu.region"() ({
          %run_scoped3A_147 = tpu.sem_alloc : memref<!tpu.dma_semaphore, #tpu.memory_space<semaphore_mem>>
          %dma_start3A_148 = arith.constant 0 : i32
          %dma_start3A_149 = tpu.memref_slice %arg8[%run_scoped3A_93, %dma_start3A_148] : memref<8x128xi32, #tpu.memory_space<vmem>> -> memref<1x128xi32, #tpu.memory_space<vmem>>
          %dma_start3A_150 = tpu.memref_squeeze %dma_start3A_149 : memref<1x128xi32, #tpu.memory_space<vmem>> -> memref<128xi32, #tpu.memory_space<vmem>>
          %dma_start3A_151 = arith.constant 0 : i32
          %dma_start3A_152 = arith.constant 0 : i32
          %dma_start3A_153 = tpu.memref_slice %arg11[%dma_start3A_151, %dma_start3A_152] : memref<10240x128xf32, #tpu.memory_space<vmem_shared>> -> memref<10240x128xf32, #tpu.memory_space<vmem_shared>>
          tpu.enqueue_indirect_dma source(%arg10 : memref<128x128xf32, #tpu.memory_space<vmem>>) target(%dma_start3A_153 : memref<10240x128xf32, #tpu.memory_space<vmem_shared>>) offsets(%dma_start3A_150 : memref<128xi32, #tpu.memory_space<vmem>>) semaphore(%run_scoped3A_147 : memref<!tpu.dma_semaphore, #tpu.memory_space<semaphore_mem>>) {add = true}
          %dma_wait3A_154 = arith.constant 0 : i32
          %dma_wait3A_155 = tpu.memref_slice %arg8[%run_scoped3A_93, %dma_wait3A_154] : memref<8x128xi32, #tpu.memory_space<vmem>> -> memref<1x128xi32, #tpu.memory_space<vmem>>
          %dma_wait3A_156 = tpu.memref_squeeze %dma_wait3A_155 : memref<1x128xi32, #tpu.memory_space<vmem>> -> memref<128xi32, #tpu.memory_space<vmem>>
          %dma_wait3A_157 = arith.constant 0 : i32
          %dma_wait3A_158 = arith.constant 0 : i32
          %dma_wait3A_159 = tpu.memref_slice %arg11[%dma_wait3A_157, %dma_wait3A_158] : memref<10240x128xf32, #tpu.memory_space<vmem_shared>> -> memref<10240x128xf32, #tpu.memory_space<vmem_shared>>
          tpu.wait_indirect_dma semaphore(%run_scoped3A_147 : memref<!tpu.dma_semaphore, #tpu.memory_space<semaphore_mem>>) src(%arg10 : memref<128x128xf32, #tpu.memory_space<vmem>>) dst(%dma_wait3A_159 : memref<10240x128xf32, #tpu.memory_space<vmem_shared>>)
          tpu.yield
        }) : () -> ()
        %dma_wait3A_94 = arith.constant 4 : i32
        %dma_wait3A_95 = arith.constant 0 : i32
        %dma_wait3A_96 = tpu.memref_slice %arg7[%dma_wait3A_94, %dma_wait3A_95] : memref<8x128xi32, #tpu.memory_space<vmem>> -> memref<1x128xi32, #tpu.memory_space<vmem>>
        %dma_wait3A_97 = tpu.memref_squeeze %dma_wait3A_96 : memref<1x128xi32, #tpu.memory_space<vmem>> -> memref<128xi32, #tpu.memory_space<vmem>>
        %dma_wait3A_98 = arith.constant 0 : i32
        %dma_wait3A_99 = arith.constant 0 : i32
        %dma_wait3A_100 = tpu.memref_slice %arg2[%dma_wait3A_98, %dma_wait3A_99] : memref<10240x128xf32, #tpu.memory_space<hbm>> -> memref<10240x128xf32, #tpu.memory_space<hbm>>
        tpu.wait_indirect_dma semaphore(%arg12 : memref<!tpu.dma_semaphore, #tpu.memory_space<semaphore_mem>>) src(%dma_wait3A_100 : memref<10240x128xf32, #tpu.memory_space<hbm>>) dst(%arg9 : memref<128x128xf32, #tpu.memory_space<vmem>>)
        %dma_start3A_101 = arith.constant 5 : i32
        %dma_start3A_102 = arith.constant 0 : i32
        %dma_start3A_103 = tpu.memref_slice %arg7[%dma_start3A_101, %dma_start3A_102] : memref<8x128xi32, #tpu.memory_space<vmem>> -> memref<1x128xi32, #tpu.memory_space<vmem>>
        %dma_start3A_104 = tpu.memref_squeeze %dma_start3A_103 : memref<1x128xi32, #tpu.memory_space<vmem>> -> memref<128xi32, #tpu.memory_space<vmem>>
        %dma_start3A_105 = arith.constant 0 : i32
        %dma_start3A_106 = arith.constant 0 : i32
        %dma_start3A_107 = tpu.memref_slice %arg2[%dma_start3A_105, %dma_start3A_106] : memref<10240x128xf32, #tpu.memory_space<hbm>> -> memref<10240x128xf32, #tpu.memory_space<hbm>>
        tpu.enqueue_indirect_dma source(%dma_start3A_107 : memref<10240x128xf32, #tpu.memory_space<hbm>>) target(%arg10 : memref<128x128xf32, #tpu.memory_space<vmem>>) offsets(%dma_start3A_104 : memref<128xi32, #tpu.memory_space<vmem>>) semaphore(%arg13 : memref<!tpu.dma_semaphore, #tpu.memory_space<semaphore_mem>>)
        %run_scoped3A_108 = arith.constant 4 : i32
        "tpu.region"() ({
          %run_scoped3A_147 = tpu.sem_alloc : memref<!tpu.dma_semaphore, #tpu.memory_space<semaphore_mem>>
          %dma_start3A_148 = arith.constant 0 : i32
          %dma_start3A_149 = tpu.memref_slice %arg8[%run_scoped3A_108, %dma_start3A_148] : memref<8x128xi32, #tpu.memory_space<vmem>> -> memref<1x128xi32, #tpu.memory_space<vmem>>
          %dma_start3A_150 = tpu.memref_squeeze %dma_start3A_149 : memref<1x128xi32, #tpu.memory_space<vmem>> -> memref<128xi32, #tpu.memory_space<vmem>>
          %dma_start3A_151 = arith.constant 0 : i32
          %dma_start3A_152 = arith.constant 0 : i32
          %dma_start3A_153 = tpu.memref_slice %arg11[%dma_start3A_151, %dma_start3A_152] : memref<10240x128xf32, #tpu.memory_space<vmem_shared>> -> memref<10240x128xf32, #tpu.memory_space<vmem_shared>>
          tpu.enqueue_indirect_dma source(%arg9 : memref<128x128xf32, #tpu.memory_space<vmem>>) target(%dma_start3A_153 : memref<10240x128xf32, #tpu.memory_space<vmem_shared>>) offsets(%dma_start3A_150 : memref<128xi32, #tpu.memory_space<vmem>>) semaphore(%run_scoped3A_147 : memref<!tpu.dma_semaphore, #tpu.memory_space<semaphore_mem>>) {add = true}
          %dma_wait3A_154 = arith.constant 0 : i32
          %dma_wait3A_155 = tpu.memref_slice %arg8[%run_scoped3A_108, %dma_wait3A_154] : memref<8x128xi32, #tpu.memory_space<vmem>> -> memref<1x128xi32, #tpu.memory_space<vmem>>
          %dma_wait3A_156 = tpu.memref_squeeze %dma_wait3A_155 : memref<1x128xi32, #tpu.memory_space<vmem>> -> memref<128xi32, #tpu.memory_space<vmem>>
          %dma_wait3A_157 = arith.constant 0 : i32
          %dma_wait3A_158 = arith.constant 0 : i32
          %dma_wait3A_159 = tpu.memref_slice %arg11[%dma_wait3A_157, %dma_wait3A_158] : memref<10240x128xf32, #tpu.memory_space<vmem_shared>> -> memref<10240x128xf32, #tpu.memory_space<vmem_shared>>
          tpu.wait_indirect_dma semaphore(%run_scoped3A_147 : memref<!tpu.dma_semaphore, #tpu.memory_space<semaphore_mem>>) src(%arg9 : memref<128x128xf32, #tpu.memory_space<vmem>>) dst(%dma_wait3A_159 : memref<10240x128xf32, #tpu.memory_space<vmem_shared>>)
          tpu.yield
        }) : () -> ()
        %dma_wait3A_109 = arith.constant 5 : i32
        %dma_wait3A_110 = arith.constant 0 : i32
        %dma_wait3A_111 = tpu.memref_slice %arg7[%dma_wait3A_109, %dma_wait3A_110] : memref<8x128xi32, #tpu.memory_space<vmem>> -> memref<1x128xi32, #tpu.memory_space<vmem>>
        %dma_wait3A_112 = tpu.memref_squeeze %dma_wait3A_111 : memref<1x128xi32, #tpu.memory_space<vmem>> -> memref<128xi32, #tpu.memory_space<vmem>>
        %dma_wait3A_113 = arith.constant 0 : i32
        %dma_wait3A_114 = arith.constant 0 : i32
        %dma_wait3A_115 = tpu.memref_slice %arg2[%dma_wait3A_113, %dma_wait3A_114] : memref<10240x128xf32, #tpu.memory_space<hbm>> -> memref<10240x128xf32, #tpu.memory_space<hbm>>
        tpu.wait_indirect_dma semaphore(%arg13 : memref<!tpu.dma_semaphore, #tpu.memory_space<semaphore_mem>>) src(%dma_wait3A_115 : memref<10240x128xf32, #tpu.memory_space<hbm>>) dst(%arg10 : memref<128x128xf32, #tpu.memory_space<vmem>>)
        %dma_start3A_116 = arith.constant 6 : i32
        %dma_start3A_117 = arith.constant 0 : i32
        %dma_start3A_118 = tpu.memref_slice %arg7[%dma_start3A_116, %dma_start3A_117] : memref<8x128xi32, #tpu.memory_space<vmem>> -> memref<1x128xi32, #tpu.memory_space<vmem>>
        %dma_start3A_119 = tpu.memref_squeeze %dma_start3A_118 : memref<1x128xi32, #tpu.memory_space<vmem>> -> memref<128xi32, #tpu.memory_space<vmem>>
        %dma_start3A_120 = arith.constant 0 : i32
        %dma_start3A_121 = arith.constant 0 : i32
        %dma_start3A_122 = tpu.memref_slice %arg2[%dma_start3A_120, %dma_start3A_121] : memref<10240x128xf32, #tpu.memory_space<hbm>> -> memref<10240x128xf32, #tpu.memory_space<hbm>>
        tpu.enqueue_indirect_dma source(%dma_start3A_122 : memref<10240x128xf32, #tpu.memory_space<hbm>>) target(%arg9 : memref<128x128xf32, #tpu.memory_space<vmem>>) offsets(%dma_start3A_119 : memref<128xi32, #tpu.memory_space<vmem>>) semaphore(%arg12 : memref<!tpu.dma_semaphore, #tpu.memory_space<semaphore_mem>>)
        %run_scoped3A_123 = arith.constant 5 : i32
        "tpu.region"() ({
          %run_scoped3A_147 = tpu.sem_alloc : memref<!tpu.dma_semaphore, #tpu.memory_space<semaphore_mem>>
          %dma_start3A_148 = arith.constant 0 : i32
          %dma_start3A_149 = tpu.memref_slice %arg8[%run_scoped3A_123, %dma_start3A_148] : memref<8x128xi32, #tpu.memory_space<vmem>> -> memref<1x128xi32, #tpu.memory_space<vmem>>
          %dma_start3A_150 = tpu.memref_squeeze %dma_start3A_149 : memref<1x128xi32, #tpu.memory_space<vmem>> -> memref<128xi32, #tpu.memory_space<vmem>>
          %dma_start3A_151 = arith.constant 0 : i32
          %dma_start3A_152 = arith.constant 0 : i32
          %dma_start3A_153 = tpu.memref_slice %arg11[%dma_start3A_151, %dma_start3A_152] : memref<10240x128xf32, #tpu.memory_space<vmem_shared>> -> memref<10240x128xf32, #tpu.memory_space<vmem_shared>>
          tpu.enqueue_indirect_dma source(%arg10 : memref<128x128xf32, #tpu.memory_space<vmem>>) target(%dma_start3A_153 : memref<10240x128xf32, #tpu.memory_space<vmem_shared>>) offsets(%dma_start3A_150 : memref<128xi32, #tpu.memory_space<vmem>>) semaphore(%run_scoped3A_147 : memref<!tpu.dma_semaphore, #tpu.memory_space<semaphore_mem>>) {add = true}
          %dma_wait3A_154 = arith.constant 0 : i32
          %dma_wait3A_155 = tpu.memref_slice %arg8[%run_scoped3A_123, %dma_wait3A_154] : memref<8x128xi32, #tpu.memory_space<vmem>> -> memref<1x128xi32, #tpu.memory_space<vmem>>
          %dma_wait3A_156 = tpu.memref_squeeze %dma_wait3A_155 : memref<1x128xi32, #tpu.memory_space<vmem>> -> memref<128xi32, #tpu.memory_space<vmem>>
          %dma_wait3A_157 = arith.constant 0 : i32
          %dma_wait3A_158 = arith.constant 0 : i32
          %dma_wait3A_159 = tpu.memref_slice %arg11[%dma_wait3A_157, %dma_wait3A_158] : memref<10240x128xf32, #tpu.memory_space<vmem_shared>> -> memref<10240x128xf32, #tpu.memory_space<vmem_shared>>
          tpu.wait_indirect_dma semaphore(%run_scoped3A_147 : memref<!tpu.dma_semaphore, #tpu.memory_space<semaphore_mem>>) src(%arg10 : memref<128x128xf32, #tpu.memory_space<vmem>>) dst(%dma_wait3A_159 : memref<10240x128xf32, #tpu.memory_space<vmem_shared>>)
          tpu.yield
        }) : () -> ()
        %dma_wait3A_124 = arith.constant 6 : i32
        %dma_wait3A_125 = arith.constant 0 : i32
        %dma_wait3A_126 = tpu.memref_slice %arg7[%dma_wait3A_124, %dma_wait3A_125] : memref<8x128xi32, #tpu.memory_space<vmem>> -> memref<1x128xi32, #tpu.memory_space<vmem>>
        %dma_wait3A_127 = tpu.memref_squeeze %dma_wait3A_126 : memref<1x128xi32, #tpu.memory_space<vmem>> -> memref<128xi32, #tpu.memory_space<vmem>>
        %dma_wait3A_128 = arith.constant 0 : i32
        %dma_wait3A_129 = arith.constant 0 : i32
        %dma_wait3A_130 = tpu.memref_slice %arg2[%dma_wait3A_128, %dma_wait3A_129] : memref<10240x128xf32, #tpu.memory_space<hbm>> -> memref<10240x128xf32, #tpu.memory_space<hbm>>
        tpu.wait_indirect_dma semaphore(%arg12 : memref<!tpu.dma_semaphore, #tpu.memory_space<semaphore_mem>>) src(%dma_wait3A_130 : memref<10240x128xf32, #tpu.memory_space<hbm>>) dst(%arg9 : memref<128x128xf32, #tpu.memory_space<vmem>>)
        %dma_start3A_131 = arith.constant 7 : i32
        %dma_start3A_132 = arith.constant 0 : i32
        %dma_start3A_133 = tpu.memref_slice %arg7[%dma_start3A_131, %dma_start3A_132] : memref<8x128xi32, #tpu.memory_space<vmem>> -> memref<1x128xi32, #tpu.memory_space<vmem>>
        %dma_start3A_134 = tpu.memref_squeeze %dma_start3A_133 : memref<1x128xi32, #tpu.memory_space<vmem>> -> memref<128xi32, #tpu.memory_space<vmem>>
        %dma_start3A_135 = arith.constant 0 : i32
        %dma_start3A_136 = arith.constant 0 : i32
        %dma_start3A_137 = tpu.memref_slice %arg2[%dma_start3A_135, %dma_start3A_136] : memref<10240x128xf32, #tpu.memory_space<hbm>> -> memref<10240x128xf32, #tpu.memory_space<hbm>>
        tpu.enqueue_indirect_dma source(%dma_start3A_137 : memref<10240x128xf32, #tpu.memory_space<hbm>>) target(%arg10 : memref<128x128xf32, #tpu.memory_space<vmem>>) offsets(%dma_start3A_134 : memref<128xi32, #tpu.memory_space<vmem>>) semaphore(%arg13 : memref<!tpu.dma_semaphore, #tpu.memory_space<semaphore_mem>>)
        %run_scoped3A_138 = arith.constant 6 : i32
        "tpu.region"() ({
          %run_scoped3A_147 = tpu.sem_alloc : memref<!tpu.dma_semaphore, #tpu.memory_space<semaphore_mem>>
          %dma_start3A_148 = arith.constant 0 : i32
          %dma_start3A_149 = tpu.memref_slice %arg8[%run_scoped3A_138, %dma_start3A_148] : memref<8x128xi32, #tpu.memory_space<vmem>> -> memref<1x128xi32, #tpu.memory_space<vmem>>
          %dma_start3A_150 = tpu.memref_squeeze %dma_start3A_149 : memref<1x128xi32, #tpu.memory_space<vmem>> -> memref<128xi32, #tpu.memory_space<vmem>>
          %dma_start3A_151 = arith.constant 0 : i32
          %dma_start3A_152 = arith.constant 0 : i32
          %dma_start3A_153 = tpu.memref_slice %arg11[%dma_start3A_151, %dma_start3A_152] : memref<10240x128xf32, #tpu.memory_space<vmem_shared>> -> memref<10240x128xf32, #tpu.memory_space<vmem_shared>>
          tpu.enqueue_indirect_dma source(%arg9 : memref<128x128xf32, #tpu.memory_space<vmem>>) target(%dma_start3A_153 : memref<10240x128xf32, #tpu.memory_space<vmem_shared>>) offsets(%dma_start3A_150 : memref<128xi32, #tpu.memory_space<vmem>>) semaphore(%run_scoped3A_147 : memref<!tpu.dma_semaphore, #tpu.memory_space<semaphore_mem>>) {add = true}
          %dma_wait3A_154 = arith.constant 0 : i32
          %dma_wait3A_155 = tpu.memref_slice %arg8[%run_scoped3A_138, %dma_wait3A_154] : memref<8x128xi32, #tpu.memory_space<vmem>> -> memref<1x128xi32, #tpu.memory_space<vmem>>
          %dma_wait3A_156 = tpu.memref_squeeze %dma_wait3A_155 : memref<1x128xi32, #tpu.memory_space<vmem>> -> memref<128xi32, #tpu.memory_space<vmem>>
          %dma_wait3A_157 = arith.constant 0 : i32
          %dma_wait3A_158 = arith.constant 0 : i32
          %dma_wait3A_159 = tpu.memref_slice %arg11[%dma_wait3A_157, %dma_wait3A_158] : memref<10240x128xf32, #tpu.memory_space<vmem_shared>> -> memref<10240x128xf32, #tpu.memory_space<vmem_shared>>
          tpu.wait_indirect_dma semaphore(%run_scoped3A_147 : memref<!tpu.dma_semaphore, #tpu.memory_space<semaphore_mem>>) src(%arg9 : memref<128x128xf32, #tpu.memory_space<vmem>>) dst(%dma_wait3A_159 : memref<10240x128xf32, #tpu.memory_space<vmem_shared>>)
          tpu.yield
        }) : () -> ()
        %dma_wait3A_139 = arith.constant 7 : i32
        %dma_wait3A_140 = arith.constant 0 : i32
        %dma_wait3A_141 = tpu.memref_slice %arg7[%dma_wait3A_139, %dma_wait3A_140] : memref<8x128xi32, #tpu.memory_space<vmem>> -> memref<1x128xi32, #tpu.memory_space<vmem>>
        %dma_wait3A_142 = tpu.memref_squeeze %dma_wait3A_141 : memref<1x128xi32, #tpu.memory_space<vmem>> -> memref<128xi32, #tpu.memory_space<vmem>>
        %dma_wait3A_143 = arith.constant 0 : i32
        %dma_wait3A_144 = arith.constant 0 : i32
        %dma_wait3A_145 = tpu.memref_slice %arg2[%dma_wait3A_143, %dma_wait3A_144] : memref<10240x128xf32, #tpu.memory_space<hbm>> -> memref<10240x128xf32, #tpu.memory_space<hbm>>
        tpu.wait_indirect_dma semaphore(%arg13 : memref<!tpu.dma_semaphore, #tpu.memory_space<semaphore_mem>>) src(%dma_wait3A_145 : memref<10240x128xf32, #tpu.memory_space<hbm>>) dst(%arg10 : memref<128x128xf32, #tpu.memory_space<vmem>>)
        %run_scoped3A_146 = arith.constant 7 : i32
        "tpu.region"() ({
          %run_scoped3A_147 = tpu.sem_alloc : memref<!tpu.dma_semaphore, #tpu.memory_space<semaphore_mem>>
          %dma_start3A_148 = arith.constant 0 : i32
          %dma_start3A_149 = tpu.memref_slice %arg8[%run_scoped3A_146, %dma_start3A_148] : memref<8x128xi32, #tpu.memory_space<vmem>> -> memref<1x128xi32, #tpu.memory_space<vmem>>
          %dma_start3A_150 = tpu.memref_squeeze %dma_start3A_149 : memref<1x128xi32, #tpu.memory_space<vmem>> -> memref<128xi32, #tpu.memory_space<vmem>>
          %dma_start3A_151 = arith.constant 0 : i32
          %dma_start3A_152 = arith.constant 0 : i32
          %dma_start3A_153 = tpu.memref_slice %arg11[%dma_start3A_151, %dma_start3A_152] : memref<10240x128xf32, #tpu.memory_space<vmem_shared>> -> memref<10240x128xf32, #tpu.memory_space<vmem_shared>>
          tpu.enqueue_indirect_dma source(%arg10 : memref<128x128xf32, #tpu.memory_space<vmem>>) target(%dma_start3A_153 : memref<10240x128xf32, #tpu.memory_space<vmem_shared>>) offsets(%dma_start3A_150 : memref<128xi32, #tpu.memory_space<vmem>>) semaphore(%run_scoped3A_147 : memref<!tpu.dma_semaphore, #tpu.memory_space<semaphore_mem>>) {add = true}
          %dma_wait3A_154 = arith.constant 0 : i32
          %dma_wait3A_155 = tpu.memref_slice %arg8[%run_scoped3A_146, %dma_wait3A_154] : memref<8x128xi32, #tpu.memory_space<vmem>> -> memref<1x128xi32, #tpu.memory_space<vmem>>
          %dma_wait3A_156 = tpu.memref_squeeze %dma_wait3A_155 : memref<1x128xi32, #tpu.memory_space<vmem>> -> memref<128xi32, #tpu.memory_space<vmem>>
          %dma_wait3A_157 = arith.constant 0 : i32
          %dma_wait3A_158 = arith.constant 0 : i32
          %dma_wait3A_159 = tpu.memref_slice %arg11[%dma_wait3A_157, %dma_wait3A_158] : memref<10240x128xf32, #tpu.memory_space<vmem_shared>> -> memref<10240x128xf32, #tpu.memory_space<vmem_shared>>
          tpu.wait_indirect_dma semaphore(%run_scoped3A_147 : memref<!tpu.dma_semaphore, #tpu.memory_space<semaphore_mem>>) src(%arg10 : memref<128x128xf32, #tpu.memory_space<vmem>>) dst(%dma_wait3A_159 : memref<10240x128xf32, #tpu.memory_space<vmem_shared>>)
          tpu.yield
        }) : () -> ()
      }
      %scan3A_25 = arith.constant 2 : i32
    } else {
    }
    %barrier3A_10 = arith.constant 0 : index
    tpu.barrier barrier_id(%barrier3A_10)
    %mul3A_11 = arith.constant 640 : i32
    %mul3A_12 = arith.muli %arg1, %mul3A_11 : i32
    %mul3A_13 = arith.constant 10240 : i32
    %mul3A_14 = arith.muli %arg0, %mul3A_13 : i32
    %mul3A_15 = arith.constant 640 : i32
    %mul3A_16 = arith.muli %arg1, %mul3A_15 : i32
    %add3A = arith.addi %mul3A_14, %mul3A_16 : i32
    "tpu.region"() ({
      %run_scoped3A = tpu.sem_alloc : memref<!tpu.dma_semaphore, #tpu.memory_space<semaphore_mem>>
      %dma_start3A = arith.constant 0 : i32
      %dma_start3A_17 = tpu.memref_slice %arg6[%add3A, %dma_start3A] : memref<20480x128xf32, #tpu.memory_space<hbm>> -> memref<640x128xf32, #tpu.memory_space<hbm>>
      %dma_start3A_18 = arith.constant 0 : i32
      %dma_start3A_19 = tpu.memref_slice %arg11[%mul3A_12, %dma_start3A_18] : memref<10240x128xf32, #tpu.memory_space<vmem_shared>> -> memref<640x128xf32, #tpu.memory_space<vmem_shared>>
      tpu.enqueue_dma source(%dma_start3A_19 : memref<640x128xf32, #tpu.memory_space<vmem_shared>>) target(%dma_start3A_17 : memref<640x128xf32, #tpu.memory_space<hbm>>) target_semaphore(%run_scoped3A : memref<!tpu.dma_semaphore, #tpu.memory_space<semaphore_mem>>)
      %dma_wait3A = arith.constant 0 : i32
      %dma_wait3A_20 = tpu.memref_slice %arg6[%add3A, %dma_wait3A] : memref<20480x128xf32, #tpu.memory_space<hbm>> -> memref<640x128xf32, #tpu.memory_space<hbm>>
      %dma_wait3A_21 = arith.constant 0 : i32
      %dma_wait3A_22 = tpu.memref_slice %arg11[%mul3A_12, %dma_wait3A_21] : memref<10240x128xf32, #tpu.memory_space<vmem_shared>> -> memref<640x128xf32, #tpu.memory_space<vmem_shared>>
      tpu.wait_dma2 semaphore(%run_scoped3A : memref<!tpu.dma_semaphore, #tpu.memory_space<semaphore_mem>>) src(%dma_wait3A_22 : memref<640x128xf32, #tpu.memory_space<vmem_shared>>) dst(%dma_wait3A_20 : memref<640x128xf32, #tpu.memory_space<hbm>>)
      tpu.yield
    }) : () -> ()
    return
  }
}

#map = affine_map<(d0, d1) -> (0, 0)>
module attributes {stable_mosaic.version = 14 : i64} {
  func.func @scatter_kernel(%arg0: i32, %arg1: i32, %arg2: memref<10240x128xf32, #tpu.memory_space<hbm>>, %arg3: memref<2560x128xi32, #tpu.memory_space<hbm>>, %arg4: memref<2560x128xi32, #tpu.memory_space<hbm>>, %arg5: memref<10240x128xf32, #tpu.memory_space<hbm>>, %arg6: memref<20480x128xf32, #tpu.memory_space<hbm>>, %arg7: memref<8x128xi32, #tpu.memory_space<vmem>>, %arg8: memref<8x128xi32, #tpu.memory_space<vmem>>, %arg9: memref<128x128xf32, #tpu.memory_space<vmem>>, %arg10: memref<128x128xf32, #tpu.memory_space<vmem>>, %arg11: memref<10240x128xf32, #tpu.memory_space<vmem_shared>>, %arg12: memref<!tpu.dma_semaphore, #tpu.memory_space<semaphore_mem>>, %arg13: memref<!tpu.dma_semaphore, #tpu.memory_space<semaphore_mem>>) attributes {dimension_semantics = [#tpu.dimension_semantics<core_parallel>, #tpu.dimension_semantics<subcore_parallel>], iteration_bounds = array<i64: 2, 16>, scalar_prefetch = 0 : i64, scratch_operands = 7 : i64, tpu.core_type = #tpu.core_type<sc_vector_subcore>, window_params = [{transform_indices = #map}, {transform_indices = #map}, {transform_indices = #map}, {transform_indices = #map}, {transform_indices = #map}]} {
    %mul3A = arith.constant 640 : i32
    %mul3A_0 = arith.muli %arg1, %mul3A : i32
    %mul3A_1 = arith.constant 640 : i32
    %mul3A_2 = arith.muli %arg1, %mul3A_1 : i32
    "tpu.region"() ({
      %run_scoped3A = tpu.sem_alloc : memref<!tpu.dma_semaphore, #tpu.memory_space<semaphore_mem>>
      %dma_start3A = arith.constant 0 : i32
      %dma_start3A_17 = tpu.memref_slice %arg11[%mul3A_2, %dma_start3A] : memref<10240x128xf32, #tpu.memory_space<vmem_shared>> -> memref<640x128xf32, #tpu.memory_space<vmem_shared>>
      %dma_start3A_18 = arith.constant 0 : i32
      %dma_start3A_19 = tpu.memref_slice %arg5[%mul3A_0, %dma_start3A_18] : memref<10240x128xf32, #tpu.memory_space<hbm>> -> memref<640x128xf32, #tpu.memory_space<hbm>>
      tpu.enqueue_dma source(%dma_start3A_19 : memref<640x128xf32, #tpu.memory_space<hbm>>) target(%dma_start3A_17 : memref<640x128xf32, #tpu.memory_space<vmem_shared>>) target_semaphore(%run_scoped3A : memref<!tpu.dma_semaphore, #tpu.memory_space<semaphore_mem>>)
      %dma_wait3A = arith.constant 0 : i32
      %dma_wait3A_20 = tpu.memref_slice %arg11[%mul3A_2, %dma_wait3A] : memref<10240x128xf32, #tpu.memory_space<vmem_shared>> -> memref<640x128xf32, #tpu.memory_space<vmem_shared>>
      %dma_wait3A_21 = arith.constant 0 : i32
      %dma_wait3A_22 = tpu.memref_slice %arg5[%mul3A_0, %dma_wait3A_21] : memref<10240x128xf32, #tpu.memory_space<hbm>> -> memref<640x128xf32, #tpu.memory_space<hbm>>
      tpu.wait_dma2 semaphore(%run_scoped3A : memref<!tpu.dma_semaphore, #tpu.memory_space<semaphore_mem>>) src(%dma_wait3A_22 : memref<640x128xf32, #tpu.memory_space<hbm>>) dst(%dma_wait3A_20 : memref<640x128xf32, #tpu.memory_space<vmem_shared>>)
      tpu.yield
    }) : () -> ()
    %barrier3A = arith.constant 0 : index
    tpu.barrier barrier_id(%barrier3A)
    %eq3A = arith.constant 0 : i32
    %eq3A_3 = arith.cmpi eq, %arg0, %eq3A : i32
    %convert_element_type3A = arith.extui %eq3A_3 : i1 to i32
    %cond3A = arith.constant 0 : i32
    %cond3A_4 = arith.cmpi ne, %convert_element_type3A, %cond3A : i32
    scf.if %cond3A_4 {
      %mul3A_17 = arith.constant 144 : i32
      %mul3A_18 = arith.muli %arg1, %mul3A_17 : i32
      %scan3A = arith.constant 0 : i32
      %scan3A_19 = arith.constant 0 : i32
      %scan3A_20 = arith.constant 18 : i32
      %scan3A_21 = arith.addi %scan3A_19, %scan3A_20 : i32
      %scan3A_22 = arith.constant 1 : i32
      scf.for %scan3A_24 = %scan3A_19 to %scan3A_21 step %scan3A_22  : i32 {
        %mul3A_25 = arith.constant 8 : i32
        %mul3A_26 = arith.muli %scan3A_24, %mul3A_25 : i32
        %add3A_27 = arith.addi %mul3A_18, %mul3A_26 : i32
        "tpu.region"() ({
          %run_scoped3A_145 = tpu.sem_alloc : memref<!tpu.dma_semaphore, #tpu.memory_space<semaphore_mem>>
          %dma_start3A_146 = arith.constant 0 : i32
          %dma_start3A_147 = tpu.memref_slice %arg3[%add3A_27, %dma_start3A_146] : memref<2560x128xi32, #tpu.memory_space<hbm>> -> memref<8x128xi32, #tpu.memory_space<hbm>>
          %dma_start3A_148 = arith.constant 0 : i32
          %dma_start3A_149 = tpu.memref_slice %arg3[%add3A_27, %dma_start3A_148] : memref<2560x128xi32, #tpu.memory_space<hbm>> -> memref<8x128xi32, #tpu.memory_space<hbm>>
          tpu.enqueue_dma source(%dma_start3A_149 : memref<8x128xi32, #tpu.memory_space<hbm>>) target(%arg7 : memref<8x128xi32, #tpu.memory_space<vmem>>) target_semaphore(%run_scoped3A_145 : memref<!tpu.dma_semaphore, #tpu.memory_space<semaphore_mem>>)
          %dma_wait3A_150 = arith.constant 0 : i32
          %dma_wait3A_151 = tpu.memref_slice %arg3[%add3A_27, %dma_wait3A_150] : memref<2560x128xi32, #tpu.memory_space<hbm>> -> memref<8x128xi32, #tpu.memory_space<hbm>>
          %dma_wait3A_152 = arith.constant 0 : i32
          %dma_wait3A_153 = tpu.memref_slice %arg3[%add3A_27, %dma_wait3A_152] : memref<2560x128xi32, #tpu.memory_space<hbm>> -> memref<8x128xi32, #tpu.memory_space<hbm>>
          tpu.wait_dma2 semaphore(%run_scoped3A_145 : memref<!tpu.dma_semaphore, #tpu.memory_space<semaphore_mem>>) src(%dma_wait3A_153 : memref<8x128xi32, #tpu.memory_space<hbm>>) dst(%arg7 : memref<8x128xi32, #tpu.memory_space<vmem>>)
          tpu.yield
        }) : () -> ()
        "tpu.region"() ({
          %run_scoped3A_145 = tpu.sem_alloc : memref<!tpu.dma_semaphore, #tpu.memory_space<semaphore_mem>>
          %dma_start3A_146 = arith.constant 0 : i32
          %dma_start3A_147 = tpu.memref_slice %arg4[%add3A_27, %dma_start3A_146] : memref<2560x128xi32, #tpu.memory_space<hbm>> -> memref<8x128xi32, #tpu.memory_space<hbm>>
          %dma_start3A_148 = arith.constant 0 : i32
          %dma_start3A_149 = tpu.memref_slice %arg4[%add3A_27, %dma_start3A_148] : memref<2560x128xi32, #tpu.memory_space<hbm>> -> memref<8x128xi32, #tpu.memory_space<hbm>>
          tpu.enqueue_dma source(%dma_start3A_149 : memref<8x128xi32, #tpu.memory_space<hbm>>) target(%arg8 : memref<8x128xi32, #tpu.memory_space<vmem>>) target_semaphore(%run_scoped3A_145 : memref<!tpu.dma_semaphore, #tpu.memory_space<semaphore_mem>>)
          %dma_wait3A_150 = arith.constant 0 : i32
          %dma_wait3A_151 = tpu.memref_slice %arg4[%add3A_27, %dma_wait3A_150] : memref<2560x128xi32, #tpu.memory_space<hbm>> -> memref<8x128xi32, #tpu.memory_space<hbm>>
          %dma_wait3A_152 = arith.constant 0 : i32
          %dma_wait3A_153 = tpu.memref_slice %arg4[%add3A_27, %dma_wait3A_152] : memref<2560x128xi32, #tpu.memory_space<hbm>> -> memref<8x128xi32, #tpu.memory_space<hbm>>
          tpu.wait_dma2 semaphore(%run_scoped3A_145 : memref<!tpu.dma_semaphore, #tpu.memory_space<semaphore_mem>>) src(%dma_wait3A_153 : memref<8x128xi32, #tpu.memory_space<hbm>>) dst(%arg8 : memref<8x128xi32, #tpu.memory_space<vmem>>)
          tpu.yield
        }) : () -> ()
        %dma_start3A = arith.constant 0 : i32
        %dma_start3A_28 = arith.constant 0 : i32
        %dma_start3A_29 = tpu.memref_slice %arg7[%dma_start3A, %dma_start3A_28] : memref<8x128xi32, #tpu.memory_space<vmem>> -> memref<1x128xi32, #tpu.memory_space<vmem>>
        %dma_start3A_30 = tpu.memref_squeeze %dma_start3A_29 : memref<1x128xi32, #tpu.memory_space<vmem>> -> memref<128xi32, #tpu.memory_space<vmem>>
        %dma_start3A_31 = arith.constant 0 : i32
        %dma_start3A_32 = arith.constant 0 : i32
        %dma_start3A_33 = tpu.memref_slice %arg2[%dma_start3A_31, %dma_start3A_32] : memref<10240x128xf32, #tpu.memory_space<hbm>> -> memref<10240x128xf32, #tpu.memory_space<hbm>>
        tpu.enqueue_indirect_dma source(%dma_start3A_33 : memref<10240x128xf32, #tpu.memory_space<hbm>>) target(%arg9 : memref<128x128xf32, #tpu.memory_space<vmem>>) offsets(%dma_start3A_30 : memref<128xi32, #tpu.memory_space<vmem>>) semaphore(%arg12 : memref<!tpu.dma_semaphore, #tpu.memory_space<semaphore_mem>>)
        %dma_wait3A = arith.constant 0 : i32
        %dma_wait3A_34 = arith.constant 0 : i32
        %dma_wait3A_35 = tpu.memref_slice %arg7[%dma_wait3A, %dma_wait3A_34] : memref<8x128xi32, #tpu.memory_space<vmem>> -> memref<1x128xi32, #tpu.memory_space<vmem>>
        %dma_wait3A_36 = tpu.memref_squeeze %dma_wait3A_35 : memref<1x128xi32, #tpu.memory_space<vmem>> -> memref<128xi32, #tpu.memory_space<vmem>>
        %dma_wait3A_37 = arith.constant 0 : i32
        %dma_wait3A_38 = arith.constant 0 : i32
        %dma_wait3A_39 = tpu.memref_slice %arg2[%dma_wait3A_37, %dma_wait3A_38] : memref<10240x128xf32, #tpu.memory_space<hbm>> -> memref<10240x128xf32, #tpu.memory_space<hbm>>
        tpu.wait_indirect_dma semaphore(%arg12 : memref<!tpu.dma_semaphore, #tpu.memory_space<semaphore_mem>>) src(%dma_wait3A_39 : memref<10240x128xf32, #tpu.memory_space<hbm>>) dst(%arg9 : memref<128x128xf32, #tpu.memory_space<vmem>>)
        %dma_start3A_40 = arith.constant 1 : i32
        %dma_start3A_41 = arith.constant 0 : i32
        %dma_start3A_42 = tpu.memref_slice %arg7[%dma_start3A_40, %dma_start3A_41] : memref<8x128xi32, #tpu.memory_space<vmem>> -> memref<1x128xi32, #tpu.memory_space<vmem>>
        %dma_start3A_43 = tpu.memref_squeeze %dma_start3A_42 : memref<1x128xi32, #tpu.memory_space<vmem>> -> memref<128xi32, #tpu.memory_space<vmem>>
        %dma_start3A_44 = arith.constant 0 : i32
        %dma_start3A_45 = arith.constant 0 : i32
        %dma_start3A_46 = tpu.memref_slice %arg2[%dma_start3A_44, %dma_start3A_45] : memref<10240x128xf32, #tpu.memory_space<hbm>> -> memref<10240x128xf32, #tpu.memory_space<hbm>>
        tpu.enqueue_indirect_dma source(%dma_start3A_46 : memref<10240x128xf32, #tpu.memory_space<hbm>>) target(%arg10 : memref<128x128xf32, #tpu.memory_space<vmem>>) offsets(%dma_start3A_43 : memref<128xi32, #tpu.memory_space<vmem>>) semaphore(%arg13 : memref<!tpu.dma_semaphore, #tpu.memory_space<semaphore_mem>>)
        %run_scoped3A = arith.constant 0 : i32
        "tpu.region"() ({
          %run_scoped3A_145 = tpu.sem_alloc : memref<!tpu.dma_semaphore, #tpu.memory_space<semaphore_mem>>
          %dma_start3A_146 = arith.constant 0 : i32
          %dma_start3A_147 = tpu.memref_slice %arg8[%run_scoped3A, %dma_start3A_146] : memref<8x128xi32, #tpu.memory_space<vmem>> -> memref<1x128xi32, #tpu.memory_space<vmem>>
          %dma_start3A_148 = tpu.memref_squeeze %dma_start3A_147 : memref<1x128xi32, #tpu.memory_space<vmem>> -> memref<128xi32, #tpu.memory_space<vmem>>
          %dma_start3A_149 = arith.constant 0 : i32
          %dma_start3A_150 = arith.constant 0 : i32
          %dma_start3A_151 = tpu.memref_slice %arg11[%dma_start3A_149, %dma_start3A_150] : memref<10240x128xf32, #tpu.memory_space<vmem_shared>> -> memref<10240x128xf32, #tpu.memory_space<vmem_shared>>
          tpu.enqueue_indirect_dma source(%arg9 : memref<128x128xf32, #tpu.memory_space<vmem>>) target(%dma_start3A_151 : memref<10240x128xf32, #tpu.memory_space<vmem_shared>>) offsets(%dma_start3A_148 : memref<128xi32, #tpu.memory_space<vmem>>) semaphore(%run_scoped3A_145 : memref<!tpu.dma_semaphore, #tpu.memory_space<semaphore_mem>>) {add = true}
          %dma_wait3A_152 = arith.constant 0 : i32
          %dma_wait3A_153 = tpu.memref_slice %arg8[%run_scoped3A, %dma_wait3A_152] : memref<8x128xi32, #tpu.memory_space<vmem>> -> memref<1x128xi32, #tpu.memory_space<vmem>>
          %dma_wait3A_154 = tpu.memref_squeeze %dma_wait3A_153 : memref<1x128xi32, #tpu.memory_space<vmem>> -> memref<128xi32, #tpu.memory_space<vmem>>
          %dma_wait3A_155 = arith.constant 0 : i32
          %dma_wait3A_156 = arith.constant 0 : i32
          %dma_wait3A_157 = tpu.memref_slice %arg11[%dma_wait3A_155, %dma_wait3A_156] : memref<10240x128xf32, #tpu.memory_space<vmem_shared>> -> memref<10240x128xf32, #tpu.memory_space<vmem_shared>>
          tpu.wait_indirect_dma semaphore(%run_scoped3A_145 : memref<!tpu.dma_semaphore, #tpu.memory_space<semaphore_mem>>) src(%arg9 : memref<128x128xf32, #tpu.memory_space<vmem>>) dst(%dma_wait3A_157 : memref<10240x128xf32, #tpu.memory_space<vmem_shared>>)
          tpu.yield
        }) : () -> ()
        %dma_wait3A_47 = arith.constant 1 : i32
        %dma_wait3A_48 = arith.constant 0 : i32
        %dma_wait3A_49 = tpu.memref_slice %arg7[%dma_wait3A_47, %dma_wait3A_48] : memref<8x128xi32, #tpu.memory_space<vmem>> -> memref<1x128xi32, #tpu.memory_space<vmem>>
        %dma_wait3A_50 = tpu.memref_squeeze %dma_wait3A_49 : memref<1x128xi32, #tpu.memory_space<vmem>> -> memref<128xi32, #tpu.memory_space<vmem>>
        %dma_wait3A_51 = arith.constant 0 : i32
        %dma_wait3A_52 = arith.constant 0 : i32
        %dma_wait3A_53 = tpu.memref_slice %arg2[%dma_wait3A_51, %dma_wait3A_52] : memref<10240x128xf32, #tpu.memory_space<hbm>> -> memref<10240x128xf32, #tpu.memory_space<hbm>>
        tpu.wait_indirect_dma semaphore(%arg13 : memref<!tpu.dma_semaphore, #tpu.memory_space<semaphore_mem>>) src(%dma_wait3A_53 : memref<10240x128xf32, #tpu.memory_space<hbm>>) dst(%arg10 : memref<128x128xf32, #tpu.memory_space<vmem>>)
        %dma_start3A_54 = arith.constant 2 : i32
        %dma_start3A_55 = arith.constant 0 : i32
        %dma_start3A_56 = tpu.memref_slice %arg7[%dma_start3A_54, %dma_start3A_55] : memref<8x128xi32, #tpu.memory_space<vmem>> -> memref<1x128xi32, #tpu.memory_space<vmem>>
        %dma_start3A_57 = tpu.memref_squeeze %dma_start3A_56 : memref<1x128xi32, #tpu.memory_space<vmem>> -> memref<128xi32, #tpu.memory_space<vmem>>
        %dma_start3A_58 = arith.constant 0 : i32
        %dma_start3A_59 = arith.constant 0 : i32
        %dma_start3A_60 = tpu.memref_slice %arg2[%dma_start3A_58, %dma_start3A_59] : memref<10240x128xf32, #tpu.memory_space<hbm>> -> memref<10240x128xf32, #tpu.memory_space<hbm>>
        tpu.enqueue_indirect_dma source(%dma_start3A_60 : memref<10240x128xf32, #tpu.memory_space<hbm>>) target(%arg9 : memref<128x128xf32, #tpu.memory_space<vmem>>) offsets(%dma_start3A_57 : memref<128xi32, #tpu.memory_space<vmem>>) semaphore(%arg12 : memref<!tpu.dma_semaphore, #tpu.memory_space<semaphore_mem>>)
        %run_scoped3A_61 = arith.constant 1 : i32
        "tpu.region"() ({
          %run_scoped3A_145 = tpu.sem_alloc : memref<!tpu.dma_semaphore, #tpu.memory_space<semaphore_mem>>
          %dma_start3A_146 = arith.constant 0 : i32
          %dma_start3A_147 = tpu.memref_slice %arg8[%run_scoped3A_61, %dma_start3A_146] : memref<8x128xi32, #tpu.memory_space<vmem>> -> memref<1x128xi32, #tpu.memory_space<vmem>>
          %dma_start3A_148 = tpu.memref_squeeze %dma_start3A_147 : memref<1x128xi32, #tpu.memory_space<vmem>> -> memref<128xi32, #tpu.memory_space<vmem>>
          %dma_start3A_149 = arith.constant 0 : i32
          %dma_start3A_150 = arith.constant 0 : i32
          %dma_start3A_151 = tpu.memref_slice %arg11[%dma_start3A_149, %dma_start3A_150] : memref<10240x128xf32, #tpu.memory_space<vmem_shared>> -> memref<10240x128xf32, #tpu.memory_space<vmem_shared>>
          tpu.enqueue_indirect_dma source(%arg10 : memref<128x128xf32, #tpu.memory_space<vmem>>) target(%dma_start3A_151 : memref<10240x128xf32, #tpu.memory_space<vmem_shared>>) offsets(%dma_start3A_148 : memref<128xi32, #tpu.memory_space<vmem>>) semaphore(%run_scoped3A_145 : memref<!tpu.dma_semaphore, #tpu.memory_space<semaphore_mem>>) {add = true}
          %dma_wait3A_152 = arith.constant 0 : i32
          %dma_wait3A_153 = tpu.memref_slice %arg8[%run_scoped3A_61, %dma_wait3A_152] : memref<8x128xi32, #tpu.memory_space<vmem>> -> memref<1x128xi32, #tpu.memory_space<vmem>>
          %dma_wait3A_154 = tpu.memref_squeeze %dma_wait3A_153 : memref<1x128xi32, #tpu.memory_space<vmem>> -> memref<128xi32, #tpu.memory_space<vmem>>
          %dma_wait3A_155 = arith.constant 0 : i32
          %dma_wait3A_156 = arith.constant 0 : i32
          %dma_wait3A_157 = tpu.memref_slice %arg11[%dma_wait3A_155, %dma_wait3A_156] : memref<10240x128xf32, #tpu.memory_space<vmem_shared>> -> memref<10240x128xf32, #tpu.memory_space<vmem_shared>>
          tpu.wait_indirect_dma semaphore(%run_scoped3A_145 : memref<!tpu.dma_semaphore, #tpu.memory_space<semaphore_mem>>) src(%arg10 : memref<128x128xf32, #tpu.memory_space<vmem>>) dst(%dma_wait3A_157 : memref<10240x128xf32, #tpu.memory_space<vmem_shared>>)
          tpu.yield
        }) : () -> ()
        %dma_wait3A_62 = arith.constant 2 : i32
        %dma_wait3A_63 = arith.constant 0 : i32
        %dma_wait3A_64 = tpu.memref_slice %arg7[%dma_wait3A_62, %dma_wait3A_63] : memref<8x128xi32, #tpu.memory_space<vmem>> -> memref<1x128xi32, #tpu.memory_space<vmem>>
        %dma_wait3A_65 = tpu.memref_squeeze %dma_wait3A_64 : memref<1x128xi32, #tpu.memory_space<vmem>> -> memref<128xi32, #tpu.memory_space<vmem>>
        %dma_wait3A_66 = arith.constant 0 : i32
        %dma_wait3A_67 = arith.constant 0 : i32
        %dma_wait3A_68 = tpu.memref_slice %arg2[%dma_wait3A_66, %dma_wait3A_67] : memref<10240x128xf32, #tpu.memory_space<hbm>> -> memref<10240x128xf32, #tpu.memory_space<hbm>>
        tpu.wait_indirect_dma semaphore(%arg12 : memref<!tpu.dma_semaphore, #tpu.memory_space<semaphore_mem>>) src(%dma_wait3A_68 : memref<10240x128xf32, #tpu.memory_space<hbm>>) dst(%arg9 : memref<128x128xf32, #tpu.memory_space<vmem>>)
        %dma_start3A_69 = arith.constant 3 : i32
        %dma_start3A_70 = arith.constant 0 : i32
        %dma_start3A_71 = tpu.memref_slice %arg7[%dma_start3A_69, %dma_start3A_70] : memref<8x128xi32, #tpu.memory_space<vmem>> -> memref<1x128xi32, #tpu.memory_space<vmem>>
        %dma_start3A_72 = tpu.memref_squeeze %dma_start3A_71 : memref<1x128xi32, #tpu.memory_space<vmem>> -> memref<128xi32, #tpu.memory_space<vmem>>
        %dma_start3A_73 = arith.constant 0 : i32
        %dma_start3A_74 = arith.constant 0 : i32
        %dma_start3A_75 = tpu.memref_slice %arg2[%dma_start3A_73, %dma_start3A_74] : memref<10240x128xf32, #tpu.memory_space<hbm>> -> memref<10240x128xf32, #tpu.memory_space<hbm>>
        tpu.enqueue_indirect_dma source(%dma_start3A_75 : memref<10240x128xf32, #tpu.memory_space<hbm>>) target(%arg10 : memref<128x128xf32, #tpu.memory_space<vmem>>) offsets(%dma_start3A_72 : memref<128xi32, #tpu.memory_space<vmem>>) semaphore(%arg13 : memref<!tpu.dma_semaphore, #tpu.memory_space<semaphore_mem>>)
        %run_scoped3A_76 = arith.constant 2 : i32
        "tpu.region"() ({
          %run_scoped3A_145 = tpu.sem_alloc : memref<!tpu.dma_semaphore, #tpu.memory_space<semaphore_mem>>
          %dma_start3A_146 = arith.constant 0 : i32
          %dma_start3A_147 = tpu.memref_slice %arg8[%run_scoped3A_76, %dma_start3A_146] : memref<8x128xi32, #tpu.memory_space<vmem>> -> memref<1x128xi32, #tpu.memory_space<vmem>>
          %dma_start3A_148 = tpu.memref_squeeze %dma_start3A_147 : memref<1x128xi32, #tpu.memory_space<vmem>> -> memref<128xi32, #tpu.memory_space<vmem>>
          %dma_start3A_149 = arith.constant 0 : i32
          %dma_start3A_150 = arith.constant 0 : i32
          %dma_start3A_151 = tpu.memref_slice %arg11[%dma_start3A_149, %dma_start3A_150] : memref<10240x128xf32, #tpu.memory_space<vmem_shared>> -> memref<10240x128xf32, #tpu.memory_space<vmem_shared>>
          tpu.enqueue_indirect_dma source(%arg9 : memref<128x128xf32, #tpu.memory_space<vmem>>) target(%dma_start3A_151 : memref<10240x128xf32, #tpu.memory_space<vmem_shared>>) offsets(%dma_start3A_148 : memref<128xi32, #tpu.memory_space<vmem>>) semaphore(%run_scoped3A_145 : memref<!tpu.dma_semaphore, #tpu.memory_space<semaphore_mem>>) {add = true}
          %dma_wait3A_152 = arith.constant 0 : i32
          %dma_wait3A_153 = tpu.memref_slice %arg8[%run_scoped3A_76, %dma_wait3A_152] : memref<8x128xi32, #tpu.memory_space<vmem>> -> memref<1x128xi32, #tpu.memory_space<vmem>>
          %dma_wait3A_154 = tpu.memref_squeeze %dma_wait3A_153 : memref<1x128xi32, #tpu.memory_space<vmem>> -> memref<128xi32, #tpu.memory_space<vmem>>
          %dma_wait3A_155 = arith.constant 0 : i32
          %dma_wait3A_156 = arith.constant 0 : i32
          %dma_wait3A_157 = tpu.memref_slice %arg11[%dma_wait3A_155, %dma_wait3A_156] : memref<10240x128xf32, #tpu.memory_space<vmem_shared>> -> memref<10240x128xf32, #tpu.memory_space<vmem_shared>>
          tpu.wait_indirect_dma semaphore(%run_scoped3A_145 : memref<!tpu.dma_semaphore, #tpu.memory_space<semaphore_mem>>) src(%arg9 : memref<128x128xf32, #tpu.memory_space<vmem>>) dst(%dma_wait3A_157 : memref<10240x128xf32, #tpu.memory_space<vmem_shared>>)
          tpu.yield
        }) : () -> ()
        %dma_wait3A_77 = arith.constant 3 : i32
        %dma_wait3A_78 = arith.constant 0 : i32
        %dma_wait3A_79 = tpu.memref_slice %arg7[%dma_wait3A_77, %dma_wait3A_78] : memref<8x128xi32, #tpu.memory_space<vmem>> -> memref<1x128xi32, #tpu.memory_space<vmem>>
        %dma_wait3A_80 = tpu.memref_squeeze %dma_wait3A_79 : memref<1x128xi32, #tpu.memory_space<vmem>> -> memref<128xi32, #tpu.memory_space<vmem>>
        %dma_wait3A_81 = arith.constant 0 : i32
        %dma_wait3A_82 = arith.constant 0 : i32
        %dma_wait3A_83 = tpu.memref_slice %arg2[%dma_wait3A_81, %dma_wait3A_82] : memref<10240x128xf32, #tpu.memory_space<hbm>> -> memref<10240x128xf32, #tpu.memory_space<hbm>>
        tpu.wait_indirect_dma semaphore(%arg13 : memref<!tpu.dma_semaphore, #tpu.memory_space<semaphore_mem>>) src(%dma_wait3A_83 : memref<10240x128xf32, #tpu.memory_space<hbm>>) dst(%arg10 : memref<128x128xf32, #tpu.memory_space<vmem>>)
        %dma_start3A_84 = arith.constant 4 : i32
        %dma_start3A_85 = arith.constant 0 : i32
        %dma_start3A_86 = tpu.memref_slice %arg7[%dma_start3A_84, %dma_start3A_85] : memref<8x128xi32, #tpu.memory_space<vmem>> -> memref<1x128xi32, #tpu.memory_space<vmem>>
        %dma_start3A_87 = tpu.memref_squeeze %dma_start3A_86 : memref<1x128xi32, #tpu.memory_space<vmem>> -> memref<128xi32, #tpu.memory_space<vmem>>
        %dma_start3A_88 = arith.constant 0 : i32
        %dma_start3A_89 = arith.constant 0 : i32
        %dma_start3A_90 = tpu.memref_slice %arg2[%dma_start3A_88, %dma_start3A_89] : memref<10240x128xf32, #tpu.memory_space<hbm>> -> memref<10240x128xf32, #tpu.memory_space<hbm>>
        tpu.enqueue_indirect_dma source(%dma_start3A_90 : memref<10240x128xf32, #tpu.memory_space<hbm>>) target(%arg9 : memref<128x128xf32, #tpu.memory_space<vmem>>) offsets(%dma_start3A_87 : memref<128xi32, #tpu.memory_space<vmem>>) semaphore(%arg12 : memref<!tpu.dma_semaphore, #tpu.memory_space<semaphore_mem>>)
        %run_scoped3A_91 = arith.constant 3 : i32
        "tpu.region"() ({
          %run_scoped3A_145 = tpu.sem_alloc : memref<!tpu.dma_semaphore, #tpu.memory_space<semaphore_mem>>
          %dma_start3A_146 = arith.constant 0 : i32
          %dma_start3A_147 = tpu.memref_slice %arg8[%run_scoped3A_91, %dma_start3A_146] : memref<8x128xi32, #tpu.memory_space<vmem>> -> memref<1x128xi32, #tpu.memory_space<vmem>>
          %dma_start3A_148 = tpu.memref_squeeze %dma_start3A_147 : memref<1x128xi32, #tpu.memory_space<vmem>> -> memref<128xi32, #tpu.memory_space<vmem>>
          %dma_start3A_149 = arith.constant 0 : i32
          %dma_start3A_150 = arith.constant 0 : i32
          %dma_start3A_151 = tpu.memref_slice %arg11[%dma_start3A_149, %dma_start3A_150] : memref<10240x128xf32, #tpu.memory_space<vmem_shared>> -> memref<10240x128xf32, #tpu.memory_space<vmem_shared>>
          tpu.enqueue_indirect_dma source(%arg10 : memref<128x128xf32, #tpu.memory_space<vmem>>) target(%dma_start3A_151 : memref<10240x128xf32, #tpu.memory_space<vmem_shared>>) offsets(%dma_start3A_148 : memref<128xi32, #tpu.memory_space<vmem>>) semaphore(%run_scoped3A_145 : memref<!tpu.dma_semaphore, #tpu.memory_space<semaphore_mem>>) {add = true}
          %dma_wait3A_152 = arith.constant 0 : i32
          %dma_wait3A_153 = tpu.memref_slice %arg8[%run_scoped3A_91, %dma_wait3A_152] : memref<8x128xi32, #tpu.memory_space<vmem>> -> memref<1x128xi32, #tpu.memory_space<vmem>>
          %dma_wait3A_154 = tpu.memref_squeeze %dma_wait3A_153 : memref<1x128xi32, #tpu.memory_space<vmem>> -> memref<128xi32, #tpu.memory_space<vmem>>
          %dma_wait3A_155 = arith.constant 0 : i32
          %dma_wait3A_156 = arith.constant 0 : i32
          %dma_wait3A_157 = tpu.memref_slice %arg11[%dma_wait3A_155, %dma_wait3A_156] : memref<10240x128xf32, #tpu.memory_space<vmem_shared>> -> memref<10240x128xf32, #tpu.memory_space<vmem_shared>>
          tpu.wait_indirect_dma semaphore(%run_scoped3A_145 : memref<!tpu.dma_semaphore, #tpu.memory_space<semaphore_mem>>) src(%arg10 : memref<128x128xf32, #tpu.memory_space<vmem>>) dst(%dma_wait3A_157 : memref<10240x128xf32, #tpu.memory_space<vmem_shared>>)
          tpu.yield
        }) : () -> ()
        %dma_wait3A_92 = arith.constant 4 : i32
        %dma_wait3A_93 = arith.constant 0 : i32
        %dma_wait3A_94 = tpu.memref_slice %arg7[%dma_wait3A_92, %dma_wait3A_93] : memref<8x128xi32, #tpu.memory_space<vmem>> -> memref<1x128xi32, #tpu.memory_space<vmem>>
        %dma_wait3A_95 = tpu.memref_squeeze %dma_wait3A_94 : memref<1x128xi32, #tpu.memory_space<vmem>> -> memref<128xi32, #tpu.memory_space<vmem>>
        %dma_wait3A_96 = arith.constant 0 : i32
        %dma_wait3A_97 = arith.constant 0 : i32
        %dma_wait3A_98 = tpu.memref_slice %arg2[%dma_wait3A_96, %dma_wait3A_97] : memref<10240x128xf32, #tpu.memory_space<hbm>> -> memref<10240x128xf32, #tpu.memory_space<hbm>>
        tpu.wait_indirect_dma semaphore(%arg12 : memref<!tpu.dma_semaphore, #tpu.memory_space<semaphore_mem>>) src(%dma_wait3A_98 : memref<10240x128xf32, #tpu.memory_space<hbm>>) dst(%arg9 : memref<128x128xf32, #tpu.memory_space<vmem>>)
        %dma_start3A_99 = arith.constant 5 : i32
        %dma_start3A_100 = arith.constant 0 : i32
        %dma_start3A_101 = tpu.memref_slice %arg7[%dma_start3A_99, %dma_start3A_100] : memref<8x128xi32, #tpu.memory_space<vmem>> -> memref<1x128xi32, #tpu.memory_space<vmem>>
        %dma_start3A_102 = tpu.memref_squeeze %dma_start3A_101 : memref<1x128xi32, #tpu.memory_space<vmem>> -> memref<128xi32, #tpu.memory_space<vmem>>
        %dma_start3A_103 = arith.constant 0 : i32
        %dma_start3A_104 = arith.constant 0 : i32
        %dma_start3A_105 = tpu.memref_slice %arg2[%dma_start3A_103, %dma_start3A_104] : memref<10240x128xf32, #tpu.memory_space<hbm>> -> memref<10240x128xf32, #tpu.memory_space<hbm>>
        tpu.enqueue_indirect_dma source(%dma_start3A_105 : memref<10240x128xf32, #tpu.memory_space<hbm>>) target(%arg10 : memref<128x128xf32, #tpu.memory_space<vmem>>) offsets(%dma_start3A_102 : memref<128xi32, #tpu.memory_space<vmem>>) semaphore(%arg13 : memref<!tpu.dma_semaphore, #tpu.memory_space<semaphore_mem>>)
        %run_scoped3A_106 = arith.constant 4 : i32
        "tpu.region"() ({
          %run_scoped3A_145 = tpu.sem_alloc : memref<!tpu.dma_semaphore, #tpu.memory_space<semaphore_mem>>
          %dma_start3A_146 = arith.constant 0 : i32
          %dma_start3A_147 = tpu.memref_slice %arg8[%run_scoped3A_106, %dma_start3A_146] : memref<8x128xi32, #tpu.memory_space<vmem>> -> memref<1x128xi32, #tpu.memory_space<vmem>>
          %dma_start3A_148 = tpu.memref_squeeze %dma_start3A_147 : memref<1x128xi32, #tpu.memory_space<vmem>> -> memref<128xi32, #tpu.memory_space<vmem>>
          %dma_start3A_149 = arith.constant 0 : i32
          %dma_start3A_150 = arith.constant 0 : i32
          %dma_start3A_151 = tpu.memref_slice %arg11[%dma_start3A_149, %dma_start3A_150] : memref<10240x128xf32, #tpu.memory_space<vmem_shared>> -> memref<10240x128xf32, #tpu.memory_space<vmem_shared>>
          tpu.enqueue_indirect_dma source(%arg9 : memref<128x128xf32, #tpu.memory_space<vmem>>) target(%dma_start3A_151 : memref<10240x128xf32, #tpu.memory_space<vmem_shared>>) offsets(%dma_start3A_148 : memref<128xi32, #tpu.memory_space<vmem>>) semaphore(%run_scoped3A_145 : memref<!tpu.dma_semaphore, #tpu.memory_space<semaphore_mem>>) {add = true}
          %dma_wait3A_152 = arith.constant 0 : i32
          %dma_wait3A_153 = tpu.memref_slice %arg8[%run_scoped3A_106, %dma_wait3A_152] : memref<8x128xi32, #tpu.memory_space<vmem>> -> memref<1x128xi32, #tpu.memory_space<vmem>>
          %dma_wait3A_154 = tpu.memref_squeeze %dma_wait3A_153 : memref<1x128xi32, #tpu.memory_space<vmem>> -> memref<128xi32, #tpu.memory_space<vmem>>
          %dma_wait3A_155 = arith.constant 0 : i32
          %dma_wait3A_156 = arith.constant 0 : i32
          %dma_wait3A_157 = tpu.memref_slice %arg11[%dma_wait3A_155, %dma_wait3A_156] : memref<10240x128xf32, #tpu.memory_space<vmem_shared>> -> memref<10240x128xf32, #tpu.memory_space<vmem_shared>>
          tpu.wait_indirect_dma semaphore(%run_scoped3A_145 : memref<!tpu.dma_semaphore, #tpu.memory_space<semaphore_mem>>) src(%arg9 : memref<128x128xf32, #tpu.memory_space<vmem>>) dst(%dma_wait3A_157 : memref<10240x128xf32, #tpu.memory_space<vmem_shared>>)
          tpu.yield
        }) : () -> ()
        %dma_wait3A_107 = arith.constant 5 : i32
        %dma_wait3A_108 = arith.constant 0 : i32
        %dma_wait3A_109 = tpu.memref_slice %arg7[%dma_wait3A_107, %dma_wait3A_108] : memref<8x128xi32, #tpu.memory_space<vmem>> -> memref<1x128xi32, #tpu.memory_space<vmem>>
        %dma_wait3A_110 = tpu.memref_squeeze %dma_wait3A_109 : memref<1x128xi32, #tpu.memory_space<vmem>> -> memref<128xi32, #tpu.memory_space<vmem>>
        %dma_wait3A_111 = arith.constant 0 : i32
        %dma_wait3A_112 = arith.constant 0 : i32
        %dma_wait3A_113 = tpu.memref_slice %arg2[%dma_wait3A_111, %dma_wait3A_112] : memref<10240x128xf32, #tpu.memory_space<hbm>> -> memref<10240x128xf32, #tpu.memory_space<hbm>>
        tpu.wait_indirect_dma semaphore(%arg13 : memref<!tpu.dma_semaphore, #tpu.memory_space<semaphore_mem>>) src(%dma_wait3A_113 : memref<10240x128xf32, #tpu.memory_space<hbm>>) dst(%arg10 : memref<128x128xf32, #tpu.memory_space<vmem>>)
        %dma_start3A_114 = arith.constant 6 : i32
        %dma_start3A_115 = arith.constant 0 : i32
        %dma_start3A_116 = tpu.memref_slice %arg7[%dma_start3A_114, %dma_start3A_115] : memref<8x128xi32, #tpu.memory_space<vmem>> -> memref<1x128xi32, #tpu.memory_space<vmem>>
        %dma_start3A_117 = tpu.memref_squeeze %dma_start3A_116 : memref<1x128xi32, #tpu.memory_space<vmem>> -> memref<128xi32, #tpu.memory_space<vmem>>
        %dma_start3A_118 = arith.constant 0 : i32
        %dma_start3A_119 = arith.constant 0 : i32
        %dma_start3A_120 = tpu.memref_slice %arg2[%dma_start3A_118, %dma_start3A_119] : memref<10240x128xf32, #tpu.memory_space<hbm>> -> memref<10240x128xf32, #tpu.memory_space<hbm>>
        tpu.enqueue_indirect_dma source(%dma_start3A_120 : memref<10240x128xf32, #tpu.memory_space<hbm>>) target(%arg9 : memref<128x128xf32, #tpu.memory_space<vmem>>) offsets(%dma_start3A_117 : memref<128xi32, #tpu.memory_space<vmem>>) semaphore(%arg12 : memref<!tpu.dma_semaphore, #tpu.memory_space<semaphore_mem>>)
        %run_scoped3A_121 = arith.constant 5 : i32
        "tpu.region"() ({
          %run_scoped3A_145 = tpu.sem_alloc : memref<!tpu.dma_semaphore, #tpu.memory_space<semaphore_mem>>
          %dma_start3A_146 = arith.constant 0 : i32
          %dma_start3A_147 = tpu.memref_slice %arg8[%run_scoped3A_121, %dma_start3A_146] : memref<8x128xi32, #tpu.memory_space<vmem>> -> memref<1x128xi32, #tpu.memory_space<vmem>>
          %dma_start3A_148 = tpu.memref_squeeze %dma_start3A_147 : memref<1x128xi32, #tpu.memory_space<vmem>> -> memref<128xi32, #tpu.memory_space<vmem>>
          %dma_start3A_149 = arith.constant 0 : i32
          %dma_start3A_150 = arith.constant 0 : i32
          %dma_start3A_151 = tpu.memref_slice %arg11[%dma_start3A_149, %dma_start3A_150] : memref<10240x128xf32, #tpu.memory_space<vmem_shared>> -> memref<10240x128xf32, #tpu.memory_space<vmem_shared>>
          tpu.enqueue_indirect_dma source(%arg10 : memref<128x128xf32, #tpu.memory_space<vmem>>) target(%dma_start3A_151 : memref<10240x128xf32, #tpu.memory_space<vmem_shared>>) offsets(%dma_start3A_148 : memref<128xi32, #tpu.memory_space<vmem>>) semaphore(%run_scoped3A_145 : memref<!tpu.dma_semaphore, #tpu.memory_space<semaphore_mem>>) {add = true}
          %dma_wait3A_152 = arith.constant 0 : i32
          %dma_wait3A_153 = tpu.memref_slice %arg8[%run_scoped3A_121, %dma_wait3A_152] : memref<8x128xi32, #tpu.memory_space<vmem>> -> memref<1x128xi32, #tpu.memory_space<vmem>>
          %dma_wait3A_154 = tpu.memref_squeeze %dma_wait3A_153 : memref<1x128xi32, #tpu.memory_space<vmem>> -> memref<128xi32, #tpu.memory_space<vmem>>
          %dma_wait3A_155 = arith.constant 0 : i32
          %dma_wait3A_156 = arith.constant 0 : i32
          %dma_wait3A_157 = tpu.memref_slice %arg11[%dma_wait3A_155, %dma_wait3A_156] : memref<10240x128xf32, #tpu.memory_space<vmem_shared>> -> memref<10240x128xf32, #tpu.memory_space<vmem_shared>>
          tpu.wait_indirect_dma semaphore(%run_scoped3A_145 : memref<!tpu.dma_semaphore, #tpu.memory_space<semaphore_mem>>) src(%arg10 : memref<128x128xf32, #tpu.memory_space<vmem>>) dst(%dma_wait3A_157 : memref<10240x128xf32, #tpu.memory_space<vmem_shared>>)
          tpu.yield
        }) : () -> ()
        %dma_wait3A_122 = arith.constant 6 : i32
        %dma_wait3A_123 = arith.constant 0 : i32
        %dma_wait3A_124 = tpu.memref_slice %arg7[%dma_wait3A_122, %dma_wait3A_123] : memref<8x128xi32, #tpu.memory_space<vmem>> -> memref<1x128xi32, #tpu.memory_space<vmem>>
        %dma_wait3A_125 = tpu.memref_squeeze %dma_wait3A_124 : memref<1x128xi32, #tpu.memory_space<vmem>> -> memref<128xi32, #tpu.memory_space<vmem>>
        %dma_wait3A_126 = arith.constant 0 : i32
        %dma_wait3A_127 = arith.constant 0 : i32
        %dma_wait3A_128 = tpu.memref_slice %arg2[%dma_wait3A_126, %dma_wait3A_127] : memref<10240x128xf32, #tpu.memory_space<hbm>> -> memref<10240x128xf32, #tpu.memory_space<hbm>>
        tpu.wait_indirect_dma semaphore(%arg12 : memref<!tpu.dma_semaphore, #tpu.memory_space<semaphore_mem>>) src(%dma_wait3A_128 : memref<10240x128xf32, #tpu.memory_space<hbm>>) dst(%arg9 : memref<128x128xf32, #tpu.memory_space<vmem>>)
        %dma_start3A_129 = arith.constant 7 : i32
        %dma_start3A_130 = arith.constant 0 : i32
        %dma_start3A_131 = tpu.memref_slice %arg7[%dma_start3A_129, %dma_start3A_130] : memref<8x128xi32, #tpu.memory_space<vmem>> -> memref<1x128xi32, #tpu.memory_space<vmem>>
        %dma_start3A_132 = tpu.memref_squeeze %dma_start3A_131 : memref<1x128xi32, #tpu.memory_space<vmem>> -> memref<128xi32, #tpu.memory_space<vmem>>
        %dma_start3A_133 = arith.constant 0 : i32
        %dma_start3A_134 = arith.constant 0 : i32
        %dma_start3A_135 = tpu.memref_slice %arg2[%dma_start3A_133, %dma_start3A_134] : memref<10240x128xf32, #tpu.memory_space<hbm>> -> memref<10240x128xf32, #tpu.memory_space<hbm>>
        tpu.enqueue_indirect_dma source(%dma_start3A_135 : memref<10240x128xf32, #tpu.memory_space<hbm>>) target(%arg10 : memref<128x128xf32, #tpu.memory_space<vmem>>) offsets(%dma_start3A_132 : memref<128xi32, #tpu.memory_space<vmem>>) semaphore(%arg13 : memref<!tpu.dma_semaphore, #tpu.memory_space<semaphore_mem>>)
        %run_scoped3A_136 = arith.constant 6 : i32
        "tpu.region"() ({
          %run_scoped3A_145 = tpu.sem_alloc : memref<!tpu.dma_semaphore, #tpu.memory_space<semaphore_mem>>
          %dma_start3A_146 = arith.constant 0 : i32
          %dma_start3A_147 = tpu.memref_slice %arg8[%run_scoped3A_136, %dma_start3A_146] : memref<8x128xi32, #tpu.memory_space<vmem>> -> memref<1x128xi32, #tpu.memory_space<vmem>>
          %dma_start3A_148 = tpu.memref_squeeze %dma_start3A_147 : memref<1x128xi32, #tpu.memory_space<vmem>> -> memref<128xi32, #tpu.memory_space<vmem>>
          %dma_start3A_149 = arith.constant 0 : i32
          %dma_start3A_150 = arith.constant 0 : i32
          %dma_start3A_151 = tpu.memref_slice %arg11[%dma_start3A_149, %dma_start3A_150] : memref<10240x128xf32, #tpu.memory_space<vmem_shared>> -> memref<10240x128xf32, #tpu.memory_space<vmem_shared>>
          tpu.enqueue_indirect_dma source(%arg9 : memref<128x128xf32, #tpu.memory_space<vmem>>) target(%dma_start3A_151 : memref<10240x128xf32, #tpu.memory_space<vmem_shared>>) offsets(%dma_start3A_148 : memref<128xi32, #tpu.memory_space<vmem>>) semaphore(%run_scoped3A_145 : memref<!tpu.dma_semaphore, #tpu.memory_space<semaphore_mem>>) {add = true}
          %dma_wait3A_152 = arith.constant 0 : i32
          %dma_wait3A_153 = tpu.memref_slice %arg8[%run_scoped3A_136, %dma_wait3A_152] : memref<8x128xi32, #tpu.memory_space<vmem>> -> memref<1x128xi32, #tpu.memory_space<vmem>>
          %dma_wait3A_154 = tpu.memref_squeeze %dma_wait3A_153 : memref<1x128xi32, #tpu.memory_space<vmem>> -> memref<128xi32, #tpu.memory_space<vmem>>
          %dma_wait3A_155 = arith.constant 0 : i32
          %dma_wait3A_156 = arith.constant 0 : i32
          %dma_wait3A_157 = tpu.memref_slice %arg11[%dma_wait3A_155, %dma_wait3A_156] : memref<10240x128xf32, #tpu.memory_space<vmem_shared>> -> memref<10240x128xf32, #tpu.memory_space<vmem_shared>>
          tpu.wait_indirect_dma semaphore(%run_scoped3A_145 : memref<!tpu.dma_semaphore, #tpu.memory_space<semaphore_mem>>) src(%arg9 : memref<128x128xf32, #tpu.memory_space<vmem>>) dst(%dma_wait3A_157 : memref<10240x128xf32, #tpu.memory_space<vmem_shared>>)
          tpu.yield
        }) : () -> ()
        %dma_wait3A_137 = arith.constant 7 : i32
        %dma_wait3A_138 = arith.constant 0 : i32
        %dma_wait3A_139 = tpu.memref_slice %arg7[%dma_wait3A_137, %dma_wait3A_138] : memref<8x128xi32, #tpu.memory_space<vmem>> -> memref<1x128xi32, #tpu.memory_space<vmem>>
        %dma_wait3A_140 = tpu.memref_squeeze %dma_wait3A_139 : memref<1x128xi32, #tpu.memory_space<vmem>> -> memref<128xi32, #tpu.memory_space<vmem>>
        %dma_wait3A_141 = arith.constant 0 : i32
        %dma_wait3A_142 = arith.constant 0 : i32
        %dma_wait3A_143 = tpu.memref_slice %arg2[%dma_wait3A_141, %dma_wait3A_142] : memref<10240x128xf32, #tpu.memory_space<hbm>> -> memref<10240x128xf32, #tpu.memory_space<hbm>>
        tpu.wait_indirect_dma semaphore(%arg13 : memref<!tpu.dma_semaphore, #tpu.memory_space<semaphore_mem>>) src(%dma_wait3A_143 : memref<10240x128xf32, #tpu.memory_space<hbm>>) dst(%arg10 : memref<128x128xf32, #tpu.memory_space<vmem>>)
        %run_scoped3A_144 = arith.constant 7 : i32
        "tpu.region"() ({
          %run_scoped3A_145 = tpu.sem_alloc : memref<!tpu.dma_semaphore, #tpu.memory_space<semaphore_mem>>
          %dma_start3A_146 = arith.constant 0 : i32
          %dma_start3A_147 = tpu.memref_slice %arg8[%run_scoped3A_144, %dma_start3A_146] : memref<8x128xi32, #tpu.memory_space<vmem>> -> memref<1x128xi32, #tpu.memory_space<vmem>>
          %dma_start3A_148 = tpu.memref_squeeze %dma_start3A_147 : memref<1x128xi32, #tpu.memory_space<vmem>> -> memref<128xi32, #tpu.memory_space<vmem>>
          %dma_start3A_149 = arith.constant 0 : i32
          %dma_start3A_150 = arith.constant 0 : i32
          %dma_start3A_151 = tpu.memref_slice %arg11[%dma_start3A_149, %dma_start3A_150] : memref<10240x128xf32, #tpu.memory_space<vmem_shared>> -> memref<10240x128xf32, #tpu.memory_space<vmem_shared>>
          tpu.enqueue_indirect_dma source(%arg10 : memref<128x128xf32, #tpu.memory_space<vmem>>) target(%dma_start3A_151 : memref<10240x128xf32, #tpu.memory_space<vmem_shared>>) offsets(%dma_start3A_148 : memref<128xi32, #tpu.memory_space<vmem>>) semaphore(%run_scoped3A_145 : memref<!tpu.dma_semaphore, #tpu.memory_space<semaphore_mem>>) {add = true}
          %dma_wait3A_152 = arith.constant 0 : i32
          %dma_wait3A_153 = tpu.memref_slice %arg8[%run_scoped3A_144, %dma_wait3A_152] : memref<8x128xi32, #tpu.memory_space<vmem>> -> memref<1x128xi32, #tpu.memory_space<vmem>>
          %dma_wait3A_154 = tpu.memref_squeeze %dma_wait3A_153 : memref<1x128xi32, #tpu.memory_space<vmem>> -> memref<128xi32, #tpu.memory_space<vmem>>
          %dma_wait3A_155 = arith.constant 0 : i32
          %dma_wait3A_156 = arith.constant 0 : i32
          %dma_wait3A_157 = tpu.memref_slice %arg11[%dma_wait3A_155, %dma_wait3A_156] : memref<10240x128xf32, #tpu.memory_space<vmem_shared>> -> memref<10240x128xf32, #tpu.memory_space<vmem_shared>>
          tpu.wait_indirect_dma semaphore(%run_scoped3A_145 : memref<!tpu.dma_semaphore, #tpu.memory_space<semaphore_mem>>) src(%arg10 : memref<128x128xf32, #tpu.memory_space<vmem>>) dst(%dma_wait3A_157 : memref<10240x128xf32, #tpu.memory_space<vmem_shared>>)
          tpu.yield
        }) : () -> ()
      }
      %scan3A_23 = arith.constant 18 : i32
    } else {
    }
    %eq3A_5 = arith.constant 1 : i32
    %eq3A_6 = arith.cmpi eq, %arg0, %eq3A_5 : i32
    %convert_element_type3A_7 = arith.extui %eq3A_6 : i1 to i32
    %cond3A_8 = arith.constant 0 : i32
    %cond3A_9 = arith.cmpi ne, %convert_element_type3A_7, %cond3A_8 : i32
    scf.if %cond3A_9 {
      %mul3A_17 = arith.constant 16 : i32
      %mul3A_18 = arith.muli %arg1, %mul3A_17 : i32
      %add3A_19 = arith.constant 2304 : i32
      %add3A_20 = arith.addi %add3A_19, %mul3A_18 : i32
      %scan3A = arith.constant 0 : i32
      %scan3A_21 = arith.constant 0 : i32
      %scan3A_22 = arith.constant 2 : i32
      %scan3A_23 = arith.addi %scan3A_21, %scan3A_22 : i32
      %scan3A_24 = arith.constant 1 : i32
      scf.for %scan3A_26 = %scan3A_21 to %scan3A_23 step %scan3A_24  : i32 {
        %mul3A_27 = arith.constant 8 : i32
        %mul3A_28 = arith.muli %scan3A_26, %mul3A_27 : i32
        %add3A_29 = arith.addi %add3A_20, %mul3A_28 : i32
        "tpu.region"() ({
          %run_scoped3A_147 = tpu.sem_alloc : memref<!tpu.dma_semaphore, #tpu.memory_space<semaphore_mem>>
          %dma_start3A_148 = arith.constant 0 : i32
          %dma_start3A_149 = tpu.memref_slice %arg3[%add3A_29, %dma_start3A_148] : memref<2560x128xi32, #tpu.memory_space<hbm>> -> memref<8x128xi32, #tpu.memory_space<hbm>>
          %dma_start3A_150 = arith.constant 0 : i32
          %dma_start3A_151 = tpu.memref_slice %arg3[%add3A_29, %dma_start3A_150] : memref<2560x128xi32, #tpu.memory_space<hbm>> -> memref<8x128xi32, #tpu.memory_space<hbm>>
          tpu.enqueue_dma source(%dma_start3A_151 : memref<8x128xi32, #tpu.memory_space<hbm>>) target(%arg7 : memref<8x128xi32, #tpu.memory_space<vmem>>) target_semaphore(%run_scoped3A_147 : memref<!tpu.dma_semaphore, #tpu.memory_space<semaphore_mem>>)
          %dma_wait3A_152 = arith.constant 0 : i32
          %dma_wait3A_153 = tpu.memref_slice %arg3[%add3A_29, %dma_wait3A_152] : memref<2560x128xi32, #tpu.memory_space<hbm>> -> memref<8x128xi32, #tpu.memory_space<hbm>>
          %dma_wait3A_154 = arith.constant 0 : i32
          %dma_wait3A_155 = tpu.memref_slice %arg3[%add3A_29, %dma_wait3A_154] : memref<2560x128xi32, #tpu.memory_space<hbm>> -> memref<8x128xi32, #tpu.memory_space<hbm>>
          tpu.wait_dma2 semaphore(%run_scoped3A_147 : memref<!tpu.dma_semaphore, #tpu.memory_space<semaphore_mem>>) src(%dma_wait3A_155 : memref<8x128xi32, #tpu.memory_space<hbm>>) dst(%arg7 : memref<8x128xi32, #tpu.memory_space<vmem>>)
          tpu.yield
        }) : () -> ()
        "tpu.region"() ({
          %run_scoped3A_147 = tpu.sem_alloc : memref<!tpu.dma_semaphore, #tpu.memory_space<semaphore_mem>>
          %dma_start3A_148 = arith.constant 0 : i32
          %dma_start3A_149 = tpu.memref_slice %arg4[%add3A_29, %dma_start3A_148] : memref<2560x128xi32, #tpu.memory_space<hbm>> -> memref<8x128xi32, #tpu.memory_space<hbm>>
          %dma_start3A_150 = arith.constant 0 : i32
          %dma_start3A_151 = tpu.memref_slice %arg4[%add3A_29, %dma_start3A_150] : memref<2560x128xi32, #tpu.memory_space<hbm>> -> memref<8x128xi32, #tpu.memory_space<hbm>>
          tpu.enqueue_dma source(%dma_start3A_151 : memref<8x128xi32, #tpu.memory_space<hbm>>) target(%arg8 : memref<8x128xi32, #tpu.memory_space<vmem>>) target_semaphore(%run_scoped3A_147 : memref<!tpu.dma_semaphore, #tpu.memory_space<semaphore_mem>>)
          %dma_wait3A_152 = arith.constant 0 : i32
          %dma_wait3A_153 = tpu.memref_slice %arg4[%add3A_29, %dma_wait3A_152] : memref<2560x128xi32, #tpu.memory_space<hbm>> -> memref<8x128xi32, #tpu.memory_space<hbm>>
          %dma_wait3A_154 = arith.constant 0 : i32
          %dma_wait3A_155 = tpu.memref_slice %arg4[%add3A_29, %dma_wait3A_154] : memref<2560x128xi32, #tpu.memory_space<hbm>> -> memref<8x128xi32, #tpu.memory_space<hbm>>
          tpu.wait_dma2 semaphore(%run_scoped3A_147 : memref<!tpu.dma_semaphore, #tpu.memory_space<semaphore_mem>>) src(%dma_wait3A_155 : memref<8x128xi32, #tpu.memory_space<hbm>>) dst(%arg8 : memref<8x128xi32, #tpu.memory_space<vmem>>)
          tpu.yield
        }) : () -> ()
        %dma_start3A = arith.constant 0 : i32
        %dma_start3A_30 = arith.constant 0 : i32
        %dma_start3A_31 = tpu.memref_slice %arg7[%dma_start3A, %dma_start3A_30] : memref<8x128xi32, #tpu.memory_space<vmem>> -> memref<1x128xi32, #tpu.memory_space<vmem>>
        %dma_start3A_32 = tpu.memref_squeeze %dma_start3A_31 : memref<1x128xi32, #tpu.memory_space<vmem>> -> memref<128xi32, #tpu.memory_space<vmem>>
        %dma_start3A_33 = arith.constant 0 : i32
        %dma_start3A_34 = arith.constant 0 : i32
        %dma_start3A_35 = tpu.memref_slice %arg2[%dma_start3A_33, %dma_start3A_34] : memref<10240x128xf32, #tpu.memory_space<hbm>> -> memref<10240x128xf32, #tpu.memory_space<hbm>>
        tpu.enqueue_indirect_dma source(%dma_start3A_35 : memref<10240x128xf32, #tpu.memory_space<hbm>>) target(%arg9 : memref<128x128xf32, #tpu.memory_space<vmem>>) offsets(%dma_start3A_32 : memref<128xi32, #tpu.memory_space<vmem>>) semaphore(%arg12 : memref<!tpu.dma_semaphore, #tpu.memory_space<semaphore_mem>>)
        %dma_wait3A = arith.constant 0 : i32
        %dma_wait3A_36 = arith.constant 0 : i32
        %dma_wait3A_37 = tpu.memref_slice %arg7[%dma_wait3A, %dma_wait3A_36] : memref<8x128xi32, #tpu.memory_space<vmem>> -> memref<1x128xi32, #tpu.memory_space<vmem>>
        %dma_wait3A_38 = tpu.memref_squeeze %dma_wait3A_37 : memref<1x128xi32, #tpu.memory_space<vmem>> -> memref<128xi32, #tpu.memory_space<vmem>>
        %dma_wait3A_39 = arith.constant 0 : i32
        %dma_wait3A_40 = arith.constant 0 : i32
        %dma_wait3A_41 = tpu.memref_slice %arg2[%dma_wait3A_39, %dma_wait3A_40] : memref<10240x128xf32, #tpu.memory_space<hbm>> -> memref<10240x128xf32, #tpu.memory_space<hbm>>
        tpu.wait_indirect_dma semaphore(%arg12 : memref<!tpu.dma_semaphore, #tpu.memory_space<semaphore_mem>>) src(%dma_wait3A_41 : memref<10240x128xf32, #tpu.memory_space<hbm>>) dst(%arg9 : memref<128x128xf32, #tpu.memory_space<vmem>>)
        %dma_start3A_42 = arith.constant 1 : i32
        %dma_start3A_43 = arith.constant 0 : i32
        %dma_start3A_44 = tpu.memref_slice %arg7[%dma_start3A_42, %dma_start3A_43] : memref<8x128xi32, #tpu.memory_space<vmem>> -> memref<1x128xi32, #tpu.memory_space<vmem>>
        %dma_start3A_45 = tpu.memref_squeeze %dma_start3A_44 : memref<1x128xi32, #tpu.memory_space<vmem>> -> memref<128xi32, #tpu.memory_space<vmem>>
        %dma_start3A_46 = arith.constant 0 : i32
        %dma_start3A_47 = arith.constant 0 : i32
        %dma_start3A_48 = tpu.memref_slice %arg2[%dma_start3A_46, %dma_start3A_47] : memref<10240x128xf32, #tpu.memory_space<hbm>> -> memref<10240x128xf32, #tpu.memory_space<hbm>>
        tpu.enqueue_indirect_dma source(%dma_start3A_48 : memref<10240x128xf32, #tpu.memory_space<hbm>>) target(%arg10 : memref<128x128xf32, #tpu.memory_space<vmem>>) offsets(%dma_start3A_45 : memref<128xi32, #tpu.memory_space<vmem>>) semaphore(%arg13 : memref<!tpu.dma_semaphore, #tpu.memory_space<semaphore_mem>>)
        %run_scoped3A = arith.constant 0 : i32
        "tpu.region"() ({
          %run_scoped3A_147 = tpu.sem_alloc : memref<!tpu.dma_semaphore, #tpu.memory_space<semaphore_mem>>
          %dma_start3A_148 = arith.constant 0 : i32
          %dma_start3A_149 = tpu.memref_slice %arg8[%run_scoped3A, %dma_start3A_148] : memref<8x128xi32, #tpu.memory_space<vmem>> -> memref<1x128xi32, #tpu.memory_space<vmem>>
          %dma_start3A_150 = tpu.memref_squeeze %dma_start3A_149 : memref<1x128xi32, #tpu.memory_space<vmem>> -> memref<128xi32, #tpu.memory_space<vmem>>
          %dma_start3A_151 = arith.constant 0 : i32
          %dma_start3A_152 = arith.constant 0 : i32
          %dma_start3A_153 = tpu.memref_slice %arg11[%dma_start3A_151, %dma_start3A_152] : memref<10240x128xf32, #tpu.memory_space<vmem_shared>> -> memref<10240x128xf32, #tpu.memory_space<vmem_shared>>
          tpu.enqueue_indirect_dma source(%arg9 : memref<128x128xf32, #tpu.memory_space<vmem>>) target(%dma_start3A_153 : memref<10240x128xf32, #tpu.memory_space<vmem_shared>>) offsets(%dma_start3A_150 : memref<128xi32, #tpu.memory_space<vmem>>) semaphore(%run_scoped3A_147 : memref<!tpu.dma_semaphore, #tpu.memory_space<semaphore_mem>>) {add = true}
          %dma_wait3A_154 = arith.constant 0 : i32
          %dma_wait3A_155 = tpu.memref_slice %arg8[%run_scoped3A, %dma_wait3A_154] : memref<8x128xi32, #tpu.memory_space<vmem>> -> memref<1x128xi32, #tpu.memory_space<vmem>>
          %dma_wait3A_156 = tpu.memref_squeeze %dma_wait3A_155 : memref<1x128xi32, #tpu.memory_space<vmem>> -> memref<128xi32, #tpu.memory_space<vmem>>
          %dma_wait3A_157 = arith.constant 0 : i32
          %dma_wait3A_158 = arith.constant 0 : i32
          %dma_wait3A_159 = tpu.memref_slice %arg11[%dma_wait3A_157, %dma_wait3A_158] : memref<10240x128xf32, #tpu.memory_space<vmem_shared>> -> memref<10240x128xf32, #tpu.memory_space<vmem_shared>>
          tpu.wait_indirect_dma semaphore(%run_scoped3A_147 : memref<!tpu.dma_semaphore, #tpu.memory_space<semaphore_mem>>) src(%arg9 : memref<128x128xf32, #tpu.memory_space<vmem>>) dst(%dma_wait3A_159 : memref<10240x128xf32, #tpu.memory_space<vmem_shared>>)
          tpu.yield
        }) : () -> ()
        %dma_wait3A_49 = arith.constant 1 : i32
        %dma_wait3A_50 = arith.constant 0 : i32
        %dma_wait3A_51 = tpu.memref_slice %arg7[%dma_wait3A_49, %dma_wait3A_50] : memref<8x128xi32, #tpu.memory_space<vmem>> -> memref<1x128xi32, #tpu.memory_space<vmem>>
        %dma_wait3A_52 = tpu.memref_squeeze %dma_wait3A_51 : memref<1x128xi32, #tpu.memory_space<vmem>> -> memref<128xi32, #tpu.memory_space<vmem>>
        %dma_wait3A_53 = arith.constant 0 : i32
        %dma_wait3A_54 = arith.constant 0 : i32
        %dma_wait3A_55 = tpu.memref_slice %arg2[%dma_wait3A_53, %dma_wait3A_54] : memref<10240x128xf32, #tpu.memory_space<hbm>> -> memref<10240x128xf32, #tpu.memory_space<hbm>>
        tpu.wait_indirect_dma semaphore(%arg13 : memref<!tpu.dma_semaphore, #tpu.memory_space<semaphore_mem>>) src(%dma_wait3A_55 : memref<10240x128xf32, #tpu.memory_space<hbm>>) dst(%arg10 : memref<128x128xf32, #tpu.memory_space<vmem>>)
        %dma_start3A_56 = arith.constant 2 : i32
        %dma_start3A_57 = arith.constant 0 : i32
        %dma_start3A_58 = tpu.memref_slice %arg7[%dma_start3A_56, %dma_start3A_57] : memref<8x128xi32, #tpu.memory_space<vmem>> -> memref<1x128xi32, #tpu.memory_space<vmem>>
        %dma_start3A_59 = tpu.memref_squeeze %dma_start3A_58 : memref<1x128xi32, #tpu.memory_space<vmem>> -> memref<128xi32, #tpu.memory_space<vmem>>
        %dma_start3A_60 = arith.constant 0 : i32
        %dma_start3A_61 = arith.constant 0 : i32
        %dma_start3A_62 = tpu.memref_slice %arg2[%dma_start3A_60, %dma_start3A_61] : memref<10240x128xf32, #tpu.memory_space<hbm>> -> memref<10240x128xf32, #tpu.memory_space<hbm>>
        tpu.enqueue_indirect_dma source(%dma_start3A_62 : memref<10240x128xf32, #tpu.memory_space<hbm>>) target(%arg9 : memref<128x128xf32, #tpu.memory_space<vmem>>) offsets(%dma_start3A_59 : memref<128xi32, #tpu.memory_space<vmem>>) semaphore(%arg12 : memref<!tpu.dma_semaphore, #tpu.memory_space<semaphore_mem>>)
        %run_scoped3A_63 = arith.constant 1 : i32
        "tpu.region"() ({
          %run_scoped3A_147 = tpu.sem_alloc : memref<!tpu.dma_semaphore, #tpu.memory_space<semaphore_mem>>
          %dma_start3A_148 = arith.constant 0 : i32
          %dma_start3A_149 = tpu.memref_slice %arg8[%run_scoped3A_63, %dma_start3A_148] : memref<8x128xi32, #tpu.memory_space<vmem>> -> memref<1x128xi32, #tpu.memory_space<vmem>>
          %dma_start3A_150 = tpu.memref_squeeze %dma_start3A_149 : memref<1x128xi32, #tpu.memory_space<vmem>> -> memref<128xi32, #tpu.memory_space<vmem>>
          %dma_start3A_151 = arith.constant 0 : i32
          %dma_start3A_152 = arith.constant 0 : i32
          %dma_start3A_153 = tpu.memref_slice %arg11[%dma_start3A_151, %dma_start3A_152] : memref<10240x128xf32, #tpu.memory_space<vmem_shared>> -> memref<10240x128xf32, #tpu.memory_space<vmem_shared>>
          tpu.enqueue_indirect_dma source(%arg10 : memref<128x128xf32, #tpu.memory_space<vmem>>) target(%dma_start3A_153 : memref<10240x128xf32, #tpu.memory_space<vmem_shared>>) offsets(%dma_start3A_150 : memref<128xi32, #tpu.memory_space<vmem>>) semaphore(%run_scoped3A_147 : memref<!tpu.dma_semaphore, #tpu.memory_space<semaphore_mem>>) {add = true}
          %dma_wait3A_154 = arith.constant 0 : i32
          %dma_wait3A_155 = tpu.memref_slice %arg8[%run_scoped3A_63, %dma_wait3A_154] : memref<8x128xi32, #tpu.memory_space<vmem>> -> memref<1x128xi32, #tpu.memory_space<vmem>>
          %dma_wait3A_156 = tpu.memref_squeeze %dma_wait3A_155 : memref<1x128xi32, #tpu.memory_space<vmem>> -> memref<128xi32, #tpu.memory_space<vmem>>
          %dma_wait3A_157 = arith.constant 0 : i32
          %dma_wait3A_158 = arith.constant 0 : i32
          %dma_wait3A_159 = tpu.memref_slice %arg11[%dma_wait3A_157, %dma_wait3A_158] : memref<10240x128xf32, #tpu.memory_space<vmem_shared>> -> memref<10240x128xf32, #tpu.memory_space<vmem_shared>>
          tpu.wait_indirect_dma semaphore(%run_scoped3A_147 : memref<!tpu.dma_semaphore, #tpu.memory_space<semaphore_mem>>) src(%arg10 : memref<128x128xf32, #tpu.memory_space<vmem>>) dst(%dma_wait3A_159 : memref<10240x128xf32, #tpu.memory_space<vmem_shared>>)
          tpu.yield
        }) : () -> ()
        %dma_wait3A_64 = arith.constant 2 : i32
        %dma_wait3A_65 = arith.constant 0 : i32
        %dma_wait3A_66 = tpu.memref_slice %arg7[%dma_wait3A_64, %dma_wait3A_65] : memref<8x128xi32, #tpu.memory_space<vmem>> -> memref<1x128xi32, #tpu.memory_space<vmem>>
        %dma_wait3A_67 = tpu.memref_squeeze %dma_wait3A_66 : memref<1x128xi32, #tpu.memory_space<vmem>> -> memref<128xi32, #tpu.memory_space<vmem>>
        %dma_wait3A_68 = arith.constant 0 : i32
        %dma_wait3A_69 = arith.constant 0 : i32
        %dma_wait3A_70 = tpu.memref_slice %arg2[%dma_wait3A_68, %dma_wait3A_69] : memref<10240x128xf32, #tpu.memory_space<hbm>> -> memref<10240x128xf32, #tpu.memory_space<hbm>>
        tpu.wait_indirect_dma semaphore(%arg12 : memref<!tpu.dma_semaphore, #tpu.memory_space<semaphore_mem>>) src(%dma_wait3A_70 : memref<10240x128xf32, #tpu.memory_space<hbm>>) dst(%arg9 : memref<128x128xf32, #tpu.memory_space<vmem>>)
        %dma_start3A_71 = arith.constant 3 : i32
        %dma_start3A_72 = arith.constant 0 : i32
        %dma_start3A_73 = tpu.memref_slice %arg7[%dma_start3A_71, %dma_start3A_72] : memref<8x128xi32, #tpu.memory_space<vmem>> -> memref<1x128xi32, #tpu.memory_space<vmem>>
        %dma_start3A_74 = tpu.memref_squeeze %dma_start3A_73 : memref<1x128xi32, #tpu.memory_space<vmem>> -> memref<128xi32, #tpu.memory_space<vmem>>
        %dma_start3A_75 = arith.constant 0 : i32
        %dma_start3A_76 = arith.constant 0 : i32
        %dma_start3A_77 = tpu.memref_slice %arg2[%dma_start3A_75, %dma_start3A_76] : memref<10240x128xf32, #tpu.memory_space<hbm>> -> memref<10240x128xf32, #tpu.memory_space<hbm>>
        tpu.enqueue_indirect_dma source(%dma_start3A_77 : memref<10240x128xf32, #tpu.memory_space<hbm>>) target(%arg10 : memref<128x128xf32, #tpu.memory_space<vmem>>) offsets(%dma_start3A_74 : memref<128xi32, #tpu.memory_space<vmem>>) semaphore(%arg13 : memref<!tpu.dma_semaphore, #tpu.memory_space<semaphore_mem>>)
        %run_scoped3A_78 = arith.constant 2 : i32
        "tpu.region"() ({
          %run_scoped3A_147 = tpu.sem_alloc : memref<!tpu.dma_semaphore, #tpu.memory_space<semaphore_mem>>
          %dma_start3A_148 = arith.constant 0 : i32
          %dma_start3A_149 = tpu.memref_slice %arg8[%run_scoped3A_78, %dma_start3A_148] : memref<8x128xi32, #tpu.memory_space<vmem>> -> memref<1x128xi32, #tpu.memory_space<vmem>>
          %dma_start3A_150 = tpu.memref_squeeze %dma_start3A_149 : memref<1x128xi32, #tpu.memory_space<vmem>> -> memref<128xi32, #tpu.memory_space<vmem>>
          %dma_start3A_151 = arith.constant 0 : i32
          %dma_start3A_152 = arith.constant 0 : i32
          %dma_start3A_153 = tpu.memref_slice %arg11[%dma_start3A_151, %dma_start3A_152] : memref<10240x128xf32, #tpu.memory_space<vmem_shared>> -> memref<10240x128xf32, #tpu.memory_space<vmem_shared>>
          tpu.enqueue_indirect_dma source(%arg9 : memref<128x128xf32, #tpu.memory_space<vmem>>) target(%dma_start3A_153 : memref<10240x128xf32, #tpu.memory_space<vmem_shared>>) offsets(%dma_start3A_150 : memref<128xi32, #tpu.memory_space<vmem>>) semaphore(%run_scoped3A_147 : memref<!tpu.dma_semaphore, #tpu.memory_space<semaphore_mem>>) {add = true}
          %dma_wait3A_154 = arith.constant 0 : i32
          %dma_wait3A_155 = tpu.memref_slice %arg8[%run_scoped3A_78, %dma_wait3A_154] : memref<8x128xi32, #tpu.memory_space<vmem>> -> memref<1x128xi32, #tpu.memory_space<vmem>>
          %dma_wait3A_156 = tpu.memref_squeeze %dma_wait3A_155 : memref<1x128xi32, #tpu.memory_space<vmem>> -> memref<128xi32, #tpu.memory_space<vmem>>
          %dma_wait3A_157 = arith.constant 0 : i32
          %dma_wait3A_158 = arith.constant 0 : i32
          %dma_wait3A_159 = tpu.memref_slice %arg11[%dma_wait3A_157, %dma_wait3A_158] : memref<10240x128xf32, #tpu.memory_space<vmem_shared>> -> memref<10240x128xf32, #tpu.memory_space<vmem_shared>>
          tpu.wait_indirect_dma semaphore(%run_scoped3A_147 : memref<!tpu.dma_semaphore, #tpu.memory_space<semaphore_mem>>) src(%arg9 : memref<128x128xf32, #tpu.memory_space<vmem>>) dst(%dma_wait3A_159 : memref<10240x128xf32, #tpu.memory_space<vmem_shared>>)
          tpu.yield
        }) : () -> ()
        %dma_wait3A_79 = arith.constant 3 : i32
        %dma_wait3A_80 = arith.constant 0 : i32
        %dma_wait3A_81 = tpu.memref_slice %arg7[%dma_wait3A_79, %dma_wait3A_80] : memref<8x128xi32, #tpu.memory_space<vmem>> -> memref<1x128xi32, #tpu.memory_space<vmem>>
        %dma_wait3A_82 = tpu.memref_squeeze %dma_wait3A_81 : memref<1x128xi32, #tpu.memory_space<vmem>> -> memref<128xi32, #tpu.memory_space<vmem>>
        %dma_wait3A_83 = arith.constant 0 : i32
        %dma_wait3A_84 = arith.constant 0 : i32
        %dma_wait3A_85 = tpu.memref_slice %arg2[%dma_wait3A_83, %dma_wait3A_84] : memref<10240x128xf32, #tpu.memory_space<hbm>> -> memref<10240x128xf32, #tpu.memory_space<hbm>>
        tpu.wait_indirect_dma semaphore(%arg13 : memref<!tpu.dma_semaphore, #tpu.memory_space<semaphore_mem>>) src(%dma_wait3A_85 : memref<10240x128xf32, #tpu.memory_space<hbm>>) dst(%arg10 : memref<128x128xf32, #tpu.memory_space<vmem>>)
        %dma_start3A_86 = arith.constant 4 : i32
        %dma_start3A_87 = arith.constant 0 : i32
        %dma_start3A_88 = tpu.memref_slice %arg7[%dma_start3A_86, %dma_start3A_87] : memref<8x128xi32, #tpu.memory_space<vmem>> -> memref<1x128xi32, #tpu.memory_space<vmem>>
        %dma_start3A_89 = tpu.memref_squeeze %dma_start3A_88 : memref<1x128xi32, #tpu.memory_space<vmem>> -> memref<128xi32, #tpu.memory_space<vmem>>
        %dma_start3A_90 = arith.constant 0 : i32
        %dma_start3A_91 = arith.constant 0 : i32
        %dma_start3A_92 = tpu.memref_slice %arg2[%dma_start3A_90, %dma_start3A_91] : memref<10240x128xf32, #tpu.memory_space<hbm>> -> memref<10240x128xf32, #tpu.memory_space<hbm>>
        tpu.enqueue_indirect_dma source(%dma_start3A_92 : memref<10240x128xf32, #tpu.memory_space<hbm>>) target(%arg9 : memref<128x128xf32, #tpu.memory_space<vmem>>) offsets(%dma_start3A_89 : memref<128xi32, #tpu.memory_space<vmem>>) semaphore(%arg12 : memref<!tpu.dma_semaphore, #tpu.memory_space<semaphore_mem>>)
        %run_scoped3A_93 = arith.constant 3 : i32
        "tpu.region"() ({
          %run_scoped3A_147 = tpu.sem_alloc : memref<!tpu.dma_semaphore, #tpu.memory_space<semaphore_mem>>
          %dma_start3A_148 = arith.constant 0 : i32
          %dma_start3A_149 = tpu.memref_slice %arg8[%run_scoped3A_93, %dma_start3A_148] : memref<8x128xi32, #tpu.memory_space<vmem>> -> memref<1x128xi32, #tpu.memory_space<vmem>>
          %dma_start3A_150 = tpu.memref_squeeze %dma_start3A_149 : memref<1x128xi32, #tpu.memory_space<vmem>> -> memref<128xi32, #tpu.memory_space<vmem>>
          %dma_start3A_151 = arith.constant 0 : i32
          %dma_start3A_152 = arith.constant 0 : i32
          %dma_start3A_153 = tpu.memref_slice %arg11[%dma_start3A_151, %dma_start3A_152] : memref<10240x128xf32, #tpu.memory_space<vmem_shared>> -> memref<10240x128xf32, #tpu.memory_space<vmem_shared>>
          tpu.enqueue_indirect_dma source(%arg10 : memref<128x128xf32, #tpu.memory_space<vmem>>) target(%dma_start3A_153 : memref<10240x128xf32, #tpu.memory_space<vmem_shared>>) offsets(%dma_start3A_150 : memref<128xi32, #tpu.memory_space<vmem>>) semaphore(%run_scoped3A_147 : memref<!tpu.dma_semaphore, #tpu.memory_space<semaphore_mem>>) {add = true}
          %dma_wait3A_154 = arith.constant 0 : i32
          %dma_wait3A_155 = tpu.memref_slice %arg8[%run_scoped3A_93, %dma_wait3A_154] : memref<8x128xi32, #tpu.memory_space<vmem>> -> memref<1x128xi32, #tpu.memory_space<vmem>>
          %dma_wait3A_156 = tpu.memref_squeeze %dma_wait3A_155 : memref<1x128xi32, #tpu.memory_space<vmem>> -> memref<128xi32, #tpu.memory_space<vmem>>
          %dma_wait3A_157 = arith.constant 0 : i32
          %dma_wait3A_158 = arith.constant 0 : i32
          %dma_wait3A_159 = tpu.memref_slice %arg11[%dma_wait3A_157, %dma_wait3A_158] : memref<10240x128xf32, #tpu.memory_space<vmem_shared>> -> memref<10240x128xf32, #tpu.memory_space<vmem_shared>>
          tpu.wait_indirect_dma semaphore(%run_scoped3A_147 : memref<!tpu.dma_semaphore, #tpu.memory_space<semaphore_mem>>) src(%arg10 : memref<128x128xf32, #tpu.memory_space<vmem>>) dst(%dma_wait3A_159 : memref<10240x128xf32, #tpu.memory_space<vmem_shared>>)
          tpu.yield
        }) : () -> ()
        %dma_wait3A_94 = arith.constant 4 : i32
        %dma_wait3A_95 = arith.constant 0 : i32
        %dma_wait3A_96 = tpu.memref_slice %arg7[%dma_wait3A_94, %dma_wait3A_95] : memref<8x128xi32, #tpu.memory_space<vmem>> -> memref<1x128xi32, #tpu.memory_space<vmem>>
        %dma_wait3A_97 = tpu.memref_squeeze %dma_wait3A_96 : memref<1x128xi32, #tpu.memory_space<vmem>> -> memref<128xi32, #tpu.memory_space<vmem>>
        %dma_wait3A_98 = arith.constant 0 : i32
        %dma_wait3A_99 = arith.constant 0 : i32
        %dma_wait3A_100 = tpu.memref_slice %arg2[%dma_wait3A_98, %dma_wait3A_99] : memref<10240x128xf32, #tpu.memory_space<hbm>> -> memref<10240x128xf32, #tpu.memory_space<hbm>>
        tpu.wait_indirect_dma semaphore(%arg12 : memref<!tpu.dma_semaphore, #tpu.memory_space<semaphore_mem>>) src(%dma_wait3A_100 : memref<10240x128xf32, #tpu.memory_space<hbm>>) dst(%arg9 : memref<128x128xf32, #tpu.memory_space<vmem>>)
        %dma_start3A_101 = arith.constant 5 : i32
        %dma_start3A_102 = arith.constant 0 : i32
        %dma_start3A_103 = tpu.memref_slice %arg7[%dma_start3A_101, %dma_start3A_102] : memref<8x128xi32, #tpu.memory_space<vmem>> -> memref<1x128xi32, #tpu.memory_space<vmem>>
        %dma_start3A_104 = tpu.memref_squeeze %dma_start3A_103 : memref<1x128xi32, #tpu.memory_space<vmem>> -> memref<128xi32, #tpu.memory_space<vmem>>
        %dma_start3A_105 = arith.constant 0 : i32
        %dma_start3A_106 = arith.constant 0 : i32
        %dma_start3A_107 = tpu.memref_slice %arg2[%dma_start3A_105, %dma_start3A_106] : memref<10240x128xf32, #tpu.memory_space<hbm>> -> memref<10240x128xf32, #tpu.memory_space<hbm>>
        tpu.enqueue_indirect_dma source(%dma_start3A_107 : memref<10240x128xf32, #tpu.memory_space<hbm>>) target(%arg10 : memref<128x128xf32, #tpu.memory_space<vmem>>) offsets(%dma_start3A_104 : memref<128xi32, #tpu.memory_space<vmem>>) semaphore(%arg13 : memref<!tpu.dma_semaphore, #tpu.memory_space<semaphore_mem>>)
        %run_scoped3A_108 = arith.constant 4 : i32
        "tpu.region"() ({
          %run_scoped3A_147 = tpu.sem_alloc : memref<!tpu.dma_semaphore, #tpu.memory_space<semaphore_mem>>
          %dma_start3A_148 = arith.constant 0 : i32
          %dma_start3A_149 = tpu.memref_slice %arg8[%run_scoped3A_108, %dma_start3A_148] : memref<8x128xi32, #tpu.memory_space<vmem>> -> memref<1x128xi32, #tpu.memory_space<vmem>>
          %dma_start3A_150 = tpu.memref_squeeze %dma_start3A_149 : memref<1x128xi32, #tpu.memory_space<vmem>> -> memref<128xi32, #tpu.memory_space<vmem>>
          %dma_start3A_151 = arith.constant 0 : i32
          %dma_start3A_152 = arith.constant 0 : i32
          %dma_start3A_153 = tpu.memref_slice %arg11[%dma_start3A_151, %dma_start3A_152] : memref<10240x128xf32, #tpu.memory_space<vmem_shared>> -> memref<10240x128xf32, #tpu.memory_space<vmem_shared>>
          tpu.enqueue_indirect_dma source(%arg9 : memref<128x128xf32, #tpu.memory_space<vmem>>) target(%dma_start3A_153 : memref<10240x128xf32, #tpu.memory_space<vmem_shared>>) offsets(%dma_start3A_150 : memref<128xi32, #tpu.memory_space<vmem>>) semaphore(%run_scoped3A_147 : memref<!tpu.dma_semaphore, #tpu.memory_space<semaphore_mem>>) {add = true}
          %dma_wait3A_154 = arith.constant 0 : i32
          %dma_wait3A_155 = tpu.memref_slice %arg8[%run_scoped3A_108, %dma_wait3A_154] : memref<8x128xi32, #tpu.memory_space<vmem>> -> memref<1x128xi32, #tpu.memory_space<vmem>>
          %dma_wait3A_156 = tpu.memref_squeeze %dma_wait3A_155 : memref<1x128xi32, #tpu.memory_space<vmem>> -> memref<128xi32, #tpu.memory_space<vmem>>
          %dma_wait3A_157 = arith.constant 0 : i32
          %dma_wait3A_158 = arith.constant 0 : i32
          %dma_wait3A_159 = tpu.memref_slice %arg11[%dma_wait3A_157, %dma_wait3A_158] : memref<10240x128xf32, #tpu.memory_space<vmem_shared>> -> memref<10240x128xf32, #tpu.memory_space<vmem_shared>>
          tpu.wait_indirect_dma semaphore(%run_scoped3A_147 : memref<!tpu.dma_semaphore, #tpu.memory_space<semaphore_mem>>) src(%arg9 : memref<128x128xf32, #tpu.memory_space<vmem>>) dst(%dma_wait3A_159 : memref<10240x128xf32, #tpu.memory_space<vmem_shared>>)
          tpu.yield
        }) : () -> ()
        %dma_wait3A_109 = arith.constant 5 : i32
        %dma_wait3A_110 = arith.constant 0 : i32
        %dma_wait3A_111 = tpu.memref_slice %arg7[%dma_wait3A_109, %dma_wait3A_110] : memref<8x128xi32, #tpu.memory_space<vmem>> -> memref<1x128xi32, #tpu.memory_space<vmem>>
        %dma_wait3A_112 = tpu.memref_squeeze %dma_wait3A_111 : memref<1x128xi32, #tpu.memory_space<vmem>> -> memref<128xi32, #tpu.memory_space<vmem>>
        %dma_wait3A_113 = arith.constant 0 : i32
        %dma_wait3A_114 = arith.constant 0 : i32
        %dma_wait3A_115 = tpu.memref_slice %arg2[%dma_wait3A_113, %dma_wait3A_114] : memref<10240x128xf32, #tpu.memory_space<hbm>> -> memref<10240x128xf32, #tpu.memory_space<hbm>>
        tpu.wait_indirect_dma semaphore(%arg13 : memref<!tpu.dma_semaphore, #tpu.memory_space<semaphore_mem>>) src(%dma_wait3A_115 : memref<10240x128xf32, #tpu.memory_space<hbm>>) dst(%arg10 : memref<128x128xf32, #tpu.memory_space<vmem>>)
        %dma_start3A_116 = arith.constant 6 : i32
        %dma_start3A_117 = arith.constant 0 : i32
        %dma_start3A_118 = tpu.memref_slice %arg7[%dma_start3A_116, %dma_start3A_117] : memref<8x128xi32, #tpu.memory_space<vmem>> -> memref<1x128xi32, #tpu.memory_space<vmem>>
        %dma_start3A_119 = tpu.memref_squeeze %dma_start3A_118 : memref<1x128xi32, #tpu.memory_space<vmem>> -> memref<128xi32, #tpu.memory_space<vmem>>
        %dma_start3A_120 = arith.constant 0 : i32
        %dma_start3A_121 = arith.constant 0 : i32
        %dma_start3A_122 = tpu.memref_slice %arg2[%dma_start3A_120, %dma_start3A_121] : memref<10240x128xf32, #tpu.memory_space<hbm>> -> memref<10240x128xf32, #tpu.memory_space<hbm>>
        tpu.enqueue_indirect_dma source(%dma_start3A_122 : memref<10240x128xf32, #tpu.memory_space<hbm>>) target(%arg9 : memref<128x128xf32, #tpu.memory_space<vmem>>) offsets(%dma_start3A_119 : memref<128xi32, #tpu.memory_space<vmem>>) semaphore(%arg12 : memref<!tpu.dma_semaphore, #tpu.memory_space<semaphore_mem>>)
        %run_scoped3A_123 = arith.constant 5 : i32
        "tpu.region"() ({
          %run_scoped3A_147 = tpu.sem_alloc : memref<!tpu.dma_semaphore, #tpu.memory_space<semaphore_mem>>
          %dma_start3A_148 = arith.constant 0 : i32
          %dma_start3A_149 = tpu.memref_slice %arg8[%run_scoped3A_123, %dma_start3A_148] : memref<8x128xi32, #tpu.memory_space<vmem>> -> memref<1x128xi32, #tpu.memory_space<vmem>>
          %dma_start3A_150 = tpu.memref_squeeze %dma_start3A_149 : memref<1x128xi32, #tpu.memory_space<vmem>> -> memref<128xi32, #tpu.memory_space<vmem>>
          %dma_start3A_151 = arith.constant 0 : i32
          %dma_start3A_152 = arith.constant 0 : i32
          %dma_start3A_153 = tpu.memref_slice %arg11[%dma_start3A_151, %dma_start3A_152] : memref<10240x128xf32, #tpu.memory_space<vmem_shared>> -> memref<10240x128xf32, #tpu.memory_space<vmem_shared>>
          tpu.enqueue_indirect_dma source(%arg10 : memref<128x128xf32, #tpu.memory_space<vmem>>) target(%dma_start3A_153 : memref<10240x128xf32, #tpu.memory_space<vmem_shared>>) offsets(%dma_start3A_150 : memref<128xi32, #tpu.memory_space<vmem>>) semaphore(%run_scoped3A_147 : memref<!tpu.dma_semaphore, #tpu.memory_space<semaphore_mem>>) {add = true}
          %dma_wait3A_154 = arith.constant 0 : i32
          %dma_wait3A_155 = tpu.memref_slice %arg8[%run_scoped3A_123, %dma_wait3A_154] : memref<8x128xi32, #tpu.memory_space<vmem>> -> memref<1x128xi32, #tpu.memory_space<vmem>>
          %dma_wait3A_156 = tpu.memref_squeeze %dma_wait3A_155 : memref<1x128xi32, #tpu.memory_space<vmem>> -> memref<128xi32, #tpu.memory_space<vmem>>
          %dma_wait3A_157 = arith.constant 0 : i32
          %dma_wait3A_158 = arith.constant 0 : i32
          %dma_wait3A_159 = tpu.memref_slice %arg11[%dma_wait3A_157, %dma_wait3A_158] : memref<10240x128xf32, #tpu.memory_space<vmem_shared>> -> memref<10240x128xf32, #tpu.memory_space<vmem_shared>>
          tpu.wait_indirect_dma semaphore(%run_scoped3A_147 : memref<!tpu.dma_semaphore, #tpu.memory_space<semaphore_mem>>) src(%arg10 : memref<128x128xf32, #tpu.memory_space<vmem>>) dst(%dma_wait3A_159 : memref<10240x128xf32, #tpu.memory_space<vmem_shared>>)
          tpu.yield
        }) : () -> ()
        %dma_wait3A_124 = arith.constant 6 : i32
        %dma_wait3A_125 = arith.constant 0 : i32
        %dma_wait3A_126 = tpu.memref_slice %arg7[%dma_wait3A_124, %dma_wait3A_125] : memref<8x128xi32, #tpu.memory_space<vmem>> -> memref<1x128xi32, #tpu.memory_space<vmem>>
        %dma_wait3A_127 = tpu.memref_squeeze %dma_wait3A_126 : memref<1x128xi32, #tpu.memory_space<vmem>> -> memref<128xi32, #tpu.memory_space<vmem>>
        %dma_wait3A_128 = arith.constant 0 : i32
        %dma_wait3A_129 = arith.constant 0 : i32
        %dma_wait3A_130 = tpu.memref_slice %arg2[%dma_wait3A_128, %dma_wait3A_129] : memref<10240x128xf32, #tpu.memory_space<hbm>> -> memref<10240x128xf32, #tpu.memory_space<hbm>>
        tpu.wait_indirect_dma semaphore(%arg12 : memref<!tpu.dma_semaphore, #tpu.memory_space<semaphore_mem>>) src(%dma_wait3A_130 : memref<10240x128xf32, #tpu.memory_space<hbm>>) dst(%arg9 : memref<128x128xf32, #tpu.memory_space<vmem>>)
        %dma_start3A_131 = arith.constant 7 : i32
        %dma_start3A_132 = arith.constant 0 : i32
        %dma_start3A_133 = tpu.memref_slice %arg7[%dma_start3A_131, %dma_start3A_132] : memref<8x128xi32, #tpu.memory_space<vmem>> -> memref<1x128xi32, #tpu.memory_space<vmem>>
        %dma_start3A_134 = tpu.memref_squeeze %dma_start3A_133 : memref<1x128xi32, #tpu.memory_space<vmem>> -> memref<128xi32, #tpu.memory_space<vmem>>
        %dma_start3A_135 = arith.constant 0 : i32
        %dma_start3A_136 = arith.constant 0 : i32
        %dma_start3A_137 = tpu.memref_slice %arg2[%dma_start3A_135, %dma_start3A_136] : memref<10240x128xf32, #tpu.memory_space<hbm>> -> memref<10240x128xf32, #tpu.memory_space<hbm>>
        tpu.enqueue_indirect_dma source(%dma_start3A_137 : memref<10240x128xf32, #tpu.memory_space<hbm>>) target(%arg10 : memref<128x128xf32, #tpu.memory_space<vmem>>) offsets(%dma_start3A_134 : memref<128xi32, #tpu.memory_space<vmem>>) semaphore(%arg13 : memref<!tpu.dma_semaphore, #tpu.memory_space<semaphore_mem>>)
        %run_scoped3A_138 = arith.constant 6 : i32
        "tpu.region"() ({
          %run_scoped3A_147 = tpu.sem_alloc : memref<!tpu.dma_semaphore, #tpu.memory_space<semaphore_mem>>
          %dma_start3A_148 = arith.constant 0 : i32
          %dma_start3A_149 = tpu.memref_slice %arg8[%run_scoped3A_138, %dma_start3A_148] : memref<8x128xi32, #tpu.memory_space<vmem>> -> memref<1x128xi32, #tpu.memory_space<vmem>>
          %dma_start3A_150 = tpu.memref_squeeze %dma_start3A_149 : memref<1x128xi32, #tpu.memory_space<vmem>> -> memref<128xi32, #tpu.memory_space<vmem>>
          %dma_start3A_151 = arith.constant 0 : i32
          %dma_start3A_152 = arith.constant 0 : i32
          %dma_start3A_153 = tpu.memref_slice %arg11[%dma_start3A_151, %dma_start3A_152] : memref<10240x128xf32, #tpu.memory_space<vmem_shared>> -> memref<10240x128xf32, #tpu.memory_space<vmem_shared>>
          tpu.enqueue_indirect_dma source(%arg9 : memref<128x128xf32, #tpu.memory_space<vmem>>) target(%dma_start3A_153 : memref<10240x128xf32, #tpu.memory_space<vmem_shared>>) offsets(%dma_start3A_150 : memref<128xi32, #tpu.memory_space<vmem>>) semaphore(%run_scoped3A_147 : memref<!tpu.dma_semaphore, #tpu.memory_space<semaphore_mem>>) {add = true}
          %dma_wait3A_154 = arith.constant 0 : i32
          %dma_wait3A_155 = tpu.memref_slice %arg8[%run_scoped3A_138, %dma_wait3A_154] : memref<8x128xi32, #tpu.memory_space<vmem>> -> memref<1x128xi32, #tpu.memory_space<vmem>>
          %dma_wait3A_156 = tpu.memref_squeeze %dma_wait3A_155 : memref<1x128xi32, #tpu.memory_space<vmem>> -> memref<128xi32, #tpu.memory_space<vmem>>
          %dma_wait3A_157 = arith.constant 0 : i32
          %dma_wait3A_158 = arith.constant 0 : i32
          %dma_wait3A_159 = tpu.memref_slice %arg11[%dma_wait3A_157, %dma_wait3A_158] : memref<10240x128xf32, #tpu.memory_space<vmem_shared>> -> memref<10240x128xf32, #tpu.memory_space<vmem_shared>>
          tpu.wait_indirect_dma semaphore(%run_scoped3A_147 : memref<!tpu.dma_semaphore, #tpu.memory_space<semaphore_mem>>) src(%arg9 : memref<128x128xf32, #tpu.memory_space<vmem>>) dst(%dma_wait3A_159 : memref<10240x128xf32, #tpu.memory_space<vmem_shared>>)
          tpu.yield
        }) : () -> ()
        %dma_wait3A_139 = arith.constant 7 : i32
        %dma_wait3A_140 = arith.constant 0 : i32
        %dma_wait3A_141 = tpu.memref_slice %arg7[%dma_wait3A_139, %dma_wait3A_140] : memref<8x128xi32, #tpu.memory_space<vmem>> -> memref<1x128xi32, #tpu.memory_space<vmem>>
        %dma_wait3A_142 = tpu.memref_squeeze %dma_wait3A_141 : memref<1x128xi32, #tpu.memory_space<vmem>> -> memref<128xi32, #tpu.memory_space<vmem>>
        %dma_wait3A_143 = arith.constant 0 : i32
        %dma_wait3A_144 = arith.constant 0 : i32
        %dma_wait3A_145 = tpu.memref_slice %arg2[%dma_wait3A_143, %dma_wait3A_144] : memref<10240x128xf32, #tpu.memory_space<hbm>> -> memref<10240x128xf32, #tpu.memory_space<hbm>>
        tpu.wait_indirect_dma semaphore(%arg13 : memref<!tpu.dma_semaphore, #tpu.memory_space<semaphore_mem>>) src(%dma_wait3A_145 : memref<10240x128xf32, #tpu.memory_space<hbm>>) dst(%arg10 : memref<128x128xf32, #tpu.memory_space<vmem>>)
        %run_scoped3A_146 = arith.constant 7 : i32
        "tpu.region"() ({
          %run_scoped3A_147 = tpu.sem_alloc : memref<!tpu.dma_semaphore, #tpu.memory_space<semaphore_mem>>
          %dma_start3A_148 = arith.constant 0 : i32
          %dma_start3A_149 = tpu.memref_slice %arg8[%run_scoped3A_146, %dma_start3A_148] : memref<8x128xi32, #tpu.memory_space<vmem>> -> memref<1x128xi32, #tpu.memory_space<vmem>>
          %dma_start3A_150 = tpu.memref_squeeze %dma_start3A_149 : memref<1x128xi32, #tpu.memory_space<vmem>> -> memref<128xi32, #tpu.memory_space<vmem>>
          %dma_start3A_151 = arith.constant 0 : i32
          %dma_start3A_152 = arith.constant 0 : i32
          %dma_start3A_153 = tpu.memref_slice %arg11[%dma_start3A_151, %dma_start3A_152] : memref<10240x128xf32, #tpu.memory_space<vmem_shared>> -> memref<10240x128xf32, #tpu.memory_space<vmem_shared>>
          tpu.enqueue_indirect_dma source(%arg10 : memref<128x128xf32, #tpu.memory_space<vmem>>) target(%dma_start3A_153 : memref<10240x128xf32, #tpu.memory_space<vmem_shared>>) offsets(%dma_start3A_150 : memref<128xi32, #tpu.memory_space<vmem>>) semaphore(%run_scoped3A_147 : memref<!tpu.dma_semaphore, #tpu.memory_space<semaphore_mem>>) {add = true}
          %dma_wait3A_154 = arith.constant 0 : i32
          %dma_wait3A_155 = tpu.memref_slice %arg8[%run_scoped3A_146, %dma_wait3A_154] : memref<8x128xi32, #tpu.memory_space<vmem>> -> memref<1x128xi32, #tpu.memory_space<vmem>>
          %dma_wait3A_156 = tpu.memref_squeeze %dma_wait3A_155 : memref<1x128xi32, #tpu.memory_space<vmem>> -> memref<128xi32, #tpu.memory_space<vmem>>
          %dma_wait3A_157 = arith.constant 0 : i32
          %dma_wait3A_158 = arith.constant 0 : i32
          %dma_wait3A_159 = tpu.memref_slice %arg11[%dma_wait3A_157, %dma_wait3A_158] : memref<10240x128xf32, #tpu.memory_space<vmem_shared>> -> memref<10240x128xf32, #tpu.memory_space<vmem_shared>>
          tpu.wait_indirect_dma semaphore(%run_scoped3A_147 : memref<!tpu.dma_semaphore, #tpu.memory_space<semaphore_mem>>) src(%arg10 : memref<128x128xf32, #tpu.memory_space<vmem>>) dst(%dma_wait3A_159 : memref<10240x128xf32, #tpu.memory_space<vmem_shared>>)
          tpu.yield
        }) : () -> ()
      }
      %scan3A_25 = arith.constant 2 : i32
    } else {
    }
    %barrier3A_10 = arith.constant 0 : index
    tpu.barrier barrier_id(%barrier3A_10)
    %mul3A_11 = arith.constant 640 : i32
    %mul3A_12 = arith.muli %arg1, %mul3A_11 : i32
    %mul3A_13 = arith.constant 10240 : i32
    %mul3A_14 = arith.muli %arg0, %mul3A_13 : i32
    %mul3A_15 = arith.constant 640 : i32
    %mul3A_16 = arith.muli %arg1, %mul3A_15 : i32
    %add3A = arith.addi %mul3A_14, %mul3A_16 : i32
    "tpu.region"() ({
      %run_scoped3A = tpu.sem_alloc : memref<!tpu.dma_semaphore, #tpu.memory_space<semaphore_mem>>
      %dma_start3A = arith.constant 0 : i32
      %dma_start3A_17 = tpu.memref_slice %arg6[%add3A, %dma_start3A] : memref<20480x128xf32, #tpu.memory_space<hbm>> -> memref<640x128xf32, #tpu.memory_space<hbm>>
      %dma_start3A_18 = arith.constant 0 : i32
      %dma_start3A_19 = tpu.memref_slice %arg11[%mul3A_12, %dma_start3A_18] : memref<10240x128xf32, #tpu.memory_space<vmem_shared>> -> memref<640x128xf32, #tpu.memory_space<vmem_shared>>
      tpu.enqueue_dma source(%dma_start3A_19 : memref<640x128xf32, #tpu.memory_space<vmem_shared>>) target(%dma_start3A_17 : memref<640x128xf32, #tpu.memory_space<hbm>>) target_semaphore(%run_scoped3A : memref<!tpu.dma_semaphore, #tpu.memory_space<semaphore_mem>>)
      %dma_wait3A = arith.constant 0 : i32
      %dma_wait3A_20 = tpu.memref_slice %arg6[%add3A, %dma_wait3A] : memref<20480x128xf32, #tpu.memory_space<hbm>> -> memref<640x128xf32, #tpu.memory_space<hbm>>
      %dma_wait3A_21 = arith.constant 0 : i32
      %dma_wait3A_22 = tpu.memref_slice %arg11[%mul3A_12, %dma_wait3A_21] : memref<10240x128xf32, #tpu.memory_space<vmem_shared>> -> memref<640x128xf32, #tpu.memory_space<vmem_shared>>
      tpu.wait_dma2 semaphore(%run_scoped3A : memref<!tpu.dma_semaphore, #tpu.memory_space<semaphore_mem>>) src(%dma_wait3A_22 : memref<640x128xf32, #tpu.memory_space<vmem_shared>>) dst(%dma_wait3A_20 : memref<640x128xf32, #tpu.memory_space<hbm>>)
      tpu.yield
    }) : () -> ()
    return
  }
}

#map = affine_map<(d0, d1) -> (0, 0)>
module attributes {stable_mosaic.version = 14 : i64} {
  func.func @scatter_kernel(%arg0: i32, %arg1: i32, %arg2: memref<10240x128xf32, #tpu.memory_space<hbm>>, %arg3: memref<2560x128xi32, #tpu.memory_space<hbm>>, %arg4: memref<2560x128xi32, #tpu.memory_space<hbm>>, %arg5: memref<10240x128xf32, #tpu.memory_space<hbm>>, %arg6: memref<20480x128xf32, #tpu.memory_space<hbm>>, %arg7: memref<8x128xi32, #tpu.memory_space<vmem>>, %arg8: memref<8x128xi32, #tpu.memory_space<vmem>>, %arg9: memref<128x128xf32, #tpu.memory_space<vmem>>, %arg10: memref<128x128xf32, #tpu.memory_space<vmem>>, %arg11: memref<10240x128xf32, #tpu.memory_space<vmem_shared>>, %arg12: memref<!tpu.dma_semaphore, #tpu.memory_space<semaphore_mem>>, %arg13: memref<!tpu.dma_semaphore, #tpu.memory_space<semaphore_mem>>) attributes {dimension_semantics = [#tpu.dimension_semantics<core_parallel>, #tpu.dimension_semantics<subcore_parallel>], iteration_bounds = array<i64: 2, 16>, scalar_prefetch = 0 : i64, scratch_operands = 7 : i64, tpu.core_type = #tpu.core_type<sc_vector_subcore>, window_params = [{transform_indices = #map}, {transform_indices = #map}, {transform_indices = #map}, {transform_indices = #map}, {transform_indices = #map}]} {
    %mul3A = arith.constant 640 : i32
    %mul3A_0 = arith.muli %arg1, %mul3A : i32
    %mul3A_1 = arith.constant 640 : i32
    %mul3A_2 = arith.muli %arg1, %mul3A_1 : i32
    "tpu.region"() ({
      %run_scoped3A = tpu.sem_alloc : memref<!tpu.dma_semaphore, #tpu.memory_space<semaphore_mem>>
      %dma_start3A = arith.constant 0 : i32
      %dma_start3A_17 = tpu.memref_slice %arg11[%mul3A_2, %dma_start3A] : memref<10240x128xf32, #tpu.memory_space<vmem_shared>> -> memref<640x128xf32, #tpu.memory_space<vmem_shared>>
      %dma_start3A_18 = arith.constant 0 : i32
      %dma_start3A_19 = tpu.memref_slice %arg5[%mul3A_0, %dma_start3A_18] : memref<10240x128xf32, #tpu.memory_space<hbm>> -> memref<640x128xf32, #tpu.memory_space<hbm>>
      tpu.enqueue_dma source(%dma_start3A_19 : memref<640x128xf32, #tpu.memory_space<hbm>>) target(%dma_start3A_17 : memref<640x128xf32, #tpu.memory_space<vmem_shared>>) target_semaphore(%run_scoped3A : memref<!tpu.dma_semaphore, #tpu.memory_space<semaphore_mem>>)
      %dma_wait3A = arith.constant 0 : i32
      %dma_wait3A_20 = tpu.memref_slice %arg11[%mul3A_2, %dma_wait3A] : memref<10240x128xf32, #tpu.memory_space<vmem_shared>> -> memref<640x128xf32, #tpu.memory_space<vmem_shared>>
      %dma_wait3A_21 = arith.constant 0 : i32
      %dma_wait3A_22 = tpu.memref_slice %arg5[%mul3A_0, %dma_wait3A_21] : memref<10240x128xf32, #tpu.memory_space<hbm>> -> memref<640x128xf32, #tpu.memory_space<hbm>>
      tpu.wait_dma2 semaphore(%run_scoped3A : memref<!tpu.dma_semaphore, #tpu.memory_space<semaphore_mem>>) src(%dma_wait3A_22 : memref<640x128xf32, #tpu.memory_space<hbm>>) dst(%dma_wait3A_20 : memref<640x128xf32, #tpu.memory_space<vmem_shared>>)
      tpu.yield
    }) : () -> ()
    %barrier3A = arith.constant 0 : index
    tpu.barrier barrier_id(%barrier3A)
    %eq3A = arith.constant 0 : i32
    %eq3A_3 = arith.cmpi eq, %arg0, %eq3A : i32
    %convert_element_type3A = arith.extui %eq3A_3 : i1 to i32
    %cond3A = arith.constant 0 : i32
    %cond3A_4 = arith.cmpi ne, %convert_element_type3A, %cond3A : i32
    scf.if %cond3A_4 {
      %mul3A_17 = arith.constant 144 : i32
      %mul3A_18 = arith.muli %arg1, %mul3A_17 : i32
      %scan3A = arith.constant 0 : i32
      %scan3A_19 = arith.constant 0 : i32
      %scan3A_20 = arith.constant 18 : i32
      %scan3A_21 = arith.addi %scan3A_19, %scan3A_20 : i32
      %scan3A_22 = arith.constant 1 : i32
      scf.for %scan3A_24 = %scan3A_19 to %scan3A_21 step %scan3A_22  : i32 {
        %mul3A_25 = arith.constant 8 : i32
        %mul3A_26 = arith.muli %scan3A_24, %mul3A_25 : i32
        %add3A_27 = arith.addi %mul3A_18, %mul3A_26 : i32
        "tpu.region"() ({
          %run_scoped3A_145 = tpu.sem_alloc : memref<!tpu.dma_semaphore, #tpu.memory_space<semaphore_mem>>
          %dma_start3A_146 = arith.constant 0 : i32
          %dma_start3A_147 = tpu.memref_slice %arg3[%add3A_27, %dma_start3A_146] : memref<2560x128xi32, #tpu.memory_space<hbm>> -> memref<8x128xi32, #tpu.memory_space<hbm>>
          %dma_start3A_148 = arith.constant 0 : i32
          %dma_start3A_149 = tpu.memref_slice %arg3[%add3A_27, %dma_start3A_148] : memref<2560x128xi32, #tpu.memory_space<hbm>> -> memref<8x128xi32, #tpu.memory_space<hbm>>
          tpu.enqueue_dma source(%dma_start3A_149 : memref<8x128xi32, #tpu.memory_space<hbm>>) target(%arg7 : memref<8x128xi32, #tpu.memory_space<vmem>>) target_semaphore(%run_scoped3A_145 : memref<!tpu.dma_semaphore, #tpu.memory_space<semaphore_mem>>)
          %dma_wait3A_150 = arith.constant 0 : i32
          %dma_wait3A_151 = tpu.memref_slice %arg3[%add3A_27, %dma_wait3A_150] : memref<2560x128xi32, #tpu.memory_space<hbm>> -> memref<8x128xi32, #tpu.memory_space<hbm>>
          %dma_wait3A_152 = arith.constant 0 : i32
          %dma_wait3A_153 = tpu.memref_slice %arg3[%add3A_27, %dma_wait3A_152] : memref<2560x128xi32, #tpu.memory_space<hbm>> -> memref<8x128xi32, #tpu.memory_space<hbm>>
          tpu.wait_dma2 semaphore(%run_scoped3A_145 : memref<!tpu.dma_semaphore, #tpu.memory_space<semaphore_mem>>) src(%dma_wait3A_153 : memref<8x128xi32, #tpu.memory_space<hbm>>) dst(%arg7 : memref<8x128xi32, #tpu.memory_space<vmem>>)
          tpu.yield
        }) : () -> ()
        "tpu.region"() ({
          %run_scoped3A_145 = tpu.sem_alloc : memref<!tpu.dma_semaphore, #tpu.memory_space<semaphore_mem>>
          %dma_start3A_146 = arith.constant 0 : i32
          %dma_start3A_147 = tpu.memref_slice %arg4[%add3A_27, %dma_start3A_146] : memref<2560x128xi32, #tpu.memory_space<hbm>> -> memref<8x128xi32, #tpu.memory_space<hbm>>
          %dma_start3A_148 = arith.constant 0 : i32
          %dma_start3A_149 = tpu.memref_slice %arg4[%add3A_27, %dma_start3A_148] : memref<2560x128xi32, #tpu.memory_space<hbm>> -> memref<8x128xi32, #tpu.memory_space<hbm>>
          tpu.enqueue_dma source(%dma_start3A_149 : memref<8x128xi32, #tpu.memory_space<hbm>>) target(%arg8 : memref<8x128xi32, #tpu.memory_space<vmem>>) target_semaphore(%run_scoped3A_145 : memref<!tpu.dma_semaphore, #tpu.memory_space<semaphore_mem>>)
          %dma_wait3A_150 = arith.constant 0 : i32
          %dma_wait3A_151 = tpu.memref_slice %arg4[%add3A_27, %dma_wait3A_150] : memref<2560x128xi32, #tpu.memory_space<hbm>> -> memref<8x128xi32, #tpu.memory_space<hbm>>
          %dma_wait3A_152 = arith.constant 0 : i32
          %dma_wait3A_153 = tpu.memref_slice %arg4[%add3A_27, %dma_wait3A_152] : memref<2560x128xi32, #tpu.memory_space<hbm>> -> memref<8x128xi32, #tpu.memory_space<hbm>>
          tpu.wait_dma2 semaphore(%run_scoped3A_145 : memref<!tpu.dma_semaphore, #tpu.memory_space<semaphore_mem>>) src(%dma_wait3A_153 : memref<8x128xi32, #tpu.memory_space<hbm>>) dst(%arg8 : memref<8x128xi32, #tpu.memory_space<vmem>>)
          tpu.yield
        }) : () -> ()
        %dma_start3A = arith.constant 0 : i32
        %dma_start3A_28 = arith.constant 0 : i32
        %dma_start3A_29 = tpu.memref_slice %arg7[%dma_start3A, %dma_start3A_28] : memref<8x128xi32, #tpu.memory_space<vmem>> -> memref<1x128xi32, #tpu.memory_space<vmem>>
        %dma_start3A_30 = tpu.memref_squeeze %dma_start3A_29 : memref<1x128xi32, #tpu.memory_space<vmem>> -> memref<128xi32, #tpu.memory_space<vmem>>
        %dma_start3A_31 = arith.constant 0 : i32
        %dma_start3A_32 = arith.constant 0 : i32
        %dma_start3A_33 = tpu.memref_slice %arg2[%dma_start3A_31, %dma_start3A_32] : memref<10240x128xf32, #tpu.memory_space<hbm>> -> memref<10240x128xf32, #tpu.memory_space<hbm>>
        tpu.enqueue_indirect_dma source(%dma_start3A_33 : memref<10240x128xf32, #tpu.memory_space<hbm>>) target(%arg9 : memref<128x128xf32, #tpu.memory_space<vmem>>) offsets(%dma_start3A_30 : memref<128xi32, #tpu.memory_space<vmem>>) semaphore(%arg12 : memref<!tpu.dma_semaphore, #tpu.memory_space<semaphore_mem>>)
        %dma_wait3A = arith.constant 0 : i32
        %dma_wait3A_34 = arith.constant 0 : i32
        %dma_wait3A_35 = tpu.memref_slice %arg7[%dma_wait3A, %dma_wait3A_34] : memref<8x128xi32, #tpu.memory_space<vmem>> -> memref<1x128xi32, #tpu.memory_space<vmem>>
        %dma_wait3A_36 = tpu.memref_squeeze %dma_wait3A_35 : memref<1x128xi32, #tpu.memory_space<vmem>> -> memref<128xi32, #tpu.memory_space<vmem>>
        %dma_wait3A_37 = arith.constant 0 : i32
        %dma_wait3A_38 = arith.constant 0 : i32
        %dma_wait3A_39 = tpu.memref_slice %arg2[%dma_wait3A_37, %dma_wait3A_38] : memref<10240x128xf32, #tpu.memory_space<hbm>> -> memref<10240x128xf32, #tpu.memory_space<hbm>>
        tpu.wait_indirect_dma semaphore(%arg12 : memref<!tpu.dma_semaphore, #tpu.memory_space<semaphore_mem>>) src(%dma_wait3A_39 : memref<10240x128xf32, #tpu.memory_space<hbm>>) dst(%arg9 : memref<128x128xf32, #tpu.memory_space<vmem>>)
        %dma_start3A_40 = arith.constant 1 : i32
        %dma_start3A_41 = arith.constant 0 : i32
        %dma_start3A_42 = tpu.memref_slice %arg7[%dma_start3A_40, %dma_start3A_41] : memref<8x128xi32, #tpu.memory_space<vmem>> -> memref<1x128xi32, #tpu.memory_space<vmem>>
        %dma_start3A_43 = tpu.memref_squeeze %dma_start3A_42 : memref<1x128xi32, #tpu.memory_space<vmem>> -> memref<128xi32, #tpu.memory_space<vmem>>
        %dma_start3A_44 = arith.constant 0 : i32
        %dma_start3A_45 = arith.constant 0 : i32
        %dma_start3A_46 = tpu.memref_slice %arg2[%dma_start3A_44, %dma_start3A_45] : memref<10240x128xf32, #tpu.memory_space<hbm>> -> memref<10240x128xf32, #tpu.memory_space<hbm>>
        tpu.enqueue_indirect_dma source(%dma_start3A_46 : memref<10240x128xf32, #tpu.memory_space<hbm>>) target(%arg10 : memref<128x128xf32, #tpu.memory_space<vmem>>) offsets(%dma_start3A_43 : memref<128xi32, #tpu.memory_space<vmem>>) semaphore(%arg13 : memref<!tpu.dma_semaphore, #tpu.memory_space<semaphore_mem>>)
        %run_scoped3A = arith.constant 0 : i32
        "tpu.region"() ({
          %run_scoped3A_145 = tpu.sem_alloc : memref<!tpu.dma_semaphore, #tpu.memory_space<semaphore_mem>>
          %dma_start3A_146 = arith.constant 0 : i32
          %dma_start3A_147 = tpu.memref_slice %arg8[%run_scoped3A, %dma_start3A_146] : memref<8x128xi32, #tpu.memory_space<vmem>> -> memref<1x128xi32, #tpu.memory_space<vmem>>
          %dma_start3A_148 = tpu.memref_squeeze %dma_start3A_147 : memref<1x128xi32, #tpu.memory_space<vmem>> -> memref<128xi32, #tpu.memory_space<vmem>>
          %dma_start3A_149 = arith.constant 0 : i32
          %dma_start3A_150 = arith.constant 0 : i32
          %dma_start3A_151 = tpu.memref_slice %arg11[%dma_start3A_149, %dma_start3A_150] : memref<10240x128xf32, #tpu.memory_space<vmem_shared>> -> memref<10240x128xf32, #tpu.memory_space<vmem_shared>>
          tpu.enqueue_indirect_dma source(%arg9 : memref<128x128xf32, #tpu.memory_space<vmem>>) target(%dma_start3A_151 : memref<10240x128xf32, #tpu.memory_space<vmem_shared>>) offsets(%dma_start3A_148 : memref<128xi32, #tpu.memory_space<vmem>>) semaphore(%run_scoped3A_145 : memref<!tpu.dma_semaphore, #tpu.memory_space<semaphore_mem>>) {add = true}
          %dma_wait3A_152 = arith.constant 0 : i32
          %dma_wait3A_153 = tpu.memref_slice %arg8[%run_scoped3A, %dma_wait3A_152] : memref<8x128xi32, #tpu.memory_space<vmem>> -> memref<1x128xi32, #tpu.memory_space<vmem>>
          %dma_wait3A_154 = tpu.memref_squeeze %dma_wait3A_153 : memref<1x128xi32, #tpu.memory_space<vmem>> -> memref<128xi32, #tpu.memory_space<vmem>>
          %dma_wait3A_155 = arith.constant 0 : i32
          %dma_wait3A_156 = arith.constant 0 : i32
          %dma_wait3A_157 = tpu.memref_slice %arg11[%dma_wait3A_155, %dma_wait3A_156] : memref<10240x128xf32, #tpu.memory_space<vmem_shared>> -> memref<10240x128xf32, #tpu.memory_space<vmem_shared>>
          tpu.wait_indirect_dma semaphore(%run_scoped3A_145 : memref<!tpu.dma_semaphore, #tpu.memory_space<semaphore_mem>>) src(%arg9 : memref<128x128xf32, #tpu.memory_space<vmem>>) dst(%dma_wait3A_157 : memref<10240x128xf32, #tpu.memory_space<vmem_shared>>)
          tpu.yield
        }) : () -> ()
        %dma_wait3A_47 = arith.constant 1 : i32
        %dma_wait3A_48 = arith.constant 0 : i32
        %dma_wait3A_49 = tpu.memref_slice %arg7[%dma_wait3A_47, %dma_wait3A_48] : memref<8x128xi32, #tpu.memory_space<vmem>> -> memref<1x128xi32, #tpu.memory_space<vmem>>
        %dma_wait3A_50 = tpu.memref_squeeze %dma_wait3A_49 : memref<1x128xi32, #tpu.memory_space<vmem>> -> memref<128xi32, #tpu.memory_space<vmem>>
        %dma_wait3A_51 = arith.constant 0 : i32
        %dma_wait3A_52 = arith.constant 0 : i32
        %dma_wait3A_53 = tpu.memref_slice %arg2[%dma_wait3A_51, %dma_wait3A_52] : memref<10240x128xf32, #tpu.memory_space<hbm>> -> memref<10240x128xf32, #tpu.memory_space<hbm>>
        tpu.wait_indirect_dma semaphore(%arg13 : memref<!tpu.dma_semaphore, #tpu.memory_space<semaphore_mem>>) src(%dma_wait3A_53 : memref<10240x128xf32, #tpu.memory_space<hbm>>) dst(%arg10 : memref<128x128xf32, #tpu.memory_space<vmem>>)
        %dma_start3A_54 = arith.constant 2 : i32
        %dma_start3A_55 = arith.constant 0 : i32
        %dma_start3A_56 = tpu.memref_slice %arg7[%dma_start3A_54, %dma_start3A_55] : memref<8x128xi32, #tpu.memory_space<vmem>> -> memref<1x128xi32, #tpu.memory_space<vmem>>
        %dma_start3A_57 = tpu.memref_squeeze %dma_start3A_56 : memref<1x128xi32, #tpu.memory_space<vmem>> -> memref<128xi32, #tpu.memory_space<vmem>>
        %dma_start3A_58 = arith.constant 0 : i32
        %dma_start3A_59 = arith.constant 0 : i32
        %dma_start3A_60 = tpu.memref_slice %arg2[%dma_start3A_58, %dma_start3A_59] : memref<10240x128xf32, #tpu.memory_space<hbm>> -> memref<10240x128xf32, #tpu.memory_space<hbm>>
        tpu.enqueue_indirect_dma source(%dma_start3A_60 : memref<10240x128xf32, #tpu.memory_space<hbm>>) target(%arg9 : memref<128x128xf32, #tpu.memory_space<vmem>>) offsets(%dma_start3A_57 : memref<128xi32, #tpu.memory_space<vmem>>) semaphore(%arg12 : memref<!tpu.dma_semaphore, #tpu.memory_space<semaphore_mem>>)
        %run_scoped3A_61 = arith.constant 1 : i32
        "tpu.region"() ({
          %run_scoped3A_145 = tpu.sem_alloc : memref<!tpu.dma_semaphore, #tpu.memory_space<semaphore_mem>>
          %dma_start3A_146 = arith.constant 0 : i32
          %dma_start3A_147 = tpu.memref_slice %arg8[%run_scoped3A_61, %dma_start3A_146] : memref<8x128xi32, #tpu.memory_space<vmem>> -> memref<1x128xi32, #tpu.memory_space<vmem>>
          %dma_start3A_148 = tpu.memref_squeeze %dma_start3A_147 : memref<1x128xi32, #tpu.memory_space<vmem>> -> memref<128xi32, #tpu.memory_space<vmem>>
          %dma_start3A_149 = arith.constant 0 : i32
          %dma_start3A_150 = arith.constant 0 : i32
          %dma_start3A_151 = tpu.memref_slice %arg11[%dma_start3A_149, %dma_start3A_150] : memref<10240x128xf32, #tpu.memory_space<vmem_shared>> -> memref<10240x128xf32, #tpu.memory_space<vmem_shared>>
          tpu.enqueue_indirect_dma source(%arg10 : memref<128x128xf32, #tpu.memory_space<vmem>>) target(%dma_start3A_151 : memref<10240x128xf32, #tpu.memory_space<vmem_shared>>) offsets(%dma_start3A_148 : memref<128xi32, #tpu.memory_space<vmem>>) semaphore(%run_scoped3A_145 : memref<!tpu.dma_semaphore, #tpu.memory_space<semaphore_mem>>) {add = true}
          %dma_wait3A_152 = arith.constant 0 : i32
          %dma_wait3A_153 = tpu.memref_slice %arg8[%run_scoped3A_61, %dma_wait3A_152] : memref<8x128xi32, #tpu.memory_space<vmem>> -> memref<1x128xi32, #tpu.memory_space<vmem>>
          %dma_wait3A_154 = tpu.memref_squeeze %dma_wait3A_153 : memref<1x128xi32, #tpu.memory_space<vmem>> -> memref<128xi32, #tpu.memory_space<vmem>>
          %dma_wait3A_155 = arith.constant 0 : i32
          %dma_wait3A_156 = arith.constant 0 : i32
          %dma_wait3A_157 = tpu.memref_slice %arg11[%dma_wait3A_155, %dma_wait3A_156] : memref<10240x128xf32, #tpu.memory_space<vmem_shared>> -> memref<10240x128xf32, #tpu.memory_space<vmem_shared>>
          tpu.wait_indirect_dma semaphore(%run_scoped3A_145 : memref<!tpu.dma_semaphore, #tpu.memory_space<semaphore_mem>>) src(%arg10 : memref<128x128xf32, #tpu.memory_space<vmem>>) dst(%dma_wait3A_157 : memref<10240x128xf32, #tpu.memory_space<vmem_shared>>)
          tpu.yield
        }) : () -> ()
        %dma_wait3A_62 = arith.constant 2 : i32
        %dma_wait3A_63 = arith.constant 0 : i32
        %dma_wait3A_64 = tpu.memref_slice %arg7[%dma_wait3A_62, %dma_wait3A_63] : memref<8x128xi32, #tpu.memory_space<vmem>> -> memref<1x128xi32, #tpu.memory_space<vmem>>
        %dma_wait3A_65 = tpu.memref_squeeze %dma_wait3A_64 : memref<1x128xi32, #tpu.memory_space<vmem>> -> memref<128xi32, #tpu.memory_space<vmem>>
        %dma_wait3A_66 = arith.constant 0 : i32
        %dma_wait3A_67 = arith.constant 0 : i32
        %dma_wait3A_68 = tpu.memref_slice %arg2[%dma_wait3A_66, %dma_wait3A_67] : memref<10240x128xf32, #tpu.memory_space<hbm>> -> memref<10240x128xf32, #tpu.memory_space<hbm>>
        tpu.wait_indirect_dma semaphore(%arg12 : memref<!tpu.dma_semaphore, #tpu.memory_space<semaphore_mem>>) src(%dma_wait3A_68 : memref<10240x128xf32, #tpu.memory_space<hbm>>) dst(%arg9 : memref<128x128xf32, #tpu.memory_space<vmem>>)
        %dma_start3A_69 = arith.constant 3 : i32
        %dma_start3A_70 = arith.constant 0 : i32
        %dma_start3A_71 = tpu.memref_slice %arg7[%dma_start3A_69, %dma_start3A_70] : memref<8x128xi32, #tpu.memory_space<vmem>> -> memref<1x128xi32, #tpu.memory_space<vmem>>
        %dma_start3A_72 = tpu.memref_squeeze %dma_start3A_71 : memref<1x128xi32, #tpu.memory_space<vmem>> -> memref<128xi32, #tpu.memory_space<vmem>>
        %dma_start3A_73 = arith.constant 0 : i32
        %dma_start3A_74 = arith.constant 0 : i32
        %dma_start3A_75 = tpu.memref_slice %arg2[%dma_start3A_73, %dma_start3A_74] : memref<10240x128xf32, #tpu.memory_space<hbm>> -> memref<10240x128xf32, #tpu.memory_space<hbm>>
        tpu.enqueue_indirect_dma source(%dma_start3A_75 : memref<10240x128xf32, #tpu.memory_space<hbm>>) target(%arg10 : memref<128x128xf32, #tpu.memory_space<vmem>>) offsets(%dma_start3A_72 : memref<128xi32, #tpu.memory_space<vmem>>) semaphore(%arg13 : memref<!tpu.dma_semaphore, #tpu.memory_space<semaphore_mem>>)
        %run_scoped3A_76 = arith.constant 2 : i32
        "tpu.region"() ({
          %run_scoped3A_145 = tpu.sem_alloc : memref<!tpu.dma_semaphore, #tpu.memory_space<semaphore_mem>>
          %dma_start3A_146 = arith.constant 0 : i32
          %dma_start3A_147 = tpu.memref_slice %arg8[%run_scoped3A_76, %dma_start3A_146] : memref<8x128xi32, #tpu.memory_space<vmem>> -> memref<1x128xi32, #tpu.memory_space<vmem>>
          %dma_start3A_148 = tpu.memref_squeeze %dma_start3A_147 : memref<1x128xi32, #tpu.memory_space<vmem>> -> memref<128xi32, #tpu.memory_space<vmem>>
          %dma_start3A_149 = arith.constant 0 : i32
          %dma_start3A_150 = arith.constant 0 : i32
          %dma_start3A_151 = tpu.memref_slice %arg11[%dma_start3A_149, %dma_start3A_150] : memref<10240x128xf32, #tpu.memory_space<vmem_shared>> -> memref<10240x128xf32, #tpu.memory_space<vmem_shared>>
          tpu.enqueue_indirect_dma source(%arg9 : memref<128x128xf32, #tpu.memory_space<vmem>>) target(%dma_start3A_151 : memref<10240x128xf32, #tpu.memory_space<vmem_shared>>) offsets(%dma_start3A_148 : memref<128xi32, #tpu.memory_space<vmem>>) semaphore(%run_scoped3A_145 : memref<!tpu.dma_semaphore, #tpu.memory_space<semaphore_mem>>) {add = true}
          %dma_wait3A_152 = arith.constant 0 : i32
          %dma_wait3A_153 = tpu.memref_slice %arg8[%run_scoped3A_76, %dma_wait3A_152] : memref<8x128xi32, #tpu.memory_space<vmem>> -> memref<1x128xi32, #tpu.memory_space<vmem>>
          %dma_wait3A_154 = tpu.memref_squeeze %dma_wait3A_153 : memref<1x128xi32, #tpu.memory_space<vmem>> -> memref<128xi32, #tpu.memory_space<vmem>>
          %dma_wait3A_155 = arith.constant 0 : i32
          %dma_wait3A_156 = arith.constant 0 : i32
          %dma_wait3A_157 = tpu.memref_slice %arg11[%dma_wait3A_155, %dma_wait3A_156] : memref<10240x128xf32, #tpu.memory_space<vmem_shared>> -> memref<10240x128xf32, #tpu.memory_space<vmem_shared>>
          tpu.wait_indirect_dma semaphore(%run_scoped3A_145 : memref<!tpu.dma_semaphore, #tpu.memory_space<semaphore_mem>>) src(%arg9 : memref<128x128xf32, #tpu.memory_space<vmem>>) dst(%dma_wait3A_157 : memref<10240x128xf32, #tpu.memory_space<vmem_shared>>)
          tpu.yield
        }) : () -> ()
        %dma_wait3A_77 = arith.constant 3 : i32
        %dma_wait3A_78 = arith.constant 0 : i32
        %dma_wait3A_79 = tpu.memref_slice %arg7[%dma_wait3A_77, %dma_wait3A_78] : memref<8x128xi32, #tpu.memory_space<vmem>> -> memref<1x128xi32, #tpu.memory_space<vmem>>
        %dma_wait3A_80 = tpu.memref_squeeze %dma_wait3A_79 : memref<1x128xi32, #tpu.memory_space<vmem>> -> memref<128xi32, #tpu.memory_space<vmem>>
        %dma_wait3A_81 = arith.constant 0 : i32
        %dma_wait3A_82 = arith.constant 0 : i32
        %dma_wait3A_83 = tpu.memref_slice %arg2[%dma_wait3A_81, %dma_wait3A_82] : memref<10240x128xf32, #tpu.memory_space<hbm>> -> memref<10240x128xf32, #tpu.memory_space<hbm>>
        tpu.wait_indirect_dma semaphore(%arg13 : memref<!tpu.dma_semaphore, #tpu.memory_space<semaphore_mem>>) src(%dma_wait3A_83 : memref<10240x128xf32, #tpu.memory_space<hbm>>) dst(%arg10 : memref<128x128xf32, #tpu.memory_space<vmem>>)
        %dma_start3A_84 = arith.constant 4 : i32
        %dma_start3A_85 = arith.constant 0 : i32
        %dma_start3A_86 = tpu.memref_slice %arg7[%dma_start3A_84, %dma_start3A_85] : memref<8x128xi32, #tpu.memory_space<vmem>> -> memref<1x128xi32, #tpu.memory_space<vmem>>
        %dma_start3A_87 = tpu.memref_squeeze %dma_start3A_86 : memref<1x128xi32, #tpu.memory_space<vmem>> -> memref<128xi32, #tpu.memory_space<vmem>>
        %dma_start3A_88 = arith.constant 0 : i32
        %dma_start3A_89 = arith.constant 0 : i32
        %dma_start3A_90 = tpu.memref_slice %arg2[%dma_start3A_88, %dma_start3A_89] : memref<10240x128xf32, #tpu.memory_space<hbm>> -> memref<10240x128xf32, #tpu.memory_space<hbm>>
        tpu.enqueue_indirect_dma source(%dma_start3A_90 : memref<10240x128xf32, #tpu.memory_space<hbm>>) target(%arg9 : memref<128x128xf32, #tpu.memory_space<vmem>>) offsets(%dma_start3A_87 : memref<128xi32, #tpu.memory_space<vmem>>) semaphore(%arg12 : memref<!tpu.dma_semaphore, #tpu.memory_space<semaphore_mem>>)
        %run_scoped3A_91 = arith.constant 3 : i32
        "tpu.region"() ({
          %run_scoped3A_145 = tpu.sem_alloc : memref<!tpu.dma_semaphore, #tpu.memory_space<semaphore_mem>>
          %dma_start3A_146 = arith.constant 0 : i32
          %dma_start3A_147 = tpu.memref_slice %arg8[%run_scoped3A_91, %dma_start3A_146] : memref<8x128xi32, #tpu.memory_space<vmem>> -> memref<1x128xi32, #tpu.memory_space<vmem>>
          %dma_start3A_148 = tpu.memref_squeeze %dma_start3A_147 : memref<1x128xi32, #tpu.memory_space<vmem>> -> memref<128xi32, #tpu.memory_space<vmem>>
          %dma_start3A_149 = arith.constant 0 : i32
          %dma_start3A_150 = arith.constant 0 : i32
          %dma_start3A_151 = tpu.memref_slice %arg11[%dma_start3A_149, %dma_start3A_150] : memref<10240x128xf32, #tpu.memory_space<vmem_shared>> -> memref<10240x128xf32, #tpu.memory_space<vmem_shared>>
          tpu.enqueue_indirect_dma source(%arg10 : memref<128x128xf32, #tpu.memory_space<vmem>>) target(%dma_start3A_151 : memref<10240x128xf32, #tpu.memory_space<vmem_shared>>) offsets(%dma_start3A_148 : memref<128xi32, #tpu.memory_space<vmem>>) semaphore(%run_scoped3A_145 : memref<!tpu.dma_semaphore, #tpu.memory_space<semaphore_mem>>) {add = true}
          %dma_wait3A_152 = arith.constant 0 : i32
          %dma_wait3A_153 = tpu.memref_slice %arg8[%run_scoped3A_91, %dma_wait3A_152] : memref<8x128xi32, #tpu.memory_space<vmem>> -> memref<1x128xi32, #tpu.memory_space<vmem>>
          %dma_wait3A_154 = tpu.memref_squeeze %dma_wait3A_153 : memref<1x128xi32, #tpu.memory_space<vmem>> -> memref<128xi32, #tpu.memory_space<vmem>>
          %dma_wait3A_155 = arith.constant 0 : i32
          %dma_wait3A_156 = arith.constant 0 : i32
          %dma_wait3A_157 = tpu.memref_slice %arg11[%dma_wait3A_155, %dma_wait3A_156] : memref<10240x128xf32, #tpu.memory_space<vmem_shared>> -> memref<10240x128xf32, #tpu.memory_space<vmem_shared>>
          tpu.wait_indirect_dma semaphore(%run_scoped3A_145 : memref<!tpu.dma_semaphore, #tpu.memory_space<semaphore_mem>>) src(%arg10 : memref<128x128xf32, #tpu.memory_space<vmem>>) dst(%dma_wait3A_157 : memref<10240x128xf32, #tpu.memory_space<vmem_shared>>)
          tpu.yield
        }) : () -> ()
        %dma_wait3A_92 = arith.constant 4 : i32
        %dma_wait3A_93 = arith.constant 0 : i32
        %dma_wait3A_94 = tpu.memref_slice %arg7[%dma_wait3A_92, %dma_wait3A_93] : memref<8x128xi32, #tpu.memory_space<vmem>> -> memref<1x128xi32, #tpu.memory_space<vmem>>
        %dma_wait3A_95 = tpu.memref_squeeze %dma_wait3A_94 : memref<1x128xi32, #tpu.memory_space<vmem>> -> memref<128xi32, #tpu.memory_space<vmem>>
        %dma_wait3A_96 = arith.constant 0 : i32
        %dma_wait3A_97 = arith.constant 0 : i32
        %dma_wait3A_98 = tpu.memref_slice %arg2[%dma_wait3A_96, %dma_wait3A_97] : memref<10240x128xf32, #tpu.memory_space<hbm>> -> memref<10240x128xf32, #tpu.memory_space<hbm>>
        tpu.wait_indirect_dma semaphore(%arg12 : memref<!tpu.dma_semaphore, #tpu.memory_space<semaphore_mem>>) src(%dma_wait3A_98 : memref<10240x128xf32, #tpu.memory_space<hbm>>) dst(%arg9 : memref<128x128xf32, #tpu.memory_space<vmem>>)
        %dma_start3A_99 = arith.constant 5 : i32
        %dma_start3A_100 = arith.constant 0 : i32
        %dma_start3A_101 = tpu.memref_slice %arg7[%dma_start3A_99, %dma_start3A_100] : memref<8x128xi32, #tpu.memory_space<vmem>> -> memref<1x128xi32, #tpu.memory_space<vmem>>
        %dma_start3A_102 = tpu.memref_squeeze %dma_start3A_101 : memref<1x128xi32, #tpu.memory_space<vmem>> -> memref<128xi32, #tpu.memory_space<vmem>>
        %dma_start3A_103 = arith.constant 0 : i32
        %dma_start3A_104 = arith.constant 0 : i32
        %dma_start3A_105 = tpu.memref_slice %arg2[%dma_start3A_103, %dma_start3A_104] : memref<10240x128xf32, #tpu.memory_space<hbm>> -> memref<10240x128xf32, #tpu.memory_space<hbm>>
        tpu.enqueue_indirect_dma source(%dma_start3A_105 : memref<10240x128xf32, #tpu.memory_space<hbm>>) target(%arg10 : memref<128x128xf32, #tpu.memory_space<vmem>>) offsets(%dma_start3A_102 : memref<128xi32, #tpu.memory_space<vmem>>) semaphore(%arg13 : memref<!tpu.dma_semaphore, #tpu.memory_space<semaphore_mem>>)
        %run_scoped3A_106 = arith.constant 4 : i32
        "tpu.region"() ({
          %run_scoped3A_145 = tpu.sem_alloc : memref<!tpu.dma_semaphore, #tpu.memory_space<semaphore_mem>>
          %dma_start3A_146 = arith.constant 0 : i32
          %dma_start3A_147 = tpu.memref_slice %arg8[%run_scoped3A_106, %dma_start3A_146] : memref<8x128xi32, #tpu.memory_space<vmem>> -> memref<1x128xi32, #tpu.memory_space<vmem>>
          %dma_start3A_148 = tpu.memref_squeeze %dma_start3A_147 : memref<1x128xi32, #tpu.memory_space<vmem>> -> memref<128xi32, #tpu.memory_space<vmem>>
          %dma_start3A_149 = arith.constant 0 : i32
          %dma_start3A_150 = arith.constant 0 : i32
          %dma_start3A_151 = tpu.memref_slice %arg11[%dma_start3A_149, %dma_start3A_150] : memref<10240x128xf32, #tpu.memory_space<vmem_shared>> -> memref<10240x128xf32, #tpu.memory_space<vmem_shared>>
          tpu.enqueue_indirect_dma source(%arg9 : memref<128x128xf32, #tpu.memory_space<vmem>>) target(%dma_start3A_151 : memref<10240x128xf32, #tpu.memory_space<vmem_shared>>) offsets(%dma_start3A_148 : memref<128xi32, #tpu.memory_space<vmem>>) semaphore(%run_scoped3A_145 : memref<!tpu.dma_semaphore, #tpu.memory_space<semaphore_mem>>) {add = true}
          %dma_wait3A_152 = arith.constant 0 : i32
          %dma_wait3A_153 = tpu.memref_slice %arg8[%run_scoped3A_106, %dma_wait3A_152] : memref<8x128xi32, #tpu.memory_space<vmem>> -> memref<1x128xi32, #tpu.memory_space<vmem>>
          %dma_wait3A_154 = tpu.memref_squeeze %dma_wait3A_153 : memref<1x128xi32, #tpu.memory_space<vmem>> -> memref<128xi32, #tpu.memory_space<vmem>>
          %dma_wait3A_155 = arith.constant 0 : i32
          %dma_wait3A_156 = arith.constant 0 : i32
          %dma_wait3A_157 = tpu.memref_slice %arg11[%dma_wait3A_155, %dma_wait3A_156] : memref<10240x128xf32, #tpu.memory_space<vmem_shared>> -> memref<10240x128xf32, #tpu.memory_space<vmem_shared>>
          tpu.wait_indirect_dma semaphore(%run_scoped3A_145 : memref<!tpu.dma_semaphore, #tpu.memory_space<semaphore_mem>>) src(%arg9 : memref<128x128xf32, #tpu.memory_space<vmem>>) dst(%dma_wait3A_157 : memref<10240x128xf32, #tpu.memory_space<vmem_shared>>)
          tpu.yield
        }) : () -> ()
        %dma_wait3A_107 = arith.constant 5 : i32
        %dma_wait3A_108 = arith.constant 0 : i32
        %dma_wait3A_109 = tpu.memref_slice %arg7[%dma_wait3A_107, %dma_wait3A_108] : memref<8x128xi32, #tpu.memory_space<vmem>> -> memref<1x128xi32, #tpu.memory_space<vmem>>
        %dma_wait3A_110 = tpu.memref_squeeze %dma_wait3A_109 : memref<1x128xi32, #tpu.memory_space<vmem>> -> memref<128xi32, #tpu.memory_space<vmem>>
        %dma_wait3A_111 = arith.constant 0 : i32
        %dma_wait3A_112 = arith.constant 0 : i32
        %dma_wait3A_113 = tpu.memref_slice %arg2[%dma_wait3A_111, %dma_wait3A_112] : memref<10240x128xf32, #tpu.memory_space<hbm>> -> memref<10240x128xf32, #tpu.memory_space<hbm>>
        tpu.wait_indirect_dma semaphore(%arg13 : memref<!tpu.dma_semaphore, #tpu.memory_space<semaphore_mem>>) src(%dma_wait3A_113 : memref<10240x128xf32, #tpu.memory_space<hbm>>) dst(%arg10 : memref<128x128xf32, #tpu.memory_space<vmem>>)
        %dma_start3A_114 = arith.constant 6 : i32
        %dma_start3A_115 = arith.constant 0 : i32
        %dma_start3A_116 = tpu.memref_slice %arg7[%dma_start3A_114, %dma_start3A_115] : memref<8x128xi32, #tpu.memory_space<vmem>> -> memref<1x128xi32, #tpu.memory_space<vmem>>
        %dma_start3A_117 = tpu.memref_squeeze %dma_start3A_116 : memref<1x128xi32, #tpu.memory_space<vmem>> -> memref<128xi32, #tpu.memory_space<vmem>>
        %dma_start3A_118 = arith.constant 0 : i32
        %dma_start3A_119 = arith.constant 0 : i32
        %dma_start3A_120 = tpu.memref_slice %arg2[%dma_start3A_118, %dma_start3A_119] : memref<10240x128xf32, #tpu.memory_space<hbm>> -> memref<10240x128xf32, #tpu.memory_space<hbm>>
        tpu.enqueue_indirect_dma source(%dma_start3A_120 : memref<10240x128xf32, #tpu.memory_space<hbm>>) target(%arg9 : memref<128x128xf32, #tpu.memory_space<vmem>>) offsets(%dma_start3A_117 : memref<128xi32, #tpu.memory_space<vmem>>) semaphore(%arg12 : memref<!tpu.dma_semaphore, #tpu.memory_space<semaphore_mem>>)
        %run_scoped3A_121 = arith.constant 5 : i32
        "tpu.region"() ({
          %run_scoped3A_145 = tpu.sem_alloc : memref<!tpu.dma_semaphore, #tpu.memory_space<semaphore_mem>>
          %dma_start3A_146 = arith.constant 0 : i32
          %dma_start3A_147 = tpu.memref_slice %arg8[%run_scoped3A_121, %dma_start3A_146] : memref<8x128xi32, #tpu.memory_space<vmem>> -> memref<1x128xi32, #tpu.memory_space<vmem>>
          %dma_start3A_148 = tpu.memref_squeeze %dma_start3A_147 : memref<1x128xi32, #tpu.memory_space<vmem>> -> memref<128xi32, #tpu.memory_space<vmem>>
          %dma_start3A_149 = arith.constant 0 : i32
          %dma_start3A_150 = arith.constant 0 : i32
          %dma_start3A_151 = tpu.memref_slice %arg11[%dma_start3A_149, %dma_start3A_150] : memref<10240x128xf32, #tpu.memory_space<vmem_shared>> -> memref<10240x128xf32, #tpu.memory_space<vmem_shared>>
          tpu.enqueue_indirect_dma source(%arg10 : memref<128x128xf32, #tpu.memory_space<vmem>>) target(%dma_start3A_151 : memref<10240x128xf32, #tpu.memory_space<vmem_shared>>) offsets(%dma_start3A_148 : memref<128xi32, #tpu.memory_space<vmem>>) semaphore(%run_scoped3A_145 : memref<!tpu.dma_semaphore, #tpu.memory_space<semaphore_mem>>) {add = true}
          %dma_wait3A_152 = arith.constant 0 : i32
          %dma_wait3A_153 = tpu.memref_slice %arg8[%run_scoped3A_121, %dma_wait3A_152] : memref<8x128xi32, #tpu.memory_space<vmem>> -> memref<1x128xi32, #tpu.memory_space<vmem>>
          %dma_wait3A_154 = tpu.memref_squeeze %dma_wait3A_153 : memref<1x128xi32, #tpu.memory_space<vmem>> -> memref<128xi32, #tpu.memory_space<vmem>>
          %dma_wait3A_155 = arith.constant 0 : i32
          %dma_wait3A_156 = arith.constant 0 : i32
          %dma_wait3A_157 = tpu.memref_slice %arg11[%dma_wait3A_155, %dma_wait3A_156] : memref<10240x128xf32, #tpu.memory_space<vmem_shared>> -> memref<10240x128xf32, #tpu.memory_space<vmem_shared>>
          tpu.wait_indirect_dma semaphore(%run_scoped3A_145 : memref<!tpu.dma_semaphore, #tpu.memory_space<semaphore_mem>>) src(%arg10 : memref<128x128xf32, #tpu.memory_space<vmem>>) dst(%dma_wait3A_157 : memref<10240x128xf32, #tpu.memory_space<vmem_shared>>)
          tpu.yield
        }) : () -> ()
        %dma_wait3A_122 = arith.constant 6 : i32
        %dma_wait3A_123 = arith.constant 0 : i32
        %dma_wait3A_124 = tpu.memref_slice %arg7[%dma_wait3A_122, %dma_wait3A_123] : memref<8x128xi32, #tpu.memory_space<vmem>> -> memref<1x128xi32, #tpu.memory_space<vmem>>
        %dma_wait3A_125 = tpu.memref_squeeze %dma_wait3A_124 : memref<1x128xi32, #tpu.memory_space<vmem>> -> memref<128xi32, #tpu.memory_space<vmem>>
        %dma_wait3A_126 = arith.constant 0 : i32
        %dma_wait3A_127 = arith.constant 0 : i32
        %dma_wait3A_128 = tpu.memref_slice %arg2[%dma_wait3A_126, %dma_wait3A_127] : memref<10240x128xf32, #tpu.memory_space<hbm>> -> memref<10240x128xf32, #tpu.memory_space<hbm>>
        tpu.wait_indirect_dma semaphore(%arg12 : memref<!tpu.dma_semaphore, #tpu.memory_space<semaphore_mem>>) src(%dma_wait3A_128 : memref<10240x128xf32, #tpu.memory_space<hbm>>) dst(%arg9 : memref<128x128xf32, #tpu.memory_space<vmem>>)
        %dma_start3A_129 = arith.constant 7 : i32
        %dma_start3A_130 = arith.constant 0 : i32
        %dma_start3A_131 = tpu.memref_slice %arg7[%dma_start3A_129, %dma_start3A_130] : memref<8x128xi32, #tpu.memory_space<vmem>> -> memref<1x128xi32, #tpu.memory_space<vmem>>
        %dma_start3A_132 = tpu.memref_squeeze %dma_start3A_131 : memref<1x128xi32, #tpu.memory_space<vmem>> -> memref<128xi32, #tpu.memory_space<vmem>>
        %dma_start3A_133 = arith.constant 0 : i32
        %dma_start3A_134 = arith.constant 0 : i32
        %dma_start3A_135 = tpu.memref_slice %arg2[%dma_start3A_133, %dma_start3A_134] : memref<10240x128xf32, #tpu.memory_space<hbm>> -> memref<10240x128xf32, #tpu.memory_space<hbm>>
        tpu.enqueue_indirect_dma source(%dma_start3A_135 : memref<10240x128xf32, #tpu.memory_space<hbm>>) target(%arg10 : memref<128x128xf32, #tpu.memory_space<vmem>>) offsets(%dma_start3A_132 : memref<128xi32, #tpu.memory_space<vmem>>) semaphore(%arg13 : memref<!tpu.dma_semaphore, #tpu.memory_space<semaphore_mem>>)
        %run_scoped3A_136 = arith.constant 6 : i32
        "tpu.region"() ({
          %run_scoped3A_145 = tpu.sem_alloc : memref<!tpu.dma_semaphore, #tpu.memory_space<semaphore_mem>>
          %dma_start3A_146 = arith.constant 0 : i32
          %dma_start3A_147 = tpu.memref_slice %arg8[%run_scoped3A_136, %dma_start3A_146] : memref<8x128xi32, #tpu.memory_space<vmem>> -> memref<1x128xi32, #tpu.memory_space<vmem>>
          %dma_start3A_148 = tpu.memref_squeeze %dma_start3A_147 : memref<1x128xi32, #tpu.memory_space<vmem>> -> memref<128xi32, #tpu.memory_space<vmem>>
          %dma_start3A_149 = arith.constant 0 : i32
          %dma_start3A_150 = arith.constant 0 : i32
          %dma_start3A_151 = tpu.memref_slice %arg11[%dma_start3A_149, %dma_start3A_150] : memref<10240x128xf32, #tpu.memory_space<vmem_shared>> -> memref<10240x128xf32, #tpu.memory_space<vmem_shared>>
          tpu.enqueue_indirect_dma source(%arg9 : memref<128x128xf32, #tpu.memory_space<vmem>>) target(%dma_start3A_151 : memref<10240x128xf32, #tpu.memory_space<vmem_shared>>) offsets(%dma_start3A_148 : memref<128xi32, #tpu.memory_space<vmem>>) semaphore(%run_scoped3A_145 : memref<!tpu.dma_semaphore, #tpu.memory_space<semaphore_mem>>) {add = true}
          %dma_wait3A_152 = arith.constant 0 : i32
          %dma_wait3A_153 = tpu.memref_slice %arg8[%run_scoped3A_136, %dma_wait3A_152] : memref<8x128xi32, #tpu.memory_space<vmem>> -> memref<1x128xi32, #tpu.memory_space<vmem>>
          %dma_wait3A_154 = tpu.memref_squeeze %dma_wait3A_153 : memref<1x128xi32, #tpu.memory_space<vmem>> -> memref<128xi32, #tpu.memory_space<vmem>>
          %dma_wait3A_155 = arith.constant 0 : i32
          %dma_wait3A_156 = arith.constant 0 : i32
          %dma_wait3A_157 = tpu.memref_slice %arg11[%dma_wait3A_155, %dma_wait3A_156] : memref<10240x128xf32, #tpu.memory_space<vmem_shared>> -> memref<10240x128xf32, #tpu.memory_space<vmem_shared>>
          tpu.wait_indirect_dma semaphore(%run_scoped3A_145 : memref<!tpu.dma_semaphore, #tpu.memory_space<semaphore_mem>>) src(%arg9 : memref<128x128xf32, #tpu.memory_space<vmem>>) dst(%dma_wait3A_157 : memref<10240x128xf32, #tpu.memory_space<vmem_shared>>)
          tpu.yield
        }) : () -> ()
        %dma_wait3A_137 = arith.constant 7 : i32
        %dma_wait3A_138 = arith.constant 0 : i32
        %dma_wait3A_139 = tpu.memref_slice %arg7[%dma_wait3A_137, %dma_wait3A_138] : memref<8x128xi32, #tpu.memory_space<vmem>> -> memref<1x128xi32, #tpu.memory_space<vmem>>
        %dma_wait3A_140 = tpu.memref_squeeze %dma_wait3A_139 : memref<1x128xi32, #tpu.memory_space<vmem>> -> memref<128xi32, #tpu.memory_space<vmem>>
        %dma_wait3A_141 = arith.constant 0 : i32
        %dma_wait3A_142 = arith.constant 0 : i32
        %dma_wait3A_143 = tpu.memref_slice %arg2[%dma_wait3A_141, %dma_wait3A_142] : memref<10240x128xf32, #tpu.memory_space<hbm>> -> memref<10240x128xf32, #tpu.memory_space<hbm>>
        tpu.wait_indirect_dma semaphore(%arg13 : memref<!tpu.dma_semaphore, #tpu.memory_space<semaphore_mem>>) src(%dma_wait3A_143 : memref<10240x128xf32, #tpu.memory_space<hbm>>) dst(%arg10 : memref<128x128xf32, #tpu.memory_space<vmem>>)
        %run_scoped3A_144 = arith.constant 7 : i32
        "tpu.region"() ({
          %run_scoped3A_145 = tpu.sem_alloc : memref<!tpu.dma_semaphore, #tpu.memory_space<semaphore_mem>>
          %dma_start3A_146 = arith.constant 0 : i32
          %dma_start3A_147 = tpu.memref_slice %arg8[%run_scoped3A_144, %dma_start3A_146] : memref<8x128xi32, #tpu.memory_space<vmem>> -> memref<1x128xi32, #tpu.memory_space<vmem>>
          %dma_start3A_148 = tpu.memref_squeeze %dma_start3A_147 : memref<1x128xi32, #tpu.memory_space<vmem>> -> memref<128xi32, #tpu.memory_space<vmem>>
          %dma_start3A_149 = arith.constant 0 : i32
          %dma_start3A_150 = arith.constant 0 : i32
          %dma_start3A_151 = tpu.memref_slice %arg11[%dma_start3A_149, %dma_start3A_150] : memref<10240x128xf32, #tpu.memory_space<vmem_shared>> -> memref<10240x128xf32, #tpu.memory_space<vmem_shared>>
          tpu.enqueue_indirect_dma source(%arg10 : memref<128x128xf32, #tpu.memory_space<vmem>>) target(%dma_start3A_151 : memref<10240x128xf32, #tpu.memory_space<vmem_shared>>) offsets(%dma_start3A_148 : memref<128xi32, #tpu.memory_space<vmem>>) semaphore(%run_scoped3A_145 : memref<!tpu.dma_semaphore, #tpu.memory_space<semaphore_mem>>) {add = true}
          %dma_wait3A_152 = arith.constant 0 : i32
          %dma_wait3A_153 = tpu.memref_slice %arg8[%run_scoped3A_144, %dma_wait3A_152] : memref<8x128xi32, #tpu.memory_space<vmem>> -> memref<1x128xi32, #tpu.memory_space<vmem>>
          %dma_wait3A_154 = tpu.memref_squeeze %dma_wait3A_153 : memref<1x128xi32, #tpu.memory_space<vmem>> -> memref<128xi32, #tpu.memory_space<vmem>>
          %dma_wait3A_155 = arith.constant 0 : i32
          %dma_wait3A_156 = arith.constant 0 : i32
          %dma_wait3A_157 = tpu.memref_slice %arg11[%dma_wait3A_155, %dma_wait3A_156] : memref<10240x128xf32, #tpu.memory_space<vmem_shared>> -> memref<10240x128xf32, #tpu.memory_space<vmem_shared>>
          tpu.wait_indirect_dma semaphore(%run_scoped3A_145 : memref<!tpu.dma_semaphore, #tpu.memory_space<semaphore_mem>>) src(%arg10 : memref<128x128xf32, #tpu.memory_space<vmem>>) dst(%dma_wait3A_157 : memref<10240x128xf32, #tpu.memory_space<vmem_shared>>)
          tpu.yield
        }) : () -> ()
      }
      %scan3A_23 = arith.constant 18 : i32
    } else {
    }
    %eq3A_5 = arith.constant 1 : i32
    %eq3A_6 = arith.cmpi eq, %arg0, %eq3A_5 : i32
    %convert_element_type3A_7 = arith.extui %eq3A_6 : i1 to i32
    %cond3A_8 = arith.constant 0 : i32
    %cond3A_9 = arith.cmpi ne, %convert_element_type3A_7, %cond3A_8 : i32
    scf.if %cond3A_9 {
      %mul3A_17 = arith.constant 16 : i32
      %mul3A_18 = arith.muli %arg1, %mul3A_17 : i32
      %add3A_19 = arith.constant 2304 : i32
      %add3A_20 = arith.addi %add3A_19, %mul3A_18 : i32
      %scan3A = arith.constant 0 : i32
      %scan3A_21 = arith.constant 0 : i32
      %scan3A_22 = arith.constant 2 : i32
      %scan3A_23 = arith.addi %scan3A_21, %scan3A_22 : i32
      %scan3A_24 = arith.constant 1 : i32
      scf.for %scan3A_26 = %scan3A_21 to %scan3A_23 step %scan3A_24  : i32 {
        %mul3A_27 = arith.constant 8 : i32
        %mul3A_28 = arith.muli %scan3A_26, %mul3A_27 : i32
        %add3A_29 = arith.addi %add3A_20, %mul3A_28 : i32
        "tpu.region"() ({
          %run_scoped3A_147 = tpu.sem_alloc : memref<!tpu.dma_semaphore, #tpu.memory_space<semaphore_mem>>
          %dma_start3A_148 = arith.constant 0 : i32
          %dma_start3A_149 = tpu.memref_slice %arg3[%add3A_29, %dma_start3A_148] : memref<2560x128xi32, #tpu.memory_space<hbm>> -> memref<8x128xi32, #tpu.memory_space<hbm>>
          %dma_start3A_150 = arith.constant 0 : i32
          %dma_start3A_151 = tpu.memref_slice %arg3[%add3A_29, %dma_start3A_150] : memref<2560x128xi32, #tpu.memory_space<hbm>> -> memref<8x128xi32, #tpu.memory_space<hbm>>
          tpu.enqueue_dma source(%dma_start3A_151 : memref<8x128xi32, #tpu.memory_space<hbm>>) target(%arg7 : memref<8x128xi32, #tpu.memory_space<vmem>>) target_semaphore(%run_scoped3A_147 : memref<!tpu.dma_semaphore, #tpu.memory_space<semaphore_mem>>)
          %dma_wait3A_152 = arith.constant 0 : i32
          %dma_wait3A_153 = tpu.memref_slice %arg3[%add3A_29, %dma_wait3A_152] : memref<2560x128xi32, #tpu.memory_space<hbm>> -> memref<8x128xi32, #tpu.memory_space<hbm>>
          %dma_wait3A_154 = arith.constant 0 : i32
          %dma_wait3A_155 = tpu.memref_slice %arg3[%add3A_29, %dma_wait3A_154] : memref<2560x128xi32, #tpu.memory_space<hbm>> -> memref<8x128xi32, #tpu.memory_space<hbm>>
          tpu.wait_dma2 semaphore(%run_scoped3A_147 : memref<!tpu.dma_semaphore, #tpu.memory_space<semaphore_mem>>) src(%dma_wait3A_155 : memref<8x128xi32, #tpu.memory_space<hbm>>) dst(%arg7 : memref<8x128xi32, #tpu.memory_space<vmem>>)
          tpu.yield
        }) : () -> ()
        "tpu.region"() ({
          %run_scoped3A_147 = tpu.sem_alloc : memref<!tpu.dma_semaphore, #tpu.memory_space<semaphore_mem>>
          %dma_start3A_148 = arith.constant 0 : i32
          %dma_start3A_149 = tpu.memref_slice %arg4[%add3A_29, %dma_start3A_148] : memref<2560x128xi32, #tpu.memory_space<hbm>> -> memref<8x128xi32, #tpu.memory_space<hbm>>
          %dma_start3A_150 = arith.constant 0 : i32
          %dma_start3A_151 = tpu.memref_slice %arg4[%add3A_29, %dma_start3A_150] : memref<2560x128xi32, #tpu.memory_space<hbm>> -> memref<8x128xi32, #tpu.memory_space<hbm>>
          tpu.enqueue_dma source(%dma_start3A_151 : memref<8x128xi32, #tpu.memory_space<hbm>>) target(%arg8 : memref<8x128xi32, #tpu.memory_space<vmem>>) target_semaphore(%run_scoped3A_147 : memref<!tpu.dma_semaphore, #tpu.memory_space<semaphore_mem>>)
          %dma_wait3A_152 = arith.constant 0 : i32
          %dma_wait3A_153 = tpu.memref_slice %arg4[%add3A_29, %dma_wait3A_152] : memref<2560x128xi32, #tpu.memory_space<hbm>> -> memref<8x128xi32, #tpu.memory_space<hbm>>
          %dma_wait3A_154 = arith.constant 0 : i32
          %dma_wait3A_155 = tpu.memref_slice %arg4[%add3A_29, %dma_wait3A_154] : memref<2560x128xi32, #tpu.memory_space<hbm>> -> memref<8x128xi32, #tpu.memory_space<hbm>>
          tpu.wait_dma2 semaphore(%run_scoped3A_147 : memref<!tpu.dma_semaphore, #tpu.memory_space<semaphore_mem>>) src(%dma_wait3A_155 : memref<8x128xi32, #tpu.memory_space<hbm>>) dst(%arg8 : memref<8x128xi32, #tpu.memory_space<vmem>>)
          tpu.yield
        }) : () -> ()
        %dma_start3A = arith.constant 0 : i32
        %dma_start3A_30 = arith.constant 0 : i32
        %dma_start3A_31 = tpu.memref_slice %arg7[%dma_start3A, %dma_start3A_30] : memref<8x128xi32, #tpu.memory_space<vmem>> -> memref<1x128xi32, #tpu.memory_space<vmem>>
        %dma_start3A_32 = tpu.memref_squeeze %dma_start3A_31 : memref<1x128xi32, #tpu.memory_space<vmem>> -> memref<128xi32, #tpu.memory_space<vmem>>
        %dma_start3A_33 = arith.constant 0 : i32
        %dma_start3A_34 = arith.constant 0 : i32
        %dma_start3A_35 = tpu.memref_slice %arg2[%dma_start3A_33, %dma_start3A_34] : memref<10240x128xf32, #tpu.memory_space<hbm>> -> memref<10240x128xf32, #tpu.memory_space<hbm>>
        tpu.enqueue_indirect_dma source(%dma_start3A_35 : memref<10240x128xf32, #tpu.memory_space<hbm>>) target(%arg9 : memref<128x128xf32, #tpu.memory_space<vmem>>) offsets(%dma_start3A_32 : memref<128xi32, #tpu.memory_space<vmem>>) semaphore(%arg12 : memref<!tpu.dma_semaphore, #tpu.memory_space<semaphore_mem>>)
        %dma_wait3A = arith.constant 0 : i32
        %dma_wait3A_36 = arith.constant 0 : i32
        %dma_wait3A_37 = tpu.memref_slice %arg7[%dma_wait3A, %dma_wait3A_36] : memref<8x128xi32, #tpu.memory_space<vmem>> -> memref<1x128xi32, #tpu.memory_space<vmem>>
        %dma_wait3A_38 = tpu.memref_squeeze %dma_wait3A_37 : memref<1x128xi32, #tpu.memory_space<vmem>> -> memref<128xi32, #tpu.memory_space<vmem>>
        %dma_wait3A_39 = arith.constant 0 : i32
        %dma_wait3A_40 = arith.constant 0 : i32
        %dma_wait3A_41 = tpu.memref_slice %arg2[%dma_wait3A_39, %dma_wait3A_40] : memref<10240x128xf32, #tpu.memory_space<hbm>> -> memref<10240x128xf32, #tpu.memory_space<hbm>>
        tpu.wait_indirect_dma semaphore(%arg12 : memref<!tpu.dma_semaphore, #tpu.memory_space<semaphore_mem>>) src(%dma_wait3A_41 : memref<10240x128xf32, #tpu.memory_space<hbm>>) dst(%arg9 : memref<128x128xf32, #tpu.memory_space<vmem>>)
        %dma_start3A_42 = arith.constant 1 : i32
        %dma_start3A_43 = arith.constant 0 : i32
        %dma_start3A_44 = tpu.memref_slice %arg7[%dma_start3A_42, %dma_start3A_43] : memref<8x128xi32, #tpu.memory_space<vmem>> -> memref<1x128xi32, #tpu.memory_space<vmem>>
        %dma_start3A_45 = tpu.memref_squeeze %dma_start3A_44 : memref<1x128xi32, #tpu.memory_space<vmem>> -> memref<128xi32, #tpu.memory_space<vmem>>
        %dma_start3A_46 = arith.constant 0 : i32
        %dma_start3A_47 = arith.constant 0 : i32
        %dma_start3A_48 = tpu.memref_slice %arg2[%dma_start3A_46, %dma_start3A_47] : memref<10240x128xf32, #tpu.memory_space<hbm>> -> memref<10240x128xf32, #tpu.memory_space<hbm>>
        tpu.enqueue_indirect_dma source(%dma_start3A_48 : memref<10240x128xf32, #tpu.memory_space<hbm>>) target(%arg10 : memref<128x128xf32, #tpu.memory_space<vmem>>) offsets(%dma_start3A_45 : memref<128xi32, #tpu.memory_space<vmem>>) semaphore(%arg13 : memref<!tpu.dma_semaphore, #tpu.memory_space<semaphore_mem>>)
        %run_scoped3A = arith.constant 0 : i32
        "tpu.region"() ({
          %run_scoped3A_147 = tpu.sem_alloc : memref<!tpu.dma_semaphore, #tpu.memory_space<semaphore_mem>>
          %dma_start3A_148 = arith.constant 0 : i32
          %dma_start3A_149 = tpu.memref_slice %arg8[%run_scoped3A, %dma_start3A_148] : memref<8x128xi32, #tpu.memory_space<vmem>> -> memref<1x128xi32, #tpu.memory_space<vmem>>
          %dma_start3A_150 = tpu.memref_squeeze %dma_start3A_149 : memref<1x128xi32, #tpu.memory_space<vmem>> -> memref<128xi32, #tpu.memory_space<vmem>>
          %dma_start3A_151 = arith.constant 0 : i32
          %dma_start3A_152 = arith.constant 0 : i32
          %dma_start3A_153 = tpu.memref_slice %arg11[%dma_start3A_151, %dma_start3A_152] : memref<10240x128xf32, #tpu.memory_space<vmem_shared>> -> memref<10240x128xf32, #tpu.memory_space<vmem_shared>>
          tpu.enqueue_indirect_dma source(%arg9 : memref<128x128xf32, #tpu.memory_space<vmem>>) target(%dma_start3A_153 : memref<10240x128xf32, #tpu.memory_space<vmem_shared>>) offsets(%dma_start3A_150 : memref<128xi32, #tpu.memory_space<vmem>>) semaphore(%run_scoped3A_147 : memref<!tpu.dma_semaphore, #tpu.memory_space<semaphore_mem>>) {add = true}
          %dma_wait3A_154 = arith.constant 0 : i32
          %dma_wait3A_155 = tpu.memref_slice %arg8[%run_scoped3A, %dma_wait3A_154] : memref<8x128xi32, #tpu.memory_space<vmem>> -> memref<1x128xi32, #tpu.memory_space<vmem>>
          %dma_wait3A_156 = tpu.memref_squeeze %dma_wait3A_155 : memref<1x128xi32, #tpu.memory_space<vmem>> -> memref<128xi32, #tpu.memory_space<vmem>>
          %dma_wait3A_157 = arith.constant 0 : i32
          %dma_wait3A_158 = arith.constant 0 : i32
          %dma_wait3A_159 = tpu.memref_slice %arg11[%dma_wait3A_157, %dma_wait3A_158] : memref<10240x128xf32, #tpu.memory_space<vmem_shared>> -> memref<10240x128xf32, #tpu.memory_space<vmem_shared>>
          tpu.wait_indirect_dma semaphore(%run_scoped3A_147 : memref<!tpu.dma_semaphore, #tpu.memory_space<semaphore_mem>>) src(%arg9 : memref<128x128xf32, #tpu.memory_space<vmem>>) dst(%dma_wait3A_159 : memref<10240x128xf32, #tpu.memory_space<vmem_shared>>)
          tpu.yield
        }) : () -> ()
        %dma_wait3A_49 = arith.constant 1 : i32
        %dma_wait3A_50 = arith.constant 0 : i32
        %dma_wait3A_51 = tpu.memref_slice %arg7[%dma_wait3A_49, %dma_wait3A_50] : memref<8x128xi32, #tpu.memory_space<vmem>> -> memref<1x128xi32, #tpu.memory_space<vmem>>
        %dma_wait3A_52 = tpu.memref_squeeze %dma_wait3A_51 : memref<1x128xi32, #tpu.memory_space<vmem>> -> memref<128xi32, #tpu.memory_space<vmem>>
        %dma_wait3A_53 = arith.constant 0 : i32
        %dma_wait3A_54 = arith.constant 0 : i32
        %dma_wait3A_55 = tpu.memref_slice %arg2[%dma_wait3A_53, %dma_wait3A_54] : memref<10240x128xf32, #tpu.memory_space<hbm>> -> memref<10240x128xf32, #tpu.memory_space<hbm>>
        tpu.wait_indirect_dma semaphore(%arg13 : memref<!tpu.dma_semaphore, #tpu.memory_space<semaphore_mem>>) src(%dma_wait3A_55 : memref<10240x128xf32, #tpu.memory_space<hbm>>) dst(%arg10 : memref<128x128xf32, #tpu.memory_space<vmem>>)
        %dma_start3A_56 = arith.constant 2 : i32
        %dma_start3A_57 = arith.constant 0 : i32
        %dma_start3A_58 = tpu.memref_slice %arg7[%dma_start3A_56, %dma_start3A_57] : memref<8x128xi32, #tpu.memory_space<vmem>> -> memref<1x128xi32, #tpu.memory_space<vmem>>
        %dma_start3A_59 = tpu.memref_squeeze %dma_start3A_58 : memref<1x128xi32, #tpu.memory_space<vmem>> -> memref<128xi32, #tpu.memory_space<vmem>>
        %dma_start3A_60 = arith.constant 0 : i32
        %dma_start3A_61 = arith.constant 0 : i32
        %dma_start3A_62 = tpu.memref_slice %arg2[%dma_start3A_60, %dma_start3A_61] : memref<10240x128xf32, #tpu.memory_space<hbm>> -> memref<10240x128xf32, #tpu.memory_space<hbm>>
        tpu.enqueue_indirect_dma source(%dma_start3A_62 : memref<10240x128xf32, #tpu.memory_space<hbm>>) target(%arg9 : memref<128x128xf32, #tpu.memory_space<vmem>>) offsets(%dma_start3A_59 : memref<128xi32, #tpu.memory_space<vmem>>) semaphore(%arg12 : memref<!tpu.dma_semaphore, #tpu.memory_space<semaphore_mem>>)
        %run_scoped3A_63 = arith.constant 1 : i32
        "tpu.region"() ({
          %run_scoped3A_147 = tpu.sem_alloc : memref<!tpu.dma_semaphore, #tpu.memory_space<semaphore_mem>>
          %dma_start3A_148 = arith.constant 0 : i32
          %dma_start3A_149 = tpu.memref_slice %arg8[%run_scoped3A_63, %dma_start3A_148] : memref<8x128xi32, #tpu.memory_space<vmem>> -> memref<1x128xi32, #tpu.memory_space<vmem>>
          %dma_start3A_150 = tpu.memref_squeeze %dma_start3A_149 : memref<1x128xi32, #tpu.memory_space<vmem>> -> memref<128xi32, #tpu.memory_space<vmem>>
          %dma_start3A_151 = arith.constant 0 : i32
          %dma_start3A_152 = arith.constant 0 : i32
          %dma_start3A_153 = tpu.memref_slice %arg11[%dma_start3A_151, %dma_start3A_152] : memref<10240x128xf32, #tpu.memory_space<vmem_shared>> -> memref<10240x128xf32, #tpu.memory_space<vmem_shared>>
          tpu.enqueue_indirect_dma source(%arg10 : memref<128x128xf32, #tpu.memory_space<vmem>>) target(%dma_start3A_153 : memref<10240x128xf32, #tpu.memory_space<vmem_shared>>) offsets(%dma_start3A_150 : memref<128xi32, #tpu.memory_space<vmem>>) semaphore(%run_scoped3A_147 : memref<!tpu.dma_semaphore, #tpu.memory_space<semaphore_mem>>) {add = true}
          %dma_wait3A_154 = arith.constant 0 : i32
          %dma_wait3A_155 = tpu.memref_slice %arg8[%run_scoped3A_63, %dma_wait3A_154] : memref<8x128xi32, #tpu.memory_space<vmem>> -> memref<1x128xi32, #tpu.memory_space<vmem>>
          %dma_wait3A_156 = tpu.memref_squeeze %dma_wait3A_155 : memref<1x128xi32, #tpu.memory_space<vmem>> -> memref<128xi32, #tpu.memory_space<vmem>>
          %dma_wait3A_157 = arith.constant 0 : i32
          %dma_wait3A_158 = arith.constant 0 : i32
          %dma_wait3A_159 = tpu.memref_slice %arg11[%dma_wait3A_157, %dma_wait3A_158] : memref<10240x128xf32, #tpu.memory_space<vmem_shared>> -> memref<10240x128xf32, #tpu.memory_space<vmem_shared>>
          tpu.wait_indirect_dma semaphore(%run_scoped3A_147 : memref<!tpu.dma_semaphore, #tpu.memory_space<semaphore_mem>>) src(%arg10 : memref<128x128xf32, #tpu.memory_space<vmem>>) dst(%dma_wait3A_159 : memref<10240x128xf32, #tpu.memory_space<vmem_shared>>)
          tpu.yield
        }) : () -> ()
        %dma_wait3A_64 = arith.constant 2 : i32
        %dma_wait3A_65 = arith.constant 0 : i32
        %dma_wait3A_66 = tpu.memref_slice %arg7[%dma_wait3A_64, %dma_wait3A_65] : memref<8x128xi32, #tpu.memory_space<vmem>> -> memref<1x128xi32, #tpu.memory_space<vmem>>
        %dma_wait3A_67 = tpu.memref_squeeze %dma_wait3A_66 : memref<1x128xi32, #tpu.memory_space<vmem>> -> memref<128xi32, #tpu.memory_space<vmem>>
        %dma_wait3A_68 = arith.constant 0 : i32
        %dma_wait3A_69 = arith.constant 0 : i32
        %dma_wait3A_70 = tpu.memref_slice %arg2[%dma_wait3A_68, %dma_wait3A_69] : memref<10240x128xf32, #tpu.memory_space<hbm>> -> memref<10240x128xf32, #tpu.memory_space<hbm>>
        tpu.wait_indirect_dma semaphore(%arg12 : memref<!tpu.dma_semaphore, #tpu.memory_space<semaphore_mem>>) src(%dma_wait3A_70 : memref<10240x128xf32, #tpu.memory_space<hbm>>) dst(%arg9 : memref<128x128xf32, #tpu.memory_space<vmem>>)
        %dma_start3A_71 = arith.constant 3 : i32
        %dma_start3A_72 = arith.constant 0 : i32
        %dma_start3A_73 = tpu.memref_slice %arg7[%dma_start3A_71, %dma_start3A_72] : memref<8x128xi32, #tpu.memory_space<vmem>> -> memref<1x128xi32, #tpu.memory_space<vmem>>
        %dma_start3A_74 = tpu.memref_squeeze %dma_start3A_73 : memref<1x128xi32, #tpu.memory_space<vmem>> -> memref<128xi32, #tpu.memory_space<vmem>>
        %dma_start3A_75 = arith.constant 0 : i32
        %dma_start3A_76 = arith.constant 0 : i32
        %dma_start3A_77 = tpu.memref_slice %arg2[%dma_start3A_75, %dma_start3A_76] : memref<10240x128xf32, #tpu.memory_space<hbm>> -> memref<10240x128xf32, #tpu.memory_space<hbm>>
        tpu.enqueue_indirect_dma source(%dma_start3A_77 : memref<10240x128xf32, #tpu.memory_space<hbm>>) target(%arg10 : memref<128x128xf32, #tpu.memory_space<vmem>>) offsets(%dma_start3A_74 : memref<128xi32, #tpu.memory_space<vmem>>) semaphore(%arg13 : memref<!tpu.dma_semaphore, #tpu.memory_space<semaphore_mem>>)
        %run_scoped3A_78 = arith.constant 2 : i32
        "tpu.region"() ({
          %run_scoped3A_147 = tpu.sem_alloc : memref<!tpu.dma_semaphore, #tpu.memory_space<semaphore_mem>>
          %dma_start3A_148 = arith.constant 0 : i32
          %dma_start3A_149 = tpu.memref_slice %arg8[%run_scoped3A_78, %dma_start3A_148] : memref<8x128xi32, #tpu.memory_space<vmem>> -> memref<1x128xi32, #tpu.memory_space<vmem>>
          %dma_start3A_150 = tpu.memref_squeeze %dma_start3A_149 : memref<1x128xi32, #tpu.memory_space<vmem>> -> memref<128xi32, #tpu.memory_space<vmem>>
          %dma_start3A_151 = arith.constant 0 : i32
          %dma_start3A_152 = arith.constant 0 : i32
          %dma_start3A_153 = tpu.memref_slice %arg11[%dma_start3A_151, %dma_start3A_152] : memref<10240x128xf32, #tpu.memory_space<vmem_shared>> -> memref<10240x128xf32, #tpu.memory_space<vmem_shared>>
          tpu.enqueue_indirect_dma source(%arg9 : memref<128x128xf32, #tpu.memory_space<vmem>>) target(%dma_start3A_153 : memref<10240x128xf32, #tpu.memory_space<vmem_shared>>) offsets(%dma_start3A_150 : memref<128xi32, #tpu.memory_space<vmem>>) semaphore(%run_scoped3A_147 : memref<!tpu.dma_semaphore, #tpu.memory_space<semaphore_mem>>) {add = true}
          %dma_wait3A_154 = arith.constant 0 : i32
          %dma_wait3A_155 = tpu.memref_slice %arg8[%run_scoped3A_78, %dma_wait3A_154] : memref<8x128xi32, #tpu.memory_space<vmem>> -> memref<1x128xi32, #tpu.memory_space<vmem>>
          %dma_wait3A_156 = tpu.memref_squeeze %dma_wait3A_155 : memref<1x128xi32, #tpu.memory_space<vmem>> -> memref<128xi32, #tpu.memory_space<vmem>>
          %dma_wait3A_157 = arith.constant 0 : i32
          %dma_wait3A_158 = arith.constant 0 : i32
          %dma_wait3A_159 = tpu.memref_slice %arg11[%dma_wait3A_157, %dma_wait3A_158] : memref<10240x128xf32, #tpu.memory_space<vmem_shared>> -> memref<10240x128xf32, #tpu.memory_space<vmem_shared>>
          tpu.wait_indirect_dma semaphore(%run_scoped3A_147 : memref<!tpu.dma_semaphore, #tpu.memory_space<semaphore_mem>>) src(%arg9 : memref<128x128xf32, #tpu.memory_space<vmem>>) dst(%dma_wait3A_159 : memref<10240x128xf32, #tpu.memory_space<vmem_shared>>)
          tpu.yield
        }) : () -> ()
        %dma_wait3A_79 = arith.constant 3 : i32
        %dma_wait3A_80 = arith.constant 0 : i32
        %dma_wait3A_81 = tpu.memref_slice %arg7[%dma_wait3A_79, %dma_wait3A_80] : memref<8x128xi32, #tpu.memory_space<vmem>> -> memref<1x128xi32, #tpu.memory_space<vmem>>
        %dma_wait3A_82 = tpu.memref_squeeze %dma_wait3A_81 : memref<1x128xi32, #tpu.memory_space<vmem>> -> memref<128xi32, #tpu.memory_space<vmem>>
        %dma_wait3A_83 = arith.constant 0 : i32
        %dma_wait3A_84 = arith.constant 0 : i32
        %dma_wait3A_85 = tpu.memref_slice %arg2[%dma_wait3A_83, %dma_wait3A_84] : memref<10240x128xf32, #tpu.memory_space<hbm>> -> memref<10240x128xf32, #tpu.memory_space<hbm>>
        tpu.wait_indirect_dma semaphore(%arg13 : memref<!tpu.dma_semaphore, #tpu.memory_space<semaphore_mem>>) src(%dma_wait3A_85 : memref<10240x128xf32, #tpu.memory_space<hbm>>) dst(%arg10 : memref<128x128xf32, #tpu.memory_space<vmem>>)
        %dma_start3A_86 = arith.constant 4 : i32
        %dma_start3A_87 = arith.constant 0 : i32
        %dma_start3A_88 = tpu.memref_slice %arg7[%dma_start3A_86, %dma_start3A_87] : memref<8x128xi32, #tpu.memory_space<vmem>> -> memref<1x128xi32, #tpu.memory_space<vmem>>
        %dma_start3A_89 = tpu.memref_squeeze %dma_start3A_88 : memref<1x128xi32, #tpu.memory_space<vmem>> -> memref<128xi32, #tpu.memory_space<vmem>>
        %dma_start3A_90 = arith.constant 0 : i32
        %dma_start3A_91 = arith.constant 0 : i32
        %dma_start3A_92 = tpu.memref_slice %arg2[%dma_start3A_90, %dma_start3A_91] : memref<10240x128xf32, #tpu.memory_space<hbm>> -> memref<10240x128xf32, #tpu.memory_space<hbm>>
        tpu.enqueue_indirect_dma source(%dma_start3A_92 : memref<10240x128xf32, #tpu.memory_space<hbm>>) target(%arg9 : memref<128x128xf32, #tpu.memory_space<vmem>>) offsets(%dma_start3A_89 : memref<128xi32, #tpu.memory_space<vmem>>) semaphore(%arg12 : memref<!tpu.dma_semaphore, #tpu.memory_space<semaphore_mem>>)
        %run_scoped3A_93 = arith.constant 3 : i32
        "tpu.region"() ({
          %run_scoped3A_147 = tpu.sem_alloc : memref<!tpu.dma_semaphore, #tpu.memory_space<semaphore_mem>>
          %dma_start3A_148 = arith.constant 0 : i32
          %dma_start3A_149 = tpu.memref_slice %arg8[%run_scoped3A_93, %dma_start3A_148] : memref<8x128xi32, #tpu.memory_space<vmem>> -> memref<1x128xi32, #tpu.memory_space<vmem>>
          %dma_start3A_150 = tpu.memref_squeeze %dma_start3A_149 : memref<1x128xi32, #tpu.memory_space<vmem>> -> memref<128xi32, #tpu.memory_space<vmem>>
          %dma_start3A_151 = arith.constant 0 : i32
          %dma_start3A_152 = arith.constant 0 : i32
          %dma_start3A_153 = tpu.memref_slice %arg11[%dma_start3A_151, %dma_start3A_152] : memref<10240x128xf32, #tpu.memory_space<vmem_shared>> -> memref<10240x128xf32, #tpu.memory_space<vmem_shared>>
          tpu.enqueue_indirect_dma source(%arg10 : memref<128x128xf32, #tpu.memory_space<vmem>>) target(%dma_start3A_153 : memref<10240x128xf32, #tpu.memory_space<vmem_shared>>) offsets(%dma_start3A_150 : memref<128xi32, #tpu.memory_space<vmem>>) semaphore(%run_scoped3A_147 : memref<!tpu.dma_semaphore, #tpu.memory_space<semaphore_mem>>) {add = true}
          %dma_wait3A_154 = arith.constant 0 : i32
          %dma_wait3A_155 = tpu.memref_slice %arg8[%run_scoped3A_93, %dma_wait3A_154] : memref<8x128xi32, #tpu.memory_space<vmem>> -> memref<1x128xi32, #tpu.memory_space<vmem>>
          %dma_wait3A_156 = tpu.memref_squeeze %dma_wait3A_155 : memref<1x128xi32, #tpu.memory_space<vmem>> -> memref<128xi32, #tpu.memory_space<vmem>>
          %dma_wait3A_157 = arith.constant 0 : i32
          %dma_wait3A_158 = arith.constant 0 : i32
          %dma_wait3A_159 = tpu.memref_slice %arg11[%dma_wait3A_157, %dma_wait3A_158] : memref<10240x128xf32, #tpu.memory_space<vmem_shared>> -> memref<10240x128xf32, #tpu.memory_space<vmem_shared>>
          tpu.wait_indirect_dma semaphore(%run_scoped3A_147 : memref<!tpu.dma_semaphore, #tpu.memory_space<semaphore_mem>>) src(%arg10 : memref<128x128xf32, #tpu.memory_space<vmem>>) dst(%dma_wait3A_159 : memref<10240x128xf32, #tpu.memory_space<vmem_shared>>)
          tpu.yield
        }) : () -> ()
        %dma_wait3A_94 = arith.constant 4 : i32
        %dma_wait3A_95 = arith.constant 0 : i32
        %dma_wait3A_96 = tpu.memref_slice %arg7[%dma_wait3A_94, %dma_wait3A_95] : memref<8x128xi32, #tpu.memory_space<vmem>> -> memref<1x128xi32, #tpu.memory_space<vmem>>
        %dma_wait3A_97 = tpu.memref_squeeze %dma_wait3A_96 : memref<1x128xi32, #tpu.memory_space<vmem>> -> memref<128xi32, #tpu.memory_space<vmem>>
        %dma_wait3A_98 = arith.constant 0 : i32
        %dma_wait3A_99 = arith.constant 0 : i32
        %dma_wait3A_100 = tpu.memref_slice %arg2[%dma_wait3A_98, %dma_wait3A_99] : memref<10240x128xf32, #tpu.memory_space<hbm>> -> memref<10240x128xf32, #tpu.memory_space<hbm>>
        tpu.wait_indirect_dma semaphore(%arg12 : memref<!tpu.dma_semaphore, #tpu.memory_space<semaphore_mem>>) src(%dma_wait3A_100 : memref<10240x128xf32, #tpu.memory_space<hbm>>) dst(%arg9 : memref<128x128xf32, #tpu.memory_space<vmem>>)
        %dma_start3A_101 = arith.constant 5 : i32
        %dma_start3A_102 = arith.constant 0 : i32
        %dma_start3A_103 = tpu.memref_slice %arg7[%dma_start3A_101, %dma_start3A_102] : memref<8x128xi32, #tpu.memory_space<vmem>> -> memref<1x128xi32, #tpu.memory_space<vmem>>
        %dma_start3A_104 = tpu.memref_squeeze %dma_start3A_103 : memref<1x128xi32, #tpu.memory_space<vmem>> -> memref<128xi32, #tpu.memory_space<vmem>>
        %dma_start3A_105 = arith.constant 0 : i32
        %dma_start3A_106 = arith.constant 0 : i32
        %dma_start3A_107 = tpu.memref_slice %arg2[%dma_start3A_105, %dma_start3A_106] : memref<10240x128xf32, #tpu.memory_space<hbm>> -> memref<10240x128xf32, #tpu.memory_space<hbm>>
        tpu.enqueue_indirect_dma source(%dma_start3A_107 : memref<10240x128xf32, #tpu.memory_space<hbm>>) target(%arg10 : memref<128x128xf32, #tpu.memory_space<vmem>>) offsets(%dma_start3A_104 : memref<128xi32, #tpu.memory_space<vmem>>) semaphore(%arg13 : memref<!tpu.dma_semaphore, #tpu.memory_space<semaphore_mem>>)
        %run_scoped3A_108 = arith.constant 4 : i32
        "tpu.region"() ({
          %run_scoped3A_147 = tpu.sem_alloc : memref<!tpu.dma_semaphore, #tpu.memory_space<semaphore_mem>>
          %dma_start3A_148 = arith.constant 0 : i32
          %dma_start3A_149 = tpu.memref_slice %arg8[%run_scoped3A_108, %dma_start3A_148] : memref<8x128xi32, #tpu.memory_space<vmem>> -> memref<1x128xi32, #tpu.memory_space<vmem>>
          %dma_start3A_150 = tpu.memref_squeeze %dma_start3A_149 : memref<1x128xi32, #tpu.memory_space<vmem>> -> memref<128xi32, #tpu.memory_space<vmem>>
          %dma_start3A_151 = arith.constant 0 : i32
          %dma_start3A_152 = arith.constant 0 : i32
          %dma_start3A_153 = tpu.memref_slice %arg11[%dma_start3A_151, %dma_start3A_152] : memref<10240x128xf32, #tpu.memory_space<vmem_shared>> -> memref<10240x128xf32, #tpu.memory_space<vmem_shared>>
          tpu.enqueue_indirect_dma source(%arg9 : memref<128x128xf32, #tpu.memory_space<vmem>>) target(%dma_start3A_153 : memref<10240x128xf32, #tpu.memory_space<vmem_shared>>) offsets(%dma_start3A_150 : memref<128xi32, #tpu.memory_space<vmem>>) semaphore(%run_scoped3A_147 : memref<!tpu.dma_semaphore, #tpu.memory_space<semaphore_mem>>) {add = true}
          %dma_wait3A_154 = arith.constant 0 : i32
          %dma_wait3A_155 = tpu.memref_slice %arg8[%run_scoped3A_108, %dma_wait3A_154] : memref<8x128xi32, #tpu.memory_space<vmem>> -> memref<1x128xi32, #tpu.memory_space<vmem>>
          %dma_wait3A_156 = tpu.memref_squeeze %dma_wait3A_155 : memref<1x128xi32, #tpu.memory_space<vmem>> -> memref<128xi32, #tpu.memory_space<vmem>>
          %dma_wait3A_157 = arith.constant 0 : i32
          %dma_wait3A_158 = arith.constant 0 : i32
          %dma_wait3A_159 = tpu.memref_slice %arg11[%dma_wait3A_157, %dma_wait3A_158] : memref<10240x128xf32, #tpu.memory_space<vmem_shared>> -> memref<10240x128xf32, #tpu.memory_space<vmem_shared>>
          tpu.wait_indirect_dma semaphore(%run_scoped3A_147 : memref<!tpu.dma_semaphore, #tpu.memory_space<semaphore_mem>>) src(%arg9 : memref<128x128xf32, #tpu.memory_space<vmem>>) dst(%dma_wait3A_159 : memref<10240x128xf32, #tpu.memory_space<vmem_shared>>)
          tpu.yield
        }) : () -> ()
        %dma_wait3A_109 = arith.constant 5 : i32
        %dma_wait3A_110 = arith.constant 0 : i32
        %dma_wait3A_111 = tpu.memref_slice %arg7[%dma_wait3A_109, %dma_wait3A_110] : memref<8x128xi32, #tpu.memory_space<vmem>> -> memref<1x128xi32, #tpu.memory_space<vmem>>
        %dma_wait3A_112 = tpu.memref_squeeze %dma_wait3A_111 : memref<1x128xi32, #tpu.memory_space<vmem>> -> memref<128xi32, #tpu.memory_space<vmem>>
        %dma_wait3A_113 = arith.constant 0 : i32
        %dma_wait3A_114 = arith.constant 0 : i32
        %dma_wait3A_115 = tpu.memref_slice %arg2[%dma_wait3A_113, %dma_wait3A_114] : memref<10240x128xf32, #tpu.memory_space<hbm>> -> memref<10240x128xf32, #tpu.memory_space<hbm>>
        tpu.wait_indirect_dma semaphore(%arg13 : memref<!tpu.dma_semaphore, #tpu.memory_space<semaphore_mem>>) src(%dma_wait3A_115 : memref<10240x128xf32, #tpu.memory_space<hbm>>) dst(%arg10 : memref<128x128xf32, #tpu.memory_space<vmem>>)
        %dma_start3A_116 = arith.constant 6 : i32
        %dma_start3A_117 = arith.constant 0 : i32
        %dma_start3A_118 = tpu.memref_slice %arg7[%dma_start3A_116, %dma_start3A_117] : memref<8x128xi32, #tpu.memory_space<vmem>> -> memref<1x128xi32, #tpu.memory_space<vmem>>
        %dma_start3A_119 = tpu.memref_squeeze %dma_start3A_118 : memref<1x128xi32, #tpu.memory_space<vmem>> -> memref<128xi32, #tpu.memory_space<vmem>>
        %dma_start3A_120 = arith.constant 0 : i32
        %dma_start3A_121 = arith.constant 0 : i32
        %dma_start3A_122 = tpu.memref_slice %arg2[%dma_start3A_120, %dma_start3A_121] : memref<10240x128xf32, #tpu.memory_space<hbm>> -> memref<10240x128xf32, #tpu.memory_space<hbm>>
        tpu.enqueue_indirect_dma source(%dma_start3A_122 : memref<10240x128xf32, #tpu.memory_space<hbm>>) target(%arg9 : memref<128x128xf32, #tpu.memory_space<vmem>>) offsets(%dma_start3A_119 : memref<128xi32, #tpu.memory_space<vmem>>) semaphore(%arg12 : memref<!tpu.dma_semaphore, #tpu.memory_space<semaphore_mem>>)
        %run_scoped3A_123 = arith.constant 5 : i32
        "tpu.region"() ({
          %run_scoped3A_147 = tpu.sem_alloc : memref<!tpu.dma_semaphore, #tpu.memory_space<semaphore_mem>>
          %dma_start3A_148 = arith.constant 0 : i32
          %dma_start3A_149 = tpu.memref_slice %arg8[%run_scoped3A_123, %dma_start3A_148] : memref<8x128xi32, #tpu.memory_space<vmem>> -> memref<1x128xi32, #tpu.memory_space<vmem>>
          %dma_start3A_150 = tpu.memref_squeeze %dma_start3A_149 : memref<1x128xi32, #tpu.memory_space<vmem>> -> memref<128xi32, #tpu.memory_space<vmem>>
          %dma_start3A_151 = arith.constant 0 : i32
          %dma_start3A_152 = arith.constant 0 : i32
          %dma_start3A_153 = tpu.memref_slice %arg11[%dma_start3A_151, %dma_start3A_152] : memref<10240x128xf32, #tpu.memory_space<vmem_shared>> -> memref<10240x128xf32, #tpu.memory_space<vmem_shared>>
          tpu.enqueue_indirect_dma source(%arg10 : memref<128x128xf32, #tpu.memory_space<vmem>>) target(%dma_start3A_153 : memref<10240x128xf32, #tpu.memory_space<vmem_shared>>) offsets(%dma_start3A_150 : memref<128xi32, #tpu.memory_space<vmem>>) semaphore(%run_scoped3A_147 : memref<!tpu.dma_semaphore, #tpu.memory_space<semaphore_mem>>) {add = true}
          %dma_wait3A_154 = arith.constant 0 : i32
          %dma_wait3A_155 = tpu.memref_slice %arg8[%run_scoped3A_123, %dma_wait3A_154] : memref<8x128xi32, #tpu.memory_space<vmem>> -> memref<1x128xi32, #tpu.memory_space<vmem>>
          %dma_wait3A_156 = tpu.memref_squeeze %dma_wait3A_155 : memref<1x128xi32, #tpu.memory_space<vmem>> -> memref<128xi32, #tpu.memory_space<vmem>>
          %dma_wait3A_157 = arith.constant 0 : i32
          %dma_wait3A_158 = arith.constant 0 : i32
          %dma_wait3A_159 = tpu.memref_slice %arg11[%dma_wait3A_157, %dma_wait3A_158] : memref<10240x128xf32, #tpu.memory_space<vmem_shared>> -> memref<10240x128xf32, #tpu.memory_space<vmem_shared>>
          tpu.wait_indirect_dma semaphore(%run_scoped3A_147 : memref<!tpu.dma_semaphore, #tpu.memory_space<semaphore_mem>>) src(%arg10 : memref<128x128xf32, #tpu.memory_space<vmem>>) dst(%dma_wait3A_159 : memref<10240x128xf32, #tpu.memory_space<vmem_shared>>)
          tpu.yield
        }) : () -> ()
        %dma_wait3A_124 = arith.constant 6 : i32
        %dma_wait3A_125 = arith.constant 0 : i32
        %dma_wait3A_126 = tpu.memref_slice %arg7[%dma_wait3A_124, %dma_wait3A_125] : memref<8x128xi32, #tpu.memory_space<vmem>> -> memref<1x128xi32, #tpu.memory_space<vmem>>
        %dma_wait3A_127 = tpu.memref_squeeze %dma_wait3A_126 : memref<1x128xi32, #tpu.memory_space<vmem>> -> memref<128xi32, #tpu.memory_space<vmem>>
        %dma_wait3A_128 = arith.constant 0 : i32
        %dma_wait3A_129 = arith.constant 0 : i32
        %dma_wait3A_130 = tpu.memref_slice %arg2[%dma_wait3A_128, %dma_wait3A_129] : memref<10240x128xf32, #tpu.memory_space<hbm>> -> memref<10240x128xf32, #tpu.memory_space<hbm>>
        tpu.wait_indirect_dma semaphore(%arg12 : memref<!tpu.dma_semaphore, #tpu.memory_space<semaphore_mem>>) src(%dma_wait3A_130 : memref<10240x128xf32, #tpu.memory_space<hbm>>) dst(%arg9 : memref<128x128xf32, #tpu.memory_space<vmem>>)
        %dma_start3A_131 = arith.constant 7 : i32
        %dma_start3A_132 = arith.constant 0 : i32
        %dma_start3A_133 = tpu.memref_slice %arg7[%dma_start3A_131, %dma_start3A_132] : memref<8x128xi32, #tpu.memory_space<vmem>> -> memref<1x128xi32, #tpu.memory_space<vmem>>
        %dma_start3A_134 = tpu.memref_squeeze %dma_start3A_133 : memref<1x128xi32, #tpu.memory_space<vmem>> -> memref<128xi32, #tpu.memory_space<vmem>>
        %dma_start3A_135 = arith.constant 0 : i32
        %dma_start3A_136 = arith.constant 0 : i32
        %dma_start3A_137 = tpu.memref_slice %arg2[%dma_start3A_135, %dma_start3A_136] : memref<10240x128xf32, #tpu.memory_space<hbm>> -> memref<10240x128xf32, #tpu.memory_space<hbm>>
        tpu.enqueue_indirect_dma source(%dma_start3A_137 : memref<10240x128xf32, #tpu.memory_space<hbm>>) target(%arg10 : memref<128x128xf32, #tpu.memory_space<vmem>>) offsets(%dma_start3A_134 : memref<128xi32, #tpu.memory_space<vmem>>) semaphore(%arg13 : memref<!tpu.dma_semaphore, #tpu.memory_space<semaphore_mem>>)
        %run_scoped3A_138 = arith.constant 6 : i32
        "tpu.region"() ({
          %run_scoped3A_147 = tpu.sem_alloc : memref<!tpu.dma_semaphore, #tpu.memory_space<semaphore_mem>>
          %dma_start3A_148 = arith.constant 0 : i32
          %dma_start3A_149 = tpu.memref_slice %arg8[%run_scoped3A_138, %dma_start3A_148] : memref<8x128xi32, #tpu.memory_space<vmem>> -> memref<1x128xi32, #tpu.memory_space<vmem>>
          %dma_start3A_150 = tpu.memref_squeeze %dma_start3A_149 : memref<1x128xi32, #tpu.memory_space<vmem>> -> memref<128xi32, #tpu.memory_space<vmem>>
          %dma_start3A_151 = arith.constant 0 : i32
          %dma_start3A_152 = arith.constant 0 : i32
          %dma_start3A_153 = tpu.memref_slice %arg11[%dma_start3A_151, %dma_start3A_152] : memref<10240x128xf32, #tpu.memory_space<vmem_shared>> -> memref<10240x128xf32, #tpu.memory_space<vmem_shared>>
          tpu.enqueue_indirect_dma source(%arg9 : memref<128x128xf32, #tpu.memory_space<vmem>>) target(%dma_start3A_153 : memref<10240x128xf32, #tpu.memory_space<vmem_shared>>) offsets(%dma_start3A_150 : memref<128xi32, #tpu.memory_space<vmem>>) semaphore(%run_scoped3A_147 : memref<!tpu.dma_semaphore, #tpu.memory_space<semaphore_mem>>) {add = true}
          %dma_wait3A_154 = arith.constant 0 : i32
          %dma_wait3A_155 = tpu.memref_slice %arg8[%run_scoped3A_138, %dma_wait3A_154] : memref<8x128xi32, #tpu.memory_space<vmem>> -> memref<1x128xi32, #tpu.memory_space<vmem>>
          %dma_wait3A_156 = tpu.memref_squeeze %dma_wait3A_155 : memref<1x128xi32, #tpu.memory_space<vmem>> -> memref<128xi32, #tpu.memory_space<vmem>>
          %dma_wait3A_157 = arith.constant 0 : i32
          %dma_wait3A_158 = arith.constant 0 : i32
          %dma_wait3A_159 = tpu.memref_slice %arg11[%dma_wait3A_157, %dma_wait3A_158] : memref<10240x128xf32, #tpu.memory_space<vmem_shared>> -> memref<10240x128xf32, #tpu.memory_space<vmem_shared>>
          tpu.wait_indirect_dma semaphore(%run_scoped3A_147 : memref<!tpu.dma_semaphore, #tpu.memory_space<semaphore_mem>>) src(%arg9 : memref<128x128xf32, #tpu.memory_space<vmem>>) dst(%dma_wait3A_159 : memref<10240x128xf32, #tpu.memory_space<vmem_shared>>)
          tpu.yield
        }) : () -> ()
        %dma_wait3A_139 = arith.constant 7 : i32
        %dma_wait3A_140 = arith.constant 0 : i32
        %dma_wait3A_141 = tpu.memref_slice %arg7[%dma_wait3A_139, %dma_wait3A_140] : memref<8x128xi32, #tpu.memory_space<vmem>> -> memref<1x128xi32, #tpu.memory_space<vmem>>
        %dma_wait3A_142 = tpu.memref_squeeze %dma_wait3A_141 : memref<1x128xi32, #tpu.memory_space<vmem>> -> memref<128xi32, #tpu.memory_space<vmem>>
        %dma_wait3A_143 = arith.constant 0 : i32
        %dma_wait3A_144 = arith.constant 0 : i32
        %dma_wait3A_145 = tpu.memref_slice %arg2[%dma_wait3A_143, %dma_wait3A_144] : memref<10240x128xf32, #tpu.memory_space<hbm>> -> memref<10240x128xf32, #tpu.memory_space<hbm>>
        tpu.wait_indirect_dma semaphore(%arg13 : memref<!tpu.dma_semaphore, #tpu.memory_space<semaphore_mem>>) src(%dma_wait3A_145 : memref<10240x128xf32, #tpu.memory_space<hbm>>) dst(%arg10 : memref<128x128xf32, #tpu.memory_space<vmem>>)
        %run_scoped3A_146 = arith.constant 7 : i32
        "tpu.region"() ({
          %run_scoped3A_147 = tpu.sem_alloc : memref<!tpu.dma_semaphore, #tpu.memory_space<semaphore_mem>>
          %dma_start3A_148 = arith.constant 0 : i32
          %dma_start3A_149 = tpu.memref_slice %arg8[%run_scoped3A_146, %dma_start3A_148] : memref<8x128xi32, #tpu.memory_space<vmem>> -> memref<1x128xi32, #tpu.memory_space<vmem>>
          %dma_start3A_150 = tpu.memref_squeeze %dma_start3A_149 : memref<1x128xi32, #tpu.memory_space<vmem>> -> memref<128xi32, #tpu.memory_space<vmem>>
          %dma_start3A_151 = arith.constant 0 : i32
          %dma_start3A_152 = arith.constant 0 : i32
          %dma_start3A_153 = tpu.memref_slice %arg11[%dma_start3A_151, %dma_start3A_152] : memref<10240x128xf32, #tpu.memory_space<vmem_shared>> -> memref<10240x128xf32, #tpu.memory_space<vmem_shared>>
          tpu.enqueue_indirect_dma source(%arg10 : memref<128x128xf32, #tpu.memory_space<vmem>>) target(%dma_start3A_153 : memref<10240x128xf32, #tpu.memory_space<vmem_shared>>) offsets(%dma_start3A_150 : memref<128xi32, #tpu.memory_space<vmem>>) semaphore(%run_scoped3A_147 : memref<!tpu.dma_semaphore, #tpu.memory_space<semaphore_mem>>) {add = true}
          %dma_wait3A_154 = arith.constant 0 : i32
          %dma_wait3A_155 = tpu.memref_slice %arg8[%run_scoped3A_146, %dma_wait3A_154] : memref<8x128xi32, #tpu.memory_space<vmem>> -> memref<1x128xi32, #tpu.memory_space<vmem>>
          %dma_wait3A_156 = tpu.memref_squeeze %dma_wait3A_155 : memref<1x128xi32, #tpu.memory_space<vmem>> -> memref<128xi32, #tpu.memory_space<vmem>>
          %dma_wait3A_157 = arith.constant 0 : i32
          %dma_wait3A_158 = arith.constant 0 : i32
          %dma_wait3A_159 = tpu.memref_slice %arg11[%dma_wait3A_157, %dma_wait3A_158] : memref<10240x128xf32, #tpu.memory_space<vmem_shared>> -> memref<10240x128xf32, #tpu.memory_space<vmem_shared>>
          tpu.wait_indirect_dma semaphore(%run_scoped3A_147 : memref<!tpu.dma_semaphore, #tpu.memory_space<semaphore_mem>>) src(%arg10 : memref<128x128xf32, #tpu.memory_space<vmem>>) dst(%dma_wait3A_159 : memref<10240x128xf32, #tpu.memory_space<vmem_shared>>)
          tpu.yield
        }) : () -> ()
      }
      %scan3A_25 = arith.constant 2 : i32
    } else {
    }
    %barrier3A_10 = arith.constant 0 : index
    tpu.barrier barrier_id(%barrier3A_10)
    %mul3A_11 = arith.constant 640 : i32
    %mul3A_12 = arith.muli %arg1, %mul3A_11 : i32
    %mul3A_13 = arith.constant 10240 : i32
    %mul3A_14 = arith.muli %arg0, %mul3A_13 : i32
    %mul3A_15 = arith.constant 640 : i32
    %mul3A_16 = arith.muli %arg1, %mul3A_15 : i32
    %add3A = arith.addi %mul3A_14, %mul3A_16 : i32
    "tpu.region"() ({
      %run_scoped3A = tpu.sem_alloc : memref<!tpu.dma_semaphore, #tpu.memory_space<semaphore_mem>>
      %dma_start3A = arith.constant 0 : i32
      %dma_start3A_17 = tpu.memref_slice %arg6[%add3A, %dma_start3A] : memref<20480x128xf32, #tpu.memory_space<hbm>> -> memref<640x128xf32, #tpu.memory_space<hbm>>
      %dma_start3A_18 = arith.constant 0 : i32
      %dma_start3A_19 = tpu.memref_slice %arg11[%mul3A_12, %dma_start3A_18] : memref<10240x128xf32, #tpu.memory_space<vmem_shared>> -> memref<640x128xf32, #tpu.memory_space<vmem_shared>>
      tpu.enqueue_dma source(%dma_start3A_19 : memref<640x128xf32, #tpu.memory_space<vmem_shared>>) target(%dma_start3A_17 : memref<640x128xf32, #tpu.memory_space<hbm>>) target_semaphore(%run_scoped3A : memref<!tpu.dma_semaphore, #tpu.memory_space<semaphore_mem>>)
      %dma_wait3A = arith.constant 0 : i32
      %dma_wait3A_20 = tpu.memref_slice %arg6[%add3A, %dma_wait3A] : memref<20480x128xf32, #tpu.memory_space<hbm>> -> memref<640x128xf32, #tpu.memory_space<hbm>>
      %dma_wait3A_21 = arith.constant 0 : i32
      %dma_wait3A_22 = tpu.memref_slice %arg11[%mul3A_12, %dma_wait3A_21] : memref<10240x128xf32, #tpu.memory_space<vmem_shared>> -> memref<640x128xf32, #tpu.memory_space<vmem_shared>>
      tpu.wait_dma2 semaphore(%run_scoped3A : memref<!tpu.dma_semaphore, #tpu.memory_space<semaphore_mem>>) src(%dma_wait3A_22 : memref<640x128xf32, #tpu.memory_space<vmem_shared>>) dst(%dma_wait3A_20 : memref<640x128xf32, #tpu.memory_space<hbm>>)
      tpu.yield
    }) : () -> ()
    return
  }
}

module attributes {stable_mosaic.version = 14 : i64} {
  func.func @_first_body(%arg0: i32, %arg1: memref<1024x128xf32, #tpu.memory_space<vmem>>, %arg2: memref<128x128xf32, #tpu.memory_space<vmem>>, %arg3: memref<2x1024x128xf32, #tpu.memory_space<vmem>>, %arg4: memref<1024x128xf32, #tpu.memory_space<vmem>>) attributes {dimension_semantics = [#tpu.dimension_semantics<arbitrary>], iteration_bounds = array<i64: 10>, scalar_prefetch = 0 : i64, scratch_operands = 0 : i64, tpu.core_type = #tpu.core_type<tc>, window_params = [{transform_indices = @transform_0, window_bounds = array<i64: 1024, 128>}, {pipeline_mode = #tpu.pipeline_mode<synchronous>, transform_indices = @transform_1, window_bounds = array<i64: 128, 128>}, {transform_indices = @transform_2, window_bounds = array<i64: 2, 1024, 128>}, {transform_indices = @transform_3, window_bounds = array<i64: 1024, 128>}]} {
    %get3A = arith.constant 0 : index
    %get3A_0 = arith.constant 0 : index
    %get3A_1 = arith.constant 0 : index
    %get3A_2 = vector.load %arg3[%get3A, %get3A_0, %get3A_1] : memref<2x1024x128xf32, #tpu.memory_space<vmem>>, vector<1x1024x1xf32>
    %get3A_3 = vector.shape_cast %get3A_2 : vector<1x1024x1xf32> to vector<1024x1xf32>
    %get3A_4 = arith.constant 1 : index
    %get3A_5 = arith.constant 0 : index
    %get3A_6 = arith.constant 0 : index
    %get3A_7 = vector.load %arg3[%get3A_4, %get3A_5, %get3A_6] : memref<2x1024x128xf32, #tpu.memory_space<vmem>>, vector<1x1024x1xf32>
    %get3A_8 = vector.shape_cast %get3A_7 : vector<1x1024x1xf32> to vector<1024x1xf32>
    %add3A = arith.addf %get3A_3, %get3A_8 : vector<1024x1xf32>
    %add3A_9 = arith.constant 1.000000e+00 : f32
    %add3A_10 = vector.broadcast %add3A_9 : f32 to vector<1024x1xf32>
    %add3A_11 = arith.addf %add3A, %add3A_10 : vector<1024x1xf32>
    %rsqrt3A = math.rsqrt %add3A_11 : vector<1024x1xf32>
    %get3A_12 = arith.constant 0 : index
    %get3A_13 = arith.constant 0 : index
    %get3A_14 = vector.load %arg1[%get3A_12, %get3A_13] : memref<1024x128xf32, #tpu.memory_space<vmem>>, vector<1024x128xf32>
    %get3A_15 = arith.constant 0 : index
    %get3A_16 = arith.constant 0 : index
    %get3A_17 = vector.load %arg2[%get3A_15, %get3A_16] : memref<128x128xf32, #tpu.memory_space<vmem>>, vector<128x128xf32>
    %dot_general3A = arith.constant dense<0.000000e+00> : vector<1024x128xf32>
    %dot_general3A_18 = tpu.matmul %get3A_14, %get3A_17, %dot_general3A {dimension_numbers = #tpu.dot_dimension_numbers<[1], [0], [0], [1], [0, 0, 1, 1], [], []>, transpose_lhs_hint = false} : vector<1024x128xf32>, vector<128x128xf32>, vector<1024x128xf32> -> vector<1024x128xf32>
    %mul3A = vector.broadcast %rsqrt3A : vector<1024x1xf32> to vector<1024x128xf32>
    %mul3A_19 = arith.mulf %dot_general3A_18, %mul3A : vector<1024x128xf32>
    %swap3A = arith.constant 0 : index
    %swap3A_20 = arith.constant 0 : index
    %swap3A_21 = vector.load %arg4[%swap3A, %swap3A_20] : memref<1024x128xf32, #tpu.memory_space<vmem>>, vector<1024x128xf32>
    tpu.vector_store %arg4[%swap3A, %swap3A_20], %mul3A_19 {strides = array<i32>} : memref<1024x128xf32, #tpu.memory_space<vmem>>, vector<1024x128xf32>,
    return
  }
  func.func @transform_0(%arg0: i32) -> (i32, i32) {
    %c0_i32 = arith.constant 0 : i32
    %c0_i32_0 = arith.constant 0 : i32
    return %arg0, %c0_i32 : i32, i32
  }
  func.func @transform_1(%arg0: i32) -> (i32, i32) {
    %c0_i32 = arith.constant 0 : i32
    %c0_i32_0 = arith.constant 0 : i32
    %c0_i32_1 = arith.constant 0 : i32
    return %c0_i32, %c0_i32_0 : i32, i32
  }
  func.func @transform_2(%arg0: i32) -> (i32, i32, i32) {
    %c0_i32 = arith.constant 0 : i32
    %c0_i32_0 = arith.constant 0 : i32
    %c0_i32_1 = arith.constant 0 : i32
    return %c0_i32, %arg0, %c0_i32_0 : i32, i32, i32
  }
  func.func @transform_3(%arg0: i32) -> (i32, i32) {
    %c0_i32 = arith.constant 0 : i32
    %c0_i32_0 = arith.constant 0 : i32
    return %arg0, %c0_i32 : i32, i32
  }
}

module attributes {stable_mosaic.version = 14 : i64} {
  func.func @_mid_body(%arg0: i32, %arg1: memref<2x1024x128xf32, #tpu.memory_space<vmem>>, %arg2: memref<1024x128xf32, #tpu.memory_space<vmem>>, %arg3: memref<1x128xf32, #tpu.memory_space<vmem>>, %arg4: memref<128x128xf32, #tpu.memory_space<vmem>>, %arg5: memref<2x1024x128xf32, #tpu.memory_space<vmem>>, %arg6: memref<1024x128xf32, #tpu.memory_space<vmem>>) attributes {dimension_semantics = [#tpu.dimension_semantics<arbitrary>], iteration_bounds = array<i64: 10>, scalar_prefetch = 0 : i64, scratch_operands = 0 : i64, tpu.core_type = #tpu.core_type<tc>, window_params = [{transform_indices = @transform_0, window_bounds = array<i64: 2, 1024, 128>}, {transform_indices = @transform_1, window_bounds = array<i64: 1024, 128>}, {pipeline_mode = #tpu.pipeline_mode<synchronous>, transform_indices = @transform_2, window_bounds = array<i64: 1, 128>}, {pipeline_mode = #tpu.pipeline_mode<synchronous>, transform_indices = @transform_3, window_bounds = array<i64: 128, 128>}, {transform_indices = @transform_4, window_bounds = array<i64: 2, 1024, 128>}, {transform_indices = @transform_5, window_bounds = array<i64: 1024, 128>}]} {
    %get3A = arith.constant 0 : index
    %get3A_0 = arith.constant 0 : index
    %get3A_1 = arith.constant 0 : index
    %get3A_2 = vector.load %arg5[%get3A, %get3A_0, %get3A_1] : memref<2x1024x128xf32, #tpu.memory_space<vmem>>, vector<1x1024x1xf32>
    %get3A_3 = vector.shape_cast %get3A_2 : vector<1x1024x1xf32> to vector<1024x1xf32>
    %get3A_4 = arith.constant 1 : index
    %get3A_5 = arith.constant 0 : index
    %get3A_6 = arith.constant 0 : index
    %get3A_7 = vector.load %arg5[%get3A_4, %get3A_5, %get3A_6] : memref<2x1024x128xf32, #tpu.memory_space<vmem>>, vector<1x1024x1xf32>
    %get3A_8 = vector.shape_cast %get3A_7 : vector<1x1024x1xf32> to vector<1024x1xf32>
    %add3A = arith.addf %get3A_3, %get3A_8 : vector<1024x1xf32>
    %add3A_9 = arith.constant 1.000000e+00 : f32
    %add3A_10 = vector.broadcast %add3A_9 : f32 to vector<1024x1xf32>
    %add3A_11 = arith.addf %add3A, %add3A_10 : vector<1024x1xf32>
    %rsqrt3A = math.rsqrt %add3A_11 : vector<1024x1xf32>
    %get3A_12 = arith.constant 0 : index
    %get3A_13 = arith.constant 0 : index
    %get3A_14 = arith.constant 0 : index
    %get3A_15 = vector.load %arg1[%get3A_12, %get3A_13, %get3A_14] : memref<2x1024x128xf32, #tpu.memory_space<vmem>>, vector<1x1024x128xf32>
    %get3A_16 = vector.shape_cast %get3A_15 : vector<1x1024x128xf32> to vector<1024x128xf32>
    %get3A_17 = arith.constant 1 : index
    %get3A_18 = arith.constant 0 : index
    %get3A_19 = arith.constant 0 : index
    %get3A_20 = vector.load %arg1[%get3A_17, %get3A_18, %get3A_19] : memref<2x1024x128xf32, #tpu.memory_space<vmem>>, vector<1x1024x128xf32>
    %get3A_21 = vector.shape_cast %get3A_20 : vector<1x1024x128xf32> to vector<1024x128xf32>
    %add3A_22 = arith.addf %get3A_16, %get3A_21 : vector<1024x128xf32>
    %get3A_23 = arith.constant 0 : index
    %get3A_24 = arith.constant 0 : index
    %get3A_25 = vector.load %arg2[%get3A_23, %get3A_24] : memref<1024x128xf32, #tpu.memory_space<vmem>>, vector<1024x128xf32>
    %add3A_26 = arith.addf %add3A_22, %get3A_25 : vector<1024x128xf32>
    %mul3A = vector.broadcast %rsqrt3A : vector<1024x1xf32> to vector<1024x128xf32>
    %mul3A_27 = arith.mulf %mul3A, %add3A_26 : vector<1024x128xf32>
    %get3A_28 = arith.constant 0 : index
    %get3A_29 = arith.constant 0 : index
    %get3A_30 = vector.load %arg3[%get3A_28, %get3A_29] : memref<1x128xf32, #tpu.memory_space<vmem>>, vector<1x128xf32>
    %add3A_31 = vector.broadcast %get3A_30 : vector<1x128xf32> to vector<1024x128xf32>
    %add3A_32 = arith.addf %mul3A_27, %add3A_31 : vector<1024x128xf32>
    %max3A = arith.constant 0.000000e+00 : f32
    %max3A_33 = vector.broadcast %max3A : f32 to vector<1024x128xf32>
    %max3A_34 = arith.maximumf %add3A_32, %max3A_33 : vector<1024x128xf32>
    %get3A_35 = arith.constant 0 : index
    %get3A_36 = arith.constant 0 : index
    %get3A_37 = vector.load %arg4[%get3A_35, %get3A_36] : memref<128x128xf32, #tpu.memory_space<vmem>>, vector<128x128xf32>
    %dot_general3A = arith.constant dense<0.000000e+00> : vector<1024x128xf32>
    %dot_general3A_38 = tpu.matmul %max3A_34, %get3A_37, %dot_general3A {dimension_numbers = #tpu.dot_dimension_numbers<[1], [0], [0], [1], [0, 0, 1, 1], [], []>, transpose_lhs_hint = false} : vector<1024x128xf32>, vector<128x128xf32>, vector<1024x128xf32> -> vector<1024x128xf32>
    %mul3A_39 = vector.broadcast %rsqrt3A : vector<1024x1xf32> to vector<1024x128xf32>
    %mul3A_40 = arith.mulf %dot_general3A_38, %mul3A_39 : vector<1024x128xf32>
    %swap3A = arith.constant 0 : index
    %swap3A_41 = arith.constant 0 : index
    %swap3A_42 = vector.load %arg6[%swap3A, %swap3A_41] : memref<1024x128xf32, #tpu.memory_space<vmem>>, vector<1024x128xf32>
    tpu.vector_store %arg6[%swap3A, %swap3A_41], %mul3A_40 {strides = array<i32>} : memref<1024x128xf32, #tpu.memory_space<vmem>>, vector<1024x128xf32>,
    return
  }
  func.func @transform_0(%arg0: i32) -> (i32, i32, i32) {
    %c0_i32 = arith.constant 0 : i32
    %c0_i32_0 = arith.constant 0 : i32
    %c0_i32_1 = arith.constant 0 : i32
    return %c0_i32, %arg0, %c0_i32_0 : i32, i32, i32
  }
  func.func @transform_1(%arg0: i32) -> (i32, i32) {
    %c0_i32 = arith.constant 0 : i32
    %c0_i32_0 = arith.constant 0 : i32
    return %arg0, %c0_i32 : i32, i32
  }
  func.func @transform_2(%arg0: i32) -> (i32, i32) {
    %c0_i32 = arith.constant 0 : i32
    %c0_i32_0 = arith.constant 0 : i32
    %c0_i32_1 = arith.constant 0 : i32
    return %c0_i32, %c0_i32_0 : i32, i32
  }
  func.func @transform_3(%arg0: i32) -> (i32, i32) {
    %c0_i32 = arith.constant 0 : i32
    %c0_i32_0 = arith.constant 0 : i32
    %c0_i32_1 = arith.constant 0 : i32
    return %c0_i32, %c0_i32_0 : i32, i32
  }
  func.func @transform_4(%arg0: i32) -> (i32, i32, i32) {
    %c0_i32 = arith.constant 0 : i32
    %c0_i32_0 = arith.constant 0 : i32
    %c0_i32_1 = arith.constant 0 : i32
    return %c0_i32, %arg0, %c0_i32_0 : i32, i32, i32
  }
  func.func @transform_5(%arg0: i32) -> (i32, i32) {
    %c0_i32 = arith.constant 0 : i32
    %c0_i32_0 = arith.constant 0 : i32
    return %arg0, %c0_i32 : i32, i32
  }
}

module attributes {stable_mosaic.version = 14 : i64} {
  func.func @_final_body(%arg0: i32, %arg1: memref<2x1024x128xf32, #tpu.memory_space<vmem>>, %arg2: memref<1024x128xf32, #tpu.memory_space<vmem>>, %arg3: memref<1x128xf32, #tpu.memory_space<vmem>>, %arg4: memref<2x1024x128xf32, #tpu.memory_space<vmem>>, %arg5: memref<1024x128xf32, #tpu.memory_space<vmem>>) attributes {dimension_semantics = [#tpu.dimension_semantics<arbitrary>], iteration_bounds = array<i64: 10>, scalar_prefetch = 0 : i64, scratch_operands = 0 : i64, tpu.core_type = #tpu.core_type<tc>, window_params = [{transform_indices = @transform_0, window_bounds = array<i64: 2, 1024, 128>}, {transform_indices = @transform_1, window_bounds = array<i64: 1024, 128>}, {pipeline_mode = #tpu.pipeline_mode<synchronous>, transform_indices = @transform_2, window_bounds = array<i64: 1, 128>}, {transform_indices = @transform_3, window_bounds = array<i64: 2, 1024, 128>}, {transform_indices = @transform_4, window_bounds = array<i64: 1024, 128>}]} {
    %get3A = arith.constant 0 : index
    %get3A_0 = arith.constant 0 : index
    %get3A_1 = arith.constant 0 : index
    %get3A_2 = vector.load %arg4[%get3A, %get3A_0, %get3A_1] : memref<2x1024x128xf32, #tpu.memory_space<vmem>>, vector<1x1024x1xf32>
    %get3A_3 = vector.shape_cast %get3A_2 : vector<1x1024x1xf32> to vector<1024x1xf32>
    %get3A_4 = arith.constant 1 : index
    %get3A_5 = arith.constant 0 : index
    %get3A_6 = arith.constant 0 : index
    %get3A_7 = vector.load %arg4[%get3A_4, %get3A_5, %get3A_6] : memref<2x1024x128xf32, #tpu.memory_space<vmem>>, vector<1x1024x1xf32>
    %get3A_8 = vector.shape_cast %get3A_7 : vector<1x1024x1xf32> to vector<1024x1xf32>
    %add3A = arith.addf %get3A_3, %get3A_8 : vector<1024x1xf32>
    %add3A_9 = arith.constant 1.000000e+00 : f32
    %add3A_10 = vector.broadcast %add3A_9 : f32 to vector<1024x1xf32>
    %add3A_11 = arith.addf %add3A, %add3A_10 : vector<1024x1xf32>
    %rsqrt3A = math.rsqrt %add3A_11 : vector<1024x1xf32>
    %get3A_12 = arith.constant 0 : index
    %get3A_13 = arith.constant 0 : index
    %get3A_14 = arith.constant 0 : index
    %get3A_15 = vector.load %arg1[%get3A_12, %get3A_13, %get3A_14] : memref<2x1024x128xf32, #tpu.memory_space<vmem>>, vector<1x1024x128xf32>
    %get3A_16 = vector.shape_cast %get3A_15 : vector<1x1024x128xf32> to vector<1024x128xf32>
    %get3A_17 = arith.constant 1 : index
    %get3A_18 = arith.constant 0 : index
    %get3A_19 = arith.constant 0 : index
    %get3A_20 = vector.load %arg1[%get3A_17, %get3A_18, %get3A_19] : memref<2x1024x128xf32, #tpu.memory_space<vmem>>, vector<1x1024x128xf32>
    %get3A_21 = vector.shape_cast %get3A_20 : vector<1x1024x128xf32> to vector<1024x128xf32>
    %add3A_22 = arith.addf %get3A_16, %get3A_21 : vector<1024x128xf32>
    %get3A_23 = arith.constant 0 : index
    %get3A_24 = arith.constant 0 : index
    %get3A_25 = vector.load %arg2[%get3A_23, %get3A_24] : memref<1024x128xf32, #tpu.memory_space<vmem>>, vector<1024x128xf32>
    %add3A_26 = arith.addf %add3A_22, %get3A_25 : vector<1024x128xf32>
    %mul3A = vector.broadcast %rsqrt3A : vector<1024x1xf32> to vector<1024x128xf32>
    %mul3A_27 = arith.mulf %mul3A, %add3A_26 : vector<1024x128xf32>
    %get3A_28 = arith.constant 0 : index
    %get3A_29 = arith.constant 0 : index
    %get3A_30 = vector.load %arg3[%get3A_28, %get3A_29] : memref<1x128xf32, #tpu.memory_space<vmem>>, vector<1x128xf32>
    %add3A_31 = vector.broadcast %get3A_30 : vector<1x128xf32> to vector<1024x128xf32>
    %add3A_32 = arith.addf %mul3A_27, %add3A_31 : vector<1024x128xf32>
    %swap3A = arith.constant 0 : index
    %swap3A_33 = arith.constant 0 : index
    %swap3A_34 = vector.load %arg5[%swap3A, %swap3A_33] : memref<1024x128xf32, #tpu.memory_space<vmem>>, vector<1024x128xf32>
    tpu.vector_store %arg5[%swap3A, %swap3A_33], %add3A_32 {strides = array<i32>} : memref<1024x128xf32, #tpu.memory_space<vmem>>, vector<1024x128xf32>,
    return
  }
  func.func @transform_0(%arg0: i32) -> (i32, i32, i32) {
    %c0_i32 = arith.constant 0 : i32
    %c0_i32_0 = arith.constant 0 : i32
    %c0_i32_1 = arith.constant 0 : i32
    return %c0_i32, %arg0, %c0_i32_0 : i32, i32, i32
  }
  func.func @transform_1(%arg0: i32) -> (i32, i32) {
    %c0_i32 = arith.constant 0 : i32
    %c0_i32_0 = arith.constant 0 : i32
    return %arg0, %c0_i32 : i32, i32
  }
  func.func @transform_2(%arg0: i32) -> (i32, i32) {
    %c0_i32 = arith.constant 0 : i32
    %c0_i32_0 = arith.constant 0 : i32
    %c0_i32_1 = arith.constant 0 : i32
    return %c0_i32, %c0_i32_0 : i32, i32
  }
  func.func @transform_3(%arg0: i32) -> (i32, i32, i32) {
    %c0_i32 = arith.constant 0 : i32
    %c0_i32_0 = arith.constant 0 : i32
    %c0_i32_1 = arith.constant 0 : i32
    return %c0_i32, %arg0, %c0_i32_0 : i32, i32, i32
  }
  func.func @transform_4(%arg0: i32) -> (i32, i32) {
    %c0_i32 = arith.constant 0 : i32
    %c0_i32_0 = arith.constant 0 : i32
    return %arg0, %c0_i32 : i32, i32
  }
}

</mosaic_0001>

<sc_bundles>
// kernel: kernel.10.cloned.1.call-start
scs
__scs_entry_jumppad:
0x0: {  	(pc) =	sbr.rel $0x88, $3  }
0x1: {  	(tag) =	ssettag $0x0;
	lr =	simm.s32 $0x1  }
0x2: {  	[smem:$0x3F99] =	sst lr;
	_ =	strace $0xD0000000  }
0x3: {  	_ = 	snop  }
0x4: {  	_ = 	snop  }
0x5: {  	_ = 	snop  }
0x6: {  	_ = 	snop  }
0x7: {  	_ = 	snop  }
__scs_overlays_trampoline_lowered:
0x8: {  	[smem:$0x3FA8] =	sst s0  }
0x9: {  	[smem:$0x3FA9] =	sst s1  }
0xa: {  	[smem:$0x3FAA] =	sst s2  }
0xb: {  	[smem:$0x3FAB] =	sst s3  }
0xc: {  	[smem:$0x3FAC] =	sst s4  }
0xd: {  	[smem:$0x3FAD] =	sst s5  }
0xe: {  	[smem:$0x3FAE] =	sst s6  }
0xf: {  	[smem:$0x3FAF] =	sst s7  }
0x10: {  	[smem:$0x3FB0] =	sst s8  }
0x11: {  	[smem:$0x3FB1] =	sst s9;
	s0 =	simm.s32 @!p0 $0x0  }
0x12: {  	s1 =	sld [smem:$0x3F97];
	s0 =	simm.s32 @p0 $0x1  }
0x13: {  	[smem:$0x3FB2] =	sst s0;
	s0 =	simm.s32 @!p1 $0x0  }
0x14: {  	s2 =	sld [smem:$0x3F96];
	s0 =	simm.s32 @p1 $0x1  }
0x15: {  	[smem:$0x3FB3] =	sst s0;
	s0 =	simm.s32 @!p2 $0x0  }
0x16: {  	s3 =	sld [smem:$0x3FDB];
	s0 =	simm.s32 @p2 $0x1  }
0x17: {  	s4 =	simm.s32 $0x1BF5;
	[smem:$0x3FB5] =	sst s0  }
0x18: {  	s0 =	sld [smem:$0x3F98];
	_ =	swait.ge [sflag:s4], $0x0  }
0x19: {  	s7 =	sld [smem:$0x3F99]  }
0x1a: {  	s8 =	sadd.s32 $0xFFFFE003, lr  }
0x1b: {  	s9 =	sadd.s32 $0xFFFFFEF7, lr;
	s5 =	simm.s32 $0xFFFFFFFF;
	p2 =	slt.u32 s8, $0xFFFFF086  }
0x1c: {  	p1 =	slt.u32 s9, $0xF7A;
	s5 =	simm.s32 @!p2 $0x0  }
0x1d: {  	s5 =	simm.s32 @p1 $0x1;
	p0 =	seq.s32 s7, s2  }
0x1e: {  	s7 =	smul.u32 @!p0 $0xF7A, s2;
	p2 =	seq.s32 @!p0 s5, $0x0  }
0x1f: {  	s9 =	smul.u32 $0xF7A, s1;
	s8 =	simm.s32 @!p0 $0x1BF5;
	p2 =	por !p2, p0  }
0x20: {  	[sflag:s8] =	ssyncset.s32 @!p0 $0xFFFFF086;
	s6 =	sadd.s32 @!p0 s3, s7;
	s7 =	simm.s32 @!p0 $0x108  }
0x21: {  	s3 =	sadd.s32 s3, s9;
	s6 =	sadd.s32 @!p0 $0x88, s6;
	s7 =	simm.s32 @p2 $0x1082  }
0x22: {  	[simem:s7], [sflag:s8] =	dma.local @!p0 [hbm:s6], $0xF7A  }
0x23: {  	s9 =	sor.u32 $0xD0000000, s2;
	s6 =	simm.s32 $0x108;
	_ =	swait.ge @!p0 [sflag:s8], $0x0  }
0x24: {  	s3 =	sadd.s32 $0x88, s3;
	s6 =	simm.s32 @!p1 $0x1082;
	[sflag:s4] =	ssyncset.s32 $0xFFFFF086  }
0x25: {  	[simem:s6], [sflag:s4] =	dma.local [hbm:s3], $0xF7A  }
0x26: {  	[smem:$0x3F99] =	sst s1;
	(tag) =	ssettag s2;
	_ =	strace s9  }
0x27: {  	s1 =	sld [smem:$0x3FA9]  }
0x28: {  	s2 =	sld [smem:$0x3FAA]  }
0x29: {  	s4 =	sld [smem:$0x3FAC]  }
0x2a: {  	p0 =	seq.s32 s5, $0x0;
	s5 =	sld [smem:$0x3FAD]  }
0x2b: {  	s6 =	sld [smem:$0x3FAE]  }
0x2c: {  	s7 =	sld [smem:$0x3FAF]  }
0x2d: {  	s3 =	simm.s32 $0x108;
	s8 =	sld [smem:$0x3FB0]  }
0x2e: {  	s3 =	simm.s32 @!p0 $0x1082;
	s9 =	sld [smem:$0x3FB1]  }
0x2f: {  	lr =	sadd.s32 s0, s3;
	s0 =	sld [smem:$0x3FA8]  }
0x30: {  	s3 =	sld [smem:$0x3FAB]  }
0x31: {  	[smem:$0x3FB4] =	sst s10  }
0x32: {  	s10 =	sld [smem:$0x3FB2];
	_ =	sdelay $0x3  }
0x33: {  	p0 =	seq.s32 s10, $0x1;
	s10 =	sld [smem:$0x3FB4];
	_ =	sdelay $0x3  }
0x34: {  	[smem:$0x3FB4] =	sst s10  }
0x35: {  	s10 =	sld [smem:$0x3FB3];
	_ =	sdelay $0x3  }
0x36: {  	p1 =	seq.s32 s10, $0x1;
	s10 =	sld [smem:$0x3FB4];
	_ =	sdelay $0x3  }
0x37: {  	[smem:$0x3FB4] =	sst s10  }
0x38: {  	s10 =	sld [smem:$0x3FB5]  }
0x39: {  	_ = 	snop;
	(pc) =	sbr.ind lr, $3  }
0x3a: {  	_ = 	snop  }
0x3b: {  	_ = 	snop  }
0x3c: {  	p2 =	seq.s32 s10, $0x1;
	s10 =	sld [smem:$0x3FB4]  }
0x3d: {  	_ =	shalt  }
0x3e: {  	_ =	shalt  }
0x3f: {  	_ =	shalt  }
0x40: {  	_ =	shalt  }
0x41: {  	_ =	shalt  }
0x42: {  	_ =	shalt  }
0x43: {  	_ =	shalt  }
0x44: {  	_ =	shalt  }
0x45: {  	_ =	shalt  }
0x46: {  	_ =	shalt  }
0x47: {  	_ =	shalt  }
0x48: {  	_ =	shalt  }
0x49: {  	_ =	shalt  }
0x4a: {  	_ =	shalt  }
0x4b: {  	_ =	shalt  }
0x4c: {  	_ =	shalt  }
0x4d: {  	_ =	shalt  }
0x4e: {  	_ =	shalt  }
0x4f: {  	_ =	shalt  }
0x50: {  	_ =	shalt  }
0x51: {  	_ =	shalt  }
0x52: {  	_ =	shalt  }
0x53: {  	_ =	shalt  }
0x54: {  	_ =	shalt  }
0x55: {  	_ =	shalt  }
0x56: {  	_ =	shalt  }
0x57: {  	_ =	shalt  }
0x58: {  	_ =	shalt  }
0x59: {  	_ =	shalt  }
0x5a: {  	_ =	shalt  }
0x5b: {  	_ =	shalt  }
0x5c: {  	_ =	shalt  }
0x5d: {  	_ =	shalt  }
0x5e: {  	_ =	shalt  }
0x5f: {  	_ =	shalt  }
0x60: {  	_ =	shalt  }
0x61: {  	_ =	shalt  }
0x62: {  	_ =	shalt  }
0x63: {  	_ =	shalt  }
0x64: {  	_ =	shalt  }
0x65: {  	_ =	shalt  }
0x66: {  	_ =	shalt  }
0x67: {  	_ =	shalt  }
0x68: {  	_ =	shalt  }
0x69: {  	_ =	shalt  }
0x6a: {  	_ =	shalt  }
0x6b: {  	_ =	shalt  }
0x6c: {  	_ =	shalt  }
0x6d: {  	_ =	shalt  }
0x6e: {  	_ =	shalt  }
0x6f: {  	_ =	shalt  }
0x70: {  	_ =	shalt  }
0x71: {  	_ =	shalt  }
0x72: {  	_ =	shalt  }
0x73: {  	_ =	shalt  }
0x74: {  	_ =	shalt  }
0x75: {  	_ =	shalt  }
0x76: {  	_ =	shalt  }
0x77: {  	_ =	shalt  }
0x78: {  	_ =	shalt  }
0x79: {  	_ =	shalt  }
0x7a: {  	_ =	shalt  }
0x7b: {  	_ =	shalt  }
0x7c: {  	_ =	shalt  }
0x7d: {  	_ =	shalt  }
0x7e: {  	_ =	shalt  }
0x7f: {  	_ =	shalt  }
0x80: {  	_ =	shalt  }
0x81: {  	_ =	shalt  }
0x82: {  	_ =	shalt  }
0x83: {  	_ =	shalt  }
0x84: {  	_ =	shalt  }
0x85: {  	_ =	shalt  }
0x86: {  	_ =	shalt  }
0x87: {  	_ =	shalt  }
.Lfunc_end0:
.L_simem_size_0:
called_computation_lowered:
.L_overlay_start_0:
0x88: {  	s2 =	sld [smem:$0x3FD9]  }
0x89: {  	s3 =	sld [smem:$0x3FFE];
	_ =	sdelay $0x1  }
0x8a: {  	s1 =	srdreg.scid  }
0x8b: {  	s0 =	sand.u32 $0x1, s1  }
0x8c: {  	s16 =	sshll.u32 s0, $0xA;
	s2 =	sadd.s32 s3, s2  }
0x8d: {  	s2 =	sadd.s32 s2, s16  }
0x8e: {  	[smem:$0x3FC0] =	sst s2  }
0x8f: {  	_ = 	snop  }
0x90: {  	(tm) =	ssettm $0x1  }
0x91: {  	s17 =	sld [smem:$0x3FFB];
	_ =	sdelay $0x3  }
0x92: {  	_ =	strace s17  }
0x93: {  	s2 =	sld [smem:$0x3FFC];
	_ =	sdelay $0x3  }
0x94: {  	_ =	strace s2  }
0x95: {  	s2 =	sld [smem:$0x3FFD];
	_ =	sdelay $0x3  }
0x96: {  	_ =	strace s2  }
0x97: {  	_ =	strace $0x8FFFFFFF  }
0x98: {  	s18 =	sld [smem:$0x3FDB];
	_ =	sdelay $0x1  }
0x99: {  	s19 =	simm.s32 $_scs_section_size  }
0x9a: {  	s4 =	simm.s32 $_size__tile_overlayer_lowered;
	s5 =	simm.s32 $_tile_overlayer_lowered  }
0x9b: {  	s22 =	simm.s32 $0x1BFF;
	s21 =	sshll.u32 s5, $0x1;
	s2 =	sadd.s32 s19, s18  }
0x9c: {  	s6 =	simm.s32 $0x0;
	s20 =	sshll.u32 s4, $0x1;
	s4 =	sadd.s32 s21, s2  }
0x9d: {  	[timem:s6], [sflag:s22] =	dma.local [hbm:s4], s20  }
0x9e: {  	_ =	swait.ge [sflag:s22], s20  }
0x9f: {  	s3 =	ssub.s32 $0x0, s20;
	[sflag:s22] =	ssyncset.done $0x0  }
0xa0: {  	[sflag:s22] =	ssyncadd.s32 s3;
	_ =	sdelay $0x1  }
0xa1: {  	s23 =	simm.s32 $0x1B8B  }
0xa2: {  	_ =	swait.ge [sflag:s23], $0x1  }
0xa3: {  	[sflag:s23] =	ssyncset.done $0x0  }
0xa4: {  	s25 =	simm.s32 $0x1B8E;
	s24 =	sld [smem:$0x3FFE];
	[sflag:s23] =	ssyncadd.s32 $0xFFFFFFFF  }
0xa5: {  	s26 =	simm.s32 $execute0_lowered;
	[smem:$0x3FD2] =	sst s25  }
0xa6: {  	s4 =	sshll.u32 s26, $0x1;
	_ =	strace $0x80000046;
	[dreg:$0x1] =	wrdreg $0xFFFFFFFF  }
0xa7: {  	s28 =	simm.s32 $_size_execute0_lowered;
	s2 =	sadd.s32 s2, s4;
	[dreg:$0x0] =	wrdreg $0x0  }
0xa8: {  	s4 =	sshll.u32 s28, $0x1;
	[dreg:$0x2] =	wrdreg s2  }
0xa9: {  	[dreg:$0x3] =	wrdreg s4  }
0xaa: {  	[dreg:$0x4] =	wrdreg $0xC0  }
0xab: {  	_ =	task [dreg:s6], $0x5FFFF  }
0xac: {  	[dreg:$0x1] =	wrdreg $0xFFFFFFFF  }
0xad: {  	[dreg:$0x0] =	wrdreg $0x60  }
0xae: {  	[dreg:$0x2] =	wrdreg s24  }
0xaf: {  	[dreg:$0x3] =	wrdreg $0x68000  }
0xb0: {  	[dreg:$0x4] =	wrdreg $0x9  }
0xb1: {  	_ =	task.clear_ibuf [dreg:s6], $0x5FFFF;
	_ =	strace $0x90000046  }
0xb2: {  	s29 =	simm.s32 $0x9;
	_ =	strace $0x80000048  }
0xb3: {  	_ =	swait.ge [sflag:s29], $0x1  }
0xb4: {  	[sflag:s29] =	ssyncadd.s32 $0xFFFFFFFF  }
0xb5: {  	_ =	strace $0x90000048  }
0xb6: {  	_ =	sfence  }
0xb7: {  	s30 =	sld [smem:$0x0];
	_ =	sdelay $0x2  }
0xb8: {  	s31 =	sshll.u32 s1, $0xD;
	s1 =	sshrl.u32 s1, $0x2  }
0xb9: {  	s3 =	sand.u32 $0x4000, s31;
	s1 =	sadd.s32 s1, s30  }
0xba: {  	s0 =	sor.u32 s3, s0;
	s1 =	sshll.u32 s1, $0x11  }
0xbb: {  	s0 =	sor.u32 s1, s0  }
0xbc: {  	s0 =	sadd.s32 $0x8F2B, s0  }
0xbd: {  	[sflag:s0] =	ssyncadd.remote.s32 $0x1  }
0xbe: {  	_ =	sfence.sel $0xFFFF  }
0xbf: {  	[dreg:$0x0] =	wrdreg $0xFFFFFFFF;
	(pc) =	sbr.abs _section_cstart, $3  }
0xc0: {  	[dreg:$0x1] =	wrdreg $0xFFFFFFFF  }
0xc1: {  	_ =	task.clear_ibuf [dreg:s6], $0x2FFFF;
	_ =	strace $0x9FFFFFFF  }
0xc2: {  	(tm) =	ssettm $0x7FFFFFFF  }
0xc3: {  	_ =	shalt  }
tec
execute0_lowered:
.L_overlay_start_1:
0x0: {  	(tag) =	ssettag $0x1  }
0x1: {  	s1 =	srdreg.scid  }
0x2: {  	s0 =	stileid.u32;
	s5 =	rddreg [dreg:$0x0]  }
0x3: {  	s2 =	rddreg [dreg:$0x1];
	s3 =	simm.s32 $0x0;
	s13 =	simm.s32 $0x80  }
0x4: {  	s14 =	simm.s32 $0x0;
	s4 =	sand.u32 $0x1, s1;
	s1 =	rddreg [dreg:$0x2]  }
0x5: {  	s26 =	sshll.u32 s0, $0x1;
	[smem:$0x7FF] =	sst s3;
	s7 =	smul.u32 $0x2800, s0  }
0x6: {  	s11 =	smul.u32 $0x50000, s0;
	s31 =	sshll.u32 s0, $0x6;
	s6 =	sor.u32 s4, s26  }
0x7: {  	_ =	strace $0x80000047;
	s28 =	smul.u32 $0x28000, s4;
	s10 =	ssub.s32 $0x2, s4  }
0x8: {  	s4 =	sadd.s32 $0x35800, s5;
	s6 =	smul.u32 $0x500, s6;
	s29 =	sshrl.u32 s10, $0x1  }
0x9: {  	s9 =	sadd.s32 s7, s5;
	s30 =	sshrl.u32 s11, $0x2;
	s10 =	ssub.s32 s10, s29  }
0xa: {  	s11 =	sadd.s32 s30, s2;
	s8 =	sadd.s32 s6, s5;
	s6 =	sadd.s32 s7, s28  }
0xb: {  	s12 =	sadd.s32 s6, s5;
	s5 =	sadd.s32 $0xD800, s9;
	s6 =	sor.u32 $0x1C01, s31  }
0xc: {  	s7 =	sadd.s32 $0x3800, s8;
	s9 =	smax.u32 s10, $0x1;
	s10 =	sshrl.u32 s11, $0x3  }
0xd: {  	s11 =	simm.s32 $0x1;
	s8 =	sadd.s32 $0x36000, s12;
	s12 =	simm.s32 $0x2800  }
.LBB2_1:
0xe: {  	[spmem:s10], [sflag:s6] =	dma.local [hbm:s5], $0x2800  }
0xf: {  	_ =	swait.ge [sflag:s11], $0x2800  }
0x10: {  	[sflag:s11] =	ssyncset.done $0x0  }
0x11: {  	[sflag:s11] =	ssyncadd.s32 $0xFFFFD800  }
0x12: {  	[tilespmem:s3], [sflag:$0x1] =	stream.linear.gather [hbm4b:s7+s3], $0x2800, $0x38;
	[tilespmem:$0x1A800] =	vst v63  }
0x13: {  	_ =	swait.ge [sflag:s11], $0x2800  }
0x14: {  	[sflag:s11] =	ssyncset.done $0x0  }
0x15: {  	[sflag:s11] =	ssyncadd.s32 $0xFFFFD800  }
0x16: {  	[tilespmem:s12], [sflag:$0x1] =	stream.linear.gather [hbm4b:s4+s3], $0x4000, $0x38;
	[tilespmem:$0x1A800] =	vst v63  }
0x17: {  	_ =	swait.ge [sflag:s11], $0x4000  }
0x18: {  	[sflag:s11] =	ssyncset.done $0x0  }
0x19: {  	[sflag:s11] =	ssyncadd.s32 $0xFFFFC000  }
0x1a: {  	s15 =	simm.s32 $0x0;
	[bflag:$0x0] =	sbarrier.arrive $0xFFFF  }
0x1b: {  	[spmem:s2] =	stream.indirect.scatter.add.f32 [tilespmem:s12], [sflag:$0x1], $0x80, s15, s13, $0xb8;
	[tilespmem:$0x1A800] =	vst v63  }
0x1c: {  	_ =	swait.ge [sflag:s11], $0x4000  }
0x1d: {  	s15 =	simm.s32 $0x200;
	[sflag:s11] =	ssyncset.done $0x0  }
.LBB2_2:
0x1e: {  	s16 =	sshra.s32 s15, $0x2;
	[sflag:s11] =	ssyncadd.s32 $0xFFFFC000;
	p0 =	sne.s32 s15, $0x9E00  }
0x1f: {  	[spmem:s2] =	stream.indirect.scatter.add.f32 [tilespmem:s12], [sflag:$0x1], $0x80, s16, s13, $0xb8;
	[tilespmem:$0x1A800] =	vst v63  }
.Ltmp0:
0x20: {  	_ = 	snop;
	(pc) =	sbr.rel @p0 .LBB2_2-.Ltmp0, $4  }
0x21: {  	_ = 	snop  }
0x22: {  	s15 =	sadd.s32 $0x200, s15  }
0x23: {  	_ =	swait.ge [sflag:s11], $0x4000  }
0x24: {  	[sflag:s11] =	ssyncset.done $0x0  }
0x25: {  	s14 =	sadd.s32 $0x1, s14  }
0x26: {  	[sflag:s11] =	ssyncadd.s32 $0xFFFFC000;
	p0 =	sne.s32 s14, s9  }
.Ltmp1:
0x27: {  	[bflag:$0x0] =	sbarrier.arrive $0xFFFF;
	(pc) =	sbr.rel @p0 .LBB2_1-.Ltmp1, $4  }
0x28: {  	[hbm:s8], [sflag:s6] =	dma.local [spmem:s10], $0x2800  }
0x29: {  	_ =	swait.ge [sflag:s11], $0x2800  }
0x2a: {  	[sflag:s11] =	ssyncset.done $0x0  }
0x2b: {  	[sflag:s11] =	ssyncadd.s32 $0xFFFFD800  }
0x2c: {  	_ =	sfence.sel $0x180000  }
0x2d: {  	[bflag:$0x0] =	sbarrier.arrive $0xFFFF  }
0x2e: {  	p0 =	sne.s32 s0, $0x0;
	_ =	strace $0x90000047  }
0x2f: {  	s0 =	sadd.s32 @!p0 $0x100000, s1;
	[bflag:$0x2] =	sbarrier.arrive $0xFFFF  }
0x30: {  	[sflag:s0] =	ssyncadd.tile.s32 @!p0 $0x1;
	_ =	shalt  }
.Lfunc_end2:
_tile_overlayer_lowered:
.L_overlay_start_2:
0x31: {  	(tag) =	ssettag $0x2  }
0x32: {  	s0 =	rddreg [dreg:$0x0];
	s2 =	stileid.u32  }
0x33: {  	s1 =	rddreg [dreg:$0x1];
	p0 =	sne.s32 s2, $0x0  }
0x34: {  	s3 =	rddreg [dreg:$0x2];
	[bflag:$0x3] =	sbarrier.arrive $0xFFFF;
	s2 =	simm.s32 @!p0 $0x1C01  }
0x35: {  	[timem:s3], [sflag:s2] =	dma.local @!p0 [hbm:s0], s1  }
0x36: {  	s0 =	simm.s32 @!p0 $0x1  }
0x37: {  	_ =	swait.ge @!p0 [sflag:s0], s1  }
0x38: {  	s1 =	ssub.s32 @!p0 $0x0, s1;
	[sflag:s0] =	ssyncset.done @!p0 $0x0  }
0x39: {  	[sflag:s0] =	ssyncadd.s32 @!p0 s1  }
0x3a: {  	[bflag:$0x3] =	sbarrier.arrive $0xFFFF  }
0x3b: {  	_ =	shalt  }

// kernel: kernel.13.cloned.1.call-start
scs
__scs_entry_jumppad:
0x0: {  	(pc) =	sbr.rel $0x88, $3  }
0x1: {  	(tag) =	ssettag $0x0;
	lr =	simm.s32 $0x1  }
0x2: {  	[smem:$0x3F99] =	sst lr;
	_ =	strace $0xD0000000  }
0x3: {  	_ = 	snop  }
0x4: {  	_ = 	snop  }
0x5: {  	_ = 	snop  }
0x6: {  	_ = 	snop  }
0x7: {  	_ = 	snop  }
__scs_overlays_trampoline_lowered:
0x8: {  	[smem:$0x3FA8] =	sst s0  }
0x9: {  	[smem:$0x3FA9] =	sst s1  }
0xa: {  	[smem:$0x3FAA] =	sst s2  }
0xb: {  	[smem:$0x3FAB] =	sst s3  }
0xc: {  	[smem:$0x3FAC] =	sst s4  }
0xd: {  	[smem:$0x3FAD] =	sst s5  }
0xe: {  	[smem:$0x3FAE] =	sst s6  }
0xf: {  	[smem:$0x3FAF] =	sst s7  }
0x10: {  	[smem:$0x3FB0] =	sst s8  }
0x11: {  	[smem:$0x3FB1] =	sst s9;
	s0 =	simm.s32 @!p0 $0x0  }
0x12: {  	s1 =	sld [smem:$0x3F97];
	s0 =	simm.s32 @p0 $0x1  }
0x13: {  	[smem:$0x3FB2] =	sst s0;
	s0 =	simm.s32 @!p1 $0x0  }
0x14: {  	s2 =	sld [smem:$0x3F96];
	s0 =	simm.s32 @p1 $0x1  }
0x15: {  	[smem:$0x3FB3] =	sst s0;
	s0 =	simm.s32 @!p2 $0x0  }
0x16: {  	s3 =	sld [smem:$0x3FDB];
	s0 =	simm.s32 @p2 $0x1  }
0x17: {  	s4 =	simm.s32 $0x1BF5;
	[smem:$0x3FB5] =	sst s0  }
0x18: {  	s0 =	sld [smem:$0x3F98];
	_ =	swait.ge [sflag:s4], $0x0  }
0x19: {  	s7 =	sld [smem:$0x3F99]  }
0x1a: {  	s8 =	sadd.s32 $0xFFFFE003, lr  }
0x1b: {  	s9 =	sadd.s32 $0xFFFFFEF7, lr;
	s5 =	simm.s32 $0xFFFFFFFF;
	p2 =	slt.u32 s8, $0xFFFFF086  }
0x1c: {  	p1 =	slt.u32 s9, $0xF7A;
	s5 =	simm.s32 @!p2 $0x0  }
0x1d: {  	s5 =	simm.s32 @p1 $0x1;
	p0 =	seq.s32 s7, s2  }
0x1e: {  	s7 =	smul.u32 @!p0 $0xF7A, s2;
	p2 =	seq.s32 @!p0 s5, $0x0  }
0x1f: {  	s9 =	smul.u32 $0xF7A, s1;
	s8 =	simm.s32 @!p0 $0x1BF5;
	p2 =	por !p2, p0  }
0x20: {  	[sflag:s8] =	ssyncset.s32 @!p0 $0xFFFFF086;
	s6 =	sadd.s32 @!p0 s3, s7;
	s7 =	simm.s32 @!p0 $0x108  }
0x21: {  	s3 =	sadd.s32 s3, s9;
	s6 =	sadd.s32 @!p0 $0x88, s6;
	s7 =	simm.s32 @p2 $0x1082  }
0x22: {  	[simem:s7], [sflag:s8] =	dma.local @!p0 [hbm:s6], $0xF7A  }
0x23: {  	s9 =	sor.u32 $0xD0000000, s2;
	s6 =	simm.s32 $0x108;
	_ =	swait.ge @!p0 [sflag:s8], $0x0  }
0x24: {  	s3 =	sadd.s32 $0x88, s3;
	s6 =	simm.s32 @!p1 $0x1082;
	[sflag:s4] =	ssyncset.s32 $0xFFFFF086  }
0x25: {  	[simem:s6], [sflag:s4] =	dma.local [hbm:s3], $0xF7A  }
0x26: {  	[smem:$0x3F99] =	sst s1;
	(tag) =	ssettag s2;
	_ =	strace s9  }
0x27: {  	s1 =	sld [smem:$0x3FA9]  }
0x28: {  	s2 =	sld [smem:$0x3FAA]  }
0x29: {  	s4 =	sld [smem:$0x3FAC]  }
0x2a: {  	p0 =	seq.s32 s5, $0x0;
	s5 =	sld [smem:$0x3FAD]  }
0x2b: {  	s6 =	sld [smem:$0x3FAE]  }
0x2c: {  	s7 =	sld [smem:$0x3FAF]  }
0x2d: {  	s3 =	simm.s32 $0x108;
	s8 =	sld [smem:$0x3FB0]  }
0x2e: {  	s3 =	simm.s32 @!p0 $0x1082;
	s9 =	sld [smem:$0x3FB1]  }
0x2f: {  	lr =	sadd.s32 s0, s3;
	s0 =	sld [smem:$0x3FA8]  }
0x30: {  	s3 =	sld [smem:$0x3FAB]  }
0x31: {  	[smem:$0x3FB4] =	sst s10  }
0x32: {  	s10 =	sld [smem:$0x3FB2];
	_ =	sdelay $0x3  }
0x33: {  	p0 =	seq.s32 s10, $0x1;
	s10 =	sld [smem:$0x3FB4];
	_ =	sdelay $0x3  }
0x34: {  	[smem:$0x3FB4] =	sst s10  }
0x35: {  	s10 =	sld [smem:$0x3FB3];
	_ =	sdelay $0x3  }
0x36: {  	p1 =	seq.s32 s10, $0x1;
	s10 =	sld [smem:$0x3FB4];
	_ =	sdelay $0x3  }
0x37: {  	[smem:$0x3FB4] =	sst s10  }
0x38: {  	s10 =	sld [smem:$0x3FB5]  }
0x39: {  	_ = 	snop;
	(pc) =	sbr.ind lr, $3  }
0x3a: {  	_ = 	snop  }
0x3b: {  	_ = 	snop  }
0x3c: {  	p2 =	seq.s32 s10, $0x1;
	s10 =	sld [smem:$0x3FB4]  }
0x3d: {  	_ =	shalt  }
0x3e: {  	_ =	shalt  }
0x3f: {  	_ =	shalt  }
0x40: {  	_ =	shalt  }
0x41: {  	_ =	shalt  }
0x42: {  	_ =	shalt  }
0x43: {  	_ =	shalt  }
0x44: {  	_ =	shalt  }
0x45: {  	_ =	shalt  }
0x46: {  	_ =	shalt  }
0x47: {  	_ =	shalt  }
0x48: {  	_ =	shalt  }
0x49: {  	_ =	shalt  }
0x4a: {  	_ =	shalt  }
0x4b: {  	_ =	shalt  }
0x4c: {  	_ =	shalt  }
0x4d: {  	_ =	shalt  }
0x4e: {  	_ =	shalt  }
0x4f: {  	_ =	shalt  }
0x50: {  	_ =	shalt  }
0x51: {  	_ =	shalt  }
0x52: {  	_ =	shalt  }
0x53: {  	_ =	shalt  }
0x54: {  	_ =	shalt  }
0x55: {  	_ =	shalt  }
0x56: {  	_ =	shalt  }
0x57: {  	_ =	shalt  }
0x58: {  	_ =	shalt  }
0x59: {  	_ =	shalt  }
0x5a: {  	_ =	shalt  }
0x5b: {  	_ =	shalt  }
0x5c: {  	_ =	shalt  }
0x5d: {  	_ =	shalt  }
0x5e: {  	_ =	shalt  }
0x5f: {  	_ =	shalt  }
0x60: {  	_ =	shalt  }
0x61: {  	_ =	shalt  }
0x62: {  	_ =	shalt  }
0x63: {  	_ =	shalt  }
0x64: {  	_ =	shalt  }
0x65: {  	_ =	shalt  }
0x66: {  	_ =	shalt  }
0x67: {  	_ =	shalt  }
0x68: {  	_ =	shalt  }
0x69: {  	_ =	shalt  }
0x6a: {  	_ =	shalt  }
0x6b: {  	_ =	shalt  }
0x6c: {  	_ =	shalt  }
0x6d: {  	_ =	shalt  }
0x6e: {  	_ =	shalt  }
0x6f: {  	_ =	shalt  }
0x70: {  	_ =	shalt  }
0x71: {  	_ =	shalt  }
0x72: {  	_ =	shalt  }
0x73: {  	_ =	shalt  }
0x74: {  	_ =	shalt  }
0x75: {  	_ =	shalt  }
0x76: {  	_ =	shalt  }
0x77: {  	_ =	shalt  }
0x78: {  	_ =	shalt  }
0x79: {  	_ =	shalt  }
0x7a: {  	_ =	shalt  }
0x7b: {  	_ =	shalt  }
0x7c: {  	_ =	shalt  }
0x7d: {  	_ =	shalt  }
0x7e: {  	_ =	shalt  }
0x7f: {  	_ =	shalt  }
0x80: {  	_ =	shalt  }
0x81: {  	_ =	shalt  }
0x82: {  	_ =	shalt  }
0x83: {  	_ =	shalt  }
0x84: {  	_ =	shalt  }
0x85: {  	_ =	shalt  }
0x86: {  	_ =	shalt  }
0x87: {  	_ =	shalt  }
.Lfunc_end0:
.L_simem_size_0:
called_computation.1_lowered:
.L_overlay_start_0:
0x88: {  	s2 =	sld [smem:$0x3FD9]  }
0x89: {  	s3 =	sld [smem:$0x3FFE];
	_ =	sdelay $0x1  }
0x8a: {  	s1 =	srdreg.scid  }
0x8b: {  	s0 =	sand.u32 $0x1, s1  }
0x8c: {  	s17 =	sshll.u32 s0, $0xA;
	s2 =	sadd.s32 s3, s2  }
0x8d: {  	s2 =	sadd.s32 s2, s17  }
0x8e: {  	[smem:$0x3FC0] =	sst s2  }
0x8f: {  	_ = 	snop  }
0x90: {  	s2 =	sld [smem:$0x3FD0];
	(tm) =	ssettm $0x1  }
0x91: {  	s18 =	sld [smem:$0x3FFB];
	_ =	sdelay $0x3  }
0x92: {  	_ =	strace s18  }
0x93: {  	s3 =	sld [smem:$0x3FFC];
	_ =	sdelay $0x3  }
0x94: {  	_ =	strace s3  }
0x95: {  	s3 =	sld [smem:$0x3FFD];
	_ =	sdelay $0x3  }
0x96: {  	_ =	strace s3  }
0x97: {  	_ =	strace $0x8FFFFFFF  }
0x98: {  	s19 =	sld [smem:$0x3FDB];
	_ =	sdelay $0x1  }
0x99: {  	s4 =	simm.s32 $_scs_section_size  }
0x9a: {  	s5 =	simm.s32 $_size__tile_overlayer_lowered;
	s6 =	simm.s32 $_tile_overlayer_lowered  }
0x9b: {  	s22 =	simm.s32 $0x1BFF;
	s21 =	sshll.u32 s6, $0x1;
	s3 =	sadd.s32 s4, s19  }
0x9c: {  	s7 =	simm.s32 $0x0;
	s20 =	sshll.u32 s5, $0x1;
	s5 =	sadd.s32 s21, s3  }
0x9d: {  	[timem:s7], [sflag:s22] =	dma.local [hbm:s5], s20  }
0x9e: {  	_ =	swait.ge [sflag:s22], s20  }
0x9f: {  	s4 =	ssub.s32 $0x0, s20;
	[sflag:s22] =	ssyncset.done $0x0  }
0xa0: {  	[sflag:s22] =	ssyncadd.s32 s4;
	_ =	sdelay $0x1  }
0xa1: {  	s23 =	simm.s32 $0x1B8B  }
0xa2: {  	_ =	swait.ge [sflag:s23], $0x1  }
0xa3: {  	[sflag:s23] =	ssyncset.done $0x0  }
0xa4: {  	s25 =	simm.s32 $0x1B8E;
	s24 =	sld [smem:$0x3FFE];
	[sflag:s23] =	ssyncadd.s32 $0xFFFFFFFF  }
0xa5: {  	s26 =	simm.s32 $execute0_lowered;
	[smem:$0x3FD2] =	sst s25  }
0xa6: {  	s5 =	sshll.u32 s26, $0x1;
	_ =	strace $0x80000049;
	[dreg:$0x1] =	wrdreg $0xFFFFFFFF  }
0xa7: {  	s28 =	simm.s32 $_size_execute0_lowered;
	s3 =	sadd.s32 s3, s5;
	[dreg:$0x0] =	wrdreg $0x0  }
0xa8: {  	s5 =	sshll.u32 s28, $0x1;
	[dreg:$0x2] =	wrdreg s3  }
0xa9: {  	[dreg:$0x3] =	wrdreg s5  }
0xaa: {  	[dreg:$0x4] =	wrdreg $0xC0  }
0xab: {  	_ =	task [dreg:s7], $0x5FFFF  }
0xac: {  	[dreg:$0x1] =	wrdreg $0xFFFFFFFF  }
0xad: {  	[dreg:$0x0] =	wrdreg $0x60  }
0xae: {  	[dreg:$0x2] =	wrdreg s24  }
0xaf: {  	[dreg:$0x3] =	wrdreg s2  }
0xb0: {  	[dreg:$0x4] =	wrdreg $0x88000  }
0xb1: {  	[dreg:$0x5] =	wrdreg $0x9  }
0xb2: {  	_ =	task.clear_ibuf [dreg:s7], $0x6FFFF;
	_ =	strace $0x90000049  }
0xb3: {  	s29 =	simm.s32 $0x9;
	_ =	strace $0x8000004B  }
0xb4: {  	_ =	swait.ge [sflag:s29], $0x1  }
0xb5: {  	[sflag:s29] =	ssyncadd.s32 $0xFFFFFFFF  }
0xb6: {  	_ =	strace $0x9000004B  }
0xb7: {  	_ =	sfence  }
0xb8: {  	s30 =	sld [smem:$0x0];
	_ =	sdelay $0x2  }
0xb9: {  	s31 =	sshll.u32 s1, $0xD;
	s1 =	sshrl.u32 s1, $0x2  }
0xba: {  	s3 =	sand.u32 $0x4000, s31;
	s1 =	sadd.s32 s1, s30  }
0xbb: {  	s0 =	sor.u32 s3, s0;
	s1 =	sshll.u32 s1, $0x11  }
0xbc: {  	s0 =	sor.u32 s1, s0  }
0xbd: {  	s0 =	sadd.s32 $0x8F2B, s0  }
0xbe: {  	[sflag:s0] =	ssyncadd.remote.s32 $0x1  }
0xbf: {  	_ =	sfence.sel $0xFFFF  }
0xc0: {  	[dreg:$0x0] =	wrdreg $0xFFFFFFFF;
	(pc) =	sbr.abs _section_cstart, $3  }
0xc1: {  	[dreg:$0x1] =	wrdreg $0xFFFFFFFF  }
0xc2: {  	_ =	task.clear_ibuf [dreg:s7], $0x2FFFF;
	_ =	strace $0x9FFFFFFF  }
0xc3: {  	(tm) =	ssettm $0x7FFFFFFF  }
tec
execute0_lowered:
.L_overlay_start_1:
0x0: {  	(tag) =	ssettag $0x1  }
0x1: {  	s0 =	rddreg [dreg:$0x0]  }
0x2: {  	s14 =	rddreg [dreg:$0x1]  }
0x3: {  	s3 =	rddreg [dreg:$0x2]  }
0x4: {  	s2 =	stileid.u32;
	s1 =	srdreg.scid;
	s4 =	simm.s32 $0x0  }
0x5: {  	s15 =	simm.s32 $0x3;
	s16 =	simm.s32 $0x400;
	s17 =	simm.s32 $0x800  }
0x6: {  	s18 =	simm.s32 $0x1;
	s19 =	simm.s32 $0x4800;
	s20 =	simm.s32 $0x2  }
0x7: {  	s28 =	simm.s32 $0x280;
	s29 =	simm.s32 $0x600;
	s30 =	simm.s32 $0x300  }
0x8: {  	s31 =	simm.s32 $0x680;
	s7 =	smul.u32 $0x2800, s2;
	s1 =	sand.u32 $0x1, s1  }
0x9: {  	[smem:$0x7FF] =	sst s4;
	s5 =	sadd.s32 $0x86000, s0;
	s10 =	smul.u32 $0x50000, s2  }
0xa: {  	s6 =	sadd.s32 $0x3800, s0;
	s23 =	sshll.u32 s2, $0x6;
	s25 =	smul.u32 $0x900, s2  }
0xb: {  	s24 =	sshll.u32 s2, $0x8;
	s2 =	simm.s32 $0x0;
	s8 =	smul.u32 $0x28000, s1  }
0xc: {  	_ =	strace $0x8000004A;
	s9 =	ssub.s32 $0x2, s1;
	p0 =	seq.s32 s1, $0x1  }
0xd: {  	s1 =	simm.s32 $0x700;
	[dreg:$0xa] =	wrdreg s2;
	s21 =	sshrl.u32 s9, $0x1  }
0xe: {  	s22 =	sshrl.u32 s10, $0x2;
	s10 =	sor.u32 $0x1C03, s23;
	s12 =	sadd.s32 s25, s6  }
0xf: {  	s13 =	sadd.s32 s25, s14;
	s23 =	simm.s32 $0x180;
	s25 =	simm.s32 $0x200  }
0x10: {  	s8 =	sadd.s32 s7, s8;
	s7 =	sadd.s32 s7, s0;
	s11 =	sadd.s32 s22, s3  }
0x11: {  	s22 =	simm.s32 $0x480;
	s0 =	sadd.s32 s8, s0;
	s7 =	sadd.s32 $0xD800, s7  }
0x12: {  	s8 =	ssub.s32 s9, s21;
	s9 =	sor.u32 $0x9000, s24;
	[dreg:$0x5] =	wrdreg s7  }
0x13: {  	s21 =	simm.s32 $0x100;
	s0 =	sadd.s32 $0xAE000, s0;
	[dreg:$0xb] =	wrdreg s9  }
.Ltmp0:
0x14: {  	s26 =	smax.u32 s8, $0x1;
	[dreg:$0x7] =	wrdreg s0;
	(pc) =	sbr.rel .LBB2_1-.Ltmp0, $4  }
0x15: {  	s8 =	sshrl.u32 s11, $0x3;
	s11 =	smov.u32 s6;
	[dreg:$0x8] =	wrdreg s26  }
0x16: {  	s24 =	simm.s32 $0x500;
	s6 =	smov.u32 s10;
	[dreg:$0x4] =	wrdreg s11  }
0x17: {  	s7 =	simm.s32 $0x780;
	s10 =	simm.s32 $0x80;
	[dreg:$0x6] =	wrdreg s6  }
0x18: {  	s26 =	simm.s32 $0x580;
	s0 =	simm.s32 $0x380;
	[dreg:$0x9] =	wrdreg s8  }
.LBB2_4:
0x19: {  	s2 =	sadd.s32 s8, s13;
	[sflag:s15] =	ssyncadd.s32 $0xFFFFC000  }
0x1a: {  	[tilespmem:s4], [sflag:$0x3] =	stream.linear.gather [hbm4b:s2+s4], $0x400, $0x38;
	[tilespmem:$0x1C800] =	vst v63  }
0x1b: {  	_ =	swait.ge [sflag:s15], $0x400  }
0x1c: {  	[sflag:s15] =	ssyncset.done $0x0  }
0x1d: {  	s14 =	sadd.s32 s8, s12;
	[sflag:s15] =	ssyncadd.s32 $0xFFFFFC00  }
0x1e: {  	[tilespmem:s16], [sflag:$0x3] =	stream.linear.gather [hbm4b:s14+s4], $0x400, $0x38;
	[tilespmem:$0x1C800] =	vst v63  }
0x1f: {  	_ =	swait.ge [sflag:s15], $0x400  }
0x20: {  	[sflag:s15] =	ssyncset.done $0x0  }
0x21: {  	[sflag:s15] =	ssyncadd.s32 $0xFFFFFC00  }
0x22: {  	[tilespmem:s17], [sflag:$0x1] =	stream.indirect.gather [hbm4b:s5+s10], $0x80, s4, s10, $0xb8;
	[tilespmem:$0x1C800] =	vst v63  }
0x23: {  	_ =	swait.ge [sflag:s18], $0x4000  }
0x24: {  	[sflag:s18] =	ssyncset.done $0x0  }
0x25: {  	[sflag:s18] =	ssyncadd.s32 $0xFFFFC000  }
0x26: {  	[tilespmem:s19], [sflag:$0x2] =	stream.indirect.gather [hbm4b:s5+s10], $0x80, s10, s10, $0xb8;
	[tilespmem:$0x1C800] =	vst v63  }
0x27: {  	_ = 	snop  }
0x28: {  	[spmem:s3] =	stream.indirect.scatter.add.f32 [tilespmem:s17], [sflag:$0x3], $0x80, s16, s10, $0xb8;
	[tilespmem:$0x1C800] =	vst v63  }
0x29: {  	_ =	swait.ge [sflag:s15], $0x4000  }
0x2a: {  	[sflag:s15] =	ssyncset.done $0x0  }
0x2b: {  	[sflag:s15] =	ssyncadd.s32 $0xFFFFC000  }
0x2c: {  	_ =	swait.ge [sflag:s20], $0x4000  }
0x2d: {  	[sflag:s20] =	ssyncset.done $0x0  }
0x2e: {  	[sflag:s20] =	ssyncadd.s32 $0xFFFFC000  }
0x2f: {  	[tilespmem:s17], [sflag:$0x1] =	stream.indirect.gather [hbm4b:s5+s10], $0x80, s21, s10, $0xb8;
	[tilespmem:$0x1C800] =	vst v63  }
0x30: {  	_ = 	snop  }
0x31: {  	[spmem:s3] =	stream.indirect.scatter.add.f32 [tilespmem:s19], [sflag:$0x3], $0x80, s22, s10, $0xb8;
	[tilespmem:$0x1C800] =	vst v63  }
0x32: {  	_ =	swait.ge [sflag:s15], $0x4000  }
0x33: {  	[sflag:s15] =	ssyncset.done $0x0  }
0x34: {  	[sflag:s15] =	ssyncadd.s32 $0xFFFFC000  }
0x35: {  	_ =	swait.ge [sflag:s18], $0x4000  }
0x36: {  	[sflag:s18] =	ssyncset.done $0x0  }
0x37: {  	[sflag:s18] =	ssyncadd.s32 $0xFFFFC000  }
0x38: {  	[tilespmem:s19], [sflag:$0x2] =	stream.indirect.gather [hbm4b:s5+s10], $0x80, s23, s10, $0xb8;
	[tilespmem:$0x1C800] =	vst v63  }
0x39: {  	_ = 	snop  }
0x3a: {  	[spmem:s3] =	stream.indirect.scatter.add.f32 [tilespmem:s17], [sflag:$0x3], $0x80, s24, s10, $0xb8;
	[tilespmem:$0x1C800] =	vst v63  }
0x3b: {  	_ =	swait.ge [sflag:s15], $0x4000  }
0x3c: {  	[sflag:s15] =	ssyncset.done $0x0  }
0x3d: {  	[sflag:s15] =	ssyncadd.s32 $0xFFFFC000  }
0x3e: {  	_ =	swait.ge [sflag:s20], $0x4000  }
0x3f: {  	[sflag:s20] =	ssyncset.done $0x0  }
0x40: {  	[sflag:s20] =	ssyncadd.s32 $0xFFFFC000  }
0x41: {  	[tilespmem:s17], [sflag:$0x1] =	stream.indirect.gather [hbm4b:s5+s10], $0x80, s25, s10, $0xb8;
	[tilespmem:$0x1C800] =	vst v63  }
0x42: {  	_ = 	snop  }
0x43: {  	[spmem:s3] =	stream.indirect.scatter.add.f32 [tilespmem:s19], [sflag:$0x3], $0x80, s26, s10, $0xb8;
	[tilespmem:$0x1C800] =	vst v63  }
0x44: {  	_ =	swait.ge [sflag:s15], $0x4000  }
0x45: {  	[sflag:s15] =	ssyncset.done $0x0  }
0x46: {  	[sflag:s15] =	ssyncadd.s32 $0xFFFFC000  }
0x47: {  	_ =	swait.ge [sflag:s18], $0x4000  }
0x48: {  	[sflag:s18] =	ssyncset.done $0x0  }
0x49: {  	[sflag:s18] =	ssyncadd.s32 $0xFFFFC000  }
0x4a: {  	[tilespmem:s19], [sflag:$0x2] =	stream.indirect.gather [hbm4b:s5+s10], $0x80, s28, s10, $0xb8;
	[tilespmem:$0x1C800] =	vst v63  }
0x4b: {  	_ = 	snop  }
0x4c: {  	[spmem:s3] =	stream.indirect.scatter.add.f32 [tilespmem:s17], [sflag:$0x3], $0x80, s29, s10, $0xb8;
	[tilespmem:$0x1C800] =	vst v63  }
0x4d: {  	_ =	swait.ge [sflag:s15], $0x4000  }
0x4e: {  	[sflag:s15] =	ssyncset.done $0x0  }
0x4f: {  	[sflag:s15] =	ssyncadd.s32 $0xFFFFC000  }
0x50: {  	_ =	swait.ge [sflag:s20], $0x4000  }
0x51: {  	[sflag:s20] =	ssyncset.done $0x0  }
0x52: {  	[sflag:s20] =	ssyncadd.s32 $0xFFFFC000  }
0x53: {  	[tilespmem:s17], [sflag:$0x1] =	stream.indirect.gather [hbm4b:s5+s10], $0x80, s30, s10, $0xb8;
	[tilespmem:$0x1C800] =	vst v63  }
0x54: {  	_ = 	snop  }
0x55: {  	[spmem:s3] =	stream.indirect.scatter.add.f32 [tilespmem:s19], [sflag:$0x3], $0x80, s31, s10, $0xb8;
	[tilespmem:$0x1C800] =	vst v63  }
0x56: {  	_ =	swait.ge [sflag:s15], $0x4000  }
0x57: {  	[sflag:s15] =	ssyncset.done $0x0  }
0x58: {  	[sflag:s15] =	ssyncadd.s32 $0xFFFFC000  }
0x59: {  	_ =	swait.ge [sflag:s18], $0x4000  }
0x5a: {  	[sflag:s18] =	ssyncset.done $0x0  }
0x5b: {  	[sflag:s18] =	ssyncadd.s32 $0xFFFFC000  }
0x5c: {  	[tilespmem:s19], [sflag:$0x2] =	stream.indirect.gather [hbm4b:s5+s10], $0x80, s0, s10, $0xb8;
	[tilespmem:$0x1C800] =	vst v63  }
0x5d: {  	_ = 	snop  }
0x5e: {  	[spmem:s3] =	stream.indirect.scatter.add.f32 [tilespmem:s17], [sflag:$0x3], $0x80, s1, s10, $0xb8;
	[tilespmem:$0x1C800] =	vst v63  }
0x5f: {  	_ =	swait.ge [sflag:s15], $0x4000  }
0x60: {  	[sflag:s15] =	ssyncset.done $0x0  }
0x61: {  	[sflag:s15] =	ssyncadd.s32 $0xFFFFC000  }
0x62: {  	_ =	swait.ge [sflag:s20], $0x4000  }
0x63: {  	[sflag:s20] =	ssyncset.done $0x0  }
0x64: {  	[sflag:s20] =	ssyncadd.s32 $0xFFFFC000  }
0x65: {  	[spmem:s3] =	stream.indirect.scatter.add.f32 [tilespmem:s19], [sflag:$0x3], $0x80, s7, s10, $0xb8;
	[tilespmem:$0x1C800] =	vst v63  }
0x66: {  	_ =	swait.ge [sflag:s15], $0x4000  }
0x67: {  	[sflag:s15] =	ssyncset.done $0x0  }
0x68: {  	s11 =	rddreg [dreg:$0x4];
	[sflag:s15] =	ssyncadd.s32 $0xFFFFC000  }
0x69: {  	s14 =	rddreg [dreg:$0x1]  }
.LBB2_6:
0x6a: {  	[bflag:$0x0] =	sbarrier.arrive $0xFFFF  }
0x6b: {  	s6 =	rddreg [dreg:$0x6]  }
0x6c: {  	s2 =	rddreg [dreg:$0x7]  }
0x6d: {  	s8 =	rddreg [dreg:$0x9]  }
0x6e: {  	[hbm:s2], [sflag:s6] =	dma.local [spmem:s8], $0x2800  }
0x6f: {  	_ =	swait.ge [sflag:s15], $0x2800  }
0x70: {  	s9 =	rddreg [dreg:$0xa]  }
0x71: {  	s2 =	rddreg [dreg:$0x8];
	s9 =	sadd.s32 $0x1, s9  }
0x72: {  	p1 =	sne.s32 s9, s2  }
.Ltmp1:
0x73: {  	_ = 	snop;
	(pc) =	sbr.rel @!p1 .LBB2_7-.Ltmp1, $3  }
0x74: {  	_ =	sdelay $0x1  }
0x75: {  	[sflag:s15] =	ssyncset.done $0x0;
	[dreg:$0xa] =	wrdreg s9  }
0x76: {  	[sflag:s15] =	ssyncadd.s32 $0xFFFFD800;
	s9 =	rddreg [dreg:$0xb]  }
.LBB2_1:
0x77: {  	s2 =	rddreg [dreg:$0x5]  }
0x78: {  	[spmem:s8], [sflag:s6] =	dma.local [hbm:s2], $0x2800  }
.Ltmp2:
0x79: {  	_ =	swait.ge [sflag:s15], $0x2800;
	(pc) =	sbr.rel @!p0 .LBB2_2-.Ltmp2, $4  }
0x7a: {  	[sflag:s15] =	ssyncset.done $0x0  }
0x7b: {  	[sflag:s15] =	ssyncadd.s32 $0xFFFFD800  }
0x7c: {  	[bflag:$0x0] =	sbarrier.arrive $0xFFFF  }
0x7d: {  	p1 =	por $0x1, $0x1;
	s8 =	simm.s32 $0x0  }
.LBB2_5:
0x7e: {  	s2 =	sor.u32 s9, s8  }
0x7f: {  	s6 =	sadd.s32 s14, s2  }
0x80: {  	[tilespmem:s4], [sflag:$0x3] =	stream.linear.gather [hbm4b:s6+s4], $0x400, $0x38;
	[tilespmem:$0x1C800] =	vst v63  }
0x81: {  	_ =	swait.ge [sflag:s15], $0x400  }
0x82: {  	[sflag:s15] =	ssyncset.done $0x0  }
0x83: {  	s2 =	sadd.s32 s11, s2;
	[sflag:s15] =	ssyncadd.s32 $0xFFFFFC00  }
0x84: {  	[tilespmem:s16], [sflag:$0x3] =	stream.linear.gather [hbm4b:s2+s4], $0x400, $0x38;
	[tilespmem:$0x1C800] =	vst v63  }
0x85: {  	_ =	swait.ge [sflag:s15], $0x400  }
0x86: {  	[sflag:s15] =	ssyncset.done $0x0  }
0x87: {  	s8 =	simm.s32 $0x80;
	[sflag:s15] =	ssyncadd.s32 $0xFFFFFC00  }
0x88: {  	[tilespmem:s17], [sflag:$0x1] =	stream.indirect.gather [hbm4b:s5+s8], $0x80, s4, s8, $0xb8;
	[tilespmem:$0x1C800] =	vst v63  }
0x89: {  	_ =	swait.ge [sflag:s18], $0x4000  }
0x8a: {  	[sflag:s18] =	ssyncset.done $0x0  }
0x8b: {  	[sflag:s18] =	ssyncadd.s32 $0xFFFFC000  }
0x8c: {  	[tilespmem:s19], [sflag:$0x2] =	stream.indirect.gather [hbm4b:s5+s8], $0x80, s8, s8, $0xb8;
	[tilespmem:$0x1C800] =	vst v63  }
0x8d: {  	_ = 	snop  }
0x8e: {  	[spmem:s3] =	stream.indirect.scatter.add.f32 [tilespmem:s17], [sflag:$0x3], $0x80, s16, s8, $0xb8;
	[tilespmem:$0x1C800] =	vst v63  }
0x8f: {  	_ =	swait.ge [sflag:s15], $0x4000  }
0x90: {  	[sflag:s15] =	ssyncset.done $0x0  }
0x91: {  	[sflag:s15] =	ssyncadd.s32 $0xFFFFC000  }
0x92: {  	_ =	swait.ge [sflag:s20], $0x4000  }
0x93: {  	[sflag:s20] =	ssyncset.done $0x0  }
0x94: {  	[sflag:s20] =	ssyncadd.s32 $0xFFFFC000  }
0x95: {  	[tilespmem:s17], [sflag:$0x1] =	stream.indirect.gather [hbm4b:s5+s8], $0x80, s21, s8, $0xb8;
	[tilespmem:$0x1C800] =	vst v63  }
0x96: {  	_ = 	snop  }
0x97: {  	[spmem:s3] =	stream.indirect.scatter.add.f32 [tilespmem:s19], [sflag:$0x3], $0x80, s22, s8, $0xb8;
	[tilespmem:$0x1C800] =	vst v63  }
0x98: {  	_ =	swait.ge [sflag:s15], $0x4000  }
0x99: {  	[sflag:s15] =	ssyncset.done $0x0  }
0x9a: {  	[sflag:s15] =	ssyncadd.s32 $0xFFFFC000  }
0x9b: {  	_ =	swait.ge [sflag:s18], $0x4000  }
0x9c: {  	[sflag:s18] =	ssyncset.done $0x0  }
0x9d: {  	[sflag:s18] =	ssyncadd.s32 $0xFFFFC000  }
0x9e: {  	[tilespmem:s19], [sflag:$0x2] =	stream.indirect.gather [hbm4b:s5+s8], $0x80, s23, s8, $0xb8;
	[tilespmem:$0x1C800] =	vst v63  }
0x9f: {  	_ = 	snop  }
0xa0: {  	[spmem:s3] =	stream.indirect.scatter.add.f32 [tilespmem:s17], [sflag:$0x3], $0x80, s24, s8, $0xb8;
	[tilespmem:$0x1C800] =	vst v63  }
0xa1: {  	_ =	swait.ge [sflag:s15], $0x4000  }
0xa2: {  	[sflag:s15] =	ssyncset.done $0x0  }
0xa3: {  	[sflag:s15] =	ssyncadd.s32 $0xFFFFC000  }
0xa4: {  	_ =	swait.ge [sflag:s20], $0x4000  }
0xa5: {  	[sflag:s20] =	ssyncset.done $0x0  }
0xa6: {  	[sflag:s20] =	ssyncadd.s32 $0xFFFFC000  }
0xa7: {  	[tilespmem:s17], [sflag:$0x1] =	stream.indirect.gather [hbm4b:s5+s8], $0x80, s25, s8, $0xb8;
	[tilespmem:$0x1C800] =	vst v63  }
0xa8: {  	_ = 	snop  }
0xa9: {  	[spmem:s3] =	stream.indirect.scatter.add.f32 [tilespmem:s19], [sflag:$0x3], $0x80, s26, s8, $0xb8;
	[tilespmem:$0x1C800] =	vst v63  }
0xaa: {  	_ =	swait.ge [sflag:s15], $0x4000  }
0xab: {  	[sflag:s15] =	ssyncset.done $0x0  }
0xac: {  	[sflag:s15] =	ssyncadd.s32 $0xFFFFC000  }
0xad: {  	_ =	swait.ge [sflag:s18], $0x4000  }
0xae: {  	[sflag:s18] =	ssyncset.done $0x0  }
0xaf: {  	[sflag:s18] =	ssyncadd.s32 $0xFFFFC000  }
0xb0: {  	[tilespmem:s19], [sflag:$0x2] =	stream.indirect.gather [hbm4b:s5+s8], $0x80, s28, s8, $0xb8;
	[tilespmem:$0x1C800] =	vst v63  }
0xb1: {  	_ = 	snop  }
0xb2: {  	[spmem:s3] =	stream.indirect.scatter.add.f32 [tilespmem:s17], [sflag:$0x3], $0x80, s29, s8, $0xb8;
	[tilespmem:$0x1C800] =	vst v63  }
0xb3: {  	_ =	swait.ge [sflag:s15], $0x4000  }
0xb4: {  	[sflag:s15] =	ssyncset.done $0x0  }
0xb5: {  	[sflag:s15] =	ssyncadd.s32 $0xFFFFC000  }
0xb6: {  	_ =	swait.ge [sflag:s20], $0x4000  }
0xb7: {  	[sflag:s20] =	ssyncset.done $0x0  }
0xb8: {  	[sflag:s20] =	ssyncadd.s32 $0xFFFFC000  }
0xb9: {  	[tilespmem:s17], [sflag:$0x1] =	stream.indirect.gather [hbm4b:s5+s8], $0x80, s30, s8, $0xb8;
	[tilespmem:$0x1C800] =	vst v63  }
0xba: {  	_ = 	snop  }
0xbb: {  	[spmem:s3] =	stream.indirect.scatter.add.f32 [tilespmem:s19], [sflag:$0x3], $0x80, s31, s8, $0xb8;
	[tilespmem:$0x1C800] =	vst v63  }
0xbc: {  	_ =	swait.ge [sflag:s15], $0x4000  }
0xbd: {  	[sflag:s15] =	ssyncset.done $0x0  }
0xbe: {  	[sflag:s15] =	ssyncadd.s32 $0xFFFFC000  }
0xbf: {  	_ =	swait.ge [sflag:s18], $0x4000  }
0xc0: {  	[sflag:s18] =	ssyncset.done $0x0  }
0xc1: {  	[sflag:s18] =	ssyncadd.s32 $0xFFFFC000  }
0xc2: {  	[tilespmem:s19], [sflag:$0x2] =	stream.indirect.gather [hbm4b:s5+s8], $0x80, s0, s8, $0xb8;
	[tilespmem:$0x1C800] =	vst v63  }
0xc3: {  	_ = 	snop  }
0xc4: {  	[spmem:s3] =	stream.indirect.scatter.add.f32 [tilespmem:s17], [sflag:$0x3], $0x80, s1, s8, $0xb8;
	[tilespmem:$0x1C800] =	vst v63  }
0xc5: {  	_ =	swait.ge [sflag:s15], $0x4000  }
0xc6: {  	[sflag:s15] =	ssyncset.done $0x0  }
0xc7: {  	[sflag:s15] =	ssyncadd.s32 $0xFFFFC000  }
0xc8: {  	_ =	swait.ge [sflag:s20], $0x4000  }
0xc9: {  	p2 =	por p1, p1;
	[sflag:s20] =	ssyncset.done $0x0  }
.Ltmp3:
0xca: {  	[sflag:s20] =	ssyncadd.s32 $0xFFFFC000;
	(pc) =	sbr.rel @p2 .LBB2_5-.Ltmp3, $4  }
0xcb: {  	[spmem:s3] =	stream.indirect.scatter.add.f32 [tilespmem:s19], [sflag:$0x3], $0x80, s7, s8, $0xb8;
	[tilespmem:$0x1C800] =	vst v63  }
0xcc: {  	_ =	swait.ge [sflag:s15], $0x4000  }
0xcd: {  	[sflag:s15] =	ssyncset.done $0x0  }
0xce: {  	p1 =	por $0x0, $0x0;
	[sflag:s15] =	ssyncadd.s32 $0xFFFFC000  }
.Ltmp4:
0xcf: {  	_ = 	snop;
	(pc) =	sbr.rel .LBB2_6-.Ltmp4, $1  }
0xd0: {  	_ =	sdelay $0x3  }
.LBB2_2:
0xd1: {  	s8 =	sadd.s32 $0x0, s13  }
0xd2: {  	[tilespmem:s4], [sflag:$0x3] =	stream.linear.gather [hbm4b:s8+s4], $0x400, $0x38;
	[tilespmem:$0x1C800] =	vst v63  }
0xd3: {  	_ =	swait.ge [sflag:s15], $0x400  }
0xd4: {  	[sflag:s15] =	ssyncset.done $0x0  }
0xd5: {  	s14 =	sadd.s32 $0x0, s12;
	[sflag:s15] =	ssyncadd.s32 $0xFFFFFC00  }
0xd6: {  	[tilespmem:s16], [sflag:$0x3] =	stream.linear.gather [hbm4b:s14+s4], $0x400, $0x38;
	[tilespmem:$0x1C800] =	vst v63  }
0xd7: {  	_ =	swait.ge [sflag:s15], $0x400  }
0xd8: {  	[sflag:s15] =	ssyncset.done $0x0  }
0xd9: {  	[sflag:s15] =	ssyncadd.s32 $0xFFFFFC00  }
0xda: {  	[tilespmem:s17], [sflag:$0x1] =	stream.indirect.gather [hbm4b:s5+s10], $0x80, s4, s10, $0xb8;
	[tilespmem:$0x1C800] =	vst v63  }
0xdb: {  	_ =	swait.ge [sflag:s18], $0x4000  }
0xdc: {  	[sflag:s18] =	ssyncset.done $0x0  }
0xdd: {  	[sflag:s18] =	ssyncadd.s32 $0xFFFFC000  }
0xde: {  	[tilespmem:s19], [sflag:$0x2] =	stream.indirect.gather [hbm4b:s5+s10], $0x80, s10, s10, $0xb8;
	[tilespmem:$0x1C800] =	vst v63  }
0xdf: {  	_ = 	snop  }
0xe0: {  	[spmem:s3] =	stream.indirect.scatter.add.f32 [tilespmem:s17], [sflag:$0x3], $0x80, s16, s10, $0xb8;
	[tilespmem:$0x1C800] =	vst v63  }
0xe1: {  	_ =	swait.ge [sflag:s15], $0x4000  }
0xe2: {  	[sflag:s15] =	ssyncset.done $0x0  }
0xe3: {  	[sflag:s15] =	ssyncadd.s32 $0xFFFFC000  }
0xe4: {  	_ =	swait.ge [sflag:s20], $0x4000  }
0xe5: {  	[sflag:s20] =	ssyncset.done $0x0  }
0xe6: {  	[sflag:s20] =	ssyncadd.s32 $0xFFFFC000  }
0xe7: {  	[tilespmem:s17], [sflag:$0x1] =	stream.indirect.gather [hbm4b:s5+s10], $0x80, s21, s10, $0xb8;
	[tilespmem:$0x1C800] =	vst v63  }
0xe8: {  	_ = 	snop  }
0xe9: {  	[spmem:s3] =	stream.indirect.scatter.add.f32 [tilespmem:s19], [sflag:$0x3], $0x80, s22, s10, $0xb8;
	[tilespmem:$0x1C800] =	vst v63  }
0xea: {  	_ =	swait.ge [sflag:s15], $0x4000  }
0xeb: {  	[sflag:s15] =	ssyncset.done $0x0  }
0xec: {  	[sflag:s15] =	ssyncadd.s32 $0xFFFFC000  }
0xed: {  	_ =	swait.ge [sflag:s18], $0x4000  }
0xee: {  	[sflag:s18] =	ssyncset.done $0x0  }
0xef: {  	[sflag:s18] =	ssyncadd.s32 $0xFFFFC000  }
0xf0: {  	[tilespmem:s19], [sflag:$0x2] =	stream.indirect.gather [hbm4b:s5+s10], $0x80, s23, s10, $0xb8;
	[tilespmem:$0x1C800] =	vst v63  }
0xf1: {  	_ = 	snop  }
0xf2: {  	[spmem:s3] =	stream.indirect.scatter.add.f32 [tilespmem:s17], [sflag:$0x3], $0x80, s24, s10, $0xb8;
	[tilespmem:$0x1C800] =	vst v63  }
0xf3: {  	_ =	swait.ge [sflag:s15], $0x4000  }
0xf4: {  	[sflag:s15] =	ssyncset.done $0x0  }
0xf5: {  	[sflag:s15] =	ssyncadd.s32 $0xFFFFC000  }
0xf6: {  	_ =	swait.ge [sflag:s20], $0x4000  }
0xf7: {  	[sflag:s20] =	ssyncset.done $0x0  }
0xf8: {  	[sflag:s20] =	ssyncadd.s32 $0xFFFFC000  }
0xf9: {  	[tilespmem:s17], [sflag:$0x1] =	stream.indirect.gather [hbm4b:s5+s10], $0x80, s25, s10, $0xb8;
	[tilespmem:$0x1C800] =	vst v63  }
0xfa: {  	_ = 	snop  }
0xfb: {  	[spmem:s3] =	stream.indirect.scatter.add.f32 [tilespmem:s19], [sflag:$0x3], $0x80, s26, s10, $0xb8;
	[tilespmem:$0x1C800] =	vst v63  }
0xfc: {  	_ =	swait.ge [sflag:s15], $0x4000  }
0xfd: {  	[sflag:s15] =	ssyncset.done $0x0  }
0xfe: {  	[sflag:s15] =	ssyncadd.s32 $0xFFFFC000  }
0xff: {  	_ =	swait.ge [sflag:s18], $0x4000  }
0x100: {  	[sflag:s18] =	ssyncset.done $0x0  }
0x101: {  	[sflag:s18] =	ssyncadd.s32 $0xFFFFC000  }
0x102: {  	[tilespmem:s19], [sflag:$0x2] =	stream.indirect.gather [hbm4b:s5+s10], $0x80, s28, s10, $0xb8;
	[tilespmem:$0x1C800] =	vst v63  }
0x103: {  	_ = 	snop  }
0x104: {  	[spmem:s3] =	stream.indirect.scatter.add.f32 [tilespmem:s17], [sflag:$0x3], $0x80, s29, s10, $0xb8;
	[tilespmem:$0x1C800] =	vst v63  }
0x105: {  	_ =	swait.ge [sflag:s15], $0x4000  }
0x106: {  	[sflag:s15] =	ssyncset.done $0x0  }
0x107: {  	[sflag:s15] =	ssyncadd.s32 $0xFFFFC000  }
0x108: {  	_ =	swait.ge [sflag:s20], $0x4000  }
0x109: {  	[sflag:s20] =	ssyncset.done $0x0  }
0x10a: {  	[sflag:s20] =	ssyncadd.s32 $0xFFFFC000  }
0x10b: {  	[tilespmem:s17], [sflag:$0x1] =	stream.indirect.gather [hbm4b:s5+s10], $0x80, s30, s10, $0xb8;
	[tilespmem:$0x1C800] =	vst v63  }
0x10c: {  	_ = 	snop  }
0x10d: {  	[spmem:s3] =	stream.indirect.scatter.add.f32 [tilespmem:s19], [sflag:$0x3], $0x80, s31, s10, $0xb8;
	[tilespmem:$0x1C800] =	vst v63  }
0x10e: {  	_ =	swait.ge [sflag:s15], $0x4000  }
0x10f: {  	[sflag:s15] =	ssyncset.done $0x0  }
0x110: {  	[sflag:s15] =	ssyncadd.s32 $0xFFFFC000  }
0x111: {  	_ =	swait.ge [sflag:s18], $0x4000  }
0x112: {  	[sflag:s18] =	ssyncset.done $0x0  }
0x113: {  	[sflag:s18] =	ssyncadd.s32 $0xFFFFC000  }
0x114: {  	[tilespmem:s19], [sflag:$0x2] =	stream.indirect.gather [hbm4b:s5+s10], $0x80, s0, s10, $0xb8;
	[tilespmem:$0x1C800] =	vst v63  }
0x115: {  	_ = 	snop  }
0x116: {  	[spmem:s3] =	stream.indirect.scatter.add.f32 [tilespmem:s17], [sflag:$0x3], $0x80, s1, s10, $0xb8;
	[tilespmem:$0x1C800] =	vst v63  }
0x117: {  	_ =	swait.ge [sflag:s15], $0x4000  }
0x118: {  	[sflag:s15] =	ssyncset.done $0x0  }
0x119: {  	[sflag:s15] =	ssyncadd.s32 $0xFFFFC000  }
0x11a: {  	_ =	swait.ge [sflag:s20], $0x4000  }
0x11b: {  	[sflag:s20] =	ssyncset.done $0x0  }
0x11c: {  	[sflag:s20] =	ssyncadd.s32 $0xFFFFC000  }
0x11d: {  	[spmem:s3] =	stream.indirect.scatter.add.f32 [tilespmem:s19], [sflag:$0x3], $0x80, s7, s10, $0xb8;
	[tilespmem:$0x1C800] =	vst v63  }
0x11e: {  	_ =	swait.ge [sflag:s15], $0x4000  }
0x11f: {  	s8 =	simm.s32 $0x80;
	s14 =	simm.s32 $0x100;
	[sflag:s15] =	ssyncset.done $0x0  }
.LBB2_3:
0x120: {  	s2 =	sadd.s32 s8, s13  }
0x121: {  	[sflag:s15] =	ssyncadd.s32 $0xFFFFC000;
	s6 =	smov.u32 s14;
	s11 =	sadd.s32 $0x80, s14  }
0x122: {  	[tilespmem:s4], [sflag:$0x3] =	stream.linear.gather [hbm4b:s2+s4], $0x400, $0x38;
	[tilespmem:$0x1C800] =	vst v63  }
0x123: {  	p1 =	seq.s32 s14, $0x880;
	_ =	swait.ge [sflag:s15], $0x400  }
0x124: {  	[sflag:s15] =	ssyncset.done $0x0  }
0x125: {  	s2 =	sadd.s32 s8, s12;
	s8 =	smov.u32 s6;
	[sflag:s15] =	ssyncadd.s32 $0xFFFFFC00  }
0x126: {  	[tilespmem:s16], [sflag:$0x3] =	stream.linear.gather [hbm4b:s2+s4], $0x400, $0x38;
	[tilespmem:$0x1C800] =	vst v63  }
0x127: {  	_ =	swait.ge [sflag:s15], $0x400  }
0x128: {  	[sflag:s15] =	ssyncset.done $0x0  }
0x129: {  	[sflag:s15] =	ssyncadd.s32 $0xFFFFFC00  }
0x12a: {  	[tilespmem:s17], [sflag:$0x1] =	stream.indirect.gather [hbm4b:s5+s10], $0x80, s4, s10, $0xb8;
	[tilespmem:$0x1C800] =	vst v63  }
0x12b: {  	_ =	swait.ge [sflag:s18], $0x4000  }
0x12c: {  	[sflag:s18] =	ssyncset.done $0x0  }
0x12d: {  	[sflag:s18] =	ssyncadd.s32 $0xFFFFC000  }
0x12e: {  	[tilespmem:s19], [sflag:$0x2] =	stream.indirect.gather [hbm4b:s5+s10], $0x80, s10, s10, $0xb8;
	[tilespmem:$0x1C800] =	vst v63  }
0x12f: {  	_ = 	snop  }
0x130: {  	[spmem:s3] =	stream.indirect.scatter.add.f32 [tilespmem:s17], [sflag:$0x3], $0x80, s16, s10, $0xb8;
	[tilespmem:$0x1C800] =	vst v63  }
0x131: {  	_ =	swait.ge [sflag:s15], $0x4000  }
0x132: {  	[sflag:s15] =	ssyncset.done $0x0  }
0x133: {  	[sflag:s15] =	ssyncadd.s32 $0xFFFFC000  }
0x134: {  	_ =	swait.ge [sflag:s20], $0x4000  }
0x135: {  	[sflag:s20] =	ssyncset.done $0x0  }
0x136: {  	[sflag:s20] =	ssyncadd.s32 $0xFFFFC000  }
0x137: {  	[tilespmem:s17], [sflag:$0x1] =	stream.indirect.gather [hbm4b:s5+s10], $0x80, s21, s10, $0xb8;
	[tilespmem:$0x1C800] =	vst v63  }
0x138: {  	_ = 	snop  }
0x139: {  	[spmem:s3] =	stream.indirect.scatter.add.f32 [tilespmem:s19], [sflag:$0x3], $0x80, s22, s10, $0xb8;
	[tilespmem:$0x1C800] =	vst v63  }
0x13a: {  	_ =	swait.ge [sflag:s15], $0x4000  }
0x13b: {  	[sflag:s15] =	ssyncset.done $0x0  }
0x13c: {  	[sflag:s15] =	ssyncadd.s32 $0xFFFFC000  }
0x13d: {  	_ =	swait.ge [sflag:s18], $0x4000  }
0x13e: {  	[sflag:s18] =	ssyncset.done $0x0  }
0x13f: {  	[sflag:s18] =	ssyncadd.s32 $0xFFFFC000  }
0x140: {  	[tilespmem:s19], [sflag:$0x2] =	stream.indirect.gather [hbm4b:s5+s10], $0x80, s23, s10, $0xb8;
	[tilespmem:$0x1C800] =	vst v63  }
0x141: {  	_ = 	snop  }
0x142: {  	[spmem:s3] =	stream.indirect.scatter.add.f32 [tilespmem:s17], [sflag:$0x3], $0x80, s24, s10, $0xb8;
	[tilespmem:$0x1C800] =	vst v63  }
0x143: {  	_ =	swait.ge [sflag:s15], $0x4000  }
0x144: {  	[sflag:s15] =	ssyncset.done $0x0  }
0x145: {  	[sflag:s15] =	ssyncadd.s32 $0xFFFFC000  }
0x146: {  	_ =	swait.ge [sflag:s20], $0x4000  }
0x147: {  	[sflag:s20] =	ssyncset.done $0x0  }
0x148: {  	[sflag:s20] =	ssyncadd.s32 $0xFFFFC000  }
0x149: {  	[tilespmem:s17], [sflag:$0x1] =	stream.indirect.gather [hbm4b:s5+s10], $0x80, s25, s10, $0xb8;
	[tilespmem:$0x1C800] =	vst v63  }
0x14a: {  	_ = 	snop  }
0x14b: {  	[spmem:s3] =	stream.indirect.scatter.add.f32 [tilespmem:s19], [sflag:$0x3], $0x80, s26, s10, $0xb8;
	[tilespmem:$0x1C800] =	vst v63  }
0x14c: {  	_ =	swait.ge [sflag:s15], $0x4000  }
0x14d: {  	[sflag:s15] =	ssyncset.done $0x0  }
0x14e: {  	[sflag:s15] =	ssyncadd.s32 $0xFFFFC000  }
0x14f: {  	_ =	swait.ge [sflag:s18], $0x4000  }
0x150: {  	[sflag:s18] =	ssyncset.done $0x0  }
0x151: {  	[sflag:s18] =	ssyncadd.s32 $0xFFFFC000  }
0x152: {  	[tilespmem:s19], [sflag:$0x2] =	stream.indirect.gather [hbm4b:s5+s10], $0x80, s28, s10, $0xb8;
	[tilespmem:$0x1C800] =	vst v63  }
0x153: {  	_ = 	snop  }
0x154: {  	[spmem:s3] =	stream.indirect.scatter.add.f32 [tilespmem:s17], [sflag:$0x3], $0x80, s29, s10, $0xb8;
	[tilespmem:$0x1C800] =	vst v63  }
0x155: {  	_ =	swait.ge [sflag:s15], $0x4000  }
0x156: {  	[sflag:s15] =	ssyncset.done $0x0  }
0x157: {  	[sflag:s15] =	ssyncadd.s32 $0xFFFFC000  }
0x158: {  	_ =	swait.ge [sflag:s20], $0x4000  }
0x159: {  	[sflag:s20] =	ssyncset.done $0x0  }
0x15a: {  	[sflag:s20] =	ssyncadd.s32 $0xFFFFC000  }
0x15b: {  	[tilespmem:s17], [sflag:$0x1] =	stream.indirect.gather [hbm4b:s5+s10], $0x80, s30, s10, $0xb8;
	[tilespmem:$0x1C800] =	vst v63  }
0x15c: {  	_ = 	snop  }
0x15d: {  	[spmem:s3] =	stream.indirect.scatter.add.f32 [tilespmem:s19], [sflag:$0x3], $0x80, s31, s10, $0xb8;
	[tilespmem:$0x1C800] =	vst v63  }
0x15e: {  	_ =	swait.ge [sflag:s15], $0x4000  }
0x15f: {  	[sflag:s15] =	ssyncset.done $0x0  }
0x160: {  	[sflag:s15] =	ssyncadd.s32 $0xFFFFC000  }
0x161: {  	_ =	swait.ge [sflag:s18], $0x4000  }
0x162: {  	[sflag:s18] =	ssyncset.done $0x0  }
0x163: {  	[sflag:s18] =	ssyncadd.s32 $0xFFFFC000  }
0x164: {  	[tilespmem:s19], [sflag:$0x2] =	stream.indirect.gather [hbm4b:s5+s10], $0x80, s0, s10, $0xb8;
	[tilespmem:$0x1C800] =	vst v63  }
0x165: {  	_ = 	snop  }
0x166: {  	[spmem:s3] =	stream.indirect.scatter.add.f32 [tilespmem:s17], [sflag:$0x3], $0x80, s1, s10, $0xb8;
	[tilespmem:$0x1C800] =	vst v63  }
0x167: {  	_ =	swait.ge [sflag:s15], $0x4000  }
0x168: {  	[sflag:s15] =	ssyncset.done $0x0  }
0x169: {  	[sflag:s15] =	ssyncadd.s32 $0xFFFFC000  }
0x16a: {  	_ =	swait.ge [sflag:s20], $0x4000  }
.Ltmp5:
0x16b: {  	[sflag:s20] =	ssyncset.done $0x0;
	(pc) =	sbr.rel @!p1 .LBB2_3-.Ltmp5, $4  }
0x16c: {  	[sflag:s20] =	ssyncadd.s32 $0xFFFFC000  }
0x16d: {  	[spmem:s3] =	stream.indirect.scatter.add.f32 [tilespmem:s19], [sflag:$0x3], $0x80, s7, s10, $0xb8;
	[tilespmem:$0x1C800] =	vst v63  }
0x16e: {  	_ =	swait.ge [sflag:s15], $0x4000  }
0x16f: {  	s14 =	smov.u32 s11;
	[sflag:s15] =	ssyncset.done $0x0  }
.Ltmp6:
0x170: {  	_ = 	snop;
	(pc) =	sbr.rel .LBB2_4-.Ltmp6, $1  }
0x171: {  	_ =	sdelay $0x3  }
.LBB2_7:
0x172: {  	_ =	sfence.sel $0x180000  }
0x173: {  	[bflag:$0x0] =	sbarrier.arrive $0xFFFF  }
0x174: {  	_ =	strace $0x9000004A  }
0x175: {  	s0 =	stileid.u32;
	[bflag:$0x2] =	sbarrier.arrive $0xFFFF  }
0x176: {  	p0 =	sne.s32 s0, $0x0;
	s0 =	rddreg [dreg:$0x3]  }
0x177: {  	s0 =	sadd.s32 @!p0 $0x100000, s0  }
0x178: {  	[sflag:s0] =	ssyncadd.tile.s32 @!p0 $0x1;
	_ =	shalt  }
.Lfunc_end2:
_tile_overlayer_lowered:
.L_overlay_start_2:
0x179: {  	(tag) =	ssettag $0x2  }
0x17a: {  	s0 =	rddreg [dreg:$0x0];
	s2 =	stileid.u32  }
0x17b: {  	s1 =	rddreg [dreg:$0x1];
	p0 =	sne.s32 s2, $0x0  }
0x17c: {  	s3 =	rddreg [dreg:$0x2];
	[bflag:$0x3] =	sbarrier.arrive $0xFFFF;
	s2 =	simm.s32 @!p0 $0x1C03  }
0x17d: {  	[timem:s3], [sflag:s2] =	dma.local @!p0 [hbm:s0], s1  }
0x17e: {  	s0 =	simm.s32 @!p0 $0x3  }
0x17f: {  	_ =	swait.ge @!p0 [sflag:s0], s1  }
0x180: {  	s1 =	ssub.s32 @!p0 $0x0, s1;
	[sflag:s0] =	ssyncset.done @!p0 $0x0  }
0x181: {  	[sflag:s0] =	ssyncadd.s32 @!p0 s1  }
0x182: {  	[bflag:$0x3] =	sbarrier.arrive $0xFFFF  }
0x183: {  	_ =	shalt  }

// kernel: kernel.16.cloned.1.call-start
scs
__scs_entry_jumppad:
0x0: {  	(pc) =	sbr.rel $0x88, $3  }
0x1: {  	(tag) =	ssettag $0x0;
	lr =	simm.s32 $0x1  }
0x2: {  	[smem:$0x3F99] =	sst lr;
	_ =	strace $0xD0000000  }
0x3: {  	_ = 	snop  }
0x4: {  	_ = 	snop  }
0x5: {  	_ = 	snop  }
0x6: {  	_ = 	snop  }
0x7: {  	_ = 	snop  }
__scs_overlays_trampoline_lowered:
0x8: {  	[smem:$0x3FA8] =	sst s0  }
0x9: {  	[smem:$0x3FA9] =	sst s1  }
0xa: {  	[smem:$0x3FAA] =	sst s2  }
0xb: {  	[smem:$0x3FAB] =	sst s3  }
0xc: {  	[smem:$0x3FAC] =	sst s4  }
0xd: {  	[smem:$0x3FAD] =	sst s5  }
0xe: {  	[smem:$0x3FAE] =	sst s6  }
0xf: {  	[smem:$0x3FAF] =	sst s7  }
0x10: {  	[smem:$0x3FB0] =	sst s8  }
0x11: {  	[smem:$0x3FB1] =	sst s9;
	s0 =	simm.s32 @!p0 $0x0  }
0x12: {  	s1 =	sld [smem:$0x3F97];
	s0 =	simm.s32 @p0 $0x1  }
0x13: {  	[smem:$0x3FB2] =	sst s0;
	s0 =	simm.s32 @!p1 $0x0  }
0x14: {  	s2 =	sld [smem:$0x3F96];
	s0 =	simm.s32 @p1 $0x1  }
0x15: {  	[smem:$0x3FB3] =	sst s0;
	s0 =	simm.s32 @!p2 $0x0  }
0x16: {  	s3 =	sld [smem:$0x3FDB];
	s0 =	simm.s32 @p2 $0x1  }
0x17: {  	s4 =	simm.s32 $0x1BF5;
	[smem:$0x3FB5] =	sst s0  }
0x18: {  	s0 =	sld [smem:$0x3F98];
	_ =	swait.ge [sflag:s4], $0x0  }
0x19: {  	s7 =	sld [smem:$0x3F99]  }
0x1a: {  	s8 =	sadd.s32 $0xFFFFE003, lr  }
0x1b: {  	s9 =	sadd.s32 $0xFFFFFEF7, lr;
	s5 =	simm.s32 $0xFFFFFFFF;
	p2 =	slt.u32 s8, $0xFFFFF086  }
0x1c: {  	p1 =	slt.u32 s9, $0xF7A;
	s5 =	simm.s32 @!p2 $0x0  }
0x1d: {  	s5 =	simm.s32 @p1 $0x1;
	p0 =	seq.s32 s7, s2  }
0x1e: {  	s7 =	smul.u32 @!p0 $0xF7A, s2;
	p2 =	seq.s32 @!p0 s5, $0x0  }
0x1f: {  	s9 =	smul.u32 $0xF7A, s1;
	s8 =	simm.s32 @!p0 $0x1BF5;
	p2 =	por !p2, p0  }
0x20: {  	[sflag:s8] =	ssyncset.s32 @!p0 $0xFFFFF086;
	s6 =	sadd.s32 @!p0 s3, s7;
	s7 =	simm.s32 @!p0 $0x108  }
0x21: {  	s3 =	sadd.s32 s3, s9;
	s6 =	sadd.s32 @!p0 $0x88, s6;
	s7 =	simm.s32 @p2 $0x1082  }
0x22: {  	[simem:s7], [sflag:s8] =	dma.local @!p0 [hbm:s6], $0xF7A  }
0x23: {  	s9 =	sor.u32 $0xD0000000, s2;
	s6 =	simm.s32 $0x108;
	_ =	swait.ge @!p0 [sflag:s8], $0x0  }
0x24: {  	s3 =	sadd.s32 $0x88, s3;
	s6 =	simm.s32 @!p1 $0x1082;
	[sflag:s4] =	ssyncset.s32 $0xFFFFF086  }
0x25: {  	[simem:s6], [sflag:s4] =	dma.local [hbm:s3], $0xF7A  }
0x26: {  	[smem:$0x3F99] =	sst s1;
	(tag) =	ssettag s2;
	_ =	strace s9  }
0x27: {  	s1 =	sld [smem:$0x3FA9]  }
0x28: {  	s2 =	sld [smem:$0x3FAA]  }
0x29: {  	s4 =	sld [smem:$0x3FAC]  }
0x2a: {  	p0 =	seq.s32 s5, $0x0;
	s5 =	sld [smem:$0x3FAD]  }
0x2b: {  	s6 =	sld [smem:$0x3FAE]  }
0x2c: {  	s7 =	sld [smem:$0x3FAF]  }
0x2d: {  	s3 =	simm.s32 $0x108;
	s8 =	sld [smem:$0x3FB0]  }
0x2e: {  	s3 =	simm.s32 @!p0 $0x1082;
	s9 =	sld [smem:$0x3FB1]  }
0x2f: {  	lr =	sadd.s32 s0, s3;
	s0 =	sld [smem:$0x3FA8]  }
0x30: {  	s3 =	sld [smem:$0x3FAB]  }
0x31: {  	[smem:$0x3FB4] =	sst s10  }
0x32: {  	s10 =	sld [smem:$0x3FB2];
	_ =	sdelay $0x3  }
0x33: {  	p0 =	seq.s32 s10, $0x1;
	s10 =	sld [smem:$0x3FB4];
	_ =	sdelay $0x3  }
0x34: {  	[smem:$0x3FB4] =	sst s10  }
0x35: {  	s10 =	sld [smem:$0x3FB3];
	_ =	sdelay $0x3  }
0x36: {  	p1 =	seq.s32 s10, $0x1;
	s10 =	sld [smem:$0x3FB4];
	_ =	sdelay $0x3  }
0x37: {  	[smem:$0x3FB4] =	sst s10  }
0x38: {  	s10 =	sld [smem:$0x3FB5]  }
0x39: {  	_ = 	snop;
	(pc) =	sbr.ind lr, $3  }
0x3a: {  	_ = 	snop  }
0x3b: {  	_ = 	snop  }
0x3c: {  	p2 =	seq.s32 s10, $0x1;
	s10 =	sld [smem:$0x3FB4]  }
0x3d: {  	_ =	shalt  }
0x3e: {  	_ =	shalt  }
0x3f: {  	_ =	shalt  }
0x40: {  	_ =	shalt  }
0x41: {  	_ =	shalt  }
0x42: {  	_ =	shalt  }
0x43: {  	_ =	shalt  }
0x44: {  	_ =	shalt  }
0x45: {  	_ =	shalt  }
0x46: {  	_ =	shalt  }
0x47: {  	_ =	shalt  }
0x48: {  	_ =	shalt  }
0x49: {  	_ =	shalt  }
0x4a: {  	_ =	shalt  }
0x4b: {  	_ =	shalt  }
0x4c: {  	_ =	shalt  }
0x4d: {  	_ =	shalt  }
0x4e: {  	_ =	shalt  }
0x4f: {  	_ =	shalt  }
0x50: {  	_ =	shalt  }
0x51: {  	_ =	shalt  }
0x52: {  	_ =	shalt  }
0x53: {  	_ =	shalt  }
0x54: {  	_ =	shalt  }
0x55: {  	_ =	shalt  }
0x56: {  	_ =	shalt  }
0x57: {  	_ =	shalt  }
0x58: {  	_ =	shalt  }
0x59: {  	_ =	shalt  }
0x5a: {  	_ =	shalt  }
0x5b: {  	_ =	shalt  }
0x5c: {  	_ =	shalt  }
0x5d: {  	_ =	shalt  }
0x5e: {  	_ =	shalt  }
0x5f: {  	_ =	shalt  }
0x60: {  	_ =	shalt  }
0x61: {  	_ =	shalt  }
0x62: {  	_ =	shalt  }
0x63: {  	_ =	shalt  }
0x64: {  	_ =	shalt  }
0x65: {  	_ =	shalt  }
0x66: {  	_ =	shalt  }
0x67: {  	_ =	shalt  }
0x68: {  	_ =	shalt  }
0x69: {  	_ =	shalt  }
0x6a: {  	_ =	shalt  }
0x6b: {  	_ =	shalt  }
0x6c: {  	_ =	shalt  }
0x6d: {  	_ =	shalt  }
0x6e: {  	_ =	shalt  }
0x6f: {  	_ =	shalt  }
0x70: {  	_ =	shalt  }
0x71: {  	_ =	shalt  }
0x72: {  	_ =	shalt  }
0x73: {  	_ =	shalt  }
0x74: {  	_ =	shalt  }
0x75: {  	_ =	shalt  }
0x76: {  	_ =	shalt  }
0x77: {  	_ =	shalt  }
0x78: {  	_ =	shalt  }
0x79: {  	_ =	shalt  }
0x7a: {  	_ =	shalt  }
0x7b: {  	_ =	shalt  }
0x7c: {  	_ =	shalt  }
0x7d: {  	_ =	shalt  }
0x7e: {  	_ =	shalt  }
0x7f: {  	_ =	shalt  }
0x80: {  	_ =	shalt  }
0x81: {  	_ =	shalt  }
0x82: {  	_ =	shalt  }
0x83: {  	_ =	shalt  }
0x84: {  	_ =	shalt  }
0x85: {  	_ =	shalt  }
0x86: {  	_ =	shalt  }
0x87: {  	_ =	shalt  }
.Lfunc_end0:
.L_simem_size_0:
called_computation.2_lowered:
.L_overlay_start_0:
0x88: {  	s2 =	sld [smem:$0x3FD9]  }
0x89: {  	s3 =	sld [smem:$0x3FFE];
	_ =	sdelay $0x1  }
0x8a: {  	s1 =	srdreg.scid  }
0x8b: {  	s0 =	sand.u32 $0x1, s1  }
0x8c: {  	s17 =	sshll.u32 s0, $0xA;
	s2 =	sadd.s32 s3, s2  }
0x8d: {  	s2 =	sadd.s32 s2, s17  }
0x8e: {  	[smem:$0x3FC0] =	sst s2  }
0x8f: {  	_ = 	snop  }
0x90: {  	s2 =	sld [smem:$0x3FD0];
	(tm) =	ssettm $0x1  }
0x91: {  	s18 =	sld [smem:$0x3FFB];
	_ =	sdelay $0x3  }
0x92: {  	_ =	strace s18  }
0x93: {  	s3 =	sld [smem:$0x3FFC];
	_ =	sdelay $0x3  }
0x94: {  	_ =	strace s3  }
0x95: {  	s3 =	sld [smem:$0x3FFD];
	_ =	sdelay $0x3  }
0x96: {  	_ =	strace s3  }
0x97: {  	_ =	strace $0x8FFFFFFF  }
0x98: {  	s19 =	sld [smem:$0x3FDB];
	_ =	sdelay $0x1  }
0x99: {  	s4 =	simm.s32 $_scs_section_size  }
0x9a: {  	s5 =	simm.s32 $_size__tile_overlayer_lowered;
	s6 =	simm.s32 $_tile_overlayer_lowered  }
0x9b: {  	s22 =	simm.s32 $0x1BFF;
	s21 =	sshll.u32 s6, $0x1;
	s3 =	sadd.s32 s4, s19  }
0x9c: {  	s7 =	simm.s32 $0x0;
	s20 =	sshll.u32 s5, $0x1;
	s5 =	sadd.s32 s21, s3  }
0x9d: {  	[timem:s7], [sflag:s22] =	dma.local [hbm:s5], s20  }
0x9e: {  	_ =	swait.ge [sflag:s22], s20  }
0x9f: {  	s4 =	ssub.s32 $0x0, s20;
	[sflag:s22] =	ssyncset.done $0x0  }
0xa0: {  	[sflag:s22] =	ssyncadd.s32 s4;
	_ =	sdelay $0x1  }
0xa1: {  	s23 =	simm.s32 $0x1B8B  }
0xa2: {  	_ =	swait.ge [sflag:s23], $0x1  }
0xa3: {  	[sflag:s23] =	ssyncset.done $0x0  }
0xa4: {  	s25 =	simm.s32 $0x1B8E;
	s24 =	sld [smem:$0x3FFE];
	[sflag:s23] =	ssyncadd.s32 $0xFFFFFFFF  }
0xa5: {  	s26 =	simm.s32 $execute0_lowered;
	[smem:$0x3FD2] =	sst s25  }
0xa6: {  	s5 =	sshll.u32 s26, $0x1;
	_ =	strace $0x8000004C;
	[dreg:$0x1] =	wrdreg $0xFFFFFFFF  }
0xa7: {  	s28 =	simm.s32 $_size_execute0_lowered;
	s3 =	sadd.s32 s3, s5;
	[dreg:$0x0] =	wrdreg $0x0  }
0xa8: {  	s5 =	sshll.u32 s28, $0x1;
	[dreg:$0x2] =	wrdreg s3  }
0xa9: {  	[dreg:$0x3] =	wrdreg s5  }
0xaa: {  	[dreg:$0x4] =	wrdreg $0xC0  }
0xab: {  	_ =	task [dreg:s7], $0x5FFFF  }
0xac: {  	[dreg:$0x1] =	wrdreg $0xFFFFFFFF  }
0xad: {  	[dreg:$0x0] =	wrdreg $0x60  }
0xae: {  	[dreg:$0x2] =	wrdreg s24  }
0xaf: {  	[dreg:$0x3] =	wrdreg s2  }
0xb0: {  	[dreg:$0x4] =	wrdreg $0x88000  }
0xb1: {  	[dreg:$0x5] =	wrdreg $0x9  }
0xb2: {  	_ =	task.clear_ibuf [dreg:s7], $0x6FFFF;
	_ =	strace $0x9000004C  }
0xb3: {  	s29 =	simm.s32 $0x9;
	_ =	strace $0x8000004E  }
0xb4: {  	_ =	swait.ge [sflag:s29], $0x1  }
0xb5: {  	[sflag:s29] =	ssyncadd.s32 $0xFFFFFFFF  }
0xb6: {  	_ =	strace $0x9000004E  }
0xb7: {  	_ =	sfence  }
0xb8: {  	s30 =	sld [smem:$0x0];
	_ =	sdelay $0x2  }
0xb9: {  	s31 =	sshll.u32 s1, $0xD;
	s1 =	sshrl.u32 s1, $0x2  }
0xba: {  	s3 =	sand.u32 $0x4000, s31;
	s1 =	sadd.s32 s1, s30  }
0xbb: {  	s0 =	sor.u32 s3, s0;
	s1 =	sshll.u32 s1, $0x11  }
0xbc: {  	s0 =	sor.u32 s1, s0  }
0xbd: {  	s0 =	sadd.s32 $0x8F2B, s0  }
0xbe: {  	[sflag:s0] =	ssyncadd.remote.s32 $0x1  }
0xbf: {  	_ =	sfence.sel $0xFFFF  }
0xc0: {  	[dreg:$0x0] =	wrdreg $0xFFFFFFFF;
	(pc) =	sbr.abs _section_cstart, $3  }
0xc1: {  	[dreg:$0x1] =	wrdreg $0xFFFFFFFF  }
0xc2: {  	_ =	task.clear_ibuf [dreg:s7], $0x2FFFF;
	_ =	strace $0x9FFFFFFF  }
0xc3: {  	(tm) =	ssettm $0x7FFFFFFF  }
tec
execute0_lowered:
.L_overlay_start_1:
0x0: {  	(tag) =	ssettag $0x1  }
0x1: {  	s0 =	rddreg [dreg:$0x0]  }
0x2: {  	s14 =	rddreg [dreg:$0x1]  }
0x3: {  	s3 =	rddreg [dreg:$0x2]  }
0x4: {  	s2 =	stileid.u32;
	s1 =	srdreg.scid;
	s4 =	simm.s32 $0x0  }
0x5: {  	s15 =	simm.s32 $0x3;
	s16 =	simm.s32 $0x400;
	s17 =	simm.s32 $0x800  }
0x6: {  	s18 =	simm.s32 $0x1;
	s19 =	simm.s32 $0x4800;
	s20 =	simm.s32 $0x2  }
0x7: {  	s28 =	simm.s32 $0x280;
	s29 =	simm.s32 $0x600;
	s30 =	simm.s32 $0x300  }
0x8: {  	s31 =	simm.s32 $0x680;
	s7 =	smul.u32 $0x2800, s2;
	s1 =	sand.u32 $0x1, s1  }
0x9: {  	[smem:$0x7FF] =	sst s4;
	s5 =	sadd.s32 $0x86000, s0;
	s10 =	smul.u32 $0x50000, s2  }
0xa: {  	s6 =	sadd.s32 $0x3800, s0;
	s23 =	sshll.u32 s2, $0x6;
	s25 =	smul.u32 $0x900, s2  }
0xb: {  	s24 =	sshll.u32 s2, $0x8;
	s2 =	simm.s32 $0x0;
	s8 =	smul.u32 $0x28000, s1  }
0xc: {  	_ =	strace $0x8000004D;
	s9 =	ssub.s32 $0x2, s1;
	p0 =	seq.s32 s1, $0x1  }
0xd: {  	s1 =	simm.s32 $0x700;
	[dreg:$0xa] =	wrdreg s2;
	s21 =	sshrl.u32 s9, $0x1  }
0xe: {  	s22 =	sshrl.u32 s10, $0x2;
	s10 =	sor.u32 $0x1C03, s23;
	s12 =	sadd.s32 s25, s6  }
0xf: {  	s13 =	sadd.s32 s25, s14;
	s23 =	simm.s32 $0x180;
	s25 =	simm.s32 $0x200  }
0x10: {  	s8 =	sadd.s32 s7, s8;
	s7 =	sadd.s32 s7, s0;
	s11 =	sadd.s32 s22, s3  }
0x11: {  	s22 =	simm.s32 $0x480;
	s0 =	sadd.s32 s8, s0;
	s7 =	sadd.s32 $0xD800, s7  }
0x12: {  	s8 =	ssub.s32 s9, s21;
	s9 =	sor.u32 $0x9000, s24;
	[dreg:$0x5] =	wrdreg s7  }
0x13: {  	s21 =	simm.s32 $0x100;
	s0 =	sadd.s32 $0xAE000, s0;
	[dreg:$0xb] =	wrdreg s9  }
.Ltmp0:
0x14: {  	s26 =	smax.u32 s8, $0x1;
	[dreg:$0x7] =	wrdreg s0;
	(pc) =	sbr.rel .LBB2_1-.Ltmp0, $4  }
0x15: {  	s8 =	sshrl.u32 s11, $0x3;
	s11 =	smov.u32 s6;
	[dreg:$0x8] =	wrdreg s26  }
0x16: {  	s24 =	simm.s32 $0x500;
	s6 =	smov.u32 s10;
	[dreg:$0x4] =	wrdreg s11  }
0x17: {  	s7 =	simm.s32 $0x780;
	s10 =	simm.s32 $0x80;
	[dreg:$0x6] =	wrdreg s6  }
0x18: {  	s26 =	simm.s32 $0x580;
	s0 =	simm.s32 $0x380;
	[dreg:$0x9] =	wrdreg s8  }
.LBB2_4:
0x19: {  	s2 =	sadd.s32 s8, s13;
	[sflag:s15] =	ssyncadd.s32 $0xFFFFC000  }
0x1a: {  	[tilespmem:s4], [sflag:$0x3] =	stream.linear.gather [hbm4b:s2+s4], $0x400, $0x38;
	[tilespmem:$0x1C800] =	vst v63  }
0x1b: {  	_ =	swait.ge [sflag:s15], $0x400  }
0x1c: {  	[sflag:s15] =	ssyncset.done $0x0  }
0x1d: {  	s14 =	sadd.s32 s8, s12;
	[sflag:s15] =	ssyncadd.s32 $0xFFFFFC00  }
0x1e: {  	[tilespmem:s16], [sflag:$0x3] =	stream.linear.gather [hbm4b:s14+s4], $0x400, $0x38;
	[tilespmem:$0x1C800] =	vst v63  }
0x1f: {  	_ =	swait.ge [sflag:s15], $0x400  }
0x20: {  	[sflag:s15] =	ssyncset.done $0x0  }
0x21: {  	[sflag:s15] =	ssyncadd.s32 $0xFFFFFC00  }
0x22: {  	[tilespmem:s17], [sflag:$0x1] =	stream.indirect.gather [hbm4b:s5+s10], $0x80, s4, s10, $0xb8;
	[tilespmem:$0x1C800] =	vst v63  }
0x23: {  	_ =	swait.ge [sflag:s18], $0x4000  }
0x24: {  	[sflag:s18] =	ssyncset.done $0x0  }
0x25: {  	[sflag:s18] =	ssyncadd.s32 $0xFFFFC000  }
0x26: {  	[tilespmem:s19], [sflag:$0x2] =	stream.indirect.gather [hbm4b:s5+s10], $0x80, s10, s10, $0xb8;
	[tilespmem:$0x1C800] =	vst v63  }
0x27: {  	_ = 	snop  }
0x28: {  	[spmem:s3] =	stream.indirect.scatter.add.f32 [tilespmem:s17], [sflag:$0x3], $0x80, s16, s10, $0xb8;
	[tilespmem:$0x1C800] =	vst v63  }
0x29: {  	_ =	swait.ge [sflag:s15], $0x4000  }
0x2a: {  	[sflag:s15] =	ssyncset.done $0x0  }
0x2b: {  	[sflag:s15] =	ssyncadd.s32 $0xFFFFC000  }
0x2c: {  	_ =	swait.ge [sflag:s20], $0x4000  }
0x2d: {  	[sflag:s20] =	ssyncset.done $0x0  }
0x2e: {  	[sflag:s20] =	ssyncadd.s32 $0xFFFFC000  }
0x2f: {  	[tilespmem:s17], [sflag:$0x1] =	stream.indirect.gather [hbm4b:s5+s10], $0x80, s21, s10, $0xb8;
	[tilespmem:$0x1C800] =	vst v63  }
0x30: {  	_ = 	snop  }
0x31: {  	[spmem:s3] =	stream.indirect.scatter.add.f32 [tilespmem:s19], [sflag:$0x3], $0x80, s22, s10, $0xb8;
	[tilespmem:$0x1C800] =	vst v63  }
0x32: {  	_ =	swait.ge [sflag:s15], $0x4000  }
0x33: {  	[sflag:s15] =	ssyncset.done $0x0  }
0x34: {  	[sflag:s15] =	ssyncadd.s32 $0xFFFFC000  }
0x35: {  	_ =	swait.ge [sflag:s18], $0x4000  }
0x36: {  	[sflag:s18] =	ssyncset.done $0x0  }
0x37: {  	[sflag:s18] =	ssyncadd.s32 $0xFFFFC000  }
0x38: {  	[tilespmem:s19], [sflag:$0x2] =	stream.indirect.gather [hbm4b:s5+s10], $0x80, s23, s10, $0xb8;
	[tilespmem:$0x1C800] =	vst v63  }
0x39: {  	_ = 	snop  }
0x3a: {  	[spmem:s3] =	stream.indirect.scatter.add.f32 [tilespmem:s17], [sflag:$0x3], $0x80, s24, s10, $0xb8;
	[tilespmem:$0x1C800] =	vst v63  }
0x3b: {  	_ =	swait.ge [sflag:s15], $0x4000  }
0x3c: {  	[sflag:s15] =	ssyncset.done $0x0  }
0x3d: {  	[sflag:s15] =	ssyncadd.s32 $0xFFFFC000  }
0x3e: {  	_ =	swait.ge [sflag:s20], $0x4000  }
0x3f: {  	[sflag:s20] =	ssyncset.done $0x0  }
0x40: {  	[sflag:s20] =	ssyncadd.s32 $0xFFFFC000  }
0x41: {  	[tilespmem:s17], [sflag:$0x1] =	stream.indirect.gather [hbm4b:s5+s10], $0x80, s25, s10, $0xb8;
	[tilespmem:$0x1C800] =	vst v63  }
0x42: {  	_ = 	snop  }
0x43: {  	[spmem:s3] =	stream.indirect.scatter.add.f32 [tilespmem:s19], [sflag:$0x3], $0x80, s26, s10, $0xb8;
	[tilespmem:$0x1C800] =	vst v63  }
0x44: {  	_ =	swait.ge [sflag:s15], $0x4000  }
0x45: {  	[sflag:s15] =	ssyncset.done $0x0  }
0x46: {  	[sflag:s15] =	ssyncadd.s32 $0xFFFFC000  }
0x47: {  	_ =	swait.ge [sflag:s18], $0x4000  }
0x48: {  	[sflag:s18] =	ssyncset.done $0x0  }
0x49: {  	[sflag:s18] =	ssyncadd.s32 $0xFFFFC000  }
0x4a: {  	[tilespmem:s19], [sflag:$0x2] =	stream.indirect.gather [hbm4b:s5+s10], $0x80, s28, s10, $0xb8;
	[tilespmem:$0x1C800] =	vst v63  }
0x4b: {  	_ = 	snop  }
0x4c: {  	[spmem:s3] =	stream.indirect.scatter.add.f32 [tilespmem:s17], [sflag:$0x3], $0x80, s29, s10, $0xb8;
	[tilespmem:$0x1C800] =	vst v63  }
0x4d: {  	_ =	swait.ge [sflag:s15], $0x4000  }
0x4e: {  	[sflag:s15] =	ssyncset.done $0x0  }
0x4f: {  	[sflag:s15] =	ssyncadd.s32 $0xFFFFC000  }
0x50: {  	_ =	swait.ge [sflag:s20], $0x4000  }
0x51: {  	[sflag:s20] =	ssyncset.done $0x0  }
0x52: {  	[sflag:s20] =	ssyncadd.s32 $0xFFFFC000  }
0x53: {  	[tilespmem:s17], [sflag:$0x1] =	stream.indirect.gather [hbm4b:s5+s10], $0x80, s30, s10, $0xb8;
	[tilespmem:$0x1C800] =	vst v63  }
0x54: {  	_ = 	snop  }
0x55: {  	[spmem:s3] =	stream.indirect.scatter.add.f32 [tilespmem:s19], [sflag:$0x3], $0x80, s31, s10, $0xb8;
	[tilespmem:$0x1C800] =	vst v63  }
0x56: {  	_ =	swait.ge [sflag:s15], $0x4000  }
0x57: {  	[sflag:s15] =	ssyncset.done $0x0  }
0x58: {  	[sflag:s15] =	ssyncadd.s32 $0xFFFFC000  }
0x59: {  	_ =	swait.ge [sflag:s18], $0x4000  }
0x5a: {  	[sflag:s18] =	ssyncset.done $0x0  }
0x5b: {  	[sflag:s18] =	ssyncadd.s32 $0xFFFFC000  }
0x5c: {  	[tilespmem:s19], [sflag:$0x2] =	stream.indirect.gather [hbm4b:s5+s10], $0x80, s0, s10, $0xb8;
	[tilespmem:$0x1C800] =	vst v63  }
0x5d: {  	_ = 	snop  }
0x5e: {  	[spmem:s3] =	stream.indirect.scatter.add.f32 [tilespmem:s17], [sflag:$0x3], $0x80, s1, s10, $0xb8;
	[tilespmem:$0x1C800] =	vst v63  }
0x5f: {  	_ =	swait.ge [sflag:s15], $0x4000  }
0x60: {  	[sflag:s15] =	ssyncset.done $0x0  }
0x61: {  	[sflag:s15] =	ssyncadd.s32 $0xFFFFC000  }
0x62: {  	_ =	swait.ge [sflag:s20], $0x4000  }
0x63: {  	[sflag:s20] =	ssyncset.done $0x0  }
0x64: {  	[sflag:s20] =	ssyncadd.s32 $0xFFFFC000  }
0x65: {  	[spmem:s3] =	stream.indirect.scatter.add.f32 [tilespmem:s19], [sflag:$0x3], $0x80, s7, s10, $0xb8;
	[tilespmem:$0x1C800] =	vst v63  }
0x66: {  	_ =	swait.ge [sflag:s15], $0x4000  }
0x67: {  	[sflag:s15] =	ssyncset.done $0x0  }
0x68: {  	s11 =	rddreg [dreg:$0x4];
	[sflag:s15] =	ssyncadd.s32 $0xFFFFC000  }
0x69: {  	s14 =	rddreg [dreg:$0x1]  }
.LBB2_6:
0x6a: {  	[bflag:$0x0] =	sbarrier.arrive $0xFFFF  }
0x6b: {  	s6 =	rddreg [dreg:$0x6]  }
0x6c: {  	s2 =	rddreg [dreg:$0x7]  }
0x6d: {  	s8 =	rddreg [dreg:$0x9]  }
0x6e: {  	[hbm:s2], [sflag:s6] =	dma.local [spmem:s8], $0x2800  }
0x6f: {  	_ =	swait.ge [sflag:s15], $0x2800  }
0x70: {  	s9 =	rddreg [dreg:$0xa]  }
0x71: {  	s2 =	rddreg [dreg:$0x8];
	s9 =	sadd.s32 $0x1, s9  }
0x72: {  	p1 =	sne.s32 s9, s2  }
.Ltmp1:
0x73: {  	_ = 	snop;
	(pc) =	sbr.rel @!p1 .LBB2_7-.Ltmp1, $3  }
0x74: {  	_ =	sdelay $0x1  }
0x75: {  	[sflag:s15] =	ssyncset.done $0x0;
	[dreg:$0xa] =	wrdreg s9  }
0x76: {  	[sflag:s15] =	ssyncadd.s32 $0xFFFFD800;
	s9 =	rddreg [dreg:$0xb]  }
.LBB2_1:
0x77: {  	s2 =	rddreg [dreg:$0x5]  }
0x78: {  	[spmem:s8], [sflag:s6] =	dma.local [hbm:s2], $0x2800  }
.Ltmp2:
0x79: {  	_ =	swait.ge [sflag:s15], $0x2800;
	(pc) =	sbr.rel @!p0 .LBB2_2-.Ltmp2, $4  }
0x7a: {  	[sflag:s15] =	ssyncset.done $0x0  }
0x7b: {  	[sflag:s15] =	ssyncadd.s32 $0xFFFFD800  }
0x7c: {  	[bflag:$0x0] =	sbarrier.arrive $0xFFFF  }
0x7d: {  	p1 =	por $0x1, $0x1;
	s8 =	simm.s32 $0x0  }
.LBB2_5:
0x7e: {  	s2 =	sor.u32 s9, s8  }
0x7f: {  	s6 =	sadd.s32 s14, s2  }
0x80: {  	[tilespmem:s4], [sflag:$0x3] =	stream.linear.gather [hbm4b:s6+s4], $0x400, $0x38;
	[tilespmem:$0x1C800] =	vst v63  }
0x81: {  	_ =	swait.ge [sflag:s15], $0x400  }
0x82: {  	[sflag:s15] =	ssyncset.done $0x0  }
0x83: {  	s2 =	sadd.s32 s11, s2;
	[sflag:s15] =	ssyncadd.s32 $0xFFFFFC00  }
0x84: {  	[tilespmem:s16], [sflag:$0x3] =	stream.linear.gather [hbm4b:s2+s4], $0x400, $0x38;
	[tilespmem:$0x1C800] =	vst v63  }
0x85: {  	_ =	swait.ge [sflag:s15], $0x400  }
0x86: {  	[sflag:s15] =	ssyncset.done $0x0  }
0x87: {  	s8 =	simm.s32 $0x80;
	[sflag:s15] =	ssyncadd.s32 $0xFFFFFC00  }
0x88: {  	[tilespmem:s17], [sflag:$0x1] =	stream.indirect.gather [hbm4b:s5+s8], $0x80, s4, s8, $0xb8;
	[tilespmem:$0x1C800] =	vst v63  }
0x89: {  	_ =	swait.ge [sflag:s18], $0x4000  }
0x8a: {  	[sflag:s18] =	ssyncset.done $0x0  }
0x8b: {  	[sflag:s18] =	ssyncadd.s32 $0xFFFFC000  }
0x8c: {  	[tilespmem:s19], [sflag:$0x2] =	stream.indirect.gather [hbm4b:s5+s8], $0x80, s8, s8, $0xb8;
	[tilespmem:$0x1C800] =	vst v63  }
0x8d: {  	_ = 	snop  }
0x8e: {  	[spmem:s3] =	stream.indirect.scatter.add.f32 [tilespmem:s17], [sflag:$0x3], $0x80, s16, s8, $0xb8;
	[tilespmem:$0x1C800] =	vst v63  }
0x8f: {  	_ =	swait.ge [sflag:s15], $0x4000  }
0x90: {  	[sflag:s15] =	ssyncset.done $0x0  }
0x91: {  	[sflag:s15] =	ssyncadd.s32 $0xFFFFC000  }
0x92: {  	_ =	swait.ge [sflag:s20], $0x4000  }
0x93: {  	[sflag:s20] =	ssyncset.done $0x0  }
0x94: {  	[sflag:s20] =	ssyncadd.s32 $0xFFFFC000  }
0x95: {  	[tilespmem:s17], [sflag:$0x1] =	stream.indirect.gather [hbm4b:s5+s8], $0x80, s21, s8, $0xb8;
	[tilespmem:$0x1C800] =	vst v63  }
0x96: {  	_ = 	snop  }
0x97: {  	[spmem:s3] =	stream.indirect.scatter.add.f32 [tilespmem:s19], [sflag:$0x3], $0x80, s22, s8, $0xb8;
	[tilespmem:$0x1C800] =	vst v63  }
0x98: {  	_ =	swait.ge [sflag:s15], $0x4000  }
0x99: {  	[sflag:s15] =	ssyncset.done $0x0  }
0x9a: {  	[sflag:s15] =	ssyncadd.s32 $0xFFFFC000  }
0x9b: {  	_ =	swait.ge [sflag:s18], $0x4000  }
0x9c: {  	[sflag:s18] =	ssyncset.done $0x0  }
0x9d: {  	[sflag:s18] =	ssyncadd.s32 $0xFFFFC000  }
0x9e: {  	[tilespmem:s19], [sflag:$0x2] =	stream.indirect.gather [hbm4b:s5+s8], $0x80, s23, s8, $0xb8;
	[tilespmem:$0x1C800] =	vst v63  }
0x9f: {  	_ = 	snop  }
0xa0: {  	[spmem:s3] =	stream.indirect.scatter.add.f32 [tilespmem:s17], [sflag:$0x3], $0x80, s24, s8, $0xb8;
	[tilespmem:$0x1C800] =	vst v63  }
0xa1: {  	_ =	swait.ge [sflag:s15], $0x4000  }
0xa2: {  	[sflag:s15] =	ssyncset.done $0x0  }
0xa3: {  	[sflag:s15] =	ssyncadd.s32 $0xFFFFC000  }
0xa4: {  	_ =	swait.ge [sflag:s20], $0x4000  }
0xa5: {  	[sflag:s20] =	ssyncset.done $0x0  }
0xa6: {  	[sflag:s20] =	ssyncadd.s32 $0xFFFFC000  }
0xa7: {  	[tilespmem:s17], [sflag:$0x1] =	stream.indirect.gather [hbm4b:s5+s8], $0x80, s25, s8, $0xb8;
	[tilespmem:$0x1C800] =	vst v63  }
0xa8: {  	_ = 	snop  }
0xa9: {  	[spmem:s3] =	stream.indirect.scatter.add.f32 [tilespmem:s19], [sflag:$0x3], $0x80, s26, s8, $0xb8;
	[tilespmem:$0x1C800] =	vst v63  }
0xaa: {  	_ =	swait.ge [sflag:s15], $0x4000  }
0xab: {  	[sflag:s15] =	ssyncset.done $0x0  }
0xac: {  	[sflag:s15] =	ssyncadd.s32 $0xFFFFC000  }
0xad: {  	_ =	swait.ge [sflag:s18], $0x4000  }
0xae: {  	[sflag:s18] =	ssyncset.done $0x0  }
0xaf: {  	[sflag:s18] =	ssyncadd.s32 $0xFFFFC000  }
0xb0: {  	[tilespmem:s19], [sflag:$0x2] =	stream.indirect.gather [hbm4b:s5+s8], $0x80, s28, s8, $0xb8;
	[tilespmem:$0x1C800] =	vst v63  }
0xb1: {  	_ = 	snop  }
0xb2: {  	[spmem:s3] =	stream.indirect.scatter.add.f32 [tilespmem:s17], [sflag:$0x3], $0x80, s29, s8, $0xb8;
	[tilespmem:$0x1C800] =	vst v63  }
0xb3: {  	_ =	swait.ge [sflag:s15], $0x4000  }
0xb4: {  	[sflag:s15] =	ssyncset.done $0x0  }
0xb5: {  	[sflag:s15] =	ssyncadd.s32 $0xFFFFC000  }
0xb6: {  	_ =	swait.ge [sflag:s20], $0x4000  }
0xb7: {  	[sflag:s20] =	ssyncset.done $0x0  }
0xb8: {  	[sflag:s20] =	ssyncadd.s32 $0xFFFFC000  }
0xb9: {  	[tilespmem:s17], [sflag:$0x1] =	stream.indirect.gather [hbm4b:s5+s8], $0x80, s30, s8, $0xb8;
	[tilespmem:$0x1C800] =	vst v63  }
0xba: {  	_ = 	snop  }
0xbb: {  	[spmem:s3] =	stream.indirect.scatter.add.f32 [tilespmem:s19], [sflag:$0x3], $0x80, s31, s8, $0xb8;
	[tilespmem:$0x1C800] =	vst v63  }
0xbc: {  	_ =	swait.ge [sflag:s15], $0x4000  }
0xbd: {  	[sflag:s15] =	ssyncset.done $0x0  }
0xbe: {  	[sflag:s15] =	ssyncadd.s32 $0xFFFFC000  }
0xbf: {  	_ =	swait.ge [sflag:s18], $0x4000  }
0xc0: {  	[sflag:s18] =	ssyncset.done $0x0  }
0xc1: {  	[sflag:s18] =	ssyncadd.s32 $0xFFFFC000  }
0xc2: {  	[tilespmem:s19], [sflag:$0x2] =	stream.indirect.gather [hbm4b:s5+s8], $0x80, s0, s8, $0xb8;
	[tilespmem:$0x1C800] =	vst v63  }
0xc3: {  	_ = 	snop  }
0xc4: {  	[spmem:s3] =	stream.indirect.scatter.add.f32 [tilespmem:s17], [sflag:$0x3], $0x80, s1, s8, $0xb8;
	[tilespmem:$0x1C800] =	vst v63  }
0xc5: {  	_ =	swait.ge [sflag:s15], $0x4000  }
0xc6: {  	[sflag:s15] =	ssyncset.done $0x0  }
0xc7: {  	[sflag:s15] =	ssyncadd.s32 $0xFFFFC000  }
0xc8: {  	_ =	swait.ge [sflag:s20], $0x4000  }
0xc9: {  	p2 =	por p1, p1;
	[sflag:s20] =	ssyncset.done $0x0  }
.Ltmp3:
0xca: {  	[sflag:s20] =	ssyncadd.s32 $0xFFFFC000;
	(pc) =	sbr.rel @p2 .LBB2_5-.Ltmp3, $4  }
0xcb: {  	[spmem:s3] =	stream.indirect.scatter.add.f32 [tilespmem:s19], [sflag:$0x3], $0x80, s7, s8, $0xb8;
	[tilespmem:$0x1C800] =	vst v63  }
0xcc: {  	_ =	swait.ge [sflag:s15], $0x4000  }
0xcd: {  	[sflag:s15] =	ssyncset.done $0x0  }
0xce: {  	p1 =	por $0x0, $0x0;
	[sflag:s15] =	ssyncadd.s32 $0xFFFFC000  }
.Ltmp4:
0xcf: {  	_ = 	snop;
	(pc) =	sbr.rel .LBB2_6-.Ltmp4, $1  }
0xd0: {  	_ =	sdelay $0x3  }
.LBB2_2:
0xd1: {  	s8 =	sadd.s32 $0x0, s13  }
0xd2: {  	[tilespmem:s4], [sflag:$0x3] =	stream.linear.gather [hbm4b:s8+s4], $0x400, $0x38;
	[tilespmem:$0x1C800] =	vst v63  }
0xd3: {  	_ =	swait.ge [sflag:s15], $0x400  }
0xd4: {  	[sflag:s15] =	ssyncset.done $0x0  }
0xd5: {  	s14 =	sadd.s32 $0x0, s12;
	[sflag:s15] =	ssyncadd.s32 $0xFFFFFC00  }
0xd6: {  	[tilespmem:s16], [sflag:$0x3] =	stream.linear.gather [hbm4b:s14+s4], $0x400, $0x38;
	[tilespmem:$0x1C800] =	vst v63  }
0xd7: {  	_ =	swait.ge [sflag:s15], $0x400  }
0xd8: {  	[sflag:s15] =	ssyncset.done $0x0  }
0xd9: {  	[sflag:s15] =	ssyncadd.s32 $0xFFFFFC00  }
0xda: {  	[tilespmem:s17], [sflag:$0x1] =	stream.indirect.gather [hbm4b:s5+s10], $0x80, s4, s10, $0xb8;
	[tilespmem:$0x1C800] =	vst v63  }
0xdb: {  	_ =	swait.ge [sflag:s18], $0x4000  }
0xdc: {  	[sflag:s18] =	ssyncset.done $0x0  }
0xdd: {  	[sflag:s18] =	ssyncadd.s32 $0xFFFFC000  }
0xde: {  	[tilespmem:s19], [sflag:$0x2] =	stream.indirect.gather [hbm4b:s5+s10], $0x80, s10, s10, $0xb8;
	[tilespmem:$0x1C800] =	vst v63  }
0xdf: {  	_ = 	snop  }
0xe0: {  	[spmem:s3] =	stream.indirect.scatter.add.f32 [tilespmem:s17], [sflag:$0x3], $0x80, s16, s10, $0xb8;
	[tilespmem:$0x1C800] =	vst v63  }
0xe1: {  	_ =	swait.ge [sflag:s15], $0x4000  }
0xe2: {  	[sflag:s15] =	ssyncset.done $0x0  }
0xe3: {  	[sflag:s15] =	ssyncadd.s32 $0xFFFFC000  }
0xe4: {  	_ =	swait.ge [sflag:s20], $0x4000  }
0xe5: {  	[sflag:s20] =	ssyncset.done $0x0  }
0xe6: {  	[sflag:s20] =	ssyncadd.s32 $0xFFFFC000  }
0xe7: {  	[tilespmem:s17], [sflag:$0x1] =	stream.indirect.gather [hbm4b:s5+s10], $0x80, s21, s10, $0xb8;
	[tilespmem:$0x1C800] =	vst v63  }
0xe8: {  	_ = 	snop  }
0xe9: {  	[spmem:s3] =	stream.indirect.scatter.add.f32 [tilespmem:s19], [sflag:$0x3], $0x80, s22, s10, $0xb8;
	[tilespmem:$0x1C800] =	vst v63  }
0xea: {  	_ =	swait.ge [sflag:s15], $0x4000  }
0xeb: {  	[sflag:s15] =	ssyncset.done $0x0  }
0xec: {  	[sflag:s15] =	ssyncadd.s32 $0xFFFFC000  }
0xed: {  	_ =	swait.ge [sflag:s18], $0x4000  }
0xee: {  	[sflag:s18] =	ssyncset.done $0x0  }
0xef: {  	[sflag:s18] =	ssyncadd.s32 $0xFFFFC000  }
0xf0: {  	[tilespmem:s19], [sflag:$0x2] =	stream.indirect.gather [hbm4b:s5+s10], $0x80, s23, s10, $0xb8;
	[tilespmem:$0x1C800] =	vst v63  }
0xf1: {  	_ = 	snop  }
0xf2: {  	[spmem:s3] =	stream.indirect.scatter.add.f32 [tilespmem:s17], [sflag:$0x3], $0x80, s24, s10, $0xb8;
	[tilespmem:$0x1C800] =	vst v63  }
0xf3: {  	_ =	swait.ge [sflag:s15], $0x4000  }
0xf4: {  	[sflag:s15] =	ssyncset.done $0x0  }
0xf5: {  	[sflag:s15] =	ssyncadd.s32 $0xFFFFC000  }
0xf6: {  	_ =	swait.ge [sflag:s20], $0x4000  }
0xf7: {  	[sflag:s20] =	ssyncset.done $0x0  }
0xf8: {  	[sflag:s20] =	ssyncadd.s32 $0xFFFFC000  }
0xf9: {  	[tilespmem:s17], [sflag:$0x1] =	stream.indirect.gather [hbm4b:s5+s10], $0x80, s25, s10, $0xb8;
	[tilespmem:$0x1C800] =	vst v63  }
0xfa: {  	_ = 	snop  }
0xfb: {  	[spmem:s3] =	stream.indirect.scatter.add.f32 [tilespmem:s19], [sflag:$0x3], $0x80, s26, s10, $0xb8;
	[tilespmem:$0x1C800] =	vst v63  }
0xfc: {  	_ =	swait.ge [sflag:s15], $0x4000  }
0xfd: {  	[sflag:s15] =	ssyncset.done $0x0  }
0xfe: {  	[sflag:s15] =	ssyncadd.s32 $0xFFFFC000  }
0xff: {  	_ =	swait.ge [sflag:s18], $0x4000  }
0x100: {  	[sflag:s18] =	ssyncset.done $0x0  }
0x101: {  	[sflag:s18] =	ssyncadd.s32 $0xFFFFC000  }
0x102: {  	[tilespmem:s19], [sflag:$0x2] =	stream.indirect.gather [hbm4b:s5+s10], $0x80, s28, s10, $0xb8;
	[tilespmem:$0x1C800] =	vst v63  }
0x103: {  	_ = 	snop  }
0x104: {  	[spmem:s3] =	stream.indirect.scatter.add.f32 [tilespmem:s17], [sflag:$0x3], $0x80, s29, s10, $0xb8;
	[tilespmem:$0x1C800] =	vst v63  }
0x105: {  	_ =	swait.ge [sflag:s15], $0x4000  }
0x106: {  	[sflag:s15] =	ssyncset.done $0x0  }
0x107: {  	[sflag:s15] =	ssyncadd.s32 $0xFFFFC000  }
0x108: {  	_ =	swait.ge [sflag:s20], $0x4000  }
0x109: {  	[sflag:s20] =	ssyncset.done $0x0  }
0x10a: {  	[sflag:s20] =	ssyncadd.s32 $0xFFFFC000  }
0x10b: {  	[tilespmem:s17], [sflag:$0x1] =	stream.indirect.gather [hbm4b:s5+s10], $0x80, s30, s10, $0xb8;
	[tilespmem:$0x1C800] =	vst v63  }
0x10c: {  	_ = 	snop  }
0x10d: {  	[spmem:s3] =	stream.indirect.scatter.add.f32 [tilespmem:s19], [sflag:$0x3], $0x80, s31, s10, $0xb8;
	[tilespmem:$0x1C800] =	vst v63  }
0x10e: {  	_ =	swait.ge [sflag:s15], $0x4000  }
0x10f: {  	[sflag:s15] =	ssyncset.done $0x0  }
0x110: {  	[sflag:s15] =	ssyncadd.s32 $0xFFFFC000  }
0x111: {  	_ =	swait.ge [sflag:s18], $0x4000  }
0x112: {  	[sflag:s18] =	ssyncset.done $0x0  }
0x113: {  	[sflag:s18] =	ssyncadd.s32 $0xFFFFC000  }
0x114: {  	[tilespmem:s19], [sflag:$0x2] =	stream.indirect.gather [hbm4b:s5+s10], $0x80, s0, s10, $0xb8;
	[tilespmem:$0x1C800] =	vst v63  }
0x115: {  	_ = 	snop  }
0x116: {  	[spmem:s3] =	stream.indirect.scatter.add.f32 [tilespmem:s17], [sflag:$0x3], $0x80, s1, s10, $0xb8;
	[tilespmem:$0x1C800] =	vst v63  }
0x117: {  	_ =	swait.ge [sflag:s15], $0x4000  }
0x118: {  	[sflag:s15] =	ssyncset.done $0x0  }
0x119: {  	[sflag:s15] =	ssyncadd.s32 $0xFFFFC000  }
0x11a: {  	_ =	swait.ge [sflag:s20], $0x4000  }
0x11b: {  	[sflag:s20] =	ssyncset.done $0x0  }
0x11c: {  	[sflag:s20] =	ssyncadd.s32 $0xFFFFC000  }
0x11d: {  	[spmem:s3] =	stream.indirect.scatter.add.f32 [tilespmem:s19], [sflag:$0x3], $0x80, s7, s10, $0xb8;
	[tilespmem:$0x1C800] =	vst v63  }
0x11e: {  	_ =	swait.ge [sflag:s15], $0x4000  }
0x11f: {  	s8 =	simm.s32 $0x80;
	s14 =	simm.s32 $0x100;
	[sflag:s15] =	ssyncset.done $0x0  }
.LBB2_3:
0x120: {  	s2 =	sadd.s32 s8, s13  }
0x121: {  	[sflag:s15] =	ssyncadd.s32 $0xFFFFC000;
	s6 =	smov.u32 s14;
	s11 =	sadd.s32 $0x80, s14  }
0x122: {  	[tilespmem:s4], [sflag:$0x3] =	stream.linear.gather [hbm4b:s2+s4], $0x400, $0x38;
	[tilespmem:$0x1C800] =	vst v63  }
0x123: {  	p1 =	seq.s32 s14, $0x880;
	_ =	swait.ge [sflag:s15], $0x400  }
0x124: {  	[sflag:s15] =	ssyncset.done $0x0  }
0x125: {  	s2 =	sadd.s32 s8, s12;
	s8 =	smov.u32 s6;
	[sflag:s15] =	ssyncadd.s32 $0xFFFFFC00  }
0x126: {  	[tilespmem:s16], [sflag:$0x3] =	stream.linear.gather [hbm4b:s2+s4], $0x400, $0x38;
	[tilespmem:$0x1C800] =	vst v63  }
0x127: {  	_ =	swait.ge [sflag:s15], $0x400  }
0x128: {  	[sflag:s15] =	ssyncset.done $0x0  }
0x129: {  	[sflag:s15] =	ssyncadd.s32 $0xFFFFFC00  }
0x12a: {  	[tilespmem:s17], [sflag:$0x1] =	stream.indirect.gather [hbm4b:s5+s10], $0x80, s4, s10, $0xb8;
	[tilespmem:$0x1C800] =	vst v63  }
0x12b: {  	_ =	swait.ge [sflag:s18], $0x4000  }
0x12c: {  	[sflag:s18] =	ssyncset.done $0x0  }
0x12d: {  	[sflag:s18] =	ssyncadd.s32 $0xFFFFC000  }
0x12e: {  	[tilespmem:s19], [sflag:$0x2] =	stream.indirect.gather [hbm4b:s5+s10], $0x80, s10, s10, $0xb8;
	[tilespmem:$0x1C800] =	vst v63  }
0x12f: {  	_ = 	snop  }
0x130: {  	[spmem:s3] =	stream.indirect.scatter.add.f32 [tilespmem:s17], [sflag:$0x3], $0x80, s16, s10, $0xb8;
	[tilespmem:$0x1C800] =	vst v63  }
0x131: {  	_ =	swait.ge [sflag:s15], $0x4000  }
0x132: {  	[sflag:s15] =	ssyncset.done $0x0  }
0x133: {  	[sflag:s15] =	ssyncadd.s32 $0xFFFFC000  }
0x134: {  	_ =	swait.ge [sflag:s20], $0x4000  }
0x135: {  	[sflag:s20] =	ssyncset.done $0x0  }
0x136: {  	[sflag:s20] =	ssyncadd.s32 $0xFFFFC000  }
0x137: {  	[tilespmem:s17], [sflag:$0x1] =	stream.indirect.gather [hbm4b:s5+s10], $0x80, s21, s10, $0xb8;
	[tilespmem:$0x1C800] =	vst v63  }
0x138: {  	_ = 	snop  }
0x139: {  	[spmem:s3] =	stream.indirect.scatter.add.f32 [tilespmem:s19], [sflag:$0x3], $0x80, s22, s10, $0xb8;
	[tilespmem:$0x1C800] =	vst v63  }
0x13a: {  	_ =	swait.ge [sflag:s15], $0x4000  }
0x13b: {  	[sflag:s15] =	ssyncset.done $0x0  }
0x13c: {  	[sflag:s15] =	ssyncadd.s32 $0xFFFFC000  }
0x13d: {  	_ =	swait.ge [sflag:s18], $0x4000  }
0x13e: {  	[sflag:s18] =	ssyncset.done $0x0  }
0x13f: {  	[sflag:s18] =	ssyncadd.s32 $0xFFFFC000  }
0x140: {  	[tilespmem:s19], [sflag:$0x2] =	stream.indirect.gather [hbm4b:s5+s10], $0x80, s23, s10, $0xb8;
	[tilespmem:$0x1C800] =	vst v63  }
0x141: {  	_ = 	snop  }
0x142: {  	[spmem:s3] =	stream.indirect.scatter.add.f32 [tilespmem:s17], [sflag:$0x3], $0x80, s24, s10, $0xb8;
	[tilespmem:$0x1C800] =	vst v63  }
0x143: {  	_ =	swait.ge [sflag:s15], $0x4000  }
0x144: {  	[sflag:s15] =	ssyncset.done $0x0  }
0x145: {  	[sflag:s15] =	ssyncadd.s32 $0xFFFFC000  }
0x146: {  	_ =	swait.ge [sflag:s20], $0x4000  }
0x147: {  	[sflag:s20] =	ssyncset.done $0x0  }
0x148: {  	[sflag:s20] =	ssyncadd.s32 $0xFFFFC000  }
0x149: {  	[tilespmem:s17], [sflag:$0x1] =	stream.indirect.gather [hbm4b:s5+s10], $0x80, s25, s10, $0xb8;
	[tilespmem:$0x1C800] =	vst v63  }
0x14a: {  	_ = 	snop  }
0x14b: {  	[spmem:s3] =	stream.indirect.scatter.add.f32 [tilespmem:s19], [sflag:$0x3], $0x80, s26, s10, $0xb8;
	[tilespmem:$0x1C800] =	vst v63  }
0x14c: {  	_ =	swait.ge [sflag:s15], $0x4000  }
0x14d: {  	[sflag:s15] =	ssyncset.done $0x0  }
0x14e: {  	[sflag:s15] =	ssyncadd.s32 $0xFFFFC000  }
0x14f: {  	_ =	swait.ge [sflag:s18], $0x4000  }
0x150: {  	[sflag:s18] =	ssyncset.done $0x0  }
0x151: {  	[sflag:s18] =	ssyncadd.s32 $0xFFFFC000  }
0x152: {  	[tilespmem:s19], [sflag:$0x2] =	stream.indirect.gather [hbm4b:s5+s10], $0x80, s28, s10, $0xb8;
	[tilespmem:$0x1C800] =	vst v63  }
0x153: {  	_ = 	snop  }
0x154: {  	[spmem:s3] =	stream.indirect.scatter.add.f32 [tilespmem:s17], [sflag:$0x3], $0x80, s29, s10, $0xb8;
	[tilespmem:$0x1C800] =	vst v63  }
0x155: {  	_ =	swait.ge [sflag:s15], $0x4000  }
0x156: {  	[sflag:s15] =	ssyncset.done $0x0  }
0x157: {  	[sflag:s15] =	ssyncadd.s32 $0xFFFFC000  }
0x158: {  	_ =	swait.ge [sflag:s20], $0x4000  }
0x159: {  	[sflag:s20] =	ssyncset.done $0x0  }
0x15a: {  	[sflag:s20] =	ssyncadd.s32 $0xFFFFC000  }
0x15b: {  	[tilespmem:s17], [sflag:$0x1] =	stream.indirect.gather [hbm4b:s5+s10], $0x80, s30, s10, $0xb8;
	[tilespmem:$0x1C800] =	vst v63  }
0x15c: {  	_ = 	snop  }
0x15d: {  	[spmem:s3] =	stream.indirect.scatter.add.f32 [tilespmem:s19], [sflag:$0x3], $0x80, s31, s10, $0xb8;
	[tilespmem:$0x1C800] =	vst v63  }
0x15e: {  	_ =	swait.ge [sflag:s15], $0x4000  }
0x15f: {  	[sflag:s15] =	ssyncset.done $0x0  }
0x160: {  	[sflag:s15] =	ssyncadd.s32 $0xFFFFC000  }
0x161: {  	_ =	swait.ge [sflag:s18], $0x4000  }
0x162: {  	[sflag:s18] =	ssyncset.done $0x0  }
0x163: {  	[sflag:s18] =	ssyncadd.s32 $0xFFFFC000  }
0x164: {  	[tilespmem:s19], [sflag:$0x2] =	stream.indirect.gather [hbm4b:s5+s10], $0x80, s0, s10, $0xb8;
	[tilespmem:$0x1C800] =	vst v63  }
0x165: {  	_ = 	snop  }
0x166: {  	[spmem:s3] =	stream.indirect.scatter.add.f32 [tilespmem:s17], [sflag:$0x3], $0x80, s1, s10, $0xb8;
	[tilespmem:$0x1C800] =	vst v63  }
0x167: {  	_ =	swait.ge [sflag:s15], $0x4000  }
0x168: {  	[sflag:s15] =	ssyncset.done $0x0  }
0x169: {  	[sflag:s15] =	ssyncadd.s32 $0xFFFFC000  }
0x16a: {  	_ =	swait.ge [sflag:s20], $0x4000  }
.Ltmp5:
0x16b: {  	[sflag:s20] =	ssyncset.done $0x0;
	(pc) =	sbr.rel @!p1 .LBB2_3-.Ltmp5, $4  }
0x16c: {  	[sflag:s20] =	ssyncadd.s32 $0xFFFFC000  }
0x16d: {  	[spmem:s3] =	stream.indirect.scatter.add.f32 [tilespmem:s19], [sflag:$0x3], $0x80, s7, s10, $0xb8;
	[tilespmem:$0x1C800] =	vst v63  }
0x16e: {  	_ =	swait.ge [sflag:s15], $0x4000  }
0x16f: {  	s14 =	smov.u32 s11;
	[sflag:s15] =	ssyncset.done $0x0  }
.Ltmp6:
0x170: {  	_ = 	snop;
	(pc) =	sbr.rel .LBB2_4-.Ltmp6, $1  }
0x171: {  	_ =	sdelay $0x3  }
.LBB2_7:
0x172: {  	_ =	sfence.sel $0x180000  }
0x173: {  	[bflag:$0x0] =	sbarrier.arrive $0xFFFF  }
0x174: {  	_ =	strace $0x9000004D  }
0x175: {  	s0 =	stileid.u32;
	[bflag:$0x2] =	sbarrier.arrive $0xFFFF  }
0x176: {  	p0 =	sne.s32 s0, $0x0;
	s0 =	rddreg [dreg:$0x3]  }
0x177: {  	s0 =	sadd.s32 @!p0 $0x100000, s0  }
0x178: {  	[sflag:s0] =	ssyncadd.tile.s32 @!p0 $0x1;
	_ =	shalt  }
.Lfunc_end2:
_tile_overlayer_lowered:
.L_overlay_start_2:
0x179: {  	(tag) =	ssettag $0x2  }
0x17a: {  	s0 =	rddreg [dreg:$0x0];
	s2 =	stileid.u32  }
0x17b: {  	s1 =	rddreg [dreg:$0x1];
	p0 =	sne.s32 s2, $0x0  }
0x17c: {  	s3 =	rddreg [dreg:$0x2];
	[bflag:$0x3] =	sbarrier.arrive $0xFFFF;
	s2 =	simm.s32 @!p0 $0x1C03  }
0x17d: {  	[timem:s3], [sflag:s2] =	dma.local @!p0 [hbm:s0], s1  }
0x17e: {  	s0 =	simm.s32 @!p0 $0x3  }
0x17f: {  	_ =	swait.ge @!p0 [sflag:s0], s1  }
0x180: {  	s1 =	ssub.s32 @!p0 $0x0, s1;
	[sflag:s0] =	ssyncset.done @!p0 $0x0  }
0x181: {  	[sflag:s0] =	ssyncadd.s32 @!p0 s1  }
0x182: {  	[bflag:$0x3] =	sbarrier.arrive $0xFFFF  }
0x183: {  	_ =	shalt  }

// kernel: kernel.19.cloned.1.call-start
scs
__scs_entry_jumppad:
0x0: {  	(pc) =	sbr.rel $0x88, $3  }
0x1: {  	(tag) =	ssettag $0x0;
	lr =	simm.s32 $0x1  }
0x2: {  	[smem:$0x3F99] =	sst lr;
	_ =	strace $0xD0000000  }
0x3: {  	_ = 	snop  }
0x4: {  	_ = 	snop  }
0x5: {  	_ = 	snop  }
0x6: {  	_ = 	snop  }
0x7: {  	_ = 	snop  }
__scs_overlays_trampoline_lowered:
0x8: {  	[smem:$0x3FA8] =	sst s0  }
0x9: {  	[smem:$0x3FA9] =	sst s1  }
0xa: {  	[smem:$0x3FAA] =	sst s2  }
0xb: {  	[smem:$0x3FAB] =	sst s3  }
0xc: {  	[smem:$0x3FAC] =	sst s4  }
0xd: {  	[smem:$0x3FAD] =	sst s5  }
0xe: {  	[smem:$0x3FAE] =	sst s6  }
0xf: {  	[smem:$0x3FAF] =	sst s7  }
0x10: {  	[smem:$0x3FB0] =	sst s8  }
0x11: {  	[smem:$0x3FB1] =	sst s9;
	s0 =	simm.s32 @!p0 $0x0  }
0x12: {  	s1 =	sld [smem:$0x3F97];
	s0 =	simm.s32 @p0 $0x1  }
0x13: {  	[smem:$0x3FB2] =	sst s0;
	s0 =	simm.s32 @!p1 $0x0  }
0x14: {  	s2 =	sld [smem:$0x3F96];
	s0 =	simm.s32 @p1 $0x1  }
0x15: {  	[smem:$0x3FB3] =	sst s0;
	s0 =	simm.s32 @!p2 $0x0  }
0x16: {  	s3 =	sld [smem:$0x3FDB];
	s0 =	simm.s32 @p2 $0x1  }
0x17: {  	s4 =	simm.s32 $0x1BF5;
	[smem:$0x3FB5] =	sst s0  }
0x18: {  	s0 =	sld [smem:$0x3F98];
	_ =	swait.ge [sflag:s4], $0x0  }
0x19: {  	s7 =	sld [smem:$0x3F99]  }
0x1a: {  	s8 =	sadd.s32 $0xFFFFE003, lr  }
0x1b: {  	s9 =	sadd.s32 $0xFFFFFEF7, lr;
	s5 =	simm.s32 $0xFFFFFFFF;
	p2 =	slt.u32 s8, $0xFFFFF086  }
0x1c: {  	p1 =	slt.u32 s9, $0xF7A;
	s5 =	simm.s32 @!p2 $0x0  }
0x1d: {  	s5 =	simm.s32 @p1 $0x1;
	p0 =	seq.s32 s7, s2  }
0x1e: {  	s7 =	smul.u32 @!p0 $0xF7A, s2;
	p2 =	seq.s32 @!p0 s5, $0x0  }
0x1f: {  	s9 =	smul.u32 $0xF7A, s1;
	s8 =	simm.s32 @!p0 $0x1BF5;
	p2 =	por !p2, p0  }
0x20: {  	[sflag:s8] =	ssyncset.s32 @!p0 $0xFFFFF086;
	s6 =	sadd.s32 @!p0 s3, s7;
	s7 =	simm.s32 @!p0 $0x108  }
0x21: {  	s3 =	sadd.s32 s3, s9;
	s6 =	sadd.s32 @!p0 $0x88, s6;
	s7 =	simm.s32 @p2 $0x1082  }
0x22: {  	[simem:s7], [sflag:s8] =	dma.local @!p0 [hbm:s6], $0xF7A  }
0x23: {  	s9 =	sor.u32 $0xD0000000, s2;
	s6 =	simm.s32 $0x108;
	_ =	swait.ge @!p0 [sflag:s8], $0x0  }
0x24: {  	s3 =	sadd.s32 $0x88, s3;
	s6 =	simm.s32 @!p1 $0x1082;
	[sflag:s4] =	ssyncset.s32 $0xFFFFF086  }
0x25: {  	[simem:s6], [sflag:s4] =	dma.local [hbm:s3], $0xF7A  }
0x26: {  	[smem:$0x3F99] =	sst s1;
	(tag) =	ssettag s2;
	_ =	strace s9  }
0x27: {  	s1 =	sld [smem:$0x3FA9]  }
0x28: {  	s2 =	sld [smem:$0x3FAA]  }
0x29: {  	s4 =	sld [smem:$0x3FAC]  }
0x2a: {  	p0 =	seq.s32 s5, $0x0;
	s5 =	sld [smem:$0x3FAD]  }
0x2b: {  	s6 =	sld [smem:$0x3FAE]  }
0x2c: {  	s7 =	sld [smem:$0x3FAF]  }
0x2d: {  	s3 =	simm.s32 $0x108;
	s8 =	sld [smem:$0x3FB0]  }
0x2e: {  	s3 =	simm.s32 @!p0 $0x1082;
	s9 =	sld [smem:$0x3FB1]  }
0x2f: {  	lr =	sadd.s32 s0, s3;
	s0 =	sld [smem:$0x3FA8]  }
0x30: {  	s3 =	sld [smem:$0x3FAB]  }
0x31: {  	[smem:$0x3FB4] =	sst s10  }
0x32: {  	s10 =	sld [smem:$0x3FB2];
	_ =	sdelay $0x3  }
0x33: {  	p0 =	seq.s32 s10, $0x1;
	s10 =	sld [smem:$0x3FB4];
	_ =	sdelay $0x3  }
0x34: {  	[smem:$0x3FB4] =	sst s10  }
0x35: {  	s10 =	sld [smem:$0x3FB3];
	_ =	sdelay $0x3  }
0x36: {  	p1 =	seq.s32 s10, $0x1;
	s10 =	sld [smem:$0x3FB4];
	_ =	sdelay $0x3  }
0x37: {  	[smem:$0x3FB4] =	sst s10  }
0x38: {  	s10 =	sld [smem:$0x3FB5]  }
0x39: {  	_ = 	snop;
	(pc) =	sbr.ind lr, $3  }
0x3a: {  	_ = 	snop  }
0x3b: {  	_ = 	snop  }
0x3c: {  	p2 =	seq.s32 s10, $0x1;
	s10 =	sld [smem:$0x3FB4]  }
0x3d: {  	_ =	shalt  }
0x3e: {  	_ =	shalt  }
0x3f: {  	_ =	shalt  }
0x40: {  	_ =	shalt  }
0x41: {  	_ =	shalt  }
0x42: {  	_ =	shalt  }
0x43: {  	_ =	shalt  }
0x44: {  	_ =	shalt  }
0x45: {  	_ =	shalt  }
0x46: {  	_ =	shalt  }
0x47: {  	_ =	shalt  }
0x48: {  	_ =	shalt  }
0x49: {  	_ =	shalt  }
0x4a: {  	_ =	shalt  }
0x4b: {  	_ =	shalt  }
0x4c: {  	_ =	shalt  }
0x4d: {  	_ =	shalt  }
0x4e: {  	_ =	shalt  }
0x4f: {  	_ =	shalt  }
0x50: {  	_ =	shalt  }
0x51: {  	_ =	shalt  }
0x52: {  	_ =	shalt  }
0x53: {  	_ =	shalt  }
0x54: {  	_ =	shalt  }
0x55: {  	_ =	shalt  }
0x56: {  	_ =	shalt  }
0x57: {  	_ =	shalt  }
0x58: {  	_ =	shalt  }
0x59: {  	_ =	shalt  }
0x5a: {  	_ =	shalt  }
0x5b: {  	_ =	shalt  }
0x5c: {  	_ =	shalt  }
0x5d: {  	_ =	shalt  }
0x5e: {  	_ =	shalt  }
0x5f: {  	_ =	shalt  }
0x60: {  	_ =	shalt  }
0x61: {  	_ =	shalt  }
0x62: {  	_ =	shalt  }
0x63: {  	_ =	shalt  }
0x64: {  	_ =	shalt  }
0x65: {  	_ =	shalt  }
0x66: {  	_ =	shalt  }
0x67: {  	_ =	shalt  }
0x68: {  	_ =	shalt  }
0x69: {  	_ =	shalt  }
0x6a: {  	_ =	shalt  }
0x6b: {  	_ =	shalt  }
0x6c: {  	_ =	shalt  }
0x6d: {  	_ =	shalt  }
0x6e: {  	_ =	shalt  }
0x6f: {  	_ =	shalt  }
0x70: {  	_ =	shalt  }
0x71: {  	_ =	shalt  }
0x72: {  	_ =	shalt  }
0x73: {  	_ =	shalt  }
0x74: {  	_ =	shalt  }
0x75: {  	_ =	shalt  }
0x76: {  	_ =	shalt  }
0x77: {  	_ =	shalt  }
0x78: {  	_ =	shalt  }
0x79: {  	_ =	shalt  }
0x7a: {  	_ =	shalt  }
0x7b: {  	_ =	shalt  }
0x7c: {  	_ =	shalt  }
0x7d: {  	_ =	shalt  }
0x7e: {  	_ =	shalt  }
0x7f: {  	_ =	shalt  }
0x80: {  	_ =	shalt  }
0x81: {  	_ =	shalt  }
0x82: {  	_ =	shalt  }
0x83: {  	_ =	shalt  }
0x84: {  	_ =	shalt  }
0x85: {  	_ =	shalt  }
0x86: {  	_ =	shalt  }
0x87: {  	_ =	shalt  }
.Lfunc_end0:
.L_simem_size_0:
called_computation.3_lowered:
.L_overlay_start_0:
0x88: {  	s2 =	sld [smem:$0x3FD9]  }
0x89: {  	s3 =	sld [smem:$0x3FFE];
	_ =	sdelay $0x1  }
0x8a: {  	s1 =	srdreg.scid  }
0x8b: {  	s0 =	sand.u32 $0x1, s1  }
0x8c: {  	s17 =	sshll.u32 s0, $0xA;
	s2 =	sadd.s32 s3, s2  }
0x8d: {  	s2 =	sadd.s32 s2, s17  }
0x8e: {  	[smem:$0x3FC0] =	sst s2  }
0x8f: {  	_ = 	snop  }
0x90: {  	s2 =	sld [smem:$0x3FD0];
	(tm) =	ssettm $0x1  }
0x91: {  	s18 =	sld [smem:$0x3FFB];
	_ =	sdelay $0x3  }
0x92: {  	_ =	strace s18  }
0x93: {  	s3 =	sld [smem:$0x3FFC];
	_ =	sdelay $0x3  }
0x94: {  	_ =	strace s3  }
0x95: {  	s3 =	sld [smem:$0x3FFD];
	_ =	sdelay $0x3  }
0x96: {  	_ =	strace s3  }
0x97: {  	_ =	strace $0x8FFFFFFF  }
0x98: {  	s19 =	sld [smem:$0x3FDB];
	_ =	sdelay $0x1  }
0x99: {  	s4 =	simm.s32 $_scs_section_size  }
0x9a: {  	s5 =	simm.s32 $_size__tile_overlayer_lowered;
	s6 =	simm.s32 $_tile_overlayer_lowered  }
0x9b: {  	s22 =	simm.s32 $0x1BFF;
	s21 =	sshll.u32 s6, $0x1;
	s3 =	sadd.s32 s4, s19  }
0x9c: {  	s7 =	simm.s32 $0x0;
	s20 =	sshll.u32 s5, $0x1;
	s5 =	sadd.s32 s21, s3  }
0x9d: {  	[timem:s7], [sflag:s22] =	dma.local [hbm:s5], s20  }
0x9e: {  	_ =	swait.ge [sflag:s22], s20  }
0x9f: {  	s4 =	ssub.s32 $0x0, s20;
	[sflag:s22] =	ssyncset.done $0x0  }
0xa0: {  	[sflag:s22] =	ssyncadd.s32 s4;
	_ =	sdelay $0x1  }
0xa1: {  	s23 =	simm.s32 $0x1B8B  }
0xa2: {  	_ =	swait.ge [sflag:s23], $0x1  }
0xa3: {  	[sflag:s23] =	ssyncset.done $0x0  }
0xa4: {  	s25 =	simm.s32 $0x1B8E;
	s24 =	sld [smem:$0x3FFE];
	[sflag:s23] =	ssyncadd.s32 $0xFFFFFFFF  }
0xa5: {  	s26 =	simm.s32 $execute0_lowered;
	[smem:$0x3FD2] =	sst s25  }
0xa6: {  	s5 =	sshll.u32 s26, $0x1;
	_ =	strace $0x8000004F;
	[dreg:$0x1] =	wrdreg $0xFFFFFFFF  }
0xa7: {  	s28 =	simm.s32 $_size_execute0_lowered;
	s3 =	sadd.s32 s3, s5;
	[dreg:$0x0] =	wrdreg $0x0  }
0xa8: {  	s5 =	sshll.u32 s28, $0x1;
	[dreg:$0x2] =	wrdreg s3  }
0xa9: {  	[dreg:$0x3] =	wrdreg s5  }
0xaa: {  	[dreg:$0x4] =	wrdreg $0xC0  }
0xab: {  	_ =	task [dreg:s7], $0x5FFFF  }
0xac: {  	[dreg:$0x1] =	wrdreg $0xFFFFFFFF  }
0xad: {  	[dreg:$0x0] =	wrdreg $0x60  }
0xae: {  	[dreg:$0x2] =	wrdreg s24  }
0xaf: {  	[dreg:$0x3] =	wrdreg s2  }
0xb0: {  	[dreg:$0x4] =	wrdreg $0x88000  }
0xb1: {  	[dreg:$0x5] =	wrdreg $0x9  }
0xb2: {  	_ =	task.clear_ibuf [dreg:s7], $0x6FFFF;
	_ =	strace $0x9000004F  }
0xb3: {  	s29 =	simm.s32 $0x9;
	_ =	strace $0x80000051  }
0xb4: {  	_ =	swait.ge [sflag:s29], $0x1  }
0xb5: {  	[sflag:s29] =	ssyncadd.s32 $0xFFFFFFFF  }
0xb6: {  	_ =	strace $0x90000051  }
0xb7: {  	_ =	sfence  }
0xb8: {  	s30 =	sld [smem:$0x0];
	_ =	sdelay $0x2  }
0xb9: {  	s31 =	sshll.u32 s1, $0xD;
	s1 =	sshrl.u32 s1, $0x2  }
0xba: {  	s3 =	sand.u32 $0x4000, s31;
	s1 =	sadd.s32 s1, s30  }
0xbb: {  	s0 =	sor.u32 s3, s0;
	s1 =	sshll.u32 s1, $0x11  }
0xbc: {  	s0 =	sor.u32 s1, s0  }
0xbd: {  	s0 =	sadd.s32 $0x8F2B, s0  }
0xbe: {  	[sflag:s0] =	ssyncadd.remote.s32 $0x1  }
0xbf: {  	_ =	sfence.sel $0xFFFF  }
0xc0: {  	[dreg:$0x0] =	wrdreg $0xFFFFFFFF;
	(pc) =	sbr.abs _section_cstart, $3  }
0xc1: {  	[dreg:$0x1] =	wrdreg $0xFFFFFFFF  }
0xc2: {  	_ =	task.clear_ibuf [dreg:s7], $0x2FFFF;
	_ =	strace $0x9FFFFFFF  }
0xc3: {  	(tm) =	ssettm $0x7FFFFFFF  }
tec
execute0_lowered:
.L_overlay_start_1:
0x0: {  	(tag) =	ssettag $0x1  }
0x1: {  	s0 =	rddreg [dreg:$0x0]  }
0x2: {  	s14 =	rddreg [dreg:$0x1]  }
0x3: {  	s3 =	rddreg [dreg:$0x2]  }
0x4: {  	s2 =	stileid.u32;
	s1 =	srdreg.scid;
	s4 =	simm.s32 $0x0  }
0x5: {  	s15 =	simm.s32 $0x3;
	s16 =	simm.s32 $0x400;
	s17 =	simm.s32 $0x800  }
0x6: {  	s18 =	simm.s32 $0x1;
	s19 =	simm.s32 $0x4800;
	s20 =	simm.s32 $0x2  }
0x7: {  	s28 =	simm.s32 $0x280;
	s29 =	simm.s32 $0x600;
	s30 =	simm.s32 $0x300  }
0x8: {  	s31 =	simm.s32 $0x680;
	s7 =	smul.u32 $0x2800, s2;
	s1 =	sand.u32 $0x1, s1  }
0x9: {  	[smem:$0x7FF] =	sst s4;
	s5 =	sadd.s32 $0x86000, s0;
	s10 =	smul.u32 $0x50000, s2  }
0xa: {  	s6 =	sadd.s32 $0x3800, s0;
	s23 =	sshll.u32 s2, $0x6;
	s25 =	smul.u32 $0x900, s2  }
0xb: {  	s24 =	sshll.u32 s2, $0x8;
	s2 =	simm.s32 $0x0;
	s8 =	smul.u32 $0x28000, s1  }
0xc: {  	_ =	strace $0x80000050;
	s9 =	ssub.s32 $0x2, s1;
	p0 =	seq.s32 s1, $0x1  }
0xd: {  	s1 =	simm.s32 $0x700;
	[dreg:$0xa] =	wrdreg s2;
	s21 =	sshrl.u32 s9, $0x1  }
0xe: {  	s22 =	sshrl.u32 s10, $0x2;
	s10 =	sor.u32 $0x1C03, s23;
	s12 =	sadd.s32 s25, s6  }
0xf: {  	s13 =	sadd.s32 s25, s14;
	s23 =	simm.s32 $0x180;
	s25 =	simm.s32 $0x200  }
0x10: {  	s8 =	sadd.s32 s7, s8;
	s7 =	sadd.s32 s7, s0;
	s11 =	sadd.s32 s22, s3  }
0x11: {  	s22 =	simm.s32 $0x480;
	s0 =	sadd.s32 s8, s0;
	s7 =	sadd.s32 $0xD800, s7  }
0x12: {  	s8 =	ssub.s32 s9, s21;
	s9 =	sor.u32 $0x9000, s24;
	[dreg:$0x5] =	wrdreg s7  }
0x13: {  	s21 =	simm.s32 $0x100;
	s0 =	sadd.s32 $0xAE000, s0;
	[dreg:$0xb] =	wrdreg s9  }
.Ltmp0:
0x14: {  	s26 =	smax.u32 s8, $0x1;
	[dreg:$0x7] =	wrdreg s0;
	(pc) =	sbr.rel .LBB2_1-.Ltmp0, $4  }
0x15: {  	s8 =	sshrl.u32 s11, $0x3;
	s11 =	smov.u32 s6;
	[dreg:$0x8] =	wrdreg s26  }
0x16: {  	s24 =	simm.s32 $0x500;
	s6 =	smov.u32 s10;
	[dreg:$0x4] =	wrdreg s11  }
0x17: {  	s7 =	simm.s32 $0x780;
	s10 =	simm.s32 $0x80;
	[dreg:$0x6] =	wrdreg s6  }
0x18: {  	s26 =	simm.s32 $0x580;
	s0 =	simm.s32 $0x380;
	[dreg:$0x9] =	wrdreg s8  }
.LBB2_4:
0x19: {  	s2 =	sadd.s32 s8, s13;
	[sflag:s15] =	ssyncadd.s32 $0xFFFFC000  }
0x1a: {  	[tilespmem:s4], [sflag:$0x3] =	stream.linear.gather [hbm4b:s2+s4], $0x400, $0x38;
	[tilespmem:$0x1C800] =	vst v63  }
0x1b: {  	_ =	swait.ge [sflag:s15], $0x400  }
0x1c: {  	[sflag:s15] =	ssyncset.done $0x0  }
0x1d: {  	s14 =	sadd.s32 s8, s12;
	[sflag:s15] =	ssyncadd.s32 $0xFFFFFC00  }
0x1e: {  	[tilespmem:s16], [sflag:$0x3] =	stream.linear.gather [hbm4b:s14+s4], $0x400, $0x38;
	[tilespmem:$0x1C800] =	vst v63  }
0x1f: {  	_ =	swait.ge [sflag:s15], $0x400  }
0x20: {  	[sflag:s15] =	ssyncset.done $0x0  }
0x21: {  	[sflag:s15] =	ssyncadd.s32 $0xFFFFFC00  }
0x22: {  	[tilespmem:s17], [sflag:$0x1] =	stream.indirect.gather [hbm4b:s5+s10], $0x80, s4, s10, $0xb8;
	[tilespmem:$0x1C800] =	vst v63  }
0x23: {  	_ =	swait.ge [sflag:s18], $0x4000  }
0x24: {  	[sflag:s18] =	ssyncset.done $0x0  }
0x25: {  	[sflag:s18] =	ssyncadd.s32 $0xFFFFC000  }
0x26: {  	[tilespmem:s19], [sflag:$0x2] =	stream.indirect.gather [hbm4b:s5+s10], $0x80, s10, s10, $0xb8;
	[tilespmem:$0x1C800] =	vst v63  }
0x27: {  	_ = 	snop  }
0x28: {  	[spmem:s3] =	stream.indirect.scatter.add.f32 [tilespmem:s17], [sflag:$0x3], $0x80, s16, s10, $0xb8;
	[tilespmem:$0x1C800] =	vst v63  }
0x29: {  	_ =	swait.ge [sflag:s15], $0x4000  }
0x2a: {  	[sflag:s15] =	ssyncset.done $0x0  }
0x2b: {  	[sflag:s15] =	ssyncadd.s32 $0xFFFFC000  }
0x2c: {  	_ =	swait.ge [sflag:s20], $0x4000  }
0x2d: {  	[sflag:s20] =	ssyncset.done $0x0  }
0x2e: {  	[sflag:s20] =	ssyncadd.s32 $0xFFFFC000  }
0x2f: {  	[tilespmem:s17], [sflag:$0x1] =	stream.indirect.gather [hbm4b:s5+s10], $0x80, s21, s10, $0xb8;
	[tilespmem:$0x1C800] =	vst v63  }
0x30: {  	_ = 	snop  }
0x31: {  	[spmem:s3] =	stream.indirect.scatter.add.f32 [tilespmem:s19], [sflag:$0x3], $0x80, s22, s10, $0xb8;
	[tilespmem:$0x1C800] =	vst v63  }
0x32: {  	_ =	swait.ge [sflag:s15], $0x4000  }
0x33: {  	[sflag:s15] =	ssyncset.done $0x0  }
0x34: {  	[sflag:s15] =	ssyncadd.s32 $0xFFFFC000  }
0x35: {  	_ =	swait.ge [sflag:s18], $0x4000  }
0x36: {  	[sflag:s18] =	ssyncset.done $0x0  }
0x37: {  	[sflag:s18] =	ssyncadd.s32 $0xFFFFC000  }
0x38: {  	[tilespmem:s19], [sflag:$0x2] =	stream.indirect.gather [hbm4b:s5+s10], $0x80, s23, s10, $0xb8;
	[tilespmem:$0x1C800] =	vst v63  }
0x39: {  	_ = 	snop  }
0x3a: {  	[spmem:s3] =	stream.indirect.scatter.add.f32 [tilespmem:s17], [sflag:$0x3], $0x80, s24, s10, $0xb8;
	[tilespmem:$0x1C800] =	vst v63  }
0x3b: {  	_ =	swait.ge [sflag:s15], $0x4000  }
0x3c: {  	[sflag:s15] =	ssyncset.done $0x0  }
0x3d: {  	[sflag:s15] =	ssyncadd.s32 $0xFFFFC000  }
0x3e: {  	_ =	swait.ge [sflag:s20], $0x4000  }
0x3f: {  	[sflag:s20] =	ssyncset.done $0x0  }
0x40: {  	[sflag:s20] =	ssyncadd.s32 $0xFFFFC000  }
0x41: {  	[tilespmem:s17], [sflag:$0x1] =	stream.indirect.gather [hbm4b:s5+s10], $0x80, s25, s10, $0xb8;
	[tilespmem:$0x1C800] =	vst v63  }
0x42: {  	_ = 	snop  }
0x43: {  	[spmem:s3] =	stream.indirect.scatter.add.f32 [tilespmem:s19], [sflag:$0x3], $0x80, s26, s10, $0xb8;
	[tilespmem:$0x1C800] =	vst v63  }
0x44: {  	_ =	swait.ge [sflag:s15], $0x4000  }
0x45: {  	[sflag:s15] =	ssyncset.done $0x0  }
0x46: {  	[sflag:s15] =	ssyncadd.s32 $0xFFFFC000  }
0x47: {  	_ =	swait.ge [sflag:s18], $0x4000  }
0x48: {  	[sflag:s18] =	ssyncset.done $0x0  }
0x49: {  	[sflag:s18] =	ssyncadd.s32 $0xFFFFC000  }
0x4a: {  	[tilespmem:s19], [sflag:$0x2] =	stream.indirect.gather [hbm4b:s5+s10], $0x80, s28, s10, $0xb8;
	[tilespmem:$0x1C800] =	vst v63  }
0x4b: {  	_ = 	snop  }
0x4c: {  	[spmem:s3] =	stream.indirect.scatter.add.f32 [tilespmem:s17], [sflag:$0x3], $0x80, s29, s10, $0xb8;
	[tilespmem:$0x1C800] =	vst v63  }
0x4d: {  	_ =	swait.ge [sflag:s15], $0x4000  }
0x4e: {  	[sflag:s15] =	ssyncset.done $0x0  }
0x4f: {  	[sflag:s15] =	ssyncadd.s32 $0xFFFFC000  }
0x50: {  	_ =	swait.ge [sflag:s20], $0x4000  }
0x51: {  	[sflag:s20] =	ssyncset.done $0x0  }
0x52: {  	[sflag:s20] =	ssyncadd.s32 $0xFFFFC000  }
0x53: {  	[tilespmem:s17], [sflag:$0x1] =	stream.indirect.gather [hbm4b:s5+s10], $0x80, s30, s10, $0xb8;
	[tilespmem:$0x1C800] =	vst v63  }
0x54: {  	_ = 	snop  }
0x55: {  	[spmem:s3] =	stream.indirect.scatter.add.f32 [tilespmem:s19], [sflag:$0x3], $0x80, s31, s10, $0xb8;
	[tilespmem:$0x1C800] =	vst v63  }
0x56: {  	_ =	swait.ge [sflag:s15], $0x4000  }
0x57: {  	[sflag:s15] =	ssyncset.done $0x0  }
0x58: {  	[sflag:s15] =	ssyncadd.s32 $0xFFFFC000  }
0x59: {  	_ =	swait.ge [sflag:s18], $0x4000  }
0x5a: {  	[sflag:s18] =	ssyncset.done $0x0  }
0x5b: {  	[sflag:s18] =	ssyncadd.s32 $0xFFFFC000  }
0x5c: {  	[tilespmem:s19], [sflag:$0x2] =	stream.indirect.gather [hbm4b:s5+s10], $0x80, s0, s10, $0xb8;
	[tilespmem:$0x1C800] =	vst v63  }
0x5d: {  	_ = 	snop  }
0x5e: {  	[spmem:s3] =	stream.indirect.scatter.add.f32 [tilespmem:s17], [sflag:$0x3], $0x80, s1, s10, $0xb8;
	[tilespmem:$0x1C800] =	vst v63  }
0x5f: {  	_ =	swait.ge [sflag:s15], $0x4000  }
0x60: {  	[sflag:s15] =	ssyncset.done $0x0  }
0x61: {  	[sflag:s15] =	ssyncadd.s32 $0xFFFFC000  }
0x62: {  	_ =	swait.ge [sflag:s20], $0x4000  }
0x63: {  	[sflag:s20] =	ssyncset.done $0x0  }
0x64: {  	[sflag:s20] =	ssyncadd.s32 $0xFFFFC000  }
0x65: {  	[spmem:s3] =	stream.indirect.scatter.add.f32 [tilespmem:s19], [sflag:$0x3], $0x80, s7, s10, $0xb8;
	[tilespmem:$0x1C800] =	vst v63  }
0x66: {  	_ =	swait.ge [sflag:s15], $0x4000  }
0x67: {  	[sflag:s15] =	ssyncset.done $0x0  }
0x68: {  	s11 =	rddreg [dreg:$0x4];
	[sflag:s15] =	ssyncadd.s32 $0xFFFFC000  }
0x69: {  	s14 =	rddreg [dreg:$0x1]  }
.LBB2_6:
0x6a: {  	[bflag:$0x0] =	sbarrier.arrive $0xFFFF  }
0x6b: {  	s6 =	rddreg [dreg:$0x6]  }
0x6c: {  	s2 =	rddreg [dreg:$0x7]  }
0x6d: {  	s8 =	rddreg [dreg:$0x9]  }
0x6e: {  	[hbm:s2], [sflag:s6] =	dma.local [spmem:s8], $0x2800  }
0x6f: {  	_ =	swait.ge [sflag:s15], $0x2800  }
0x70: {  	s9 =	rddreg [dreg:$0xa]  }
0x71: {  	s2 =	rddreg [dreg:$0x8];
	s9 =	sadd.s32 $0x1, s9  }
0x72: {  	p1 =	sne.s32 s9, s2  }
.Ltmp1:
0x73: {  	_ = 	snop;
	(pc) =	sbr.rel @!p1 .LBB2_7-.Ltmp1, $3  }
0x74: {  	_ =	sdelay $0x1  }
0x75: {  	[sflag:s15] =	ssyncset.done $0x0;
	[dreg:$0xa] =	wrdreg s9  }
0x76: {  	[sflag:s15] =	ssyncadd.s32 $0xFFFFD800;
	s9 =	rddreg [dreg:$0xb]  }
.LBB2_1:
0x77: {  	s2 =	rddreg [dreg:$0x5]  }
0x78: {  	[spmem:s8], [sflag:s6] =	dma.local [hbm:s2], $0x2800  }
.Ltmp2:
0x79: {  	_ =	swait.ge [sflag:s15], $0x2800;
	(pc) =	sbr.rel @!p0 .LBB2_2-.Ltmp2, $4  }
0x7a: {  	[sflag:s15] =	ssyncset.done $0x0  }
0x7b: {  	[sflag:s15] =	ssyncadd.s32 $0xFFFFD800  }
0x7c: {  	[bflag:$0x0] =	sbarrier.arrive $0xFFFF  }
0x7d: {  	p1 =	por $0x1, $0x1;
	s8 =	simm.s32 $0x0  }
.LBB2_5:
0x7e: {  	s2 =	sor.u32 s9, s8  }
0x7f: {  	s6 =	sadd.s32 s14, s2  }
0x80: {  	[tilespmem:s4], [sflag:$0x3] =	stream.linear.gather [hbm4b:s6+s4], $0x400, $0x38;
	[tilespmem:$0x1C800] =	vst v63  }
0x81: {  	_ =	swait.ge [sflag:s15], $0x400  }
0x82: {  	[sflag:s15] =	ssyncset.done $0x0  }
0x83: {  	s2 =	sadd.s32 s11, s2;
	[sflag:s15] =	ssyncadd.s32 $0xFFFFFC00  }
0x84: {  	[tilespmem:s16], [sflag:$0x3] =	stream.linear.gather [hbm4b:s2+s4], $0x400, $0x38;
	[tilespmem:$0x1C800] =	vst v63  }
0x85: {  	_ =	swait.ge [sflag:s15], $0x400  }
0x86: {  	[sflag:s15] =	ssyncset.done $0x0  }
0x87: {  	s8 =	simm.s32 $0x80;
	[sflag:s15] =	ssyncadd.s32 $0xFFFFFC00  }
0x88: {  	[tilespmem:s17], [sflag:$0x1] =	stream.indirect.gather [hbm4b:s5+s8], $0x80, s4, s8, $0xb8;
	[tilespmem:$0x1C800] =	vst v63  }
0x89: {  	_ =	swait.ge [sflag:s18], $0x4000  }
0x8a: {  	[sflag:s18] =	ssyncset.done $0x0  }
0x8b: {  	[sflag:s18] =	ssyncadd.s32 $0xFFFFC000  }
0x8c: {  	[tilespmem:s19], [sflag:$0x2] =	stream.indirect.gather [hbm4b:s5+s8], $0x80, s8, s8, $0xb8;
	[tilespmem:$0x1C800] =	vst v63  }
0x8d: {  	_ = 	snop  }
0x8e: {  	[spmem:s3] =	stream.indirect.scatter.add.f32 [tilespmem:s17], [sflag:$0x3], $0x80, s16, s8, $0xb8;
	[tilespmem:$0x1C800] =	vst v63  }
0x8f: {  	_ =	swait.ge [sflag:s15], $0x4000  }
0x90: {  	[sflag:s15] =	ssyncset.done $0x0  }
0x91: {  	[sflag:s15] =	ssyncadd.s32 $0xFFFFC000  }
0x92: {  	_ =	swait.ge [sflag:s20], $0x4000  }
0x93: {  	[sflag:s20] =	ssyncset.done $0x0  }
0x94: {  	[sflag:s20] =	ssyncadd.s32 $0xFFFFC000  }
0x95: {  	[tilespmem:s17], [sflag:$0x1] =	stream.indirect.gather [hbm4b:s5+s8], $0x80, s21, s8, $0xb8;
	[tilespmem:$0x1C800] =	vst v63  }
0x96: {  	_ = 	snop  }
0x97: {  	[spmem:s3] =	stream.indirect.scatter.add.f32 [tilespmem:s19], [sflag:$0x3], $0x80, s22, s8, $0xb8;
	[tilespmem:$0x1C800] =	vst v63  }
0x98: {  	_ =	swait.ge [sflag:s15], $0x4000  }
0x99: {  	[sflag:s15] =	ssyncset.done $0x0  }
0x9a: {  	[sflag:s15] =	ssyncadd.s32 $0xFFFFC000  }
0x9b: {  	_ =	swait.ge [sflag:s18], $0x4000  }
0x9c: {  	[sflag:s18] =	ssyncset.done $0x0  }
0x9d: {  	[sflag:s18] =	ssyncadd.s32 $0xFFFFC000  }
0x9e: {  	[tilespmem:s19], [sflag:$0x2] =	stream.indirect.gather [hbm4b:s5+s8], $0x80, s23, s8, $0xb8;
	[tilespmem:$0x1C800] =	vst v63  }
0x9f: {  	_ = 	snop  }
0xa0: {  	[spmem:s3] =	stream.indirect.scatter.add.f32 [tilespmem:s17], [sflag:$0x3], $0x80, s24, s8, $0xb8;
	[tilespmem:$0x1C800] =	vst v63  }
0xa1: {  	_ =	swait.ge [sflag:s15], $0x4000  }
0xa2: {  	[sflag:s15] =	ssyncset.done $0x0  }
0xa3: {  	[sflag:s15] =	ssyncadd.s32 $0xFFFFC000  }
0xa4: {  	_ =	swait.ge [sflag:s20], $0x4000  }
0xa5: {  	[sflag:s20] =	ssyncset.done $0x0  }
0xa6: {  	[sflag:s20] =	ssyncadd.s32 $0xFFFFC000  }
0xa7: {  	[tilespmem:s17], [sflag:$0x1] =	stream.indirect.gather [hbm4b:s5+s8], $0x80, s25, s8, $0xb8;
	[tilespmem:$0x1C800] =	vst v63  }
0xa8: {  	_ = 	snop  }
0xa9: {  	[spmem:s3] =	stream.indirect.scatter.add.f32 [tilespmem:s19], [sflag:$0x3], $0x80, s26, s8, $0xb8;
	[tilespmem:$0x1C800] =	vst v63  }
0xaa: {  	_ =	swait.ge [sflag:s15], $0x4000  }
0xab: {  	[sflag:s15] =	ssyncset.done $0x0  }
0xac: {  	[sflag:s15] =	ssyncadd.s32 $0xFFFFC000  }
0xad: {  	_ =	swait.ge [sflag:s18], $0x4000  }
0xae: {  	[sflag:s18] =	ssyncset.done $0x0  }
0xaf: {  	[sflag:s18] =	ssyncadd.s32 $0xFFFFC000  }
0xb0: {  	[tilespmem:s19], [sflag:$0x2] =	stream.indirect.gather [hbm4b:s5+s8], $0x80, s28, s8, $0xb8;
	[tilespmem:$0x1C800] =	vst v63  }
0xb1: {  	_ = 	snop  }
0xb2: {  	[spmem:s3] =	stream.indirect.scatter.add.f32 [tilespmem:s17], [sflag:$0x3], $0x80, s29, s8, $0xb8;
	[tilespmem:$0x1C800] =	vst v63  }
0xb3: {  	_ =	swait.ge [sflag:s15], $0x4000  }
0xb4: {  	[sflag:s15] =	ssyncset.done $0x0  }
0xb5: {  	[sflag:s15] =	ssyncadd.s32 $0xFFFFC000  }
0xb6: {  	_ =	swait.ge [sflag:s20], $0x4000  }
0xb7: {  	[sflag:s20] =	ssyncset.done $0x0  }
0xb8: {  	[sflag:s20] =	ssyncadd.s32 $0xFFFFC000  }
0xb9: {  	[tilespmem:s17], [sflag:$0x1] =	stream.indirect.gather [hbm4b:s5+s8], $0x80, s30, s8, $0xb8;
	[tilespmem:$0x1C800] =	vst v63  }
0xba: {  	_ = 	snop  }
0xbb: {  	[spmem:s3] =	stream.indirect.scatter.add.f32 [tilespmem:s19], [sflag:$0x3], $0x80, s31, s8, $0xb8;
	[tilespmem:$0x1C800] =	vst v63  }
0xbc: {  	_ =	swait.ge [sflag:s15], $0x4000  }
0xbd: {  	[sflag:s15] =	ssyncset.done $0x0  }
0xbe: {  	[sflag:s15] =	ssyncadd.s32 $0xFFFFC000  }
0xbf: {  	_ =	swait.ge [sflag:s18], $0x4000  }
0xc0: {  	[sflag:s18] =	ssyncset.done $0x0  }
0xc1: {  	[sflag:s18] =	ssyncadd.s32 $0xFFFFC000  }
0xc2: {  	[tilespmem:s19], [sflag:$0x2] =	stream.indirect.gather [hbm4b:s5+s8], $0x80, s0, s8, $0xb8;
	[tilespmem:$0x1C800] =	vst v63  }
0xc3: {  	_ = 	snop  }
0xc4: {  	[spmem:s3] =	stream.indirect.scatter.add.f32 [tilespmem:s17], [sflag:$0x3], $0x80, s1, s8, $0xb8;
	[tilespmem:$0x1C800] =	vst v63  }
0xc5: {  	_ =	swait.ge [sflag:s15], $0x4000  }
0xc6: {  	[sflag:s15] =	ssyncset.done $0x0  }
0xc7: {  	[sflag:s15] =	ssyncadd.s32 $0xFFFFC000  }
0xc8: {  	_ =	swait.ge [sflag:s20], $0x4000  }
0xc9: {  	p2 =	por p1, p1;
	[sflag:s20] =	ssyncset.done $0x0  }
.Ltmp3:
0xca: {  	[sflag:s20] =	ssyncadd.s32 $0xFFFFC000;
	(pc) =	sbr.rel @p2 .LBB2_5-.Ltmp3, $4  }
0xcb: {  	[spmem:s3] =	stream.indirect.scatter.add.f32 [tilespmem:s19], [sflag:$0x3], $0x80, s7, s8, $0xb8;
	[tilespmem:$0x1C800] =	vst v63  }
0xcc: {  	_ =	swait.ge [sflag:s15], $0x4000  }
0xcd: {  	[sflag:s15] =	ssyncset.done $0x0  }
0xce: {  	p1 =	por $0x0, $0x0;
	[sflag:s15] =	ssyncadd.s32 $0xFFFFC000  }
.Ltmp4:
0xcf: {  	_ = 	snop;
	(pc) =	sbr.rel .LBB2_6-.Ltmp4, $1  }
0xd0: {  	_ =	sdelay $0x3  }
.LBB2_2:
0xd1: {  	s8 =	sadd.s32 $0x0, s13  }
0xd2: {  	[tilespmem:s4], [sflag:$0x3] =	stream.linear.gather [hbm4b:s8+s4], $0x400, $0x38;
	[tilespmem:$0x1C800] =	vst v63  }
0xd3: {  	_ =	swait.ge [sflag:s15], $0x400  }
0xd4: {  	[sflag:s15] =	ssyncset.done $0x0  }
0xd5: {  	s14 =	sadd.s32 $0x0, s12;
	[sflag:s15] =	ssyncadd.s32 $0xFFFFFC00  }
0xd6: {  	[tilespmem:s16], [sflag:$0x3] =	stream.linear.gather [hbm4b:s14+s4], $0x400, $0x38;
	[tilespmem:$0x1C800] =	vst v63  }
0xd7: {  	_ =	swait.ge [sflag:s15], $0x400  }
0xd8: {  	[sflag:s15] =	ssyncset.done $0x0  }
0xd9: {  	[sflag:s15] =	ssyncadd.s32 $0xFFFFFC00  }
0xda: {  	[tilespmem:s17], [sflag:$0x1] =	stream.indirect.gather [hbm4b:s5+s10], $0x80, s4, s10, $0xb8;
	[tilespmem:$0x1C800] =	vst v63  }
0xdb: {  	_ =	swait.ge [sflag:s18], $0x4000  }
0xdc: {  	[sflag:s18] =	ssyncset.done $0x0  }
0xdd: {  	[sflag:s18] =	ssyncadd.s32 $0xFFFFC000  }
0xde: {  	[tilespmem:s19], [sflag:$0x2] =	stream.indirect.gather [hbm4b:s5+s10], $0x80, s10, s10, $0xb8;
	[tilespmem:$0x1C800] =	vst v63  }
0xdf: {  	_ = 	snop  }
0xe0: {  	[spmem:s3] =	stream.indirect.scatter.add.f32 [tilespmem:s17], [sflag:$0x3], $0x80, s16, s10, $0xb8;
	[tilespmem:$0x1C800] =	vst v63  }
0xe1: {  	_ =	swait.ge [sflag:s15], $0x4000  }
0xe2: {  	[sflag:s15] =	ssyncset.done $0x0  }
0xe3: {  	[sflag:s15] =	ssyncadd.s32 $0xFFFFC000  }
0xe4: {  	_ =	swait.ge [sflag:s20], $0x4000  }
0xe5: {  	[sflag:s20] =	ssyncset.done $0x0  }
0xe6: {  	[sflag:s20] =	ssyncadd.s32 $0xFFFFC000  }
0xe7: {  	[tilespmem:s17], [sflag:$0x1] =	stream.indirect.gather [hbm4b:s5+s10], $0x80, s21, s10, $0xb8;
	[tilespmem:$0x1C800] =	vst v63  }
0xe8: {  	_ = 	snop  }
0xe9: {  	[spmem:s3] =	stream.indirect.scatter.add.f32 [tilespmem:s19], [sflag:$0x3], $0x80, s22, s10, $0xb8;
	[tilespmem:$0x1C800] =	vst v63  }
0xea: {  	_ =	swait.ge [sflag:s15], $0x4000  }
0xeb: {  	[sflag:s15] =	ssyncset.done $0x0  }
0xec: {  	[sflag:s15] =	ssyncadd.s32 $0xFFFFC000  }
0xed: {  	_ =	swait.ge [sflag:s18], $0x4000  }
0xee: {  	[sflag:s18] =	ssyncset.done $0x0  }
0xef: {  	[sflag:s18] =	ssyncadd.s32 $0xFFFFC000  }
0xf0: {  	[tilespmem:s19], [sflag:$0x2] =	stream.indirect.gather [hbm4b:s5+s10], $0x80, s23, s10, $0xb8;
	[tilespmem:$0x1C800] =	vst v63  }
0xf1: {  	_ = 	snop  }
0xf2: {  	[spmem:s3] =	stream.indirect.scatter.add.f32 [tilespmem:s17], [sflag:$0x3], $0x80, s24, s10, $0xb8;
	[tilespmem:$0x1C800] =	vst v63  }
0xf3: {  	_ =	swait.ge [sflag:s15], $0x4000  }
0xf4: {  	[sflag:s15] =	ssyncset.done $0x0  }
0xf5: {  	[sflag:s15] =	ssyncadd.s32 $0xFFFFC000  }
0xf6: {  	_ =	swait.ge [sflag:s20], $0x4000  }
0xf7: {  	[sflag:s20] =	ssyncset.done $0x0  }
0xf8: {  	[sflag:s20] =	ssyncadd.s32 $0xFFFFC000  }
0xf9: {  	[tilespmem:s17], [sflag:$0x1] =	stream.indirect.gather [hbm4b:s5+s10], $0x80, s25, s10, $0xb8;
	[tilespmem:$0x1C800] =	vst v63  }
0xfa: {  	_ = 	snop  }
0xfb: {  	[spmem:s3] =	stream.indirect.scatter.add.f32 [tilespmem:s19], [sflag:$0x3], $0x80, s26, s10, $0xb8;
	[tilespmem:$0x1C800] =	vst v63  }
0xfc: {  	_ =	swait.ge [sflag:s15], $0x4000  }
0xfd: {  	[sflag:s15] =	ssyncset.done $0x0  }
0xfe: {  	[sflag:s15] =	ssyncadd.s32 $0xFFFFC000  }
0xff: {  	_ =	swait.ge [sflag:s18], $0x4000  }
0x100: {  	[sflag:s18] =	ssyncset.done $0x0  }
0x101: {  	[sflag:s18] =	ssyncadd.s32 $0xFFFFC000  }
0x102: {  	[tilespmem:s19], [sflag:$0x2] =	stream.indirect.gather [hbm4b:s5+s10], $0x80, s28, s10, $0xb8;
	[tilespmem:$0x1C800] =	vst v63  }
0x103: {  	_ = 	snop  }
0x104: {  	[spmem:s3] =	stream.indirect.scatter.add.f32 [tilespmem:s17], [sflag:$0x3], $0x80, s29, s10, $0xb8;
	[tilespmem:$0x1C800] =	vst v63  }
0x105: {  	_ =	swait.ge [sflag:s15], $0x4000  }
0x106: {  	[sflag:s15] =	ssyncset.done $0x0  }
0x107: {  	[sflag:s15] =	ssyncadd.s32 $0xFFFFC000  }
0x108: {  	_ =	swait.ge [sflag:s20], $0x4000  }
0x109: {  	[sflag:s20] =	ssyncset.done $0x0  }
0x10a: {  	[sflag:s20] =	ssyncadd.s32 $0xFFFFC000  }
0x10b: {  	[tilespmem:s17], [sflag:$0x1] =	stream.indirect.gather [hbm4b:s5+s10], $0x80, s30, s10, $0xb8;
	[tilespmem:$0x1C800] =	vst v63  }
0x10c: {  	_ = 	snop  }
0x10d: {  	[spmem:s3] =	stream.indirect.scatter.add.f32 [tilespmem:s19], [sflag:$0x3], $0x80, s31, s10, $0xb8;
	[tilespmem:$0x1C800] =	vst v63  }
0x10e: {  	_ =	swait.ge [sflag:s15], $0x4000  }
0x10f: {  	[sflag:s15] =	ssyncset.done $0x0  }
0x110: {  	[sflag:s15] =	ssyncadd.s32 $0xFFFFC000  }
0x111: {  	_ =	swait.ge [sflag:s18], $0x4000  }
0x112: {  	[sflag:s18] =	ssyncset.done $0x0  }
0x113: {  	[sflag:s18] =	ssyncadd.s32 $0xFFFFC000  }
0x114: {  	[tilespmem:s19], [sflag:$0x2] =	stream.indirect.gather [hbm4b:s5+s10], $0x80, s0, s10, $0xb8;
	[tilespmem:$0x1C800] =	vst v63  }
0x115: {  	_ = 	snop  }
0x116: {  	[spmem:s3] =	stream.indirect.scatter.add.f32 [tilespmem:s17], [sflag:$0x3], $0x80, s1, s10, $0xb8;
	[tilespmem:$0x1C800] =	vst v63  }
0x117: {  	_ =	swait.ge [sflag:s15], $0x4000  }
0x118: {  	[sflag:s15] =	ssyncset.done $0x0  }
0x119: {  	[sflag:s15] =	ssyncadd.s32 $0xFFFFC000  }
0x11a: {  	_ =	swait.ge [sflag:s20], $0x4000  }
0x11b: {  	[sflag:s20] =	ssyncset.done $0x0  }
0x11c: {  	[sflag:s20] =	ssyncadd.s32 $0xFFFFC000  }
0x11d: {  	[spmem:s3] =	stream.indirect.scatter.add.f32 [tilespmem:s19], [sflag:$0x3], $0x80, s7, s10, $0xb8;
	[tilespmem:$0x1C800] =	vst v63  }
0x11e: {  	_ =	swait.ge [sflag:s15], $0x4000  }
0x11f: {  	s8 =	simm.s32 $0x80;
	s14 =	simm.s32 $0x100;
	[sflag:s15] =	ssyncset.done $0x0  }
.LBB2_3:
0x120: {  	s2 =	sadd.s32 s8, s13  }
0x121: {  	[sflag:s15] =	ssyncadd.s32 $0xFFFFC000;
	s6 =	smov.u32 s14;
	s11 =	sadd.s32 $0x80, s14  }
0x122: {  	[tilespmem:s4], [sflag:$0x3] =	stream.linear.gather [hbm4b:s2+s4], $0x400, $0x38;
	[tilespmem:$0x1C800] =	vst v63  }
0x123: {  	p1 =	seq.s32 s14, $0x880;
	_ =	swait.ge [sflag:s15], $0x400  }
0x124: {  	[sflag:s15] =	ssyncset.done $0x0  }
0x125: {  	s2 =	sadd.s32 s8, s12;
	s8 =	smov.u32 s6;
	[sflag:s15] =	ssyncadd.s32 $0xFFFFFC00  }
0x126: {  	[tilespmem:s16], [sflag:$0x3] =	stream.linear.gather [hbm4b:s2+s4], $0x400, $0x38;
	[tilespmem:$0x1C800] =	vst v63  }
0x127: {  	_ =	swait.ge [sflag:s15], $0x400  }
0x128: {  	[sflag:s15] =	ssyncset.done $0x0  }
0x129: {  	[sflag:s15] =	ssyncadd.s32 $0xFFFFFC00  }
0x12a: {  	[tilespmem:s17], [sflag:$0x1] =	stream.indirect.gather [hbm4b:s5+s10], $0x80, s4, s10, $0xb8;
	[tilespmem:$0x1C800] =	vst v63  }
0x12b: {  	_ =	swait.ge [sflag:s18], $0x4000  }
0x12c: {  	[sflag:s18] =	ssyncset.done $0x0  }
0x12d: {  	[sflag:s18] =	ssyncadd.s32 $0xFFFFC000  }
0x12e: {  	[tilespmem:s19], [sflag:$0x2] =	stream.indirect.gather [hbm4b:s5+s10], $0x80, s10, s10, $0xb8;
	[tilespmem:$0x1C800] =	vst v63  }
0x12f: {  	_ = 	snop  }
0x130: {  	[spmem:s3] =	stream.indirect.scatter.add.f32 [tilespmem:s17], [sflag:$0x3], $0x80, s16, s10, $0xb8;
	[tilespmem:$0x1C800] =	vst v63  }
0x131: {  	_ =	swait.ge [sflag:s15], $0x4000  }
0x132: {  	[sflag:s15] =	ssyncset.done $0x0  }
0x133: {  	[sflag:s15] =	ssyncadd.s32 $0xFFFFC000  }
0x134: {  	_ =	swait.ge [sflag:s20], $0x4000  }
0x135: {  	[sflag:s20] =	ssyncset.done $0x0  }
0x136: {  	[sflag:s20] =	ssyncadd.s32 $0xFFFFC000  }
0x137: {  	[tilespmem:s17], [sflag:$0x1] =	stream.indirect.gather [hbm4b:s5+s10], $0x80, s21, s10, $0xb8;
	[tilespmem:$0x1C800] =	vst v63  }
0x138: {  	_ = 	snop  }
0x139: {  	[spmem:s3] =	stream.indirect.scatter.add.f32 [tilespmem:s19], [sflag:$0x3], $0x80, s22, s10, $0xb8;
	[tilespmem:$0x1C800] =	vst v63  }
0x13a: {  	_ =	swait.ge [sflag:s15], $0x4000  }
0x13b: {  	[sflag:s15] =	ssyncset.done $0x0  }
0x13c: {  	[sflag:s15] =	ssyncadd.s32 $0xFFFFC000  }
0x13d: {  	_ =	swait.ge [sflag:s18], $0x4000  }
0x13e: {  	[sflag:s18] =	ssyncset.done $0x0  }
0x13f: {  	[sflag:s18] =	ssyncadd.s32 $0xFFFFC000  }
0x140: {  	[tilespmem:s19], [sflag:$0x2] =	stream.indirect.gather [hbm4b:s5+s10], $0x80, s23, s10, $0xb8;
	[tilespmem:$0x1C800] =	vst v63  }
0x141: {  	_ = 	snop  }
0x142: {  	[spmem:s3] =	stream.indirect.scatter.add.f32 [tilespmem:s17], [sflag:$0x3], $0x80, s24, s10, $0xb8;
	[tilespmem:$0x1C800] =	vst v63  }
0x143: {  	_ =	swait.ge [sflag:s15], $0x4000  }
0x144: {  	[sflag:s15] =	ssyncset.done $0x0  }
0x145: {  	[sflag:s15] =	ssyncadd.s32 $0xFFFFC000  }
0x146: {  	_ =	swait.ge [sflag:s20], $0x4000  }
0x147: {  	[sflag:s20] =	ssyncset.done $0x0  }
0x148: {  	[sflag:s20] =	ssyncadd.s32 $0xFFFFC000  }
0x149: {  	[tilespmem:s17], [sflag:$0x1] =	stream.indirect.gather [hbm4b:s5+s10], $0x80, s25, s10, $0xb8;
	[tilespmem:$0x1C800] =	vst v63  }
0x14a: {  	_ = 	snop  }
0x14b: {  	[spmem:s3] =	stream.indirect.scatter.add.f32 [tilespmem:s19], [sflag:$0x3], $0x80, s26, s10, $0xb8;
	[tilespmem:$0x1C800] =	vst v63  }
0x14c: {  	_ =	swait.ge [sflag:s15], $0x4000  }
0x14d: {  	[sflag:s15] =	ssyncset.done $0x0  }
0x14e: {  	[sflag:s15] =	ssyncadd.s32 $0xFFFFC000  }
0x14f: {  	_ =	swait.ge [sflag:s18], $0x4000  }
0x150: {  	[sflag:s18] =	ssyncset.done $0x0  }
0x151: {  	[sflag:s18] =	ssyncadd.s32 $0xFFFFC000  }
0x152: {  	[tilespmem:s19], [sflag:$0x2] =	stream.indirect.gather [hbm4b:s5+s10], $0x80, s28, s10, $0xb8;
	[tilespmem:$0x1C800] =	vst v63  }
0x153: {  	_ = 	snop  }
0x154: {  	[spmem:s3] =	stream.indirect.scatter.add.f32 [tilespmem:s17], [sflag:$0x3], $0x80, s29, s10, $0xb8;
	[tilespmem:$0x1C800] =	vst v63  }
0x155: {  	_ =	swait.ge [sflag:s15], $0x4000  }
0x156: {  	[sflag:s15] =	ssyncset.done $0x0  }
0x157: {  	[sflag:s15] =	ssyncadd.s32 $0xFFFFC000  }
0x158: {  	_ =	swait.ge [sflag:s20], $0x4000  }
0x159: {  	[sflag:s20] =	ssyncset.done $0x0  }
0x15a: {  	[sflag:s20] =	ssyncadd.s32 $0xFFFFC000  }
0x15b: {  	[tilespmem:s17], [sflag:$0x1] =	stream.indirect.gather [hbm4b:s5+s10], $0x80, s30, s10, $0xb8;
	[tilespmem:$0x1C800] =	vst v63  }
0x15c: {  	_ = 	snop  }
0x15d: {  	[spmem:s3] =	stream.indirect.scatter.add.f32 [tilespmem:s19], [sflag:$0x3], $0x80, s31, s10, $0xb8;
	[tilespmem:$0x1C800] =	vst v63  }
0x15e: {  	_ =	swait.ge [sflag:s15], $0x4000  }
0x15f: {  	[sflag:s15] =	ssyncset.done $0x0  }
0x160: {  	[sflag:s15] =	ssyncadd.s32 $0xFFFFC000  }
0x161: {  	_ =	swait.ge [sflag:s18], $0x4000  }
0x162: {  	[sflag:s18] =	ssyncset.done $0x0  }
0x163: {  	[sflag:s18] =	ssyncadd.s32 $0xFFFFC000  }
0x164: {  	[tilespmem:s19], [sflag:$0x2] =	stream.indirect.gather [hbm4b:s5+s10], $0x80, s0, s10, $0xb8;
	[tilespmem:$0x1C800] =	vst v63  }
0x165: {  	_ = 	snop  }
0x166: {  	[spmem:s3] =	stream.indirect.scatter.add.f32 [tilespmem:s17], [sflag:$0x3], $0x80, s1, s10, $0xb8;
	[tilespmem:$0x1C800] =	vst v63  }
0x167: {  	_ =	swait.ge [sflag:s15], $0x4000  }
0x168: {  	[sflag:s15] =	ssyncset.done $0x0  }
0x169: {  	[sflag:s15] =	ssyncadd.s32 $0xFFFFC000  }
0x16a: {  	_ =	swait.ge [sflag:s20], $0x4000  }
.Ltmp5:
0x16b: {  	[sflag:s20] =	ssyncset.done $0x0;
	(pc) =	sbr.rel @!p1 .LBB2_3-.Ltmp5, $4  }
0x16c: {  	[sflag:s20] =	ssyncadd.s32 $0xFFFFC000  }
0x16d: {  	[spmem:s3] =	stream.indirect.scatter.add.f32 [tilespmem:s19], [sflag:$0x3], $0x80, s7, s10, $0xb8;
	[tilespmem:$0x1C800] =	vst v63  }
0x16e: {  	_ =	swait.ge [sflag:s15], $0x4000  }
0x16f: {  	s14 =	smov.u32 s11;
	[sflag:s15] =	ssyncset.done $0x0  }
.Ltmp6:
0x170: {  	_ = 	snop;
	(pc) =	sbr.rel .LBB2_4-.Ltmp6, $1  }
0x171: {  	_ =	sdelay $0x3  }
.LBB2_7:
0x172: {  	_ =	sfence.sel $0x180000  }
0x173: {  	[bflag:$0x0] =	sbarrier.arrive $0xFFFF  }
0x174: {  	_ =	strace $0x90000050  }
0x175: {  	s0 =	stileid.u32;
	[bflag:$0x2] =	sbarrier.arrive $0xFFFF  }
0x176: {  	p0 =	sne.s32 s0, $0x0;
	s0 =	rddreg [dreg:$0x3]  }
0x177: {  	s0 =	sadd.s32 @!p0 $0x100000, s0  }
0x178: {  	[sflag:s0] =	ssyncadd.tile.s32 @!p0 $0x1;
	_ =	shalt  }
.Lfunc_end2:
_tile_overlayer_lowered:
.L_overlay_start_2:
0x179: {  	(tag) =	ssettag $0x2  }
0x17a: {  	s0 =	rddreg [dreg:$0x0];
	s2 =	stileid.u32  }
0x17b: {  	s1 =	rddreg [dreg:$0x1];
	p0 =	sne.s32 s2, $0x0  }
0x17c: {  	s3 =	rddreg [dreg:$0x2];
	[bflag:$0x3] =	sbarrier.arrive $0xFFFF;
	s2 =	simm.s32 @!p0 $0x1C03  }
0x17d: {  	[timem:s3], [sflag:s2] =	dma.local @!p0 [hbm:s0], s1  }
0x17e: {  	s0 =	simm.s32 @!p0 $0x3  }
0x17f: {  	_ =	swait.ge @!p0 [sflag:s0], s1  }
0x180: {  	s1 =	ssub.s32 @!p0 $0x0, s1;
	[sflag:s0] =	ssyncset.done @!p0 $0x0  }
0x181: {  	[sflag:s0] =	ssyncadd.s32 @!p0 s1  }
0x182: {  	[bflag:$0x3] =	sbarrier.arrive $0xFFFF  }
0x183: {  	_ =	shalt  }

</sc_bundles>
